<compile_context>
chip_gen: v7x
topology: tpu7x:2x2x1
jax: 0.10.2.dev20260603
libtpu: 0.0.44.dev20260713+nightly
codegen_flags: <defaults>
</compile_context>

<pallas_src>
import functools

import jax
import jax.numpy as jnp
from jax import lax
from jax.experimental import pallas as pl
from jax.experimental.pallas import tpu as pltpu
from jax.experimental.pallas import tpu_sc as plsc

N_NODES = 10000
N_EDGES = 320000
C = 128
C_OUT = 10
NUM_GRAPHS = 64

NC = 2
NS = 16
NW = NC * NS

CHUNK = 128
NCHUNKS = N_EDGES // CHUNK
NCK_LO = NCHUNKS // NW
NCK_EXTRA = NCHUNKS - NW * NCK_LO
N_PAD = 10240
ROWS_PER_TILE = N_PAD // NS

BM = 1024


def _make_mp_body(with_deg):
    def _mp_body(*refs):
        if with_deg:
            (h_hbm, ei_hbm, z2_hbm, z1_hbm, agg_hbm, deg_hbm,
             src_v, dst_v, rows_v, ones_v, agg_sh, deg_sh, *sems) = refs
        else:
            (h_hbm, ei_hbm, z2_hbm, agg_hbm,
             src_v, dst_v, rows_v, agg_sh, *sems) = refs
        c = lax.axis_index("c")
        s = lax.axis_index("s")
        wid = s * NC + c
        base = wid * NCK_LO + jnp.minimum(wid, NCK_EXTRA)
        nchunk = NCK_LO + jnp.where(wid < NCK_EXTRA, 1, 0)

        r0 = s * ROWS_PER_TILE
        pltpu.sync_copy(z2_hbm, agg_sh.at[pl.ds(r0, ROWS_PER_TILE)])
        if with_deg:
            pltpu.sync_copy(z1_hbm, deg_sh.at[pl.ds(r0, ROWS_PER_TILE)])
            for i in range(CHUNK // 16):
                ones_v[pl.ds(i * 16, 16)] = jnp.ones((16,), jnp.float32)

        plsc.subcore_barrier()

        rbuf = (rows_v.at[0], rows_v.at[1])
        isem = tuple(sems[b] for b in range(4))
        gsem = (sems[4], sems[5])
        ssem = (sems[6], sems[7])

        def _load_idx(t, p):
            off = pl.multiple_of((base + t) * CHUNK, CHUNK)
            pltpu.async_copy(ei_hbm.at[0, pl.ds(off, CHUNK)], src_v.at[p],
                             isem[p])
            pltpu.async_copy(ei_hbm.at[1, pl.ds(off, CHUNK)], dst_v.at[p],
                             isem[p])

        def _phase(j, p):
            t = 4 * j + p
            p2 = p % 2
            p1 = (p + 1) % 2
            p4n = (p + 1) % 4

            @pl.when((t >= 2) & (t < nchunk + 2))
            def _():
                pltpu.make_async_copy(rbuf[p2], agg_sh.at[dst_v.at[0]],
                                      ssem[p2]).wait()
                if with_deg:
                    pltpu.make_async_copy(ones_v, deg_sh.at[dst_v.at[0]],
                                          ssem[p2]).wait()

            @pl.when(t < nchunk)
            def _():
                pltpu.make_async_copy(ei_hbm.at[0, pl.ds(0, CHUNK)],
                                      src_v.at[p], isem[p]).wait()
                pltpu.make_async_copy(ei_hbm.at[1, pl.ds(0, CHUNK)],
                                      dst_v.at[p], isem[p]).wait()
                pltpu.async_copy(h_hbm.at[src_v.at[p]], rbuf[p2], gsem[p2])

            @pl.when(t + 1 < nchunk)
            def _():
                _load_idx(t + 1, p4n)

            @pl.when((t >= 1) & (t < nchunk + 1))
            def _():
                pltpu.make_async_copy(h_hbm.at[src_v.at[0]], rbuf[p1],
                                      gsem[p1]).wait()
                pq = (p + 3) % 4
                pltpu.async_copy(rbuf[p1], agg_sh.at[dst_v.at[pq]],
                                 ssem[p1], add=True)
                if with_deg:
                    pltpu.async_copy(ones_v, deg_sh.at[dst_v.at[pq]],
                                     ssem[p1], add=True)

        _load_idx(0, 0)

        def body(j, carry):
            for p in range(4):
                _phase(j, p)
            return carry

        lax.fori_loop(0, (nchunk + 5) // 4, body, 0)

        plsc.subcore_barrier()

        pltpu.sync_copy(agg_sh.at[pl.ds(r0, ROWS_PER_TILE)],
                        agg_hbm.at[c, pl.ds(r0, ROWS_PER_TILE)])
        if with_deg:
            pltpu.sync_copy(deg_sh.at[pl.ds(r0, ROWS_PER_TILE)],
                            deg_hbm.at[c, pl.ds(r0, ROWS_PER_TILE)])

    return _mp_body


@functools.cache
def _get_mp_call(with_deg):
    if with_deg:
        out_type = (
            jax.ShapeDtypeStruct((NC, N_PAD, C), jnp.float32),
            jax.ShapeDtypeStruct((NC, N_PAD), jnp.float32),
        )
        scratch = [
            pltpu.VMEM((4, CHUNK), jnp.int32),
            pltpu.VMEM((4, CHUNK), jnp.int32),
            pltpu.VMEM((2, CHUNK, C), jnp.float32),
            pltpu.VMEM((CHUNK,), jnp.float32),
            pltpu.VMEM_SHARED((N_PAD, C), jnp.float32),
            pltpu.VMEM_SHARED((N_PAD,), jnp.float32),
        ]
    else:
        out_type = (jax.ShapeDtypeStruct((NC, N_PAD, C), jnp.float32),)
        scratch = [
            pltpu.VMEM((4, CHUNK), jnp.int32),
            pltpu.VMEM((4, CHUNK), jnp.int32),
            pltpu.VMEM((2, CHUNK, C), jnp.float32),
            pltpu.VMEM_SHARED((N_PAD, C), jnp.float32),
        ]
    return pl.kernel(
        _make_mp_body(with_deg),
        out_type=out_type,
        mesh=plsc.VectorSubcoreMesh(core_axis_name="c", subcore_axis_name="s"),
        scratch_types=scratch + [pltpu.SemaphoreType.DMA] * 8,
    )


def _mp_call(h, ei, z2, z1):
    return _get_mp_call(True)(h, ei, z2, z1)


def _mp_call_nodeg(h, ei, z2):
    return _get_mp_call(False)(h, ei, z2)[0]


def _mm_body(x_ref, w_ref, o_ref):
    o_ref[...] = jnp.dot(x_ref[...], w_ref[...],
                         preferred_element_type=jnp.float32)


def _matmul(x, w):
    return pl.pallas_call(
        _mm_body,
        grid=(N_PAD // BM,),
        in_specs=[pl.BlockSpec((BM, C), lambda i: (i, 0)),
                  pl.BlockSpec((C, C), lambda i: (0, 0))],
        out_specs=pl.BlockSpec((BM, C), lambda i: (i, 0)),
        out_shape=jax.ShapeDtypeStruct((N_PAD, C), jnp.float32),
    )(x, w)


def _mid_body(agg_ref, h_ref, deg_ref, b_ref, w_ref, o_ref):
    a = agg_ref[0] + agg_ref[1] + h_ref[...]
    dinv = 1.0 / (deg_ref[0] + deg_ref[1] + 1.0)
    hmid = jnp.maximum(a * dinv + b_ref[...], 0.0)
    o_ref[...] = jnp.dot(hmid, w_ref[...], preferred_element_type=jnp.float32)


def _mid(agg, h, deg, b, w):
    return pl.pallas_call(
        _mid_body,
        grid=(N_PAD // BM,),
        in_specs=[pl.BlockSpec((2, BM, C), lambda i: (0, i, 0)),
                  pl.BlockSpec((BM, C), lambda i: (i, 0)),
                  pl.BlockSpec((2, BM, 1), lambda i: (0, i, 0)),
                  pl.BlockSpec((1, C), lambda i: (0, 0)),
                  pl.BlockSpec((C, C), lambda i: (0, 0))],
        out_specs=pl.BlockSpec((BM, C), lambda i: (i, 0)),
        out_shape=jax.ShapeDtypeStruct((N_PAD, C), jnp.float32),
    )(agg, h, deg, b, w)


def _cnt_body(bidx_ref, o_ref, cnt_ref):
    i = pl.program_id(0)

    @pl.when(i == 0)
    def _():
        cnt_ref[...] = jnp.zeros_like(cnt_ref)

    onehot = (bidx_ref[...] ==
              lax.broadcasted_iota(jnp.int32, (1, NUM_GRAPHS), 1)
              ).astype(jnp.float32)
    dn = (((0,), (0,)), ((), ()))
    cnt_ref[...] += lax.dot_general(
        onehot, jnp.ones((BM, C), jnp.float32), dn,
        preferred_element_type=jnp.float32)

    @pl.when(i == pl.num_programs(0) - 1)
    def _():
        o_ref[...] = 1.0 / jnp.maximum(cnt_ref[...], 1.0)


def _cnt(bidx):
    return pl.pallas_call(
        _cnt_body,
        grid=(N_PAD // BM,),
        in_specs=[pl.BlockSpec((BM, 1), lambda i: (i, 0))],
        out_specs=pl.BlockSpec((NUM_GRAPHS, C), lambda i: (0, 0)),
        out_shape=jax.ShapeDtypeStruct((NUM_GRAPHS, C), jnp.float32),
        scratch_shapes=[pltpu.VMEM((NUM_GRAPHS, C), jnp.float32)],
    )(bidx)


def _tail_body(agg_ref, h_ref, deg_ref, b_ref, bidx_ref, cinv_ref, wh_ref,
               bh_ref, o_ref, pool_ref):
    i = pl.program_id(0)

    @pl.when(i == 0)
    def _():
        pool_ref[...] = jnp.zeros_like(pool_ref)

    a = agg_ref[0] + agg_ref[1] + h_ref[...]
    dinv = 1.0 / (deg_ref[0] + deg_ref[1] + 1.0)
    h3 = a * dinv + b_ref[...]
    rows = i * BM + lax.broadcasted_iota(jnp.int32, (BM, 1), 0)
    h3 = jnp.where(rows < N_NODES, h3, 0.0)
    onehot = (bidx_ref[...] ==
              lax.broadcasted_iota(jnp.int32, (1, NUM_GRAPHS), 1)
              ).astype(jnp.float32)
    dn = (((0,), (0,)), ((), ()))
    pool_ref[...] += lax.dot_general(onehot, h3, dn,
                                     preferred_element_type=jnp.float32)

    @pl.when(i == pl.num_programs(0) - 1)
    def _():
        pooled = pool_ref[...] * cinv_ref[...]
        o_ref[...] = jnp.dot(pooled, wh_ref[...],
                             preferred_element_type=jnp.float32) + bh_ref[...]


def _tail(agg, h, deg, b, bidx, cinv, wh, bh):
    return pl.pallas_call(
        _tail_body,
        grid=(N_PAD // BM,),
        in_specs=[pl.BlockSpec((2, BM, C), lambda i: (0, i, 0)),
                  pl.BlockSpec((BM, C), lambda i: (i, 0)),
                  pl.BlockSpec((2, BM, 1), lambda i: (0, i, 0)),
                  pl.BlockSpec((1, C), lambda i: (0, 0)),
                  pl.BlockSpec((BM, 1), lambda i: (i, 0)),
                  pl.BlockSpec((NUM_GRAPHS, C), lambda i: (0, 0)),
                  pl.BlockSpec((C, C_OUT), lambda i: (0, 0)),
                  pl.BlockSpec((1, C_OUT), lambda i: (0, 0))],
        out_specs=pl.BlockSpec((NUM_GRAPHS, C_OUT), lambda i: (0, 0)),
        out_shape=jax.ShapeDtypeStruct((NUM_GRAPHS, C_OUT), jnp.float32),
        scratch_shapes=[pltpu.VMEM((NUM_GRAPHS, C), jnp.float32)],
    )(agg, h, deg, b, bidx, cinv, wh, bh)


def kernel(x, edge_index, batch_idx, W1, b1, W2, b2, Wh, bh):
    ei = edge_index.astype(jnp.int32)
    z2 = jnp.zeros((ROWS_PER_TILE, C), jnp.float32)
    z1 = jnp.zeros((ROWS_PER_TILE,), jnp.float32)
    bidx = jnp.concatenate(
        [batch_idx.astype(jnp.int32),
         jnp.full((N_PAD - N_NODES,), NUM_GRAPHS, jnp.int32)]
    ).reshape(N_PAD, 1)

    cinv = _cnt(bidx)
    h1 = _matmul(x, W1)
    agg1, deg = _mp_call(h1, ei, z2, z1)
    deg3 = deg.reshape(2, N_PAD, 1)
    h2 = _mid(agg1, h1, deg3, b1.reshape(1, C), W2)
    agg2 = _mp_call_nodeg(h2, ei, z2)
    out = _tail(agg2, h2, deg3, b2.reshape(1, C), bidx, cinv, Wh,
                bh.reshape(1, C_OUT))
    return out

# --- scband reference (transcript-rebuilt; emitter-appended) ---
"""Pipeline reference for scband-graph-gnnmodel-7816840478752 (READ-ONLY COPY).

The authoritative reference and input builder live on the scoring server;
editing this copy changes nothing except your own understanding.
"""

import jax, jax.numpy as jnp
import numpy as np

N_NODES = 10000
N_EDGES = 320000
C_IN = 128
C_HIDDEN = 128
C_OUT = 10
NUM_GRAPHS = 64


def setup_inputs(seed: int = 0) -> dict:
    key = jax.random.key(seed)
    ks = jax.random.split(key, 10)
    x = jax.random.normal(ks[0], (N_NODES, C_IN), dtype=jnp.float32)
    edge_index = jax.random.randint(ks[1], (2, N_EDGES), 0, N_NODES, dtype=jnp.int64)
    batch_idx = jnp.sort(jax.random.randint(ks[2], (N_NODES,), 0, NUM_GRAPHS, dtype=jnp.int64))
    # GNN parameters (2 GCN-style layers) + linear head
    W1 = jax.random.normal(ks[3], (C_IN, C_HIDDEN), dtype=jnp.float32) * (1.0 / np.sqrt(C_IN))
    b1 = jnp.zeros((C_HIDDEN,), dtype=jnp.float32)
    W2 = jax.random.normal(ks[4], (C_HIDDEN, C_HIDDEN), dtype=jnp.float32) * (1.0 / np.sqrt(C_HIDDEN))
    b2 = jnp.zeros((C_HIDDEN,), dtype=jnp.float32)
    Wh = jax.random.normal(ks[5], (C_HIDDEN, C_OUT), dtype=jnp.float32) * (1.0 / np.sqrt(C_HIDDEN))
    bh = jnp.zeros((C_OUT,), dtype=jnp.float32)
    return {"x": x, "edge_index": edge_index, "batch_idx": batch_idx,
            "W1": W1, "b1": b1, "W2": W2, "b2": b2, "Wh": Wh, "bh": bh}


def _gcn_layer(x, src, dst, W, b):
    # transform, gather messages from src, scatter-add to dst, mean-normalize (with self loop)
    h = x @ W
    msg = jnp.take(h, src, axis=0)
    agg = jax.ops.segment_sum(msg, dst, num_segments=N_NODES)
    deg = jax.ops.segment_sum(jnp.ones((src.shape[0],), dtype=x.dtype), dst, num_segments=N_NODES)
    out = (agg + h) / (deg[:, None] + 1.0)
    return out + b


def reference(x, edge_index, batch_idx, W1, b1, W2, b2, Wh, bh):
    src = edge_index[0]
    dst = edge_index[1]
    # GNNModel: 2 message-passing layers with ReLU between (dropout = identity in eval)
    h = _gcn_layer(x, src, dst, W1, b1)
    h = jax.nn.relu(h)
    h = _gcn_layer(h, src, dst, W2, b2)
    # global_mean_pool over batch_idx
    pooled = jax.ops.segment_sum(h, batch_idx, num_segments=NUM_GRAPHS)
    counts = jax.ops.segment_sum(jnp.ones((N_NODES,), dtype=h.dtype), batch_idx, num_segments=NUM_GRAPHS)
    pooled = pooled / jnp.clip(counts, 1.0)[:, None]
    # head: Dropout (eval = identity) + Linear
    out = pooled @ Wh + bh
    return out

if __name__ == "__main__":
    import jax
    _d = setup_inputs()
    print(jax.jit(kernel)(*tuple(_d.values())))

</pallas_src>

<mosaic_0001>
#map = affine_map<(d0, d1) -> (0, 0)>
#map1 = affine_map<(d0, d1) -> (0)>
#map2 = affine_map<(d0, d1) -> (0, 0, 0)>
module attributes {stable_mosaic.version = 14 : i64} {
  func.func @_mp_body(%arg0: i32, %arg1: i32, %arg2: memref<10240x128xf32, #tpu.memory_space<hbm>>, %arg3: memref<2x320000xi32, #tpu.memory_space<hbm>>, %arg4: memref<640x128xf32, #tpu.memory_space<hbm>>, %arg5: memref<640xf32, #tpu.memory_space<hbm>>, %arg6: memref<2x10240x128xf32, #tpu.memory_space<hbm>>, %arg7: memref<2x10240xf32, #tpu.memory_space<hbm>>, %arg8: memref<4x128xi32, #tpu.memory_space<vmem>>, %arg9: memref<4x128xi32, #tpu.memory_space<vmem>>, %arg10: memref<2x128x128xf32, #tpu.memory_space<vmem>>, %arg11: memref<128xf32, #tpu.memory_space<vmem>>, %arg12: memref<10240x128xf32, #tpu.memory_space<vmem_shared>>, %arg13: memref<10240xf32, #tpu.memory_space<vmem_shared>>, %arg14: memref<!tpu.dma_semaphore, #tpu.memory_space<semaphore_mem>>, %arg15: memref<!tpu.dma_semaphore, #tpu.memory_space<semaphore_mem>>, %arg16: memref<!tpu.dma_semaphore, #tpu.memory_space<semaphore_mem>>, %arg17: memref<!tpu.dma_semaphore, #tpu.memory_space<semaphore_mem>>, %arg18: memref<!tpu.dma_semaphore, #tpu.memory_space<semaphore_mem>>, %arg19: memref<!tpu.dma_semaphore, #tpu.memory_space<semaphore_mem>>, %arg20: memref<!tpu.dma_semaphore, #tpu.memory_space<semaphore_mem>>, %arg21: memref<!tpu.dma_semaphore, #tpu.memory_space<semaphore_mem>>) attributes {dimension_semantics = [#tpu.dimension_semantics<core_parallel>, #tpu.dimension_semantics<subcore_parallel>], iteration_bounds = array<i64: 2, 16>, scalar_prefetch = 0 : i64, scratch_operands = 14 : i64, tpu.core_type = #tpu.core_type<sc_vector_subcore>, window_params = [{transform_indices = #map}, {transform_indices = #map}, {transform_indices = #map}, {transform_indices = #map1}, {transform_indices = #map2}, {transform_indices = #map}]} {
    %mul3A = arith.constant 2 : i32
    %mul3A_0 = arith.muli %arg1, %mul3A : i32
    %add3A = arith.addi %mul3A_0, %arg0 : i32
    %mul3A_1 = arith.constant 78 : i32
    %mul3A_2 = arith.muli %add3A, %mul3A_1 : i32
    %min3A = arith.constant 4 : i32
    %min3A_3 = arith.minsi %add3A, %min3A : i32
    %add3A_4 = arith.addi %mul3A_2, %min3A_3 : i32
    %lt3A = arith.constant 4 : i32
    %lt3A_5 = arith.cmpi slt, %add3A, %lt3A : i32
    %jit3A = arith.constant 1 : i32
    %jit3A_6 = arith.constant 0 : i32
    %select_n3A = arith.select %lt3A_5, %jit3A, %jit3A_6 : i32
    %add3A_7 = arith.constant 78 : i32
    %add3A_8 = arith.addi %add3A_7, %select_n3A : i32
    %mul3A_9 = arith.constant 640 : i32
    %mul3A_10 = arith.muli %arg1, %mul3A_9 : i32
    "tpu.region"() ({
      %run_scoped3A = tpu.sem_alloc : memref<!tpu.dma_semaphore, #tpu.memory_space<semaphore_mem>>
      %dma_start3A_116 = arith.constant 0 : i32
      %dma_start3A_117 = tpu.memref_slice %arg12[%mul3A_10, %dma_start3A_116] : memref<10240x128xf32, #tpu.memory_space<vmem_shared>> -> memref<640x128xf32, #tpu.memory_space<vmem_shared>>
      tpu.enqueue_dma source(%arg4 : memref<640x128xf32, #tpu.memory_space<hbm>>) target(%dma_start3A_117 : memref<640x128xf32, #tpu.memory_space<vmem_shared>>) target_semaphore(%run_scoped3A : memref<!tpu.dma_semaphore, #tpu.memory_space<semaphore_mem>>)
      %dma_wait3A = arith.constant 0 : i32
      %dma_wait3A_118 = tpu.memref_slice %arg12[%mul3A_10, %dma_wait3A] : memref<10240x128xf32, #tpu.memory_space<vmem_shared>> -> memref<640x128xf32, #tpu.memory_space<vmem_shared>>
      tpu.wait_dma2 semaphore(%run_scoped3A : memref<!tpu.dma_semaphore, #tpu.memory_space<semaphore_mem>>) src(%arg4 : memref<640x128xf32, #tpu.memory_space<hbm>>) dst(%dma_wait3A_118 : memref<640x128xf32, #tpu.memory_space<vmem_shared>>)
      tpu.yield
    }) : () -> ()
    "tpu.region"() ({
      %run_scoped3A = tpu.sem_alloc : memref<!tpu.dma_semaphore, #tpu.memory_space<semaphore_mem>>
      %dma_start3A_116 = tpu.memref_slice %arg13[%mul3A_10] : memref<10240xf32, #tpu.memory_space<vmem_shared>> -> memref<640xf32, #tpu.memory_space<vmem_shared>>
      tpu.enqueue_dma source(%arg5 : memref<640xf32, #tpu.memory_space<hbm>>) target(%dma_start3A_116 : memref<640xf32, #tpu.memory_space<vmem_shared>>) target_semaphore(%run_scoped3A : memref<!tpu.dma_semaphore, #tpu.memory_space<semaphore_mem>>)
      %dma_wait3A = tpu.memref_slice %arg13[%mul3A_10] : memref<10240xf32, #tpu.memory_space<vmem_shared>> -> memref<640xf32, #tpu.memory_space<vmem_shared>>
      tpu.wait_dma2 semaphore(%run_scoped3A : memref<!tpu.dma_semaphore, #tpu.memory_space<semaphore_mem>>) src(%arg5 : memref<640xf32, #tpu.memory_space<hbm>>) dst(%dma_wait3A : memref<640xf32, #tpu.memory_space<vmem_shared>>)
      tpu.yield
    }) : () -> ()
    %broadcast_in_dim3A = arith.constant 1.000000e+00 : f32
    %broadcast_in_dim3A_11 = vector.broadcast %broadcast_in_dim3A : f32 to vector<16xf32>
    %swap3A = arith.constant 0 : index
    %swap3A_12 = tpu.vector_load %arg11[%swap3A] {strides = array<i32>} : memref<128xf32, #tpu.memory_space<vmem>>, vector<16xf32>,
    %swap3A_13 = vector.shape_cast %swap3A_12 : vector<16xf32> to vector<16xf32>
    %swap3A_14 = vector.shape_cast %broadcast_in_dim3A_11 : vector<16xf32> to vector<16xf32>
    tpu.vector_store %arg11[%swap3A], %swap3A_14 {strides = array<i32>} : memref<128xf32, #tpu.memory_space<vmem>>, vector<16xf32>,
    %broadcast_in_dim3A_15 = arith.constant 1.000000e+00 : f32
    %broadcast_in_dim3A_16 = vector.broadcast %broadcast_in_dim3A_15 : f32 to vector<16xf32>
    %swap3A_17 = arith.constant 16 : index
    %swap3A_18 = tpu.vector_load %arg11[%swap3A_17] {strides = array<i32>} : memref<128xf32, #tpu.memory_space<vmem>>, vector<16xf32>,
    %swap3A_19 = vector.shape_cast %swap3A_18 : vector<16xf32> to vector<16xf32>
    %swap3A_20 = vector.shape_cast %broadcast_in_dim3A_16 : vector<16xf32> to vector<16xf32>
    tpu.vector_store %arg11[%swap3A_17], %swap3A_20 {strides = array<i32>} : memref<128xf32, #tpu.memory_space<vmem>>, vector<16xf32>,
    %broadcast_in_dim3A_21 = arith.constant 1.000000e+00 : f32
    %broadcast_in_dim3A_22 = vector.broadcast %broadcast_in_dim3A_21 : f32 to vector<16xf32>
    %swap3A_23 = arith.constant 32 : index
    %swap3A_24 = tpu.vector_load %arg11[%swap3A_23] {strides = array<i32>} : memref<128xf32, #tpu.memory_space<vmem>>, vector<16xf32>,
    %swap3A_25 = vector.shape_cast %swap3A_24 : vector<16xf32> to vector<16xf32>
    %swap3A_26 = vector.shape_cast %broadcast_in_dim3A_22 : vector<16xf32> to vector<16xf32>
    tpu.vector_store %arg11[%swap3A_23], %swap3A_26 {strides = array<i32>} : memref<128xf32, #tpu.memory_space<vmem>>, vector<16xf32>,
    %broadcast_in_dim3A_27 = arith.constant 1.000000e+00 : f32
    %broadcast_in_dim3A_28 = vector.broadcast %broadcast_in_dim3A_27 : f32 to vector<16xf32>
    %swap3A_29 = arith.constant 48 : index
    %swap3A_30 = tpu.vector_load %arg11[%swap3A_29] {strides = array<i32>} : memref<128xf32, #tpu.memory_space<vmem>>, vector<16xf32>,
    %swap3A_31 = vector.shape_cast %swap3A_30 : vector<16xf32> to vector<16xf32>
    %swap3A_32 = vector.shape_cast %broadcast_in_dim3A_28 : vector<16xf32> to vector<16xf32>
    tpu.vector_store %arg11[%swap3A_29], %swap3A_32 {strides = array<i32>} : memref<128xf32, #tpu.memory_space<vmem>>, vector<16xf32>,
    %broadcast_in_dim3A_33 = arith.constant 1.000000e+00 : f32
    %broadcast_in_dim3A_34 = vector.broadcast %broadcast_in_dim3A_33 : f32 to vector<16xf32>
    %swap3A_35 = arith.constant 64 : index
    %swap3A_36 = tpu.vector_load %arg11[%swap3A_35] {strides = array<i32>} : memref<128xf32, #tpu.memory_space<vmem>>, vector<16xf32>,
    %swap3A_37 = vector.shape_cast %swap3A_36 : vector<16xf32> to vector<16xf32>
    %swap3A_38 = vector.shape_cast %broadcast_in_dim3A_34 : vector<16xf32> to vector<16xf32>
    tpu.vector_store %arg11[%swap3A_35], %swap3A_38 {strides = array<i32>} : memref<128xf32, #tpu.memory_space<vmem>>, vector<16xf32>,
    %broadcast_in_dim3A_39 = arith.constant 1.000000e+00 : f32
    %broadcast_in_dim3A_40 = vector.broadcast %broadcast_in_dim3A_39 : f32 to vector<16xf32>
    %swap3A_41 = arith.constant 80 : index
    %swap3A_42 = tpu.vector_load %arg11[%swap3A_41] {strides = array<i32>} : memref<128xf32, #tpu.memory_space<vmem>>, vector<16xf32>,
    %swap3A_43 = vector.shape_cast %swap3A_42 : vector<16xf32> to vector<16xf32>
    %swap3A_44 = vector.shape_cast %broadcast_in_dim3A_40 : vector<16xf32> to vector<16xf32>
    tpu.vector_store %arg11[%swap3A_41], %swap3A_44 {strides = array<i32>} : memref<128xf32, #tpu.memory_space<vmem>>, vector<16xf32>,
    %broadcast_in_dim3A_45 = arith.constant 1.000000e+00 : f32
    %broadcast_in_dim3A_46 = vector.broadcast %broadcast_in_dim3A_45 : f32 to vector<16xf32>
    %swap3A_47 = arith.constant 96 : index
    %swap3A_48 = tpu.vector_load %arg11[%swap3A_47] {strides = array<i32>} : memref<128xf32, #tpu.memory_space<vmem>>, vector<16xf32>,
    %swap3A_49 = vector.shape_cast %swap3A_48 : vector<16xf32> to vector<16xf32>
    %swap3A_50 = vector.shape_cast %broadcast_in_dim3A_46 : vector<16xf32> to vector<16xf32>
    tpu.vector_store %arg11[%swap3A_47], %swap3A_50 {strides = array<i32>} : memref<128xf32, #tpu.memory_space<vmem>>, vector<16xf32>,
    %broadcast_in_dim3A_51 = arith.constant 1.000000e+00 : f32
    %broadcast_in_dim3A_52 = vector.broadcast %broadcast_in_dim3A_51 : f32 to vector<16xf32>
    %swap3A_53 = arith.constant 112 : index
    %swap3A_54 = tpu.vector_load %arg11[%swap3A_53] {strides = array<i32>} : memref<128xf32, #tpu.memory_space<vmem>>, vector<16xf32>,
    %swap3A_55 = vector.shape_cast %swap3A_54 : vector<16xf32> to vector<16xf32>
    %swap3A_56 = vector.shape_cast %broadcast_in_dim3A_52 : vector<16xf32> to vector<16xf32>
    tpu.vector_store %arg11[%swap3A_53], %swap3A_56 {strides = array<i32>} : memref<128xf32, #tpu.memory_space<vmem>>, vector<16xf32>,
    %barrier3A = arith.constant 0 : index
    tpu.barrier barrier_id(%barrier3A)
    %add3A_57 = arith.constant 0 : i32
    %add3A_58 = arith.addi %add3A_4, %add3A_57 : i32
    %mul3A_59 = arith.constant 128 : i32
    %mul3A_60 = arith.muli %add3A_58, %mul3A_59 : i32
    %multiple_of3A = tpu.assume_multiple %mul3A_60, 128 : i32
    %dma_start3A = arith.constant 0 : i32
    %dma_start3A_61 = arith.constant 0 : i32
    %dma_start3A_62 = arith.constant 0 : i32
    %dma_start3A_63 = tpu.memref_slice %arg8[%dma_start3A_61, %dma_start3A_62] : memref<4x128xi32, #tpu.memory_space<vmem>> -> memref<1x128xi32, #tpu.memory_space<vmem>>
    %dma_start3A_64 = tpu.memref_squeeze %dma_start3A_63 : memref<1x128xi32, #tpu.memory_space<vmem>> -> memref<128xi32, #tpu.memory_space<vmem>>
    %dma_start3A_65 = tpu.memref_slice %arg3[%dma_start3A, %multiple_of3A] : memref<2x320000xi32, #tpu.memory_space<hbm>> -> memref<1x128xi32, #tpu.memory_space<hbm>>
    %dma_start3A_66 = tpu.memref_squeeze %dma_start3A_65 : memref<1x128xi32, #tpu.memory_space<hbm>> -> memref<128xi32, #tpu.memory_space<hbm>>
    %dma_start3A_67 = arith.constant 0 : i32
    %dma_start3A_68 = tpu.memref_slice %arg8[%dma_start3A_61, %dma_start3A_67] : memref<4x128xi32, #tpu.memory_space<vmem>> -> memref<1x128xi32, #tpu.memory_space<vmem>>
    %dma_start3A_69 = tpu.memref_squeeze %dma_start3A_68 : memref<1x128xi32, #tpu.memory_space<vmem>> -> memref<128xi32, #tpu.memory_space<vmem>>
    %dma_start3A_70 = tpu.memref_slice %arg3[%dma_start3A, %multiple_of3A] : memref<2x320000xi32, #tpu.memory_space<hbm>> -> memref<1x128xi32, #tpu.memory_space<hbm>>
    %dma_start3A_71 = tpu.memref_squeeze %dma_start3A_70 : memref<1x128xi32, #tpu.memory_space<hbm>> -> memref<128xi32, #tpu.memory_space<hbm>>
    tpu.enqueue_dma source(%dma_start3A_71 : memref<128xi32, #tpu.memory_space<hbm>>) target(%dma_start3A_69 : memref<128xi32, #tpu.memory_space<vmem>>) target_semaphore(%arg14 : memref<!tpu.dma_semaphore, #tpu.memory_space<semaphore_mem>>)
    %dma_start3A_72 = arith.constant 1 : i32
    %dma_start3A_73 = arith.constant 0 : i32
    %dma_start3A_74 = arith.constant 0 : i32
    %dma_start3A_75 = tpu.memref_slice %arg9[%dma_start3A_73, %dma_start3A_74] : memref<4x128xi32, #tpu.memory_space<vmem>> -> memref<1x128xi32, #tpu.memory_space<vmem>>
    %dma_start3A_76 = tpu.memref_squeeze %dma_start3A_75 : memref<1x128xi32, #tpu.memory_space<vmem>> -> memref<128xi32, #tpu.memory_space<vmem>>
    %dma_start3A_77 = tpu.memref_slice %arg3[%dma_start3A_72, %multiple_of3A] : memref<2x320000xi32, #tpu.memory_space<hbm>> -> memref<1x128xi32, #tpu.memory_space<hbm>>
    %dma_start3A_78 = tpu.memref_squeeze %dma_start3A_77 : memref<1x128xi32, #tpu.memory_space<hbm>> -> memref<128xi32, #tpu.memory_space<hbm>>
    %dma_start3A_79 = arith.constant 0 : i32
    %dma_start3A_80 = tpu.memref_slice %arg9[%dma_start3A_73, %dma_start3A_79] : memref<4x128xi32, #tpu.memory_space<vmem>> -> memref<1x128xi32, #tpu.memory_space<vmem>>
    %dma_start3A_81 = tpu.memref_squeeze %dma_start3A_80 : memref<1x128xi32, #tpu.memory_space<vmem>> -> memref<128xi32, #tpu.memory_space<vmem>>
    %dma_start3A_82 = tpu.memref_slice %arg3[%dma_start3A_72, %multiple_of3A] : memref<2x320000xi32, #tpu.memory_space<hbm>> -> memref<1x128xi32, #tpu.memory_space<hbm>>
    %dma_start3A_83 = tpu.memref_squeeze %dma_start3A_82 : memref<1x128xi32, #tpu.memory_space<hbm>> -> memref<128xi32, #tpu.memory_space<hbm>>
    tpu.enqueue_dma source(%dma_start3A_83 : memref<128xi32, #tpu.memory_space<hbm>>) target(%dma_start3A_81 : memref<128xi32, #tpu.memory_space<vmem>>) target_semaphore(%arg14 : memref<!tpu.dma_semaphore, #tpu.memory_space<semaphore_mem>>)
    %add3A_84 = arith.constant 5 : i32
    %add3A_85 = arith.addi %add3A_8, %add3A_84 : i32
    %jit3A_86 = arith.constant 4 : i32
    %div3A = arith.divsi %add3A_85, %jit3A_86 : i32
    %sign3A = arith.constant 0 : i32
    %sign3A_87 = arith.cmpi sgt, %add3A_85, %sign3A : i32
    %sign3A_88 = arith.extui %sign3A_87 : i1 to i32
    %sign3A_89 = arith.constant 0 : i32
    %sign3A_90 = arith.cmpi slt, %add3A_85, %sign3A_89 : i32
    %sign3A_91 = arith.extui %sign3A_90 : i1 to i32
    %sign3A_92 = arith.subi %sign3A_88, %sign3A_91 : i32
    %sign3A_93 = arith.constant 0 : i32
    %sign3A_94 = arith.cmpi sgt, %jit3A_86, %sign3A_93 : i32
    %sign3A_95 = arith.extui %sign3A_94 : i1 to i32
    %sign3A_96 = arith.constant 0 : i32
    %sign3A_97 = arith.cmpi slt, %jit3A_86, %sign3A_96 : i32
    %sign3A_98 = arith.extui %sign3A_97 : i1 to i32
    %sign3A_99 = arith.subi %sign3A_95, %sign3A_98 : i32
    %ne3A = arith.cmpi ne, %sign3A_92, %sign3A_99 : i32
    %rem3A = arith.remsi %add3A_85, %jit3A_86 : i32
    %ne3A_100 = arith.constant 0 : i32
    %ne3A_101 = arith.cmpi ne, %rem3A, %ne3A_100 : i32
    %and3A = arith.andi %ne3A, %ne3A_101 : i1
    %sub3A = arith.constant 1 : i32
    %sub3A_102 = arith.subi %div3A, %sub3A : i32
    %select_n3A_103 = arith.select %and3A, %sub3A_102, %div3A : i32
    %while3A = arith.constant 0 : i32
    %while3A_104 = arith.constant 0 : i32
    %while3A_105 = arith.constant 1 : i32
    %while3A_106 = arith.constant 0 : i32
    %while3A_107 = arith.subi %select_n3A_103, %while3A_106 : i32
    %while3A_108 = arith.addi %while3A_106, %while3A_107 : i32
    %while3A_109 = arith.constant 1 : i32
    %while3A_110 = arith.divsi %while3A_107, %while3A_109 : i32
    %while3A_111 = arith.muli %while3A_110, %while3A_109 : i32
    %while3A_112 = arith.addi %while3A_106, %while3A_111 : i32
    %while3A_113 = arith.constant 1 : i32
    scf.for %while3A_116 = %while3A_106 to %while3A_112 step %while3A_113  : i32 {
      %mul3A_117 = arith.constant 4 : i32
      %mul3A_118 = arith.muli %mul3A_117, %while3A_116 : i32
      %add3A_119 = arith.constant 0 : i32
      %add3A_120 = arith.addi %mul3A_118, %add3A_119 : i32
      %ge3A = arith.constant 2 : i32
      %ge3A_121 = arith.cmpi sge, %add3A_120, %ge3A : i32
      %add3A_122 = arith.constant 2 : i32
      %add3A_123 = arith.addi %add3A_8, %add3A_122 : i32
      %lt3A_124 = arith.cmpi slt, %add3A_120, %add3A_123 : i32
      %and3A_125 = arith.andi %ge3A_121, %lt3A_124 : i1
      %convert_element_type3A = arith.extui %and3A_125 : i1 to i32
      %cond3A = arith.constant 0 : i32
      %cond3A_126 = arith.cmpi ne, %convert_element_type3A, %cond3A : i32
      scf.if %cond3A_126 {
        %dma_wait3A = arith.constant 0 : i32
        %dma_wait3A_242 = arith.constant 0 : i32
        %dma_wait3A_243 = arith.constant 0 : i32
        %dma_wait3A_244 = tpu.memref_slice %arg10[%while3A_104, %dma_wait3A_242, %dma_wait3A_243] : memref<2x128x128xf32, #tpu.memory_space<vmem>> -> memref<1x128x128xf32, #tpu.memory_space<vmem>>
        %dma_wait3A_245 = tpu.memref_squeeze %dma_wait3A_244 : memref<1x128x128xf32, #tpu.memory_space<vmem>> -> memref<128x128xf32, #tpu.memory_space<vmem>>
        %dma_wait3A_246 = arith.constant 0 : i32
        %dma_wait3A_247 = tpu.memref_slice %arg9[%dma_wait3A, %dma_wait3A_246] : memref<4x128xi32, #tpu.memory_space<vmem>> -> memref<1x128xi32, #tpu.memory_space<vmem>>
        %dma_wait3A_248 = tpu.memref_squeeze %dma_wait3A_247 : memref<1x128xi32, #tpu.memory_space<vmem>> -> memref<128xi32, #tpu.memory_space<vmem>>
        %dma_wait3A_249 = arith.constant 0 : i32
        %dma_wait3A_250 = arith.constant 0 : i32
        %dma_wait3A_251 = tpu.memref_slice %arg12[%dma_wait3A_249, %dma_wait3A_250] : memref<10240x128xf32, #tpu.memory_space<vmem_shared>> -> memref<10240x128xf32, #tpu.memory_space<vmem_shared>>
        tpu.wait_indirect_dma semaphore(%arg20 : memref<!tpu.dma_semaphore, #tpu.memory_space<semaphore_mem>>) src(%dma_wait3A_245 : memref<128x128xf32, #tpu.memory_space<vmem>>) dst(%dma_wait3A_251 : memref<10240x128xf32, #tpu.memory_space<vmem_shared>>)
        %dma_wait3A_252 = arith.constant 0 : i32
        %dma_wait3A_253 = arith.constant 0 : i32
        %dma_wait3A_254 = tpu.memref_slice %arg9[%dma_wait3A_252, %dma_wait3A_253] : memref<4x128xi32, #tpu.memory_space<vmem>> -> memref<1x128xi32, #tpu.memory_space<vmem>>
        %dma_wait3A_255 = tpu.memref_squeeze %dma_wait3A_254 : memref<1x128xi32, #tpu.memory_space<vmem>> -> memref<128xi32, #tpu.memory_space<vmem>>
        %dma_wait3A_256 = arith.constant 0 : i32
        %dma_wait3A_257 = tpu.memref_slice %arg13[%dma_wait3A_256] : memref<10240xf32, #tpu.memory_space<vmem_shared>> -> memref<10240xf32, #tpu.memory_space<vmem_shared>>
        tpu.wait_indirect_dma semaphore(%arg20 : memref<!tpu.dma_semaphore, #tpu.memory_space<semaphore_mem>>) src(%arg11 : memref<128xf32, #tpu.memory_space<vmem>>) dst(%dma_wait3A_257 : memref<10240xf32, #tpu.memory_space<vmem_shared>>)
      } else {
      }
      %lt3A_127 = arith.cmpi slt, %add3A_120, %add3A_8 : i32
      %convert_element_type3A_128 = arith.extui %lt3A_127 : i1 to i32
      %cond3A_129 = arith.constant 0 : i32
      %cond3A_130 = arith.cmpi ne, %convert_element_type3A_128, %cond3A_129 : i32
      scf.if %cond3A_130 {
        %dma_wait3A = arith.constant 0 : i32
        %dma_wait3A_242 = arith.constant 0 : i32
        %dma_wait3A_243 = arith.constant 0 : i32
        %dma_wait3A_244 = tpu.memref_slice %arg8[%dma_wait3A_242, %dma_wait3A_243] : memref<4x128xi32, #tpu.memory_space<vmem>> -> memref<1x128xi32, #tpu.memory_space<vmem>>
        %dma_wait3A_245 = tpu.memref_squeeze %dma_wait3A_244 : memref<1x128xi32, #tpu.memory_space<vmem>> -> memref<128xi32, #tpu.memory_space<vmem>>
        %dma_wait3A_246 = arith.constant 0 : i32
        %dma_wait3A_247 = tpu.memref_slice %arg3[%dma_wait3A, %dma_wait3A_246] : memref<2x320000xi32, #tpu.memory_space<hbm>> -> memref<1x128xi32, #tpu.memory_space<hbm>>
        %dma_wait3A_248 = tpu.memref_squeeze %dma_wait3A_247 : memref<1x128xi32, #tpu.memory_space<hbm>> -> memref<128xi32, #tpu.memory_space<hbm>>
        %dma_wait3A_249 = arith.constant 0 : i32
        %dma_wait3A_250 = tpu.memref_slice %arg8[%dma_wait3A_242, %dma_wait3A_249] : memref<4x128xi32, #tpu.memory_space<vmem>> -> memref<1x128xi32, #tpu.memory_space<vmem>>
        %dma_wait3A_251 = tpu.memref_squeeze %dma_wait3A_250 : memref<1x128xi32, #tpu.memory_space<vmem>> -> memref<128xi32, #tpu.memory_space<vmem>>
        %dma_wait3A_252 = arith.constant 0 : i32
        %dma_wait3A_253 = tpu.memref_slice %arg3[%dma_wait3A, %dma_wait3A_252] : memref<2x320000xi32, #tpu.memory_space<hbm>> -> memref<1x128xi32, #tpu.memory_space<hbm>>
        %dma_wait3A_254 = tpu.memref_squeeze %dma_wait3A_253 : memref<1x128xi32, #tpu.memory_space<hbm>> -> memref<128xi32, #tpu.memory_space<hbm>>
        tpu.wait_dma2 semaphore(%arg14 : memref<!tpu.dma_semaphore, #tpu.memory_space<semaphore_mem>>) src(%dma_wait3A_254 : memref<128xi32, #tpu.memory_space<hbm>>) dst(%dma_wait3A_251 : memref<128xi32, #tpu.memory_space<vmem>>)
        %dma_wait3A_255 = arith.constant 1 : i32
        %dma_wait3A_256 = arith.constant 0 : i32
        %dma_wait3A_257 = arith.constant 0 : i32
        %dma_wait3A_258 = tpu.memref_slice %arg9[%dma_wait3A_256, %dma_wait3A_257] : memref<4x128xi32, #tpu.memory_space<vmem>> -> memref<1x128xi32, #tpu.memory_space<vmem>>
        %dma_wait3A_259 = tpu.memref_squeeze %dma_wait3A_258 : memref<1x128xi32, #tpu.memory_space<vmem>> -> memref<128xi32, #tpu.memory_space<vmem>>
        %dma_wait3A_260 = arith.constant 0 : i32
        %dma_wait3A_261 = tpu.memref_slice %arg3[%dma_wait3A_255, %dma_wait3A_260] : memref<2x320000xi32, #tpu.memory_space<hbm>> -> memref<1x128xi32, #tpu.memory_space<hbm>>
        %dma_wait3A_262 = tpu.memref_squeeze %dma_wait3A_261 : memref<1x128xi32, #tpu.memory_space<hbm>> -> memref<128xi32, #tpu.memory_space<hbm>>
        %dma_wait3A_263 = arith.constant 0 : i32
        %dma_wait3A_264 = tpu.memref_slice %arg9[%dma_wait3A_256, %dma_wait3A_263] : memref<4x128xi32, #tpu.memory_space<vmem>> -> memref<1x128xi32, #tpu.memory_space<vmem>>
        %dma_wait3A_265 = tpu.memref_squeeze %dma_wait3A_264 : memref<1x128xi32, #tpu.memory_space<vmem>> -> memref<128xi32, #tpu.memory_space<vmem>>
        %dma_wait3A_266 = arith.constant 0 : i32
        %dma_wait3A_267 = tpu.memref_slice %arg3[%dma_wait3A_255, %dma_wait3A_266] : memref<2x320000xi32, #tpu.memory_space<hbm>> -> memref<1x128xi32, #tpu.memory_space<hbm>>
        %dma_wait3A_268 = tpu.memref_squeeze %dma_wait3A_267 : memref<1x128xi32, #tpu.memory_space<hbm>> -> memref<128xi32, #tpu.memory_space<hbm>>
        tpu.wait_dma2 semaphore(%arg14 : memref<!tpu.dma_semaphore, #tpu.memory_space<semaphore_mem>>) src(%dma_wait3A_268 : memref<128xi32, #tpu.memory_space<hbm>>) dst(%dma_wait3A_265 : memref<128xi32, #tpu.memory_space<vmem>>)
        %dma_start3A_269 = arith.constant 0 : i32
        %dma_start3A_270 = arith.constant 0 : i32
        %dma_start3A_271 = arith.constant 0 : i32
        %dma_start3A_272 = tpu.memref_slice %arg10[%while3A_104, %dma_start3A_270, %dma_start3A_271] : memref<2x128x128xf32, #tpu.memory_space<vmem>> -> memref<1x128x128xf32, #tpu.memory_space<vmem>>
        %dma_start3A_273 = tpu.memref_squeeze %dma_start3A_272 : memref<1x128x128xf32, #tpu.memory_space<vmem>> -> memref<128x128xf32, #tpu.memory_space<vmem>>
        %dma_start3A_274 = arith.constant 0 : i32
        %dma_start3A_275 = tpu.memref_slice %arg8[%dma_start3A_269, %dma_start3A_274] : memref<4x128xi32, #tpu.memory_space<vmem>> -> memref<1x128xi32, #tpu.memory_space<vmem>>
        %dma_start3A_276 = tpu.memref_squeeze %dma_start3A_275 : memref<1x128xi32, #tpu.memory_space<vmem>> -> memref<128xi32, #tpu.memory_space<vmem>>
        %dma_start3A_277 = arith.constant 0 : i32
        %dma_start3A_278 = arith.constant 0 : i32
        %dma_start3A_279 = tpu.memref_slice %arg2[%dma_start3A_277, %dma_start3A_278] : memref<10240x128xf32, #tpu.memory_space<hbm>> -> memref<10240x128xf32, #tpu.memory_space<hbm>>
        tpu.enqueue_indirect_dma source(%dma_start3A_279 : memref<10240x128xf32, #tpu.memory_space<hbm>>) target(%dma_start3A_273 : memref<128x128xf32, #tpu.memory_space<vmem>>) offsets(%dma_start3A_276 : memref<128xi32, #tpu.memory_space<vmem>>) semaphore(%arg18 : memref<!tpu.dma_semaphore, #tpu.memory_space<semaphore_mem>>)
      } else {
      }
      %add3A_131 = arith.constant 1 : i32
      %add3A_132 = arith.addi %add3A_120, %add3A_131 : i32
      %lt3A_133 = arith.cmpi slt, %add3A_132, %add3A_8 : i32
      %convert_element_type3A_134 = arith.extui %lt3A_133 : i1 to i32
      %cond3A_135 = arith.constant 0 : i32
      %cond3A_136 = arith.cmpi ne, %convert_element_type3A_134, %cond3A_135 : i32
      scf.if %cond3A_136 {
        %add3A_242 = arith.constant 1 : i32
        %add3A_243 = arith.addi %add3A_120, %add3A_242 : i32
        %add3A_244 = arith.addi %add3A_4, %add3A_243 : i32
        %mul3A_245 = arith.constant 128 : i32
        %mul3A_246 = arith.muli %add3A_244, %mul3A_245 : i32
        %multiple_of3A_247 = tpu.assume_multiple %mul3A_246, 128 : i32
        %dma_start3A_248 = arith.constant 0 : i32
        %dma_start3A_249 = arith.constant 1 : i32
        %dma_start3A_250 = arith.constant 0 : i32
        %dma_start3A_251 = tpu.memref_slice %arg8[%dma_start3A_249, %dma_start3A_250] : memref<4x128xi32, #tpu.memory_space<vmem>> -> memref<1x128xi32, #tpu.memory_space<vmem>>
        %dma_start3A_252 = tpu.memref_squeeze %dma_start3A_251 : memref<1x128xi32, #tpu.memory_space<vmem>> -> memref<128xi32, #tpu.memory_space<vmem>>
        %dma_start3A_253 = tpu.memref_slice %arg3[%dma_start3A_248, %multiple_of3A_247] : memref<2x320000xi32, #tpu.memory_space<hbm>> -> memref<1x128xi32, #tpu.memory_space<hbm>>
        %dma_start3A_254 = tpu.memref_squeeze %dma_start3A_253 : memref<1x128xi32, #tpu.memory_space<hbm>> -> memref<128xi32, #tpu.memory_space<hbm>>
        %dma_start3A_255 = arith.constant 0 : i32
        %dma_start3A_256 = tpu.memref_slice %arg8[%dma_start3A_249, %dma_start3A_255] : memref<4x128xi32, #tpu.memory_space<vmem>> -> memref<1x128xi32, #tpu.memory_space<vmem>>
        %dma_start3A_257 = tpu.memref_squeeze %dma_start3A_256 : memref<1x128xi32, #tpu.memory_space<vmem>> -> memref<128xi32, #tpu.memory_space<vmem>>
        %dma_start3A_258 = tpu.memref_slice %arg3[%dma_start3A_248, %multiple_of3A_247] : memref<2x320000xi32, #tpu.memory_space<hbm>> -> memref<1x128xi32, #tpu.memory_space<hbm>>
        %dma_start3A_259 = tpu.memref_squeeze %dma_start3A_258 : memref<1x128xi32, #tpu.memory_space<hbm>> -> memref<128xi32, #tpu.memory_space<hbm>>
        tpu.enqueue_dma source(%dma_start3A_259 : memref<128xi32, #tpu.memory_space<hbm>>) target(%dma_start3A_257 : memref<128xi32, #tpu.memory_space<vmem>>) target_semaphore(%arg15 : memref<!tpu.dma_semaphore, #tpu.memory_space<semaphore_mem>>)
        %dma_start3A_260 = arith.constant 1 : i32
        %dma_start3A_261 = arith.constant 1 : i32
        %dma_start3A_262 = arith.constant 0 : i32
        %dma_start3A_263 = tpu.memref_slice %arg9[%dma_start3A_261, %dma_start3A_262] : memref<4x128xi32, #tpu.memory_space<vmem>> -> memref<1x128xi32, #tpu.memory_space<vmem>>
        %dma_start3A_264 = tpu.memref_squeeze %dma_start3A_263 : memref<1x128xi32, #tpu.memory_space<vmem>> -> memref<128xi32, #tpu.memory_space<vmem>>
        %dma_start3A_265 = tpu.memref_slice %arg3[%dma_start3A_260, %multiple_of3A_247] : memref<2x320000xi32, #tpu.memory_space<hbm>> -> memref<1x128xi32, #tpu.memory_space<hbm>>
        %dma_start3A_266 = tpu.memref_squeeze %dma_start3A_265 : memref<1x128xi32, #tpu.memory_space<hbm>> -> memref<128xi32, #tpu.memory_space<hbm>>
        %dma_start3A_267 = arith.constant 0 : i32
        %dma_start3A_268 = tpu.memref_slice %arg9[%dma_start3A_261, %dma_start3A_267] : memref<4x128xi32, #tpu.memory_space<vmem>> -> memref<1x128xi32, #tpu.memory_space<vmem>>
        %dma_start3A_269 = tpu.memref_squeeze %dma_start3A_268 : memref<1x128xi32, #tpu.memory_space<vmem>> -> memref<128xi32, #tpu.memory_space<vmem>>
        %dma_start3A_270 = tpu.memref_slice %arg3[%dma_start3A_260, %multiple_of3A_247] : memref<2x320000xi32, #tpu.memory_space<hbm>> -> memref<1x128xi32, #tpu.memory_space<hbm>>
        %dma_start3A_271 = tpu.memref_squeeze %dma_start3A_270 : memref<1x128xi32, #tpu.memory_space<hbm>> -> memref<128xi32, #tpu.memory_space<hbm>>
        tpu.enqueue_dma source(%dma_start3A_271 : memref<128xi32, #tpu.memory_space<hbm>>) target(%dma_start3A_269 : memref<128xi32, #tpu.memory_space<vmem>>) target_semaphore(%arg15 : memref<!tpu.dma_semaphore, #tpu.memory_space<semaphore_mem>>)
      } else {
      }
      %ge3A_137 = arith.constant 1 : i32
      %ge3A_138 = arith.cmpi sge, %add3A_120, %ge3A_137 : i32
      %add3A_139 = arith.constant 1 : i32
      %add3A_140 = arith.addi %add3A_8, %add3A_139 : i32
      %lt3A_141 = arith.cmpi slt, %add3A_120, %add3A_140 : i32
      %and3A_142 = arith.andi %ge3A_138, %lt3A_141 : i1
      %convert_element_type3A_143 = arith.extui %and3A_142 : i1 to i32
      %cond3A_144 = arith.constant 0 : i32
      %cond3A_145 = arith.cmpi ne, %convert_element_type3A_143, %cond3A_144 : i32
      scf.if %cond3A_145 {
        %dma_wait3A = arith.constant 0 : i32
        %dma_wait3A_242 = arith.constant 0 : i32
        %dma_wait3A_243 = arith.constant 0 : i32
        %dma_wait3A_244 = tpu.memref_slice %arg10[%while3A_105, %dma_wait3A_242, %dma_wait3A_243] : memref<2x128x128xf32, #tpu.memory_space<vmem>> -> memref<1x128x128xf32, #tpu.memory_space<vmem>>
        %dma_wait3A_245 = tpu.memref_squeeze %dma_wait3A_244 : memref<1x128x128xf32, #tpu.memory_space<vmem>> -> memref<128x128xf32, #tpu.memory_space<vmem>>
        %dma_wait3A_246 = arith.constant 0 : i32
        %dma_wait3A_247 = tpu.memref_slice %arg8[%dma_wait3A, %dma_wait3A_246] : memref<4x128xi32, #tpu.memory_space<vmem>> -> memref<1x128xi32, #tpu.memory_space<vmem>>
        %dma_wait3A_248 = tpu.memref_squeeze %dma_wait3A_247 : memref<1x128xi32, #tpu.memory_space<vmem>> -> memref<128xi32, #tpu.memory_space<vmem>>
        %dma_wait3A_249 = arith.constant 0 : i32
        %dma_wait3A_250 = arith.constant 0 : i32
        %dma_wait3A_251 = tpu.memref_slice %arg2[%dma_wait3A_249, %dma_wait3A_250] : memref<10240x128xf32, #tpu.memory_space<hbm>> -> memref<10240x128xf32, #tpu.memory_space<hbm>>
        tpu.wait_indirect_dma semaphore(%arg19 : memref<!tpu.dma_semaphore, #tpu.memory_space<semaphore_mem>>) src(%dma_wait3A_251 : memref<10240x128xf32, #tpu.memory_space<hbm>>) dst(%dma_wait3A_245 : memref<128x128xf32, #tpu.memory_space<vmem>>)
        %dma_start3A_252 = arith.constant 3 : i32
        %dma_start3A_253 = arith.constant 0 : i32
        %dma_start3A_254 = arith.constant 0 : i32
        %dma_start3A_255 = tpu.memref_slice %arg10[%while3A_105, %dma_start3A_253, %dma_start3A_254] : memref<2x128x128xf32, #tpu.memory_space<vmem>> -> memref<1x128x128xf32, #tpu.memory_space<vmem>>
        %dma_start3A_256 = tpu.memref_squeeze %dma_start3A_255 : memref<1x128x128xf32, #tpu.memory_space<vmem>> -> memref<128x128xf32, #tpu.memory_space<vmem>>
        %dma_start3A_257 = arith.constant 0 : i32
        %dma_start3A_258 = tpu.memref_slice %arg9[%dma_start3A_252, %dma_start3A_257] : memref<4x128xi32, #tpu.memory_space<vmem>> -> memref<1x128xi32, #tpu.memory_space<vmem>>
        %dma_start3A_259 = tpu.memref_squeeze %dma_start3A_258 : memref<1x128xi32, #tpu.memory_space<vmem>> -> memref<128xi32, #tpu.memory_space<vmem>>
        %dma_start3A_260 = arith.constant 0 : i32
        %dma_start3A_261 = arith.constant 0 : i32
        %dma_start3A_262 = tpu.memref_slice %arg12[%dma_start3A_260, %dma_start3A_261] : memref<10240x128xf32, #tpu.memory_space<vmem_shared>> -> memref<10240x128xf32, #tpu.memory_space<vmem_shared>>
        tpu.enqueue_indirect_dma source(%dma_start3A_256 : memref<128x128xf32, #tpu.memory_space<vmem>>) target(%dma_start3A_262 : memref<10240x128xf32, #tpu.memory_space<vmem_shared>>) offsets(%dma_start3A_259 : memref<128xi32, #tpu.memory_space<vmem>>) semaphore(%arg21 : memref<!tpu.dma_semaphore, #tpu.memory_space<semaphore_mem>>) {add = true}
        %dma_start3A_263 = arith.constant 3 : i32
        %dma_start3A_264 = arith.constant 0 : i32
        %dma_start3A_265 = tpu.memref_slice %arg9[%dma_start3A_263, %dma_start3A_264] : memref<4x128xi32, #tpu.memory_space<vmem>> -> memref<1x128xi32, #tpu.memory_space<vmem>>
        %dma_start3A_266 = tpu.memref_squeeze %dma_start3A_265 : memref<1x128xi32, #tpu.memory_space<vmem>> -> memref<128xi32, #tpu.memory_space<vmem>>
        %dma_start3A_267 = arith.constant 0 : i32
        %dma_start3A_268 = tpu.memref_slice %arg13[%dma_start3A_267] : memref<10240xf32, #tpu.memory_space<vmem_shared>> -> memref<10240xf32, #tpu.memory_space<vmem_shared>>
        tpu.enqueue_indirect_dma source(%arg11 : memref<128xf32, #tpu.memory_space<vmem>>) target(%dma_start3A_268 : memref<10240xf32, #tpu.memory_space<vmem_shared>>) offsets(%dma_start3A_266 : memref<128xi32, #tpu.memory_space<vmem>>) semaphore(%arg21 : memref<!tpu.dma_semaphore, #tpu.memory_space<semaphore_mem>>) {add = true}
      } else {
      }
      %mul3A_146 = arith.constant 4 : i32
      %mul3A_147 = arith.muli %mul3A_146, %while3A_116 : i32
      %add3A_148 = arith.constant 1 : i32
      %add3A_149 = arith.addi %mul3A_147, %add3A_148 : i32
      %ge3A_150 = arith.constant 2 : i32
      %ge3A_151 = arith.cmpi sge, %add3A_149, %ge3A_150 : i32
      %add3A_152 = arith.constant 2 : i32
      %add3A_153 = arith.addi %add3A_8, %add3A_152 : i32
      %lt3A_154 = arith.cmpi slt, %add3A_149, %add3A_153 : i32
      %and3A_155 = arith.andi %ge3A_151, %lt3A_154 : i1
      %convert_element_type3A_156 = arith.extui %and3A_155 : i1 to i32
      %cond3A_157 = arith.constant 0 : i32
      %cond3A_158 = arith.cmpi ne, %convert_element_type3A_156, %cond3A_157 : i32
      scf.if %cond3A_158 {
        %dma_wait3A = arith.constant 0 : i32
        %dma_wait3A_242 = arith.constant 0 : i32
        %dma_wait3A_243 = arith.constant 0 : i32
        %dma_wait3A_244 = tpu.memref_slice %arg10[%while3A_105, %dma_wait3A_242, %dma_wait3A_243] : memref<2x128x128xf32, #tpu.memory_space<vmem>> -> memref<1x128x128xf32, #tpu.memory_space<vmem>>
        %dma_wait3A_245 = tpu.memref_squeeze %dma_wait3A_244 : memref<1x128x128xf32, #tpu.memory_space<vmem>> -> memref<128x128xf32, #tpu.memory_space<vmem>>
        %dma_wait3A_246 = arith.constant 0 : i32
        %dma_wait3A_247 = tpu.memref_slice %arg9[%dma_wait3A, %dma_wait3A_246] : memref<4x128xi32, #tpu.memory_space<vmem>> -> memref<1x128xi32, #tpu.memory_space<vmem>>
        %dma_wait3A_248 = tpu.memref_squeeze %dma_wait3A_247 : memref<1x128xi32, #tpu.memory_space<vmem>> -> memref<128xi32, #tpu.memory_space<vmem>>
        %dma_wait3A_249 = arith.constant 0 : i32
        %dma_wait3A_250 = arith.constant 0 : i32
        %dma_wait3A_251 = tpu.memref_slice %arg12[%dma_wait3A_249, %dma_wait3A_250] : memref<10240x128xf32, #tpu.memory_space<vmem_shared>> -> memref<10240x128xf32, #tpu.memory_space<vmem_shared>>
        tpu.wait_indirect_dma semaphore(%arg21 : memref<!tpu.dma_semaphore, #tpu.memory_space<semaphore_mem>>) src(%dma_wait3A_245 : memref<128x128xf32, #tpu.memory_space<vmem>>) dst(%dma_wait3A_251 : memref<10240x128xf32, #tpu.memory_space<vmem_shared>>)
        %dma_wait3A_252 = arith.constant 0 : i32
        %dma_wait3A_253 = arith.constant 0 : i32
        %dma_wait3A_254 = tpu.memref_slice %arg9[%dma_wait3A_252, %dma_wait3A_253] : memref<4x128xi32, #tpu.memory_space<vmem>> -> memref<1x128xi32, #tpu.memory_space<vmem>>
        %dma_wait3A_255 = tpu.memref_squeeze %dma_wait3A_254 : memref<1x128xi32, #tpu.memory_space<vmem>> -> memref<128xi32, #tpu.memory_space<vmem>>
        %dma_wait3A_256 = arith.constant 0 : i32
        %dma_wait3A_257 = tpu.memref_slice %arg13[%dma_wait3A_256] : memref<10240xf32, #tpu.memory_space<vmem_shared>> -> memref<10240xf32, #tpu.memory_space<vmem_shared>>
        tpu.wait_indirect_dma semaphore(%arg21 : memref<!tpu.dma_semaphore, #tpu.memory_space<semaphore_mem>>) src(%arg11 : memref<128xf32, #tpu.memory_space<vmem>>) dst(%dma_wait3A_257 : memref<10240xf32, #tpu.memory_space<vmem_shared>>)
      } else {
      }
      %lt3A_159 = arith.cmpi slt, %add3A_149, %add3A_8 : i32
      %convert_element_type3A_160 = arith.extui %lt3A_159 : i1 to i32
      %cond3A_161 = arith.constant 0 : i32
      %cond3A_162 = arith.cmpi ne, %convert_element_type3A_160, %cond3A_161 : i32
      scf.if %cond3A_162 {
        %dma_wait3A = arith.constant 0 : i32
        %dma_wait3A_242 = arith.constant 1 : i32
        %dma_wait3A_243 = arith.constant 0 : i32
        %dma_wait3A_244 = tpu.memref_slice %arg8[%dma_wait3A_242, %dma_wait3A_243] : memref<4x128xi32, #tpu.memory_space<vmem>> -> memref<1x128xi32, #tpu.memory_space<vmem>>
        %dma_wait3A_245 = tpu.memref_squeeze %dma_wait3A_244 : memref<1x128xi32, #tpu.memory_space<vmem>> -> memref<128xi32, #tpu.memory_space<vmem>>
        %dma_wait3A_246 = arith.constant 0 : i32
        %dma_wait3A_247 = tpu.memref_slice %arg3[%dma_wait3A, %dma_wait3A_246] : memref<2x320000xi32, #tpu.memory_space<hbm>> -> memref<1x128xi32, #tpu.memory_space<hbm>>
        %dma_wait3A_248 = tpu.memref_squeeze %dma_wait3A_247 : memref<1x128xi32, #tpu.memory_space<hbm>> -> memref<128xi32, #tpu.memory_space<hbm>>
        %dma_wait3A_249 = arith.constant 0 : i32
        %dma_wait3A_250 = tpu.memref_slice %arg8[%dma_wait3A_242, %dma_wait3A_249] : memref<4x128xi32, #tpu.memory_space<vmem>> -> memref<1x128xi32, #tpu.memory_space<vmem>>
        %dma_wait3A_251 = tpu.memref_squeeze %dma_wait3A_250 : memref<1x128xi32, #tpu.memory_space<vmem>> -> memref<128xi32, #tpu.memory_space<vmem>>
        %dma_wait3A_252 = arith.constant 0 : i32
        %dma_wait3A_253 = tpu.memref_slice %arg3[%dma_wait3A, %dma_wait3A_252] : memref<2x320000xi32, #tpu.memory_space<hbm>> -> memref<1x128xi32, #tpu.memory_space<hbm>>
        %dma_wait3A_254 = tpu.memref_squeeze %dma_wait3A_253 : memref<1x128xi32, #tpu.memory_space<hbm>> -> memref<128xi32, #tpu.memory_space<hbm>>
        tpu.wait_dma2 semaphore(%arg15 : memref<!tpu.dma_semaphore, #tpu.memory_space<semaphore_mem>>) src(%dma_wait3A_254 : memref<128xi32, #tpu.memory_space<hbm>>) dst(%dma_wait3A_251 : memref<128xi32, #tpu.memory_space<vmem>>)
        %dma_wait3A_255 = arith.constant 1 : i32
        %dma_wait3A_256 = arith.constant 1 : i32
        %dma_wait3A_257 = arith.constant 0 : i32
        %dma_wait3A_258 = tpu.memref_slice %arg9[%dma_wait3A_256, %dma_wait3A_257] : memref<4x128xi32, #tpu.memory_space<vmem>> -> memref<1x128xi32, #tpu.memory_space<vmem>>
        %dma_wait3A_259 = tpu.memref_squeeze %dma_wait3A_258 : memref<1x128xi32, #tpu.memory_space<vmem>> -> memref<128xi32, #tpu.memory_space<vmem>>
        %dma_wait3A_260 = arith.constant 0 : i32
        %dma_wait3A_261 = tpu.memref_slice %arg3[%dma_wait3A_255, %dma_wait3A_260] : memref<2x320000xi32, #tpu.memory_space<hbm>> -> memref<1x128xi32, #tpu.memory_space<hbm>>
        %dma_wait3A_262 = tpu.memref_squeeze %dma_wait3A_261 : memref<1x128xi32, #tpu.memory_space<hbm>> -> memref<128xi32, #tpu.memory_space<hbm>>
        %dma_wait3A_263 = arith.constant 0 : i32
        %dma_wait3A_264 = tpu.memref_slice %arg9[%dma_wait3A_256, %dma_wait3A_263] : memref<4x128xi32, #tpu.memory_space<vmem>> -> memref<1x128xi32, #tpu.memory_space<vmem>>
        %dma_wait3A_265 = tpu.memref_squeeze %dma_wait3A_264 : memref<1x128xi32, #tpu.memory_space<vmem>> -> memref<128xi32, #tpu.memory_space<vmem>>
        %dma_wait3A_266 = arith.constant 0 : i32
        %dma_wait3A_267 = tpu.memref_slice %arg3[%dma_wait3A_255, %dma_wait3A_266] : memref<2x320000xi32, #tpu.memory_space<hbm>> -> memref<1x128xi32, #tpu.memory_space<hbm>>
        %dma_wait3A_268 = tpu.memref_squeeze %dma_wait3A_267 : memref<1x128xi32, #tpu.memory_space<hbm>> -> memref<128xi32, #tpu.memory_space<hbm>>
        tpu.wait_dma2 semaphore(%arg15 : memref<!tpu.dma_semaphore, #tpu.memory_space<semaphore_mem>>) src(%dma_wait3A_268 : memref<128xi32, #tpu.memory_space<hbm>>) dst(%dma_wait3A_265 : memref<128xi32, #tpu.memory_space<vmem>>)
        %dma_start3A_269 = arith.constant 1 : i32
        %dma_start3A_270 = arith.constant 0 : i32
        %dma_start3A_271 = arith.constant 0 : i32
        %dma_start3A_272 = tpu.memref_slice %arg10[%while3A_105, %dma_start3A_270, %dma_start3A_271] : memref<2x128x128xf32, #tpu.memory_space<vmem>> -> memref<1x128x128xf32, #tpu.memory_space<vmem>>
        %dma_start3A_273 = tpu.memref_squeeze %dma_start3A_272 : memref<1x128x128xf32, #tpu.memory_space<vmem>> -> memref<128x128xf32, #tpu.memory_space<vmem>>
        %dma_start3A_274 = arith.constant 0 : i32
        %dma_start3A_275 = tpu.memref_slice %arg8[%dma_start3A_269, %dma_start3A_274] : memref<4x128xi32, #tpu.memory_space<vmem>> -> memref<1x128xi32, #tpu.memory_space<vmem>>
        %dma_start3A_276 = tpu.memref_squeeze %dma_start3A_275 : memref<1x128xi32, #tpu.memory_space<vmem>> -> memref<128xi32, #tpu.memory_space<vmem>>
        %dma_start3A_277 = arith.constant 0 : i32
        %dma_start3A_278 = arith.constant 0 : i32
        %dma_start3A_279 = tpu.memref_slice %arg2[%dma_start3A_277, %dma_start3A_278] : memref<10240x128xf32, #tpu.memory_space<hbm>> -> memref<10240x128xf32, #tpu.memory_space<hbm>>
        tpu.enqueue_indirect_dma source(%dma_start3A_279 : memref<10240x128xf32, #tpu.memory_space<hbm>>) target(%dma_start3A_273 : memref<128x128xf32, #tpu.memory_space<vmem>>) offsets(%dma_start3A_276 : memref<128xi32, #tpu.memory_space<vmem>>) semaphore(%arg19 : memref<!tpu.dma_semaphore, #tpu.memory_space<semaphore_mem>>)
      } else {
      }
      %add3A_163 = arith.constant 1 : i32
      %add3A_164 = arith.addi %add3A_149, %add3A_163 : i32
      %lt3A_165 = arith.cmpi slt, %add3A_164, %add3A_8 : i32
      %convert_element_type3A_166 = arith.extui %lt3A_165 : i1 to i32
      %cond3A_167 = arith.constant 0 : i32
      %cond3A_168 = arith.cmpi ne, %convert_element_type3A_166, %cond3A_167 : i32
      scf.if %cond3A_168 {
        %add3A_242 = arith.constant 1 : i32
        %add3A_243 = arith.addi %add3A_149, %add3A_242 : i32
        %add3A_244 = arith.addi %add3A_4, %add3A_243 : i32
        %mul3A_245 = arith.constant 128 : i32
        %mul3A_246 = arith.muli %add3A_244, %mul3A_245 : i32
        %multiple_of3A_247 = tpu.assume_multiple %mul3A_246, 128 : i32
        %dma_start3A_248 = arith.constant 0 : i32
        %dma_start3A_249 = arith.constant 2 : i32
        %dma_start3A_250 = arith.constant 0 : i32
        %dma_start3A_251 = tpu.memref_slice %arg8[%dma_start3A_249, %dma_start3A_250] : memref<4x128xi32, #tpu.memory_space<vmem>> -> memref<1x128xi32, #tpu.memory_space<vmem>>
        %dma_start3A_252 = tpu.memref_squeeze %dma_start3A_251 : memref<1x128xi32, #tpu.memory_space<vmem>> -> memref<128xi32, #tpu.memory_space<vmem>>
        %dma_start3A_253 = tpu.memref_slice %arg3[%dma_start3A_248, %multiple_of3A_247] : memref<2x320000xi32, #tpu.memory_space<hbm>> -> memref<1x128xi32, #tpu.memory_space<hbm>>
        %dma_start3A_254 = tpu.memref_squeeze %dma_start3A_253 : memref<1x128xi32, #tpu.memory_space<hbm>> -> memref<128xi32, #tpu.memory_space<hbm>>
        %dma_start3A_255 = arith.constant 0 : i32
        %dma_start3A_256 = tpu.memref_slice %arg8[%dma_start3A_249, %dma_start3A_255] : memref<4x128xi32, #tpu.memory_space<vmem>> -> memref<1x128xi32, #tpu.memory_space<vmem>>
        %dma_start3A_257 = tpu.memref_squeeze %dma_start3A_256 : memref<1x128xi32, #tpu.memory_space<vmem>> -> memref<128xi32, #tpu.memory_space<vmem>>
        %dma_start3A_258 = tpu.memref_slice %arg3[%dma_start3A_248, %multiple_of3A_247] : memref<2x320000xi32, #tpu.memory_space<hbm>> -> memref<1x128xi32, #tpu.memory_space<hbm>>
        %dma_start3A_259 = tpu.memref_squeeze %dma_start3A_258 : memref<1x128xi32, #tpu.memory_space<hbm>> -> memref<128xi32, #tpu.memory_space<hbm>>
        tpu.enqueue_dma source(%dma_start3A_259 : memref<128xi32, #tpu.memory_space<hbm>>) target(%dma_start3A_257 : memref<128xi32, #tpu.memory_space<vmem>>) target_semaphore(%arg16 : memref<!tpu.dma_semaphore, #tpu.memory_space<semaphore_mem>>)
        %dma_start3A_260 = arith.constant 1 : i32
        %dma_start3A_261 = arith.constant 2 : i32
        %dma_start3A_262 = arith.constant 0 : i32
        %dma_start3A_263 = tpu.memref_slice %arg9[%dma_start3A_261, %dma_start3A_262] : memref<4x128xi32, #tpu.memory_space<vmem>> -> memref<1x128xi32, #tpu.memory_space<vmem>>
        %dma_start3A_264 = tpu.memref_squeeze %dma_start3A_263 : memref<1x128xi32, #tpu.memory_space<vmem>> -> memref<128xi32, #tpu.memory_space<vmem>>
        %dma_start3A_265 = tpu.memref_slice %arg3[%dma_start3A_260, %multiple_of3A_247] : memref<2x320000xi32, #tpu.memory_space<hbm>> -> memref<1x128xi32, #tpu.memory_space<hbm>>
        %dma_start3A_266 = tpu.memref_squeeze %dma_start3A_265 : memref<1x128xi32, #tpu.memory_space<hbm>> -> memref<128xi32, #tpu.memory_space<hbm>>
        %dma_start3A_267 = arith.constant 0 : i32
        %dma_start3A_268 = tpu.memref_slice %arg9[%dma_start3A_261, %dma_start3A_267] : memref<4x128xi32, #tpu.memory_space<vmem>> -> memref<1x128xi32, #tpu.memory_space<vmem>>
        %dma_start3A_269 = tpu.memref_squeeze %dma_start3A_268 : memref<1x128xi32, #tpu.memory_space<vmem>> -> memref<128xi32, #tpu.memory_space<vmem>>
        %dma_start3A_270 = tpu.memref_slice %arg3[%dma_start3A_260, %multiple_of3A_247] : memref<2x320000xi32, #tpu.memory_space<hbm>> -> memref<1x128xi32, #tpu.memory_space<hbm>>
        %dma_start3A_271 = tpu.memref_squeeze %dma_start3A_270 : memref<1x128xi32, #tpu.memory_space<hbm>> -> memref<128xi32, #tpu.memory_space<hbm>>
        tpu.enqueue_dma source(%dma_start3A_271 : memref<128xi32, #tpu.memory_space<hbm>>) target(%dma_start3A_269 : memref<128xi32, #tpu.memory_space<vmem>>) target_semaphore(%arg16 : memref<!tpu.dma_semaphore, #tpu.memory_space<semaphore_mem>>)
      } else {
      }
      %ge3A_169 = arith.constant 1 : i32
      %ge3A_170 = arith.cmpi sge, %add3A_149, %ge3A_169 : i32
      %add3A_171 = arith.constant 1 : i32
      %add3A_172 = arith.addi %add3A_8, %add3A_171 : i32
      %lt3A_173 = arith.cmpi slt, %add3A_149, %add3A_172 : i32
      %and3A_174 = arith.andi %ge3A_170, %lt3A_173 : i1
      %convert_element_type3A_175 = arith.extui %and3A_174 : i1 to i32
      %cond3A_176 = arith.constant 0 : i32
      %cond3A_177 = arith.cmpi ne, %convert_element_type3A_175, %cond3A_176 : i32
      scf.if %cond3A_177 {
        %dma_wait3A = arith.constant 0 : i32
        %dma_wait3A_242 = arith.constant 0 : i32
        %dma_wait3A_243 = arith.constant 0 : i32
        %dma_wait3A_244 = tpu.memref_slice %arg10[%while3A_104, %dma_wait3A_242, %dma_wait3A_243] : memref<2x128x128xf32, #tpu.memory_space<vmem>> -> memref<1x128x128xf32, #tpu.memory_space<vmem>>
        %dma_wait3A_245 = tpu.memref_squeeze %dma_wait3A_244 : memref<1x128x128xf32, #tpu.memory_space<vmem>> -> memref<128x128xf32, #tpu.memory_space<vmem>>
        %dma_wait3A_246 = arith.constant 0 : i32
        %dma_wait3A_247 = tpu.memref_slice %arg8[%dma_wait3A, %dma_wait3A_246] : memref<4x128xi32, #tpu.memory_space<vmem>> -> memref<1x128xi32, #tpu.memory_space<vmem>>
        %dma_wait3A_248 = tpu.memref_squeeze %dma_wait3A_247 : memref<1x128xi32, #tpu.memory_space<vmem>> -> memref<128xi32, #tpu.memory_space<vmem>>
        %dma_wait3A_249 = arith.constant 0 : i32
        %dma_wait3A_250 = arith.constant 0 : i32
        %dma_wait3A_251 = tpu.memref_slice %arg2[%dma_wait3A_249, %dma_wait3A_250] : memref<10240x128xf32, #tpu.memory_space<hbm>> -> memref<10240x128xf32, #tpu.memory_space<hbm>>
        tpu.wait_indirect_dma semaphore(%arg18 : memref<!tpu.dma_semaphore, #tpu.memory_space<semaphore_mem>>) src(%dma_wait3A_251 : memref<10240x128xf32, #tpu.memory_space<hbm>>) dst(%dma_wait3A_245 : memref<128x128xf32, #tpu.memory_space<vmem>>)
        %dma_start3A_252 = arith.constant 0 : i32
        %dma_start3A_253 = arith.constant 0 : i32
        %dma_start3A_254 = arith.constant 0 : i32
        %dma_start3A_255 = tpu.memref_slice %arg10[%while3A_104, %dma_start3A_253, %dma_start3A_254] : memref<2x128x128xf32, #tpu.memory_space<vmem>> -> memref<1x128x128xf32, #tpu.memory_space<vmem>>
        %dma_start3A_256 = tpu.memref_squeeze %dma_start3A_255 : memref<1x128x128xf32, #tpu.memory_space<vmem>> -> memref<128x128xf32, #tpu.memory_space<vmem>>
        %dma_start3A_257 = arith.constant 0 : i32
        %dma_start3A_258 = tpu.memref_slice %arg9[%dma_start3A_252, %dma_start3A_257] : memref<4x128xi32, #tpu.memory_space<vmem>> -> memref<1x128xi32, #tpu.memory_space<vmem>>
        %dma_start3A_259 = tpu.memref_squeeze %dma_start3A_258 : memref<1x128xi32, #tpu.memory_space<vmem>> -> memref<128xi32, #tpu.memory_space<vmem>>
        %dma_start3A_260 = arith.constant 0 : i32
        %dma_start3A_261 = arith.constant 0 : i32
        %dma_start3A_262 = tpu.memref_slice %arg12[%dma_start3A_260, %dma_start3A_261] : memref<10240x128xf32, #tpu.memory_space<vmem_shared>> -> memref<10240x128xf32, #tpu.memory_space<vmem_shared>>
        tpu.enqueue_indirect_dma source(%dma_start3A_256 : memref<128x128xf32, #tpu.memory_space<vmem>>) target(%dma_start3A_262 : memref<10240x128xf32, #tpu.memory_space<vmem_shared>>) offsets(%dma_start3A_259 : memref<128xi32, #tpu.memory_space<vmem>>) semaphore(%arg20 : memref<!tpu.dma_semaphore, #tpu.memory_space<semaphore_mem>>) {add = true}
        %dma_start3A_263 = arith.constant 0 : i32
        %dma_start3A_264 = arith.constant 0 : i32
        %dma_start3A_265 = tpu.memref_slice %arg9[%dma_start3A_263, %dma_start3A_264] : memref<4x128xi32, #tpu.memory_space<vmem>> -> memref<1x128xi32, #tpu.memory_space<vmem>>
        %dma_start3A_266 = tpu.memref_squeeze %dma_start3A_265 : memref<1x128xi32, #tpu.memory_space<vmem>> -> memref<128xi32, #tpu.memory_space<vmem>>
        %dma_start3A_267 = arith.constant 0 : i32
        %dma_start3A_268 = tpu.memref_slice %arg13[%dma_start3A_267] : memref<10240xf32, #tpu.memory_space<vmem_shared>> -> memref<10240xf32, #tpu.memory_space<vmem_shared>>
        tpu.enqueue_indirect_dma source(%arg11 : memref<128xf32, #tpu.memory_space<vmem>>) target(%dma_start3A_268 : memref<10240xf32, #tpu.memory_space<vmem_shared>>) offsets(%dma_start3A_266 : memref<128xi32, #tpu.memory_space<vmem>>) semaphore(%arg20 : memref<!tpu.dma_semaphore, #tpu.memory_space<semaphore_mem>>) {add = true}
      } else {
      }
      %mul3A_178 = arith.constant 4 : i32
      %mul3A_179 = arith.muli %mul3A_178, %while3A_116 : i32
      %add3A_180 = arith.constant 2 : i32
      %add3A_181 = arith.addi %mul3A_179, %add3A_180 : i32
      %ge3A_182 = arith.constant 2 : i32
      %ge3A_183 = arith.cmpi sge, %add3A_181, %ge3A_182 : i32
      %add3A_184 = arith.constant 2 : i32
      %add3A_185 = arith.addi %add3A_8, %add3A_184 : i32
      %lt3A_186 = arith.cmpi slt, %add3A_181, %add3A_185 : i32
      %and3A_187 = arith.andi %ge3A_183, %lt3A_186 : i1
      %convert_element_type3A_188 = arith.extui %and3A_187 : i1 to i32
      %cond3A_189 = arith.constant 0 : i32
      %cond3A_190 = arith.cmpi ne, %convert_element_type3A_188, %cond3A_189 : i32
      scf.if %cond3A_190 {
        %dma_wait3A = arith.constant 0 : i32
        %dma_wait3A_242 = arith.constant 0 : i32
        %dma_wait3A_243 = arith.constant 0 : i32
        %dma_wait3A_244 = tpu.memref_slice %arg10[%while3A_104, %dma_wait3A_242, %dma_wait3A_243] : memref<2x128x128xf32, #tpu.memory_space<vmem>> -> memref<1x128x128xf32, #tpu.memory_space<vmem>>
        %dma_wait3A_245 = tpu.memref_squeeze %dma_wait3A_244 : memref<1x128x128xf32, #tpu.memory_space<vmem>> -> memref<128x128xf32, #tpu.memory_space<vmem>>
        %dma_wait3A_246 = arith.constant 0 : i32
        %dma_wait3A_247 = tpu.memref_slice %arg9[%dma_wait3A, %dma_wait3A_246] : memref<4x128xi32, #tpu.memory_space<vmem>> -> memref<1x128xi32, #tpu.memory_space<vmem>>
        %dma_wait3A_248 = tpu.memref_squeeze %dma_wait3A_247 : memref<1x128xi32, #tpu.memory_space<vmem>> -> memref<128xi32, #tpu.memory_space<vmem>>
        %dma_wait3A_249 = arith.constant 0 : i32
        %dma_wait3A_250 = arith.constant 0 : i32
        %dma_wait3A_251 = tpu.memref_slice %arg12[%dma_wait3A_249, %dma_wait3A_250] : memref<10240x128xf32, #tpu.memory_space<vmem_shared>> -> memref<10240x128xf32, #tpu.memory_space<vmem_shared>>
        tpu.wait_indirect_dma semaphore(%arg20 : memref<!tpu.dma_semaphore, #tpu.memory_space<semaphore_mem>>) src(%dma_wait3A_245 : memref<128x128xf32, #tpu.memory_space<vmem>>) dst(%dma_wait3A_251 : memref<10240x128xf32, #tpu.memory_space<vmem_shared>>)
        %dma_wait3A_252 = arith.constant 0 : i32
        %dma_wait3A_253 = arith.constant 0 : i32
        %dma_wait3A_254 = tpu.memref_slice %arg9[%dma_wait3A_252, %dma_wait3A_253] : memref<4x128xi32, #tpu.memory_space<vmem>> -> memref<1x128xi32, #tpu.memory_space<vmem>>
        %dma_wait3A_255 = tpu.memref_squeeze %dma_wait3A_254 : memref<1x128xi32, #tpu.memory_space<vmem>> -> memref<128xi32, #tpu.memory_space<vmem>>
        %dma_wait3A_256 = arith.constant 0 : i32
        %dma_wait3A_257 = tpu.memref_slice %arg13[%dma_wait3A_256] : memref<10240xf32, #tpu.memory_space<vmem_shared>> -> memref<10240xf32, #tpu.memory_space<vmem_shared>>
        tpu.wait_indirect_dma semaphore(%arg20 : memref<!tpu.dma_semaphore, #tpu.memory_space<semaphore_mem>>) src(%arg11 : memref<128xf32, #tpu.memory_space<vmem>>) dst(%dma_wait3A_257 : memref<10240xf32, #tpu.memory_space<vmem_shared>>)
      } else {
      }
      %lt3A_191 = arith.cmpi slt, %add3A_181, %add3A_8 : i32
      %convert_element_type3A_192 = arith.extui %lt3A_191 : i1 to i32
      %cond3A_193 = arith.constant 0 : i32
      %cond3A_194 = arith.cmpi ne, %convert_element_type3A_192, %cond3A_193 : i32
      scf.if %cond3A_194 {
        %dma_wait3A = arith.constant 0 : i32
        %dma_wait3A_242 = arith.constant 2 : i32
        %dma_wait3A_243 = arith.constant 0 : i32
        %dma_wait3A_244 = tpu.memref_slice %arg8[%dma_wait3A_242, %dma_wait3A_243] : memref<4x128xi32, #tpu.memory_space<vmem>> -> memref<1x128xi32, #tpu.memory_space<vmem>>
        %dma_wait3A_245 = tpu.memref_squeeze %dma_wait3A_244 : memref<1x128xi32, #tpu.memory_space<vmem>> -> memref<128xi32, #tpu.memory_space<vmem>>
        %dma_wait3A_246 = arith.constant 0 : i32
        %dma_wait3A_247 = tpu.memref_slice %arg3[%dma_wait3A, %dma_wait3A_246] : memref<2x320000xi32, #tpu.memory_space<hbm>> -> memref<1x128xi32, #tpu.memory_space<hbm>>
        %dma_wait3A_248 = tpu.memref_squeeze %dma_wait3A_247 : memref<1x128xi32, #tpu.memory_space<hbm>> -> memref<128xi32, #tpu.memory_space<hbm>>
        %dma_wait3A_249 = arith.constant 0 : i32
        %dma_wait3A_250 = tpu.memref_slice %arg8[%dma_wait3A_242, %dma_wait3A_249] : memref<4x128xi32, #tpu.memory_space<vmem>> -> memref<1x128xi32, #tpu.memory_space<vmem>>
        %dma_wait3A_251 = tpu.memref_squeeze %dma_wait3A_250 : memref<1x128xi32, #tpu.memory_space<vmem>> -> memref<128xi32, #tpu.memory_space<vmem>>
        %dma_wait3A_252 = arith.constant 0 : i32
        %dma_wait3A_253 = tpu.memref_slice %arg3[%dma_wait3A, %dma_wait3A_252] : memref<2x320000xi32, #tpu.memory_space<hbm>> -> memref<1x128xi32, #tpu.memory_space<hbm>>
        %dma_wait3A_254 = tpu.memref_squeeze %dma_wait3A_253 : memref<1x128xi32, #tpu.memory_space<hbm>> -> memref<128xi32, #tpu.memory_space<hbm>>
        tpu.wait_dma2 semaphore(%arg16 : memref<!tpu.dma_semaphore, #tpu.memory_space<semaphore_mem>>) src(%dma_wait3A_254 : memref<128xi32, #tpu.memory_space<hbm>>) dst(%dma_wait3A_251 : memref<128xi32, #tpu.memory_space<vmem>>)
        %dma_wait3A_255 = arith.constant 1 : i32
        %dma_wait3A_256 = arith.constant 2 : i32
        %dma_wait3A_257 = arith.constant 0 : i32
        %dma_wait3A_258 = tpu.memref_slice %arg9[%dma_wait3A_256, %dma_wait3A_257] : memref<4x128xi32, #tpu.memory_space<vmem>> -> memref<1x128xi32, #tpu.memory_space<vmem>>
        %dma_wait3A_259 = tpu.memref_squeeze %dma_wait3A_258 : memref<1x128xi32, #tpu.memory_space<vmem>> -> memref<128xi32, #tpu.memory_space<vmem>>
        %dma_wait3A_260 = arith.constant 0 : i32
        %dma_wait3A_261 = tpu.memref_slice %arg3[%dma_wait3A_255, %dma_wait3A_260] : memref<2x320000xi32, #tpu.memory_space<hbm>> -> memref<1x128xi32, #tpu.memory_space<hbm>>
        %dma_wait3A_262 = tpu.memref_squeeze %dma_wait3A_261 : memref<1x128xi32, #tpu.memory_space<hbm>> -> memref<128xi32, #tpu.memory_space<hbm>>
        %dma_wait3A_263 = arith.constant 0 : i32
        %dma_wait3A_264 = tpu.memref_slice %arg9[%dma_wait3A_256, %dma_wait3A_263] : memref<4x128xi32, #tpu.memory_space<vmem>> -> memref<1x128xi32, #tpu.memory_space<vmem>>
        %dma_wait3A_265 = tpu.memref_squeeze %dma_wait3A_264 : memref<1x128xi32, #tpu.memory_space<vmem>> -> memref<128xi32, #tpu.memory_space<vmem>>
        %dma_wait3A_266 = arith.constant 0 : i32
        %dma_wait3A_267 = tpu.memref_slice %arg3[%dma_wait3A_255, %dma_wait3A_266] : memref<2x320000xi32, #tpu.memory_space<hbm>> -> memref<1x128xi32, #tpu.memory_space<hbm>>
        %dma_wait3A_268 = tpu.memref_squeeze %dma_wait3A_267 : memref<1x128xi32, #tpu.memory_space<hbm>> -> memref<128xi32, #tpu.memory_space<hbm>>
        tpu.wait_dma2 semaphore(%arg16 : memref<!tpu.dma_semaphore, #tpu.memory_space<semaphore_mem>>) src(%dma_wait3A_268 : memref<128xi32, #tpu.memory_space<hbm>>) dst(%dma_wait3A_265 : memref<128xi32, #tpu.memory_space<vmem>>)
        %dma_start3A_269 = arith.constant 2 : i32
        %dma_start3A_270 = arith.constant 0 : i32
        %dma_start3A_271 = arith.constant 0 : i32
        %dma_start3A_272 = tpu.memref_slice %arg10[%while3A_104, %dma_start3A_270, %dma_start3A_271] : memref<2x128x128xf32, #tpu.memory_space<vmem>> -> memref<1x128x128xf32, #tpu.memory_space<vmem>>
        %dma_start3A_273 = tpu.memref_squeeze %dma_start3A_272 : memref<1x128x128xf32, #tpu.memory_space<vmem>> -> memref<128x128xf32, #tpu.memory_space<vmem>>
        %dma_start3A_274 = arith.constant 0 : i32
        %dma_start3A_275 = tpu.memref_slice %arg8[%dma_start3A_269, %dma_start3A_274] : memref<4x128xi32, #tpu.memory_space<vmem>> -> memref<1x128xi32, #tpu.memory_space<vmem>>
        %dma_start3A_276 = tpu.memref_squeeze %dma_start3A_275 : memref<1x128xi32, #tpu.memory_space<vmem>> -> memref<128xi32, #tpu.memory_space<vmem>>
        %dma_start3A_277 = arith.constant 0 : i32
        %dma_start3A_278 = arith.constant 0 : i32
        %dma_start3A_279 = tpu.memref_slice %arg2[%dma_start3A_277, %dma_start3A_278] : memref<10240x128xf32, #tpu.memory_space<hbm>> -> memref<10240x128xf32, #tpu.memory_space<hbm>>
        tpu.enqueue_indirect_dma source(%dma_start3A_279 : memref<10240x128xf32, #tpu.memory_space<hbm>>) target(%dma_start3A_273 : memref<128x128xf32, #tpu.memory_space<vmem>>) offsets(%dma_start3A_276 : memref<128xi32, #tpu.memory_space<vmem>>) semaphore(%arg18 : memref<!tpu.dma_semaphore, #tpu.memory_space<semaphore_mem>>)
      } else {
      }
      %add3A_195 = arith.constant 1 : i32
      %add3A_196 = arith.addi %add3A_181, %add3A_195 : i32
      %lt3A_197 = arith.cmpi slt, %add3A_196, %add3A_8 : i32
      %convert_element_type3A_198 = arith.extui %lt3A_197 : i1 to i32
      %cond3A_199 = arith.constant 0 : i32
      %cond3A_200 = arith.cmpi ne, %convert_element_type3A_198, %cond3A_199 : i32
      scf.if %cond3A_200 {
        %add3A_242 = arith.constant 1 : i32
        %add3A_243 = arith.addi %add3A_181, %add3A_242 : i32
        %add3A_244 = arith.addi %add3A_4, %add3A_243 : i32
        %mul3A_245 = arith.constant 128 : i32
        %mul3A_246 = arith.muli %add3A_244, %mul3A_245 : i32
        %multiple_of3A_247 = tpu.assume_multiple %mul3A_246, 128 : i32
        %dma_start3A_248 = arith.constant 0 : i32
        %dma_start3A_249 = arith.constant 3 : i32
        %dma_start3A_250 = arith.constant 0 : i32
        %dma_start3A_251 = tpu.memref_slice %arg8[%dma_start3A_249, %dma_start3A_250] : memref<4x128xi32, #tpu.memory_space<vmem>> -> memref<1x128xi32, #tpu.memory_space<vmem>>
        %dma_start3A_252 = tpu.memref_squeeze %dma_start3A_251 : memref<1x128xi32, #tpu.memory_space<vmem>> -> memref<128xi32, #tpu.memory_space<vmem>>
        %dma_start3A_253 = tpu.memref_slice %arg3[%dma_start3A_248, %multiple_of3A_247] : memref<2x320000xi32, #tpu.memory_space<hbm>> -> memref<1x128xi32, #tpu.memory_space<hbm>>
        %dma_start3A_254 = tpu.memref_squeeze %dma_start3A_253 : memref<1x128xi32, #tpu.memory_space<hbm>> -> memref<128xi32, #tpu.memory_space<hbm>>
        %dma_start3A_255 = arith.constant 0 : i32
        %dma_start3A_256 = tpu.memref_slice %arg8[%dma_start3A_249, %dma_start3A_255] : memref<4x128xi32, #tpu.memory_space<vmem>> -> memref<1x128xi32, #tpu.memory_space<vmem>>
        %dma_start3A_257 = tpu.memref_squeeze %dma_start3A_256 : memref<1x128xi32, #tpu.memory_space<vmem>> -> memref<128xi32, #tpu.memory_space<vmem>>
        %dma_start3A_258 = tpu.memref_slice %arg3[%dma_start3A_248, %multiple_of3A_247] : memref<2x320000xi32, #tpu.memory_space<hbm>> -> memref<1x128xi32, #tpu.memory_space<hbm>>
        %dma_start3A_259 = tpu.memref_squeeze %dma_start3A_258 : memref<1x128xi32, #tpu.memory_space<hbm>> -> memref<128xi32, #tpu.memory_space<hbm>>
        tpu.enqueue_dma source(%dma_start3A_259 : memref<128xi32, #tpu.memory_space<hbm>>) target(%dma_start3A_257 : memref<128xi32, #tpu.memory_space<vmem>>) target_semaphore(%arg17 : memref<!tpu.dma_semaphore, #tpu.memory_space<semaphore_mem>>)
        %dma_start3A_260 = arith.constant 1 : i32
        %dma_start3A_261 = arith.constant 3 : i32
        %dma_start3A_262 = arith.constant 0 : i32
        %dma_start3A_263 = tpu.memref_slice %arg9[%dma_start3A_261, %dma_start3A_262] : memref<4x128xi32, #tpu.memory_space<vmem>> -> memref<1x128xi32, #tpu.memory_space<vmem>>
        %dma_start3A_264 = tpu.memref_squeeze %dma_start3A_263 : memref<1x128xi32, #tpu.memory_space<vmem>> -> memref<128xi32, #tpu.memory_space<vmem>>
        %dma_start3A_265 = tpu.memref_slice %arg3[%dma_start3A_260, %multiple_of3A_247] : memref<2x320000xi32, #tpu.memory_space<hbm>> -> memref<1x128xi32, #tpu.memory_space<hbm>>
        %dma_start3A_266 = tpu.memref_squeeze %dma_start3A_265 : memref<1x128xi32, #tpu.memory_space<hbm>> -> memref<128xi32, #tpu.memory_space<hbm>>
        %dma_start3A_267 = arith.constant 0 : i32
        %dma_start3A_268 = tpu.memref_slice %arg9[%dma_start3A_261, %dma_start3A_267] : memref<4x128xi32, #tpu.memory_space<vmem>> -> memref<1x128xi32, #tpu.memory_space<vmem>>
        %dma_start3A_269 = tpu.memref_squeeze %dma_start3A_268 : memref<1x128xi32, #tpu.memory_space<vmem>> -> memref<128xi32, #tpu.memory_space<vmem>>
        %dma_start3A_270 = tpu.memref_slice %arg3[%dma_start3A_260, %multiple_of3A_247] : memref<2x320000xi32, #tpu.memory_space<hbm>> -> memref<1x128xi32, #tpu.memory_space<hbm>>
        %dma_start3A_271 = tpu.memref_squeeze %dma_start3A_270 : memref<1x128xi32, #tpu.memory_space<hbm>> -> memref<128xi32, #tpu.memory_space<hbm>>
        tpu.enqueue_dma source(%dma_start3A_271 : memref<128xi32, #tpu.memory_space<hbm>>) target(%dma_start3A_269 : memref<128xi32, #tpu.memory_space<vmem>>) target_semaphore(%arg17 : memref<!tpu.dma_semaphore, #tpu.memory_space<semaphore_mem>>)
      } else {
      }
      %ge3A_201 = arith.constant 1 : i32
      %ge3A_202 = arith.cmpi sge, %add3A_181, %ge3A_201 : i32
      %add3A_203 = arith.constant 1 : i32
      %add3A_204 = arith.addi %add3A_8, %add3A_203 : i32
      %lt3A_205 = arith.cmpi slt, %add3A_181, %add3A_204 : i32
      %and3A_206 = arith.andi %ge3A_202, %lt3A_205 : i1
      %convert_element_type3A_207 = arith.extui %and3A_206 : i1 to i32
      %cond3A_208 = arith.constant 0 : i32
      %cond3A_209 = arith.cmpi ne, %convert_element_type3A_207, %cond3A_208 : i32
      scf.if %cond3A_209 {
        %dma_wait3A = arith.constant 0 : i32
        %dma_wait3A_242 = arith.constant 0 : i32
        %dma_wait3A_243 = arith.constant 0 : i32
        %dma_wait3A_244 = tpu.memref_slice %arg10[%while3A_105, %dma_wait3A_242, %dma_wait3A_243] : memref<2x128x128xf32, #tpu.memory_space<vmem>> -> memref<1x128x128xf32, #tpu.memory_space<vmem>>
        %dma_wait3A_245 = tpu.memref_squeeze %dma_wait3A_244 : memref<1x128x128xf32, #tpu.memory_space<vmem>> -> memref<128x128xf32, #tpu.memory_space<vmem>>
        %dma_wait3A_246 = arith.constant 0 : i32
        %dma_wait3A_247 = tpu.memref_slice %arg8[%dma_wait3A, %dma_wait3A_246] : memref<4x128xi32, #tpu.memory_space<vmem>> -> memref<1x128xi32, #tpu.memory_space<vmem>>
        %dma_wait3A_248 = tpu.memref_squeeze %dma_wait3A_247 : memref<1x128xi32, #tpu.memory_space<vmem>> -> memref<128xi32, #tpu.memory_space<vmem>>
        %dma_wait3A_249 = arith.constant 0 : i32
        %dma_wait3A_250 = arith.constant 0 : i32
        %dma_wait3A_251 = tpu.memref_slice %arg2[%dma_wait3A_249, %dma_wait3A_250] : memref<10240x128xf32, #tpu.memory_space<hbm>> -> memref<10240x128xf32, #tpu.memory_space<hbm>>
        tpu.wait_indirect_dma semaphore(%arg19 : memref<!tpu.dma_semaphore, #tpu.memory_space<semaphore_mem>>) src(%dma_wait3A_251 : memref<10240x128xf32, #tpu.memory_space<hbm>>) dst(%dma_wait3A_245 : memref<128x128xf32, #tpu.memory_space<vmem>>)
        %dma_start3A_252 = arith.constant 1 : i32
        %dma_start3A_253 = arith.constant 0 : i32
        %dma_start3A_254 = arith.constant 0 : i32
        %dma_start3A_255 = tpu.memref_slice %arg10[%while3A_105, %dma_start3A_253, %dma_start3A_254] : memref<2x128x128xf32, #tpu.memory_space<vmem>> -> memref<1x128x128xf32, #tpu.memory_space<vmem>>
        %dma_start3A_256 = tpu.memref_squeeze %dma_start3A_255 : memref<1x128x128xf32, #tpu.memory_space<vmem>> -> memref<128x128xf32, #tpu.memory_space<vmem>>
        %dma_start3A_257 = arith.constant 0 : i32
        %dma_start3A_258 = tpu.memref_slice %arg9[%dma_start3A_252, %dma_start3A_257] : memref<4x128xi32, #tpu.memory_space<vmem>> -> memref<1x128xi32, #tpu.memory_space<vmem>>
        %dma_start3A_259 = tpu.memref_squeeze %dma_start3A_258 : memref<1x128xi32, #tpu.memory_space<vmem>> -> memref<128xi32, #tpu.memory_space<vmem>>
        %dma_start3A_260 = arith.constant 0 : i32
        %dma_start3A_261 = arith.constant 0 : i32
        %dma_start3A_262 = tpu.memref_slice %arg12[%dma_start3A_260, %dma_start3A_261] : memref<10240x128xf32, #tpu.memory_space<vmem_shared>> -> memref<10240x128xf32, #tpu.memory_space<vmem_shared>>
        tpu.enqueue_indirect_dma source(%dma_start3A_256 : memref<128x128xf32, #tpu.memory_space<vmem>>) target(%dma_start3A_262 : memref<10240x128xf32, #tpu.memory_space<vmem_shared>>) offsets(%dma_start3A_259 : memref<128xi32, #tpu.memory_space<vmem>>) semaphore(%arg21 : memref<!tpu.dma_semaphore, #tpu.memory_space<semaphore_mem>>) {add = true}
        %dma_start3A_263 = arith.constant 1 : i32
        %dma_start3A_264 = arith.constant 0 : i32
        %dma_start3A_265 = tpu.memref_slice %arg9[%dma_start3A_263, %dma_start3A_264] : memref<4x128xi32, #tpu.memory_space<vmem>> -> memref<1x128xi32, #tpu.memory_space<vmem>>
        %dma_start3A_266 = tpu.memref_squeeze %dma_start3A_265 : memref<1x128xi32, #tpu.memory_space<vmem>> -> memref<128xi32, #tpu.memory_space<vmem>>
        %dma_start3A_267 = arith.constant 0 : i32
        %dma_start3A_268 = tpu.memref_slice %arg13[%dma_start3A_267] : memref<10240xf32, #tpu.memory_space<vmem_shared>> -> memref<10240xf32, #tpu.memory_space<vmem_shared>>
        tpu.enqueue_indirect_dma source(%arg11 : memref<128xf32, #tpu.memory_space<vmem>>) target(%dma_start3A_268 : memref<10240xf32, #tpu.memory_space<vmem_shared>>) offsets(%dma_start3A_266 : memref<128xi32, #tpu.memory_space<vmem>>) semaphore(%arg21 : memref<!tpu.dma_semaphore, #tpu.memory_space<semaphore_mem>>) {add = true}
      } else {
      }
      %mul3A_210 = arith.constant 4 : i32
      %mul3A_211 = arith.muli %mul3A_210, %while3A_116 : i32
      %add3A_212 = arith.constant 3 : i32
      %add3A_213 = arith.addi %mul3A_211, %add3A_212 : i32
      %ge3A_214 = arith.constant 2 : i32
      %ge3A_215 = arith.cmpi sge, %add3A_213, %ge3A_214 : i32
      %add3A_216 = arith.constant 2 : i32
      %add3A_217 = arith.addi %add3A_8, %add3A_216 : i32
      %lt3A_218 = arith.cmpi slt, %add3A_213, %add3A_217 : i32
      %and3A_219 = arith.andi %ge3A_215, %lt3A_218 : i1
      %convert_element_type3A_220 = arith.extui %and3A_219 : i1 to i32
      %cond3A_221 = arith.constant 0 : i32
      %cond3A_222 = arith.cmpi ne, %convert_element_type3A_220, %cond3A_221 : i32
      scf.if %cond3A_222 {
        %dma_wait3A = arith.constant 0 : i32
        %dma_wait3A_242 = arith.constant 0 : i32
        %dma_wait3A_243 = arith.constant 0 : i32
        %dma_wait3A_244 = tpu.memref_slice %arg10[%while3A_105, %dma_wait3A_242, %dma_wait3A_243] : memref<2x128x128xf32, #tpu.memory_space<vmem>> -> memref<1x128x128xf32, #tpu.memory_space<vmem>>
        %dma_wait3A_245 = tpu.memref_squeeze %dma_wait3A_244 : memref<1x128x128xf32, #tpu.memory_space<vmem>> -> memref<128x128xf32, #tpu.memory_space<vmem>>
        %dma_wait3A_246 = arith.constant 0 : i32
        %dma_wait3A_247 = tpu.memref_slice %arg9[%dma_wait3A, %dma_wait3A_246] : memref<4x128xi32, #tpu.memory_space<vmem>> -> memref<1x128xi32, #tpu.memory_space<vmem>>
        %dma_wait3A_248 = tpu.memref_squeeze %dma_wait3A_247 : memref<1x128xi32, #tpu.memory_space<vmem>> -> memref<128xi32, #tpu.memory_space<vmem>>
        %dma_wait3A_249 = arith.constant 0 : i32
        %dma_wait3A_250 = arith.constant 0 : i32
        %dma_wait3A_251 = tpu.memref_slice %arg12[%dma_wait3A_249, %dma_wait3A_250] : memref<10240x128xf32, #tpu.memory_space<vmem_shared>> -> memref<10240x128xf32, #tpu.memory_space<vmem_shared>>
        tpu.wait_indirect_dma semaphore(%arg21 : memref<!tpu.dma_semaphore, #tpu.memory_space<semaphore_mem>>) src(%dma_wait3A_245 : memref<128x128xf32, #tpu.memory_space<vmem>>) dst(%dma_wait3A_251 : memref<10240x128xf32, #tpu.memory_space<vmem_shared>>)
        %dma_wait3A_252 = arith.constant 0 : i32
        %dma_wait3A_253 = arith.constant 0 : i32
        %dma_wait3A_254 = tpu.memref_slice %arg9[%dma_wait3A_252, %dma_wait3A_253] : memref<4x128xi32, #tpu.memory_space<vmem>> -> memref<1x128xi32, #tpu.memory_space<vmem>>
        %dma_wait3A_255 = tpu.memref_squeeze %dma_wait3A_254 : memref<1x128xi32, #tpu.memory_space<vmem>> -> memref<128xi32, #tpu.memory_space<vmem>>
        %dma_wait3A_256 = arith.constant 0 : i32
        %dma_wait3A_257 = tpu.memref_slice %arg13[%dma_wait3A_256] : memref<10240xf32, #tpu.memory_space<vmem_shared>> -> memref<10240xf32, #tpu.memory_space<vmem_shared>>
        tpu.wait_indirect_dma semaphore(%arg21 : memref<!tpu.dma_semaphore, #tpu.memory_space<semaphore_mem>>) src(%arg11 : memref<128xf32, #tpu.memory_space<vmem>>) dst(%dma_wait3A_257 : memref<10240xf32, #tpu.memory_space<vmem_shared>>)
      } else {
      }
      %lt3A_223 = arith.cmpi slt, %add3A_213, %add3A_8 : i32
      %convert_element_type3A_224 = arith.extui %lt3A_223 : i1 to i32
      %cond3A_225 = arith.constant 0 : i32
      %cond3A_226 = arith.cmpi ne, %convert_element_type3A_224, %cond3A_225 : i32
      scf.if %cond3A_226 {
        %dma_wait3A = arith.constant 0 : i32
        %dma_wait3A_242 = arith.constant 3 : i32
        %dma_wait3A_243 = arith.constant 0 : i32
        %dma_wait3A_244 = tpu.memref_slice %arg8[%dma_wait3A_242, %dma_wait3A_243] : memref<4x128xi32, #tpu.memory_space<vmem>> -> memref<1x128xi32, #tpu.memory_space<vmem>>
        %dma_wait3A_245 = tpu.memref_squeeze %dma_wait3A_244 : memref<1x128xi32, #tpu.memory_space<vmem>> -> memref<128xi32, #tpu.memory_space<vmem>>
        %dma_wait3A_246 = arith.constant 0 : i32
        %dma_wait3A_247 = tpu.memref_slice %arg3[%dma_wait3A, %dma_wait3A_246] : memref<2x320000xi32, #tpu.memory_space<hbm>> -> memref<1x128xi32, #tpu.memory_space<hbm>>
        %dma_wait3A_248 = tpu.memref_squeeze %dma_wait3A_247 : memref<1x128xi32, #tpu.memory_space<hbm>> -> memref<128xi32, #tpu.memory_space<hbm>>
        %dma_wait3A_249 = arith.constant 0 : i32
        %dma_wait3A_250 = tpu.memref_slice %arg8[%dma_wait3A_242, %dma_wait3A_249] : memref<4x128xi32, #tpu.memory_space<vmem>> -> memref<1x128xi32, #tpu.memory_space<vmem>>
        %dma_wait3A_251 = tpu.memref_squeeze %dma_wait3A_250 : memref<1x128xi32, #tpu.memory_space<vmem>> -> memref<128xi32, #tpu.memory_space<vmem>>
        %dma_wait3A_252 = arith.constant 0 : i32
        %dma_wait3A_253 = tpu.memref_slice %arg3[%dma_wait3A, %dma_wait3A_252] : memref<2x320000xi32, #tpu.memory_space<hbm>> -> memref<1x128xi32, #tpu.memory_space<hbm>>
        %dma_wait3A_254 = tpu.memref_squeeze %dma_wait3A_253 : memref<1x128xi32, #tpu.memory_space<hbm>> -> memref<128xi32, #tpu.memory_space<hbm>>
        tpu.wait_dma2 semaphore(%arg17 : memref<!tpu.dma_semaphore, #tpu.memory_space<semaphore_mem>>) src(%dma_wait3A_254 : memref<128xi32, #tpu.memory_space<hbm>>) dst(%dma_wait3A_251 : memref<128xi32, #tpu.memory_space<vmem>>)
        %dma_wait3A_255 = arith.constant 1 : i32
        %dma_wait3A_256 = arith.constant 3 : i32
        %dma_wait3A_257 = arith.constant 0 : i32
        %dma_wait3A_258 = tpu.memref_slice %arg9[%dma_wait3A_256, %dma_wait3A_257] : memref<4x128xi32, #tpu.memory_space<vmem>> -> memref<1x128xi32, #tpu.memory_space<vmem>>
        %dma_wait3A_259 = tpu.memref_squeeze %dma_wait3A_258 : memref<1x128xi32, #tpu.memory_space<vmem>> -> memref<128xi32, #tpu.memory_space<vmem>>
        %dma_wait3A_260 = arith.constant 0 : i32
        %dma_wait3A_261 = tpu.memref_slice %arg3[%dma_wait3A_255, %dma_wait3A_260] : memref<2x320000xi32, #tpu.memory_space<hbm>> -> memref<1x128xi32, #tpu.memory_space<hbm>>
        %dma_wait3A_262 = tpu.memref_squeeze %dma_wait3A_261 : memref<1x128xi32, #tpu.memory_space<hbm>> -> memref<128xi32, #tpu.memory_space<hbm>>
        %dma_wait3A_263 = arith.constant 0 : i32
        %dma_wait3A_264 = tpu.memref_slice %arg9[%dma_wait3A_256, %dma_wait3A_263] : memref<4x128xi32, #tpu.memory_space<vmem>> -> memref<1x128xi32, #tpu.memory_space<vmem>>
        %dma_wait3A_265 = tpu.memref_squeeze %dma_wait3A_264 : memref<1x128xi32, #tpu.memory_space<vmem>> -> memref<128xi32, #tpu.memory_space<vmem>>
        %dma_wait3A_266 = arith.constant 0 : i32
        %dma_wait3A_267 = tpu.memref_slice %arg3[%dma_wait3A_255, %dma_wait3A_266] : memref<2x320000xi32, #tpu.memory_space<hbm>> -> memref<1x128xi32, #tpu.memory_space<hbm>>
        %dma_wait3A_268 = tpu.memref_squeeze %dma_wait3A_267 : memref<1x128xi32, #tpu.memory_space<hbm>> -> memref<128xi32, #tpu.memory_space<hbm>>
        tpu.wait_dma2 semaphore(%arg17 : memref<!tpu.dma_semaphore, #tpu.memory_space<semaphore_mem>>) src(%dma_wait3A_268 : memref<128xi32, #tpu.memory_space<hbm>>) dst(%dma_wait3A_265 : memref<128xi32, #tpu.memory_space<vmem>>)
        %dma_start3A_269 = arith.constant 3 : i32
        %dma_start3A_270 = arith.constant 0 : i32
        %dma_start3A_271 = arith.constant 0 : i32
        %dma_start3A_272 = tpu.memref_slice %arg10[%while3A_105, %dma_start3A_270, %dma_start3A_271] : memref<2x128x128xf32, #tpu.memory_space<vmem>> -> memref<1x128x128xf32, #tpu.memory_space<vmem>>
        %dma_start3A_273 = tpu.memref_squeeze %dma_start3A_272 : memref<1x128x128xf32, #tpu.memory_space<vmem>> -> memref<128x128xf32, #tpu.memory_space<vmem>>
        %dma_start3A_274 = arith.constant 0 : i32
        %dma_start3A_275 = tpu.memref_slice %arg8[%dma_start3A_269, %dma_start3A_274] : memref<4x128xi32, #tpu.memory_space<vmem>> -> memref<1x128xi32, #tpu.memory_space<vmem>>
        %dma_start3A_276 = tpu.memref_squeeze %dma_start3A_275 : memref<1x128xi32, #tpu.memory_space<vmem>> -> memref<128xi32, #tpu.memory_space<vmem>>
        %dma_start3A_277 = arith.constant 0 : i32
        %dma_start3A_278 = arith.constant 0 : i32
        %dma_start3A_279 = tpu.memref_slice %arg2[%dma_start3A_277, %dma_start3A_278] : memref<10240x128xf32, #tpu.memory_space<hbm>> -> memref<10240x128xf32, #tpu.memory_space<hbm>>
        tpu.enqueue_indirect_dma source(%dma_start3A_279 : memref<10240x128xf32, #tpu.memory_space<hbm>>) target(%dma_start3A_273 : memref<128x128xf32, #tpu.memory_space<vmem>>) offsets(%dma_start3A_276 : memref<128xi32, #tpu.memory_space<vmem>>) semaphore(%arg19 : memref<!tpu.dma_semaphore, #tpu.memory_space<semaphore_mem>>)
      } else {
      }
      %add3A_227 = arith.constant 1 : i32
      %add3A_228 = arith.addi %add3A_213, %add3A_227 : i32
      %lt3A_229 = arith.cmpi slt, %add3A_228, %add3A_8 : i32
      %convert_element_type3A_230 = arith.extui %lt3A_229 : i1 to i32
      %cond3A_231 = arith.constant 0 : i32
      %cond3A_232 = arith.cmpi ne, %convert_element_type3A_230, %cond3A_231 : i32
      scf.if %cond3A_232 {
        %add3A_242 = arith.constant 1 : i32
        %add3A_243 = arith.addi %add3A_213, %add3A_242 : i32
        %add3A_244 = arith.addi %add3A_4, %add3A_243 : i32
        %mul3A_245 = arith.constant 128 : i32
        %mul3A_246 = arith.muli %add3A_244, %mul3A_245 : i32
        %multiple_of3A_247 = tpu.assume_multiple %mul3A_246, 128 : i32
        %dma_start3A_248 = arith.constant 0 : i32
        %dma_start3A_249 = arith.constant 0 : i32
        %dma_start3A_250 = arith.constant 0 : i32
        %dma_start3A_251 = tpu.memref_slice %arg8[%dma_start3A_249, %dma_start3A_250] : memref<4x128xi32, #tpu.memory_space<vmem>> -> memref<1x128xi32, #tpu.memory_space<vmem>>
        %dma_start3A_252 = tpu.memref_squeeze %dma_start3A_251 : memref<1x128xi32, #tpu.memory_space<vmem>> -> memref<128xi32, #tpu.memory_space<vmem>>
        %dma_start3A_253 = tpu.memref_slice %arg3[%dma_start3A_248, %multiple_of3A_247] : memref<2x320000xi32, #tpu.memory_space<hbm>> -> memref<1x128xi32, #tpu.memory_space<hbm>>
        %dma_start3A_254 = tpu.memref_squeeze %dma_start3A_253 : memref<1x128xi32, #tpu.memory_space<hbm>> -> memref<128xi32, #tpu.memory_space<hbm>>
        %dma_start3A_255 = arith.constant 0 : i32
        %dma_start3A_256 = tpu.memref_slice %arg8[%dma_start3A_249, %dma_start3A_255] : memref<4x128xi32, #tpu.memory_space<vmem>> -> memref<1x128xi32, #tpu.memory_space<vmem>>
        %dma_start3A_257 = tpu.memref_squeeze %dma_start3A_256 : memref<1x128xi32, #tpu.memory_space<vmem>> -> memref<128xi32, #tpu.memory_space<vmem>>
        %dma_start3A_258 = tpu.memref_slice %arg3[%dma_start3A_248, %multiple_of3A_247] : memref<2x320000xi32, #tpu.memory_space<hbm>> -> memref<1x128xi32, #tpu.memory_space<hbm>>
        %dma_start3A_259 = tpu.memref_squeeze %dma_start3A_258 : memref<1x128xi32, #tpu.memory_space<hbm>> -> memref<128xi32, #tpu.memory_space<hbm>>
        tpu.enqueue_dma source(%dma_start3A_259 : memref<128xi32, #tpu.memory_space<hbm>>) target(%dma_start3A_257 : memref<128xi32, #tpu.memory_space<vmem>>) target_semaphore(%arg14 : memref<!tpu.dma_semaphore, #tpu.memory_space<semaphore_mem>>)
        %dma_start3A_260 = arith.constant 1 : i32
        %dma_start3A_261 = arith.constant 0 : i32
        %dma_start3A_262 = arith.constant 0 : i32
        %dma_start3A_263 = tpu.memref_slice %arg9[%dma_start3A_261, %dma_start3A_262] : memref<4x128xi32, #tpu.memory_space<vmem>> -> memref<1x128xi32, #tpu.memory_space<vmem>>
        %dma_start3A_264 = tpu.memref_squeeze %dma_start3A_263 : memref<1x128xi32, #tpu.memory_space<vmem>> -> memref<128xi32, #tpu.memory_space<vmem>>
        %dma_start3A_265 = tpu.memref_slice %arg3[%dma_start3A_260, %multiple_of3A_247] : memref<2x320000xi32, #tpu.memory_space<hbm>> -> memref<1x128xi32, #tpu.memory_space<hbm>>
        %dma_start3A_266 = tpu.memref_squeeze %dma_start3A_265 : memref<1x128xi32, #tpu.memory_space<hbm>> -> memref<128xi32, #tpu.memory_space<hbm>>
        %dma_start3A_267 = arith.constant 0 : i32
        %dma_start3A_268 = tpu.memref_slice %arg9[%dma_start3A_261, %dma_start3A_267] : memref<4x128xi32, #tpu.memory_space<vmem>> -> memref<1x128xi32, #tpu.memory_space<vmem>>
        %dma_start3A_269 = tpu.memref_squeeze %dma_start3A_268 : memref<1x128xi32, #tpu.memory_space<vmem>> -> memref<128xi32, #tpu.memory_space<vmem>>
        %dma_start3A_270 = tpu.memref_slice %arg3[%dma_start3A_260, %multiple_of3A_247] : memref<2x320000xi32, #tpu.memory_space<hbm>> -> memref<1x128xi32, #tpu.memory_space<hbm>>
        %dma_start3A_271 = tpu.memref_squeeze %dma_start3A_270 : memref<1x128xi32, #tpu.memory_space<hbm>> -> memref<128xi32, #tpu.memory_space<hbm>>
        tpu.enqueue_dma source(%dma_start3A_271 : memref<128xi32, #tpu.memory_space<hbm>>) target(%dma_start3A_269 : memref<128xi32, #tpu.memory_space<vmem>>) target_semaphore(%arg14 : memref<!tpu.dma_semaphore, #tpu.memory_space<semaphore_mem>>)
      } else {
      }
      %ge3A_233 = arith.constant 1 : i32
      %ge3A_234 = arith.cmpi sge, %add3A_213, %ge3A_233 : i32
      %add3A_235 = arith.constant 1 : i32
      %add3A_236 = arith.addi %add3A_8, %add3A_235 : i32
      %lt3A_237 = arith.cmpi slt, %add3A_213, %add3A_236 : i32
      %and3A_238 = arith.andi %ge3A_234, %lt3A_237 : i1
      %convert_element_type3A_239 = arith.extui %and3A_238 : i1 to i32
      %cond3A_240 = arith.constant 0 : i32
      %cond3A_241 = arith.cmpi ne, %convert_element_type3A_239, %cond3A_240 : i32
      scf.if %cond3A_241 {
        %dma_wait3A = arith.constant 0 : i32
        %dma_wait3A_242 = arith.constant 0 : i32
        %dma_wait3A_243 = arith.constant 0 : i32
        %dma_wait3A_244 = tpu.memref_slice %arg10[%while3A_104, %dma_wait3A_242, %dma_wait3A_243] : memref<2x128x128xf32, #tpu.memory_space<vmem>> -> memref<1x128x128xf32, #tpu.memory_space<vmem>>
        %dma_wait3A_245 = tpu.memref_squeeze %dma_wait3A_244 : memref<1x128x128xf32, #tpu.memory_space<vmem>> -> memref<128x128xf32, #tpu.memory_space<vmem>>
        %dma_wait3A_246 = arith.constant 0 : i32
        %dma_wait3A_247 = tpu.memref_slice %arg8[%dma_wait3A, %dma_wait3A_246] : memref<4x128xi32, #tpu.memory_space<vmem>> -> memref<1x128xi32, #tpu.memory_space<vmem>>
        %dma_wait3A_248 = tpu.memref_squeeze %dma_wait3A_247 : memref<1x128xi32, #tpu.memory_space<vmem>> -> memref<128xi32, #tpu.memory_space<vmem>>
        %dma_wait3A_249 = arith.constant 0 : i32
        %dma_wait3A_250 = arith.constant 0 : i32
        %dma_wait3A_251 = tpu.memref_slice %arg2[%dma_wait3A_249, %dma_wait3A_250] : memref<10240x128xf32, #tpu.memory_space<hbm>> -> memref<10240x128xf32, #tpu.memory_space<hbm>>
        tpu.wait_indirect_dma semaphore(%arg18 : memref<!tpu.dma_semaphore, #tpu.memory_space<semaphore_mem>>) src(%dma_wait3A_251 : memref<10240x128xf32, #tpu.memory_space<hbm>>) dst(%dma_wait3A_245 : memref<128x128xf32, #tpu.memory_space<vmem>>)
        %dma_start3A_252 = arith.constant 2 : i32
        %dma_start3A_253 = arith.constant 0 : i32
        %dma_start3A_254 = arith.constant 0 : i32
        %dma_start3A_255 = tpu.memref_slice %arg10[%while3A_104, %dma_start3A_253, %dma_start3A_254] : memref<2x128x128xf32, #tpu.memory_space<vmem>> -> memref<1x128x128xf32, #tpu.memory_space<vmem>>
        %dma_start3A_256 = tpu.memref_squeeze %dma_start3A_255 : memref<1x128x128xf32, #tpu.memory_space<vmem>> -> memref<128x128xf32, #tpu.memory_space<vmem>>
        %dma_start3A_257 = arith.constant 0 : i32
        %dma_start3A_258 = tpu.memref_slice %arg9[%dma_start3A_252, %dma_start3A_257] : memref<4x128xi32, #tpu.memory_space<vmem>> -> memref<1x128xi32, #tpu.memory_space<vmem>>
        %dma_start3A_259 = tpu.memref_squeeze %dma_start3A_258 : memref<1x128xi32, #tpu.memory_space<vmem>> -> memref<128xi32, #tpu.memory_space<vmem>>
        %dma_start3A_260 = arith.constant 0 : i32
        %dma_start3A_261 = arith.constant 0 : i32
        %dma_start3A_262 = tpu.memref_slice %arg12[%dma_start3A_260, %dma_start3A_261] : memref<10240x128xf32, #tpu.memory_space<vmem_shared>> -> memref<10240x128xf32, #tpu.memory_space<vmem_shared>>
        tpu.enqueue_indirect_dma source(%dma_start3A_256 : memref<128x128xf32, #tpu.memory_space<vmem>>) target(%dma_start3A_262 : memref<10240x128xf32, #tpu.memory_space<vmem_shared>>) offsets(%dma_start3A_259 : memref<128xi32, #tpu.memory_space<vmem>>) semaphore(%arg20 : memref<!tpu.dma_semaphore, #tpu.memory_space<semaphore_mem>>) {add = true}
        %dma_start3A_263 = arith.constant 2 : i32
        %dma_start3A_264 = arith.constant 0 : i32
        %dma_start3A_265 = tpu.memref_slice %arg9[%dma_start3A_263, %dma_start3A_264] : memref<4x128xi32, #tpu.memory_space<vmem>> -> memref<1x128xi32, #tpu.memory_space<vmem>>
        %dma_start3A_266 = tpu.memref_squeeze %dma_start3A_265 : memref<1x128xi32, #tpu.memory_space<vmem>> -> memref<128xi32, #tpu.memory_space<vmem>>
        %dma_start3A_267 = arith.constant 0 : i32
        %dma_start3A_268 = tpu.memref_slice %arg13[%dma_start3A_267] : memref<10240xf32, #tpu.memory_space<vmem_shared>> -> memref<10240xf32, #tpu.memory_space<vmem_shared>>
        tpu.enqueue_indirect_dma source(%arg11 : memref<128xf32, #tpu.memory_space<vmem>>) target(%dma_start3A_268 : memref<10240xf32, #tpu.memory_space<vmem_shared>>) offsets(%dma_start3A_266 : memref<128xi32, #tpu.memory_space<vmem>>) semaphore(%arg20 : memref<!tpu.dma_semaphore, #tpu.memory_space<semaphore_mem>>) {add = true}
      } else {
      }
    }
    %while3A_114 = arith.constant 1 : i32
    scf.for %while3A_116 = %while3A_112 to %while3A_108 step %while3A_114  : i32 {
      %mul3A_117 = arith.constant 4 : i32
      %mul3A_118 = arith.muli %mul3A_117, %while3A_116 : i32
      %add3A_119 = arith.constant 0 : i32
      %add3A_120 = arith.addi %mul3A_118, %add3A_119 : i32
      %ge3A = arith.constant 2 : i32
      %ge3A_121 = arith.cmpi sge, %add3A_120, %ge3A : i32
      %add3A_122 = arith.constant 2 : i32
      %add3A_123 = arith.addi %add3A_8, %add3A_122 : i32
      %lt3A_124 = arith.cmpi slt, %add3A_120, %add3A_123 : i32
      %and3A_125 = arith.andi %ge3A_121, %lt3A_124 : i1
      %convert_element_type3A = arith.extui %and3A_125 : i1 to i32
      %cond3A = arith.constant 0 : i32
      %cond3A_126 = arith.cmpi ne, %convert_element_type3A, %cond3A : i32
      scf.if %cond3A_126 {
        %dma_wait3A = arith.constant 0 : i32
        %dma_wait3A_242 = arith.constant 0 : i32
        %dma_wait3A_243 = arith.constant 0 : i32
        %dma_wait3A_244 = tpu.memref_slice %arg10[%while3A_104, %dma_wait3A_242, %dma_wait3A_243] : memref<2x128x128xf32, #tpu.memory_space<vmem>> -> memref<1x128x128xf32, #tpu.memory_space<vmem>>
        %dma_wait3A_245 = tpu.memref_squeeze %dma_wait3A_244 : memref<1x128x128xf32, #tpu.memory_space<vmem>> -> memref<128x128xf32, #tpu.memory_space<vmem>>
        %dma_wait3A_246 = arith.constant 0 : i32
        %dma_wait3A_247 = tpu.memref_slice %arg9[%dma_wait3A, %dma_wait3A_246] : memref<4x128xi32, #tpu.memory_space<vmem>> -> memref<1x128xi32, #tpu.memory_space<vmem>>
        %dma_wait3A_248 = tpu.memref_squeeze %dma_wait3A_247 : memref<1x128xi32, #tpu.memory_space<vmem>> -> memref<128xi32, #tpu.memory_space<vmem>>
        %dma_wait3A_249 = arith.constant 0 : i32
        %dma_wait3A_250 = arith.constant 0 : i32
        %dma_wait3A_251 = tpu.memref_slice %arg12[%dma_wait3A_249, %dma_wait3A_250] : memref<10240x128xf32, #tpu.memory_space<vmem_shared>> -> memref<10240x128xf32, #tpu.memory_space<vmem_shared>>
        tpu.wait_indirect_dma semaphore(%arg20 : memref<!tpu.dma_semaphore, #tpu.memory_space<semaphore_mem>>) src(%dma_wait3A_245 : memref<128x128xf32, #tpu.memory_space<vmem>>) dst(%dma_wait3A_251 : memref<10240x128xf32, #tpu.memory_space<vmem_shared>>)
        %dma_wait3A_252 = arith.constant 0 : i32
        %dma_wait3A_253 = arith.constant 0 : i32
        %dma_wait3A_254 = tpu.memref_slice %arg9[%dma_wait3A_252, %dma_wait3A_253] : memref<4x128xi32, #tpu.memory_space<vmem>> -> memref<1x128xi32, #tpu.memory_space<vmem>>
        %dma_wait3A_255 = tpu.memref_squeeze %dma_wait3A_254 : memref<1x128xi32, #tpu.memory_space<vmem>> -> memref<128xi32, #tpu.memory_space<vmem>>
        %dma_wait3A_256 = arith.constant 0 : i32
        %dma_wait3A_257 = tpu.memref_slice %arg13[%dma_wait3A_256] : memref<10240xf32, #tpu.memory_space<vmem_shared>> -> memref<10240xf32, #tpu.memory_space<vmem_shared>>
        tpu.wait_indirect_dma semaphore(%arg20 : memref<!tpu.dma_semaphore, #tpu.memory_space<semaphore_mem>>) src(%arg11 : memref<128xf32, #tpu.memory_space<vmem>>) dst(%dma_wait3A_257 : memref<10240xf32, #tpu.memory_space<vmem_shared>>)
      } else {
      }
      %lt3A_127 = arith.cmpi slt, %add3A_120, %add3A_8 : i32
      %convert_element_type3A_128 = arith.extui %lt3A_127 : i1 to i32
      %cond3A_129 = arith.constant 0 : i32
      %cond3A_130 = arith.cmpi ne, %convert_element_type3A_128, %cond3A_129 : i32
      scf.if %cond3A_130 {
        %dma_wait3A = arith.constant 0 : i32
        %dma_wait3A_242 = arith.constant 0 : i32
        %dma_wait3A_243 = arith.constant 0 : i32
        %dma_wait3A_244 = tpu.memref_slice %arg8[%dma_wait3A_242, %dma_wait3A_243] : memref<4x128xi32, #tpu.memory_space<vmem>> -> memref<1x128xi32, #tpu.memory_space<vmem>>
        %dma_wait3A_245 = tpu.memref_squeeze %dma_wait3A_244 : memref<1x128xi32, #tpu.memory_space<vmem>> -> memref<128xi32, #tpu.memory_space<vmem>>
        %dma_wait3A_246 = arith.constant 0 : i32
        %dma_wait3A_247 = tpu.memref_slice %arg3[%dma_wait3A, %dma_wait3A_246] : memref<2x320000xi32, #tpu.memory_space<hbm>> -> memref<1x128xi32, #tpu.memory_space<hbm>>
        %dma_wait3A_248 = tpu.memref_squeeze %dma_wait3A_247 : memref<1x128xi32, #tpu.memory_space<hbm>> -> memref<128xi32, #tpu.memory_space<hbm>>
        %dma_wait3A_249 = arith.constant 0 : i32
        %dma_wait3A_250 = tpu.memref_slice %arg8[%dma_wait3A_242, %dma_wait3A_249] : memref<4x128xi32, #tpu.memory_space<vmem>> -> memref<1x128xi32, #tpu.memory_space<vmem>>
        %dma_wait3A_251 = tpu.memref_squeeze %dma_wait3A_250 : memref<1x128xi32, #tpu.memory_space<vmem>> -> memref<128xi32, #tpu.memory_space<vmem>>
        %dma_wait3A_252 = arith.constant 0 : i32
        %dma_wait3A_253 = tpu.memref_slice %arg3[%dma_wait3A, %dma_wait3A_252] : memref<2x320000xi32, #tpu.memory_space<hbm>> -> memref<1x128xi32, #tpu.memory_space<hbm>>
        %dma_wait3A_254 = tpu.memref_squeeze %dma_wait3A_253 : memref<1x128xi32, #tpu.memory_space<hbm>> -> memref<128xi32, #tpu.memory_space<hbm>>
        tpu.wait_dma2 semaphore(%arg14 : memref<!tpu.dma_semaphore, #tpu.memory_space<semaphore_mem>>) src(%dma_wait3A_254 : memref<128xi32, #tpu.memory_space<hbm>>) dst(%dma_wait3A_251 : memref<128xi32, #tpu.memory_space<vmem>>)
        %dma_wait3A_255 = arith.constant 1 : i32
        %dma_wait3A_256 = arith.constant 0 : i32
        %dma_wait3A_257 = arith.constant 0 : i32
        %dma_wait3A_258 = tpu.memref_slice %arg9[%dma_wait3A_256, %dma_wait3A_257] : memref<4x128xi32, #tpu.memory_space<vmem>> -> memref<1x128xi32, #tpu.memory_space<vmem>>
        %dma_wait3A_259 = tpu.memref_squeeze %dma_wait3A_258 : memref<1x128xi32, #tpu.memory_space<vmem>> -> memref<128xi32, #tpu.memory_space<vmem>>
        %dma_wait3A_260 = arith.constant 0 : i32
        %dma_wait3A_261 = tpu.memref_slice %arg3[%dma_wait3A_255, %dma_wait3A_260] : memref<2x320000xi32, #tpu.memory_space<hbm>> -> memref<1x128xi32, #tpu.memory_space<hbm>>
        %dma_wait3A_262 = tpu.memref_squeeze %dma_wait3A_261 : memref<1x128xi32, #tpu.memory_space<hbm>> -> memref<128xi32, #tpu.memory_space<hbm>>
        %dma_wait3A_263 = arith.constant 0 : i32
        %dma_wait3A_264 = tpu.memref_slice %arg9[%dma_wait3A_256, %dma_wait3A_263] : memref<4x128xi32, #tpu.memory_space<vmem>> -> memref<1x128xi32, #tpu.memory_space<vmem>>
        %dma_wait3A_265 = tpu.memref_squeeze %dma_wait3A_264 : memref<1x128xi32, #tpu.memory_space<vmem>> -> memref<128xi32, #tpu.memory_space<vmem>>
        %dma_wait3A_266 = arith.constant 0 : i32
        %dma_wait3A_267 = tpu.memref_slice %arg3[%dma_wait3A_255, %dma_wait3A_266] : memref<2x320000xi32, #tpu.memory_space<hbm>> -> memref<1x128xi32, #tpu.memory_space<hbm>>
        %dma_wait3A_268 = tpu.memref_squeeze %dma_wait3A_267 : memref<1x128xi32, #tpu.memory_space<hbm>> -> memref<128xi32, #tpu.memory_space<hbm>>
        tpu.wait_dma2 semaphore(%arg14 : memref<!tpu.dma_semaphore, #tpu.memory_space<semaphore_mem>>) src(%dma_wait3A_268 : memref<128xi32, #tpu.memory_space<hbm>>) dst(%dma_wait3A_265 : memref<128xi32, #tpu.memory_space<vmem>>)
        %dma_start3A_269 = arith.constant 0 : i32
        %dma_start3A_270 = arith.constant 0 : i32
        %dma_start3A_271 = arith.constant 0 : i32
        %dma_start3A_272 = tpu.memref_slice %arg10[%while3A_104, %dma_start3A_270, %dma_start3A_271] : memref<2x128x128xf32, #tpu.memory_space<vmem>> -> memref<1x128x128xf32, #tpu.memory_space<vmem>>
        %dma_start3A_273 = tpu.memref_squeeze %dma_start3A_272 : memref<1x128x128xf32, #tpu.memory_space<vmem>> -> memref<128x128xf32, #tpu.memory_space<vmem>>
        %dma_start3A_274 = arith.constant 0 : i32
        %dma_start3A_275 = tpu.memref_slice %arg8[%dma_start3A_269, %dma_start3A_274] : memref<4x128xi32, #tpu.memory_space<vmem>> -> memref<1x128xi32, #tpu.memory_space<vmem>>
        %dma_start3A_276 = tpu.memref_squeeze %dma_start3A_275 : memref<1x128xi32, #tpu.memory_space<vmem>> -> memref<128xi32, #tpu.memory_space<vmem>>
        %dma_start3A_277 = arith.constant 0 : i32
        %dma_start3A_278 = arith.constant 0 : i32
        %dma_start3A_279 = tpu.memref_slice %arg2[%dma_start3A_277, %dma_start3A_278] : memref<10240x128xf32, #tpu.memory_space<hbm>> -> memref<10240x128xf32, #tpu.memory_space<hbm>>
        tpu.enqueue_indirect_dma source(%dma_start3A_279 : memref<10240x128xf32, #tpu.memory_space<hbm>>) target(%dma_start3A_273 : memref<128x128xf32, #tpu.memory_space<vmem>>) offsets(%dma_start3A_276 : memref<128xi32, #tpu.memory_space<vmem>>) semaphore(%arg18 : memref<!tpu.dma_semaphore, #tpu.memory_space<semaphore_mem>>)
      } else {
      }
      %add3A_131 = arith.constant 1 : i32
      %add3A_132 = arith.addi %add3A_120, %add3A_131 : i32
      %lt3A_133 = arith.cmpi slt, %add3A_132, %add3A_8 : i32
      %convert_element_type3A_134 = arith.extui %lt3A_133 : i1 to i32
      %cond3A_135 = arith.constant 0 : i32
      %cond3A_136 = arith.cmpi ne, %convert_element_type3A_134, %cond3A_135 : i32
      scf.if %cond3A_136 {
        %add3A_242 = arith.constant 1 : i32
        %add3A_243 = arith.addi %add3A_120, %add3A_242 : i32
        %add3A_244 = arith.addi %add3A_4, %add3A_243 : i32
        %mul3A_245 = arith.constant 128 : i32
        %mul3A_246 = arith.muli %add3A_244, %mul3A_245 : i32
        %multiple_of3A_247 = tpu.assume_multiple %mul3A_246, 128 : i32
        %dma_start3A_248 = arith.constant 0 : i32
        %dma_start3A_249 = arith.constant 1 : i32
        %dma_start3A_250 = arith.constant 0 : i32
        %dma_start3A_251 = tpu.memref_slice %arg8[%dma_start3A_249, %dma_start3A_250] : memref<4x128xi32, #tpu.memory_space<vmem>> -> memref<1x128xi32, #tpu.memory_space<vmem>>
        %dma_start3A_252 = tpu.memref_squeeze %dma_start3A_251 : memref<1x128xi32, #tpu.memory_space<vmem>> -> memref<128xi32, #tpu.memory_space<vmem>>
        %dma_start3A_253 = tpu.memref_slice %arg3[%dma_start3A_248, %multiple_of3A_247] : memref<2x320000xi32, #tpu.memory_space<hbm>> -> memref<1x128xi32, #tpu.memory_space<hbm>>
        %dma_start3A_254 = tpu.memref_squeeze %dma_start3A_253 : memref<1x128xi32, #tpu.memory_space<hbm>> -> memref<128xi32, #tpu.memory_space<hbm>>
        %dma_start3A_255 = arith.constant 0 : i32
        %dma_start3A_256 = tpu.memref_slice %arg8[%dma_start3A_249, %dma_start3A_255] : memref<4x128xi32, #tpu.memory_space<vmem>> -> memref<1x128xi32, #tpu.memory_space<vmem>>
        %dma_start3A_257 = tpu.memref_squeeze %dma_start3A_256 : memref<1x128xi32, #tpu.memory_space<vmem>> -> memref<128xi32, #tpu.memory_space<vmem>>
        %dma_start3A_258 = tpu.memref_slice %arg3[%dma_start3A_248, %multiple_of3A_247] : memref<2x320000xi32, #tpu.memory_space<hbm>> -> memref<1x128xi32, #tpu.memory_space<hbm>>
        %dma_start3A_259 = tpu.memref_squeeze %dma_start3A_258 : memref<1x128xi32, #tpu.memory_space<hbm>> -> memref<128xi32, #tpu.memory_space<hbm>>
        tpu.enqueue_dma source(%dma_start3A_259 : memref<128xi32, #tpu.memory_space<hbm>>) target(%dma_start3A_257 : memref<128xi32, #tpu.memory_space<vmem>>) target_semaphore(%arg15 : memref<!tpu.dma_semaphore, #tpu.memory_space<semaphore_mem>>)
        %dma_start3A_260 = arith.constant 1 : i32
        %dma_start3A_261 = arith.constant 1 : i32
        %dma_start3A_262 = arith.constant 0 : i32
        %dma_start3A_263 = tpu.memref_slice %arg9[%dma_start3A_261, %dma_start3A_262] : memref<4x128xi32, #tpu.memory_space<vmem>> -> memref<1x128xi32, #tpu.memory_space<vmem>>
        %dma_start3A_264 = tpu.memref_squeeze %dma_start3A_263 : memref<1x128xi32, #tpu.memory_space<vmem>> -> memref<128xi32, #tpu.memory_space<vmem>>
        %dma_start3A_265 = tpu.memref_slice %arg3[%dma_start3A_260, %multiple_of3A_247] : memref<2x320000xi32, #tpu.memory_space<hbm>> -> memref<1x128xi32, #tpu.memory_space<hbm>>
        %dma_start3A_266 = tpu.memref_squeeze %dma_start3A_265 : memref<1x128xi32, #tpu.memory_space<hbm>> -> memref<128xi32, #tpu.memory_space<hbm>>
        %dma_start3A_267 = arith.constant 0 : i32
        %dma_start3A_268 = tpu.memref_slice %arg9[%dma_start3A_261, %dma_start3A_267] : memref<4x128xi32, #tpu.memory_space<vmem>> -> memref<1x128xi32, #tpu.memory_space<vmem>>
        %dma_start3A_269 = tpu.memref_squeeze %dma_start3A_268 : memref<1x128xi32, #tpu.memory_space<vmem>> -> memref<128xi32, #tpu.memory_space<vmem>>
        %dma_start3A_270 = tpu.memref_slice %arg3[%dma_start3A_260, %multiple_of3A_247] : memref<2x320000xi32, #tpu.memory_space<hbm>> -> memref<1x128xi32, #tpu.memory_space<hbm>>
        %dma_start3A_271 = tpu.memref_squeeze %dma_start3A_270 : memref<1x128xi32, #tpu.memory_space<hbm>> -> memref<128xi32, #tpu.memory_space<hbm>>
        tpu.enqueue_dma source(%dma_start3A_271 : memref<128xi32, #tpu.memory_space<hbm>>) target(%dma_start3A_269 : memref<128xi32, #tpu.memory_space<vmem>>) target_semaphore(%arg15 : memref<!tpu.dma_semaphore, #tpu.memory_space<semaphore_mem>>)
      } else {
      }
      %ge3A_137 = arith.constant 1 : i32
      %ge3A_138 = arith.cmpi sge, %add3A_120, %ge3A_137 : i32
      %add3A_139 = arith.constant 1 : i32
      %add3A_140 = arith.addi %add3A_8, %add3A_139 : i32
      %lt3A_141 = arith.cmpi slt, %add3A_120, %add3A_140 : i32
      %and3A_142 = arith.andi %ge3A_138, %lt3A_141 : i1
      %convert_element_type3A_143 = arith.extui %and3A_142 : i1 to i32
      %cond3A_144 = arith.constant 0 : i32
      %cond3A_145 = arith.cmpi ne, %convert_element_type3A_143, %cond3A_144 : i32
      scf.if %cond3A_145 {
        %dma_wait3A = arith.constant 0 : i32
        %dma_wait3A_242 = arith.constant 0 : i32
        %dma_wait3A_243 = arith.constant 0 : i32
        %dma_wait3A_244 = tpu.memref_slice %arg10[%while3A_105, %dma_wait3A_242, %dma_wait3A_243] : memref<2x128x128xf32, #tpu.memory_space<vmem>> -> memref<1x128x128xf32, #tpu.memory_space<vmem>>
        %dma_wait3A_245 = tpu.memref_squeeze %dma_wait3A_244 : memref<1x128x128xf32, #tpu.memory_space<vmem>> -> memref<128x128xf32, #tpu.memory_space<vmem>>
        %dma_wait3A_246 = arith.constant 0 : i32
        %dma_wait3A_247 = tpu.memref_slice %arg8[%dma_wait3A, %dma_wait3A_246] : memref<4x128xi32, #tpu.memory_space<vmem>> -> memref<1x128xi32, #tpu.memory_space<vmem>>
        %dma_wait3A_248 = tpu.memref_squeeze %dma_wait3A_247 : memref<1x128xi32, #tpu.memory_space<vmem>> -> memref<128xi32, #tpu.memory_space<vmem>>
        %dma_wait3A_249 = arith.constant 0 : i32
        %dma_wait3A_250 = arith.constant 0 : i32
        %dma_wait3A_251 = tpu.memref_slice %arg2[%dma_wait3A_249, %dma_wait3A_250] : memref<10240x128xf32, #tpu.memory_space<hbm>> -> memref<10240x128xf32, #tpu.memory_space<hbm>>
        tpu.wait_indirect_dma semaphore(%arg19 : memref<!tpu.dma_semaphore, #tpu.memory_space<semaphore_mem>>) src(%dma_wait3A_251 : memref<10240x128xf32, #tpu.memory_space<hbm>>) dst(%dma_wait3A_245 : memref<128x128xf32, #tpu.memory_space<vmem>>)
        %dma_start3A_252 = arith.constant 3 : i32
        %dma_start3A_253 = arith.constant 0 : i32
        %dma_start3A_254 = arith.constant 0 : i32
        %dma_start3A_255 = tpu.memref_slice %arg10[%while3A_105, %dma_start3A_253, %dma_start3A_254] : memref<2x128x128xf32, #tpu.memory_space<vmem>> -> memref<1x128x128xf32, #tpu.memory_space<vmem>>
        %dma_start3A_256 = tpu.memref_squeeze %dma_start3A_255 : memref<1x128x128xf32, #tpu.memory_space<vmem>> -> memref<128x128xf32, #tpu.memory_space<vmem>>
        %dma_start3A_257 = arith.constant 0 : i32
        %dma_start3A_258 = tpu.memref_slice %arg9[%dma_start3A_252, %dma_start3A_257] : memref<4x128xi32, #tpu.memory_space<vmem>> -> memref<1x128xi32, #tpu.memory_space<vmem>>
        %dma_start3A_259 = tpu.memref_squeeze %dma_start3A_258 : memref<1x128xi32, #tpu.memory_space<vmem>> -> memref<128xi32, #tpu.memory_space<vmem>>
        %dma_start3A_260 = arith.constant 0 : i32
        %dma_start3A_261 = arith.constant 0 : i32
        %dma_start3A_262 = tpu.memref_slice %arg12[%dma_start3A_260, %dma_start3A_261] : memref<10240x128xf32, #tpu.memory_space<vmem_shared>> -> memref<10240x128xf32, #tpu.memory_space<vmem_shared>>
        tpu.enqueue_indirect_dma source(%dma_start3A_256 : memref<128x128xf32, #tpu.memory_space<vmem>>) target(%dma_start3A_262 : memref<10240x128xf32, #tpu.memory_space<vmem_shared>>) offsets(%dma_start3A_259 : memref<128xi32, #tpu.memory_space<vmem>>) semaphore(%arg21 : memref<!tpu.dma_semaphore, #tpu.memory_space<semaphore_mem>>) {add = true}
        %dma_start3A_263 = arith.constant 3 : i32
        %dma_start3A_264 = arith.constant 0 : i32
        %dma_start3A_265 = tpu.memref_slice %arg9[%dma_start3A_263, %dma_start3A_264] : memref<4x128xi32, #tpu.memory_space<vmem>> -> memref<1x128xi32, #tpu.memory_space<vmem>>
        %dma_start3A_266 = tpu.memref_squeeze %dma_start3A_265 : memref<1x128xi32, #tpu.memory_space<vmem>> -> memref<128xi32, #tpu.memory_space<vmem>>
        %dma_start3A_267 = arith.constant 0 : i32
        %dma_start3A_268 = tpu.memref_slice %arg13[%dma_start3A_267] : memref<10240xf32, #tpu.memory_space<vmem_shared>> -> memref<10240xf32, #tpu.memory_space<vmem_shared>>
        tpu.enqueue_indirect_dma source(%arg11 : memref<128xf32, #tpu.memory_space<vmem>>) target(%dma_start3A_268 : memref<10240xf32, #tpu.memory_space<vmem_shared>>) offsets(%dma_start3A_266 : memref<128xi32, #tpu.memory_space<vmem>>) semaphore(%arg21 : memref<!tpu.dma_semaphore, #tpu.memory_space<semaphore_mem>>) {add = true}
      } else {
      }
      %mul3A_146 = arith.constant 4 : i32
      %mul3A_147 = arith.muli %mul3A_146, %while3A_116 : i32
      %add3A_148 = arith.constant 1 : i32
      %add3A_149 = arith.addi %mul3A_147, %add3A_148 : i32
      %ge3A_150 = arith.constant 2 : i32
      %ge3A_151 = arith.cmpi sge, %add3A_149, %ge3A_150 : i32
      %add3A_152 = arith.constant 2 : i32
      %add3A_153 = arith.addi %add3A_8, %add3A_152 : i32
      %lt3A_154 = arith.cmpi slt, %add3A_149, %add3A_153 : i32
      %and3A_155 = arith.andi %ge3A_151, %lt3A_154 : i1
      %convert_element_type3A_156 = arith.extui %and3A_155 : i1 to i32
      %cond3A_157 = arith.constant 0 : i32
      %cond3A_158 = arith.cmpi ne, %convert_element_type3A_156, %cond3A_157 : i32
      scf.if %cond3A_158 {
        %dma_wait3A = arith.constant 0 : i32
        %dma_wait3A_242 = arith.constant 0 : i32
        %dma_wait3A_243 = arith.constant 0 : i32
        %dma_wait3A_244 = tpu.memref_slice %arg10[%while3A_105, %dma_wait3A_242, %dma_wait3A_243] : memref<2x128x128xf32, #tpu.memory_space<vmem>> -> memref<1x128x128xf32, #tpu.memory_space<vmem>>
        %dma_wait3A_245 = tpu.memref_squeeze %dma_wait3A_244 : memref<1x128x128xf32, #tpu.memory_space<vmem>> -> memref<128x128xf32, #tpu.memory_space<vmem>>
        %dma_wait3A_246 = arith.constant 0 : i32
        %dma_wait3A_247 = tpu.memref_slice %arg9[%dma_wait3A, %dma_wait3A_246] : memref<4x128xi32, #tpu.memory_space<vmem>> -> memref<1x128xi32, #tpu.memory_space<vmem>>
        %dma_wait3A_248 = tpu.memref_squeeze %dma_wait3A_247 : memref<1x128xi32, #tpu.memory_space<vmem>> -> memref<128xi32, #tpu.memory_space<vmem>>
        %dma_wait3A_249 = arith.constant 0 : i32
        %dma_wait3A_250 = arith.constant 0 : i32
        %dma_wait3A_251 = tpu.memref_slice %arg12[%dma_wait3A_249, %dma_wait3A_250] : memref<10240x128xf32, #tpu.memory_space<vmem_shared>> -> memref<10240x128xf32, #tpu.memory_space<vmem_shared>>
        tpu.wait_indirect_dma semaphore(%arg21 : memref<!tpu.dma_semaphore, #tpu.memory_space<semaphore_mem>>) src(%dma_wait3A_245 : memref<128x128xf32, #tpu.memory_space<vmem>>) dst(%dma_wait3A_251 : memref<10240x128xf32, #tpu.memory_space<vmem_shared>>)
        %dma_wait3A_252 = arith.constant 0 : i32
        %dma_wait3A_253 = arith.constant 0 : i32
        %dma_wait3A_254 = tpu.memref_slice %arg9[%dma_wait3A_252, %dma_wait3A_253] : memref<4x128xi32, #tpu.memory_space<vmem>> -> memref<1x128xi32, #tpu.memory_space<vmem>>
        %dma_wait3A_255 = tpu.memref_squeeze %dma_wait3A_254 : memref<1x128xi32, #tpu.memory_space<vmem>> -> memref<128xi32, #tpu.memory_space<vmem>>
        %dma_wait3A_256 = arith.constant 0 : i32
        %dma_wait3A_257 = tpu.memref_slice %arg13[%dma_wait3A_256] : memref<10240xf32, #tpu.memory_space<vmem_shared>> -> memref<10240xf32, #tpu.memory_space<vmem_shared>>
        tpu.wait_indirect_dma semaphore(%arg21 : memref<!tpu.dma_semaphore, #tpu.memory_space<semaphore_mem>>) src(%arg11 : memref<128xf32, #tpu.memory_space<vmem>>) dst(%dma_wait3A_257 : memref<10240xf32, #tpu.memory_space<vmem_shared>>)
      } else {
      }
      %lt3A_159 = arith.cmpi slt, %add3A_149, %add3A_8 : i32
      %convert_element_type3A_160 = arith.extui %lt3A_159 : i1 to i32
      %cond3A_161 = arith.constant 0 : i32
      %cond3A_162 = arith.cmpi ne, %convert_element_type3A_160, %cond3A_161 : i32
      scf.if %cond3A_162 {
        %dma_wait3A = arith.constant 0 : i32
        %dma_wait3A_242 = arith.constant 1 : i32
        %dma_wait3A_243 = arith.constant 0 : i32
        %dma_wait3A_244 = tpu.memref_slice %arg8[%dma_wait3A_242, %dma_wait3A_243] : memref<4x128xi32, #tpu.memory_space<vmem>> -> memref<1x128xi32, #tpu.memory_space<vmem>>
        %dma_wait3A_245 = tpu.memref_squeeze %dma_wait3A_244 : memref<1x128xi32, #tpu.memory_space<vmem>> -> memref<128xi32, #tpu.memory_space<vmem>>
        %dma_wait3A_246 = arith.constant 0 : i32
        %dma_wait3A_247 = tpu.memref_slice %arg3[%dma_wait3A, %dma_wait3A_246] : memref<2x320000xi32, #tpu.memory_space<hbm>> -> memref<1x128xi32, #tpu.memory_space<hbm>>
        %dma_wait3A_248 = tpu.memref_squeeze %dma_wait3A_247 : memref<1x128xi32, #tpu.memory_space<hbm>> -> memref<128xi32, #tpu.memory_space<hbm>>
        %dma_wait3A_249 = arith.constant 0 : i32
        %dma_wait3A_250 = tpu.memref_slice %arg8[%dma_wait3A_242, %dma_wait3A_249] : memref<4x128xi32, #tpu.memory_space<vmem>> -> memref<1x128xi32, #tpu.memory_space<vmem>>
        %dma_wait3A_251 = tpu.memref_squeeze %dma_wait3A_250 : memref<1x128xi32, #tpu.memory_space<vmem>> -> memref<128xi32, #tpu.memory_space<vmem>>
        %dma_wait3A_252 = arith.constant 0 : i32
        %dma_wait3A_253 = tpu.memref_slice %arg3[%dma_wait3A, %dma_wait3A_252] : memref<2x320000xi32, #tpu.memory_space<hbm>> -> memref<1x128xi32, #tpu.memory_space<hbm>>
        %dma_wait3A_254 = tpu.memref_squeeze %dma_wait3A_253 : memref<1x128xi32, #tpu.memory_space<hbm>> -> memref<128xi32, #tpu.memory_space<hbm>>
        tpu.wait_dma2 semaphore(%arg15 : memref<!tpu.dma_semaphore, #tpu.memory_space<semaphore_mem>>) src(%dma_wait3A_254 : memref<128xi32, #tpu.memory_space<hbm>>) dst(%dma_wait3A_251 : memref<128xi32, #tpu.memory_space<vmem>>)
        %dma_wait3A_255 = arith.constant 1 : i32
        %dma_wait3A_256 = arith.constant 1 : i32
        %dma_wait3A_257 = arith.constant 0 : i32
        %dma_wait3A_258 = tpu.memref_slice %arg9[%dma_wait3A_256, %dma_wait3A_257] : memref<4x128xi32, #tpu.memory_space<vmem>> -> memref<1x128xi32, #tpu.memory_space<vmem>>
        %dma_wait3A_259 = tpu.memref_squeeze %dma_wait3A_258 : memref<1x128xi32, #tpu.memory_space<vmem>> -> memref<128xi32, #tpu.memory_space<vmem>>
        %dma_wait3A_260 = arith.constant 0 : i32
        %dma_wait3A_261 = tpu.memref_slice %arg3[%dma_wait3A_255, %dma_wait3A_260] : memref<2x320000xi32, #tpu.memory_space<hbm>> -> memref<1x128xi32, #tpu.memory_space<hbm>>
        %dma_wait3A_262 = tpu.memref_squeeze %dma_wait3A_261 : memref<1x128xi32, #tpu.memory_space<hbm>> -> memref<128xi32, #tpu.memory_space<hbm>>
        %dma_wait3A_263 = arith.constant 0 : i32
        %dma_wait3A_264 = tpu.memref_slice %arg9[%dma_wait3A_256, %dma_wait3A_263] : memref<4x128xi32, #tpu.memory_space<vmem>> -> memref<1x128xi32, #tpu.memory_space<vmem>>
        %dma_wait3A_265 = tpu.memref_squeeze %dma_wait3A_264 : memref<1x128xi32, #tpu.memory_space<vmem>> -> memref<128xi32, #tpu.memory_space<vmem>>
        %dma_wait3A_266 = arith.constant 0 : i32
        %dma_wait3A_267 = tpu.memref_slice %arg3[%dma_wait3A_255, %dma_wait3A_266] : memref<2x320000xi32, #tpu.memory_space<hbm>> -> memref<1x128xi32, #tpu.memory_space<hbm>>
        %dma_wait3A_268 = tpu.memref_squeeze %dma_wait3A_267 : memref<1x128xi32, #tpu.memory_space<hbm>> -> memref<128xi32, #tpu.memory_space<hbm>>
        tpu.wait_dma2 semaphore(%arg15 : memref<!tpu.dma_semaphore, #tpu.memory_space<semaphore_mem>>) src(%dma_wait3A_268 : memref<128xi32, #tpu.memory_space<hbm>>) dst(%dma_wait3A_265 : memref<128xi32, #tpu.memory_space<vmem>>)
        %dma_start3A_269 = arith.constant 1 : i32
        %dma_start3A_270 = arith.constant 0 : i32
        %dma_start3A_271 = arith.constant 0 : i32
        %dma_start3A_272 = tpu.memref_slice %arg10[%while3A_105, %dma_start3A_270, %dma_start3A_271] : memref<2x128x128xf32, #tpu.memory_space<vmem>> -> memref<1x128x128xf32, #tpu.memory_space<vmem>>
        %dma_start3A_273 = tpu.memref_squeeze %dma_start3A_272 : memref<1x128x128xf32, #tpu.memory_space<vmem>> -> memref<128x128xf32, #tpu.memory_space<vmem>>
        %dma_start3A_274 = arith.constant 0 : i32
        %dma_start3A_275 = tpu.memref_slice %arg8[%dma_start3A_269, %dma_start3A_274] : memref<4x128xi32, #tpu.memory_space<vmem>> -> memref<1x128xi32, #tpu.memory_space<vmem>>
        %dma_start3A_276 = tpu.memref_squeeze %dma_start3A_275 : memref<1x128xi32, #tpu.memory_space<vmem>> -> memref<128xi32, #tpu.memory_space<vmem>>
        %dma_start3A_277 = arith.constant 0 : i32
        %dma_start3A_278 = arith.constant 0 : i32
        %dma_start3A_279 = tpu.memref_slice %arg2[%dma_start3A_277, %dma_start3A_278] : memref<10240x128xf32, #tpu.memory_space<hbm>> -> memref<10240x128xf32, #tpu.memory_space<hbm>>
        tpu.enqueue_indirect_dma source(%dma_start3A_279 : memref<10240x128xf32, #tpu.memory_space<hbm>>) target(%dma_start3A_273 : memref<128x128xf32, #tpu.memory_space<vmem>>) offsets(%dma_start3A_276 : memref<128xi32, #tpu.memory_space<vmem>>) semaphore(%arg19 : memref<!tpu.dma_semaphore, #tpu.memory_space<semaphore_mem>>)
      } else {
      }
      %add3A_163 = arith.constant 1 : i32
      %add3A_164 = arith.addi %add3A_149, %add3A_163 : i32
      %lt3A_165 = arith.cmpi slt, %add3A_164, %add3A_8 : i32
      %convert_element_type3A_166 = arith.extui %lt3A_165 : i1 to i32
      %cond3A_167 = arith.constant 0 : i32
      %cond3A_168 = arith.cmpi ne, %convert_element_type3A_166, %cond3A_167 : i32
      scf.if %cond3A_168 {
        %add3A_242 = arith.constant 1 : i32
        %add3A_243 = arith.addi %add3A_149, %add3A_242 : i32
        %add3A_244 = arith.addi %add3A_4, %add3A_243 : i32
        %mul3A_245 = arith.constant 128 : i32
        %mul3A_246 = arith.muli %add3A_244, %mul3A_245 : i32
        %multiple_of3A_247 = tpu.assume_multiple %mul3A_246, 128 : i32
        %dma_start3A_248 = arith.constant 0 : i32
        %dma_start3A_249 = arith.constant 2 : i32
        %dma_start3A_250 = arith.constant 0 : i32
        %dma_start3A_251 = tpu.memref_slice %arg8[%dma_start3A_249, %dma_start3A_250] : memref<4x128xi32, #tpu.memory_space<vmem>> -> memref<1x128xi32, #tpu.memory_space<vmem>>
        %dma_start3A_252 = tpu.memref_squeeze %dma_start3A_251 : memref<1x128xi32, #tpu.memory_space<vmem>> -> memref<128xi32, #tpu.memory_space<vmem>>
        %dma_start3A_253 = tpu.memref_slice %arg3[%dma_start3A_248, %multiple_of3A_247] : memref<2x320000xi32, #tpu.memory_space<hbm>> -> memref<1x128xi32, #tpu.memory_space<hbm>>
        %dma_start3A_254 = tpu.memref_squeeze %dma_start3A_253 : memref<1x128xi32, #tpu.memory_space<hbm>> -> memref<128xi32, #tpu.memory_space<hbm>>
        %dma_start3A_255 = arith.constant 0 : i32
        %dma_start3A_256 = tpu.memref_slice %arg8[%dma_start3A_249, %dma_start3A_255] : memref<4x128xi32, #tpu.memory_space<vmem>> -> memref<1x128xi32, #tpu.memory_space<vmem>>
        %dma_start3A_257 = tpu.memref_squeeze %dma_start3A_256 : memref<1x128xi32, #tpu.memory_space<vmem>> -> memref<128xi32, #tpu.memory_space<vmem>>
        %dma_start3A_258 = tpu.memref_slice %arg3[%dma_start3A_248, %multiple_of3A_247] : memref<2x320000xi32, #tpu.memory_space<hbm>> -> memref<1x128xi32, #tpu.memory_space<hbm>>
        %dma_start3A_259 = tpu.memref_squeeze %dma_start3A_258 : memref<1x128xi32, #tpu.memory_space<hbm>> -> memref<128xi32, #tpu.memory_space<hbm>>
        tpu.enqueue_dma source(%dma_start3A_259 : memref<128xi32, #tpu.memory_space<hbm>>) target(%dma_start3A_257 : memref<128xi32, #tpu.memory_space<vmem>>) target_semaphore(%arg16 : memref<!tpu.dma_semaphore, #tpu.memory_space<semaphore_mem>>)
        %dma_start3A_260 = arith.constant 1 : i32
        %dma_start3A_261 = arith.constant 2 : i32
        %dma_start3A_262 = arith.constant 0 : i32
        %dma_start3A_263 = tpu.memref_slice %arg9[%dma_start3A_261, %dma_start3A_262] : memref<4x128xi32, #tpu.memory_space<vmem>> -> memref<1x128xi32, #tpu.memory_space<vmem>>
        %dma_start3A_264 = tpu.memref_squeeze %dma_start3A_263 : memref<1x128xi32, #tpu.memory_space<vmem>> -> memref<128xi32, #tpu.memory_space<vmem>>
        %dma_start3A_265 = tpu.memref_slice %arg3[%dma_start3A_260, %multiple_of3A_247] : memref<2x320000xi32, #tpu.memory_space<hbm>> -> memref<1x128xi32, #tpu.memory_space<hbm>>
        %dma_start3A_266 = tpu.memref_squeeze %dma_start3A_265 : memref<1x128xi32, #tpu.memory_space<hbm>> -> memref<128xi32, #tpu.memory_space<hbm>>
        %dma_start3A_267 = arith.constant 0 : i32
        %dma_start3A_268 = tpu.memref_slice %arg9[%dma_start3A_261, %dma_start3A_267] : memref<4x128xi32, #tpu.memory_space<vmem>> -> memref<1x128xi32, #tpu.memory_space<vmem>>
        %dma_start3A_269 = tpu.memref_squeeze %dma_start3A_268 : memref<1x128xi32, #tpu.memory_space<vmem>> -> memref<128xi32, #tpu.memory_space<vmem>>
        %dma_start3A_270 = tpu.memref_slice %arg3[%dma_start3A_260, %multiple_of3A_247] : memref<2x320000xi32, #tpu.memory_space<hbm>> -> memref<1x128xi32, #tpu.memory_space<hbm>>
        %dma_start3A_271 = tpu.memref_squeeze %dma_start3A_270 : memref<1x128xi32, #tpu.memory_space<hbm>> -> memref<128xi32, #tpu.memory_space<hbm>>
        tpu.enqueue_dma source(%dma_start3A_271 : memref<128xi32, #tpu.memory_space<hbm>>) target(%dma_start3A_269 : memref<128xi32, #tpu.memory_space<vmem>>) target_semaphore(%arg16 : memref<!tpu.dma_semaphore, #tpu.memory_space<semaphore_mem>>)
      } else {
      }
      %ge3A_169 = arith.constant 1 : i32
      %ge3A_170 = arith.cmpi sge, %add3A_149, %ge3A_169 : i32
      %add3A_171 = arith.constant 1 : i32
      %add3A_172 = arith.addi %add3A_8, %add3A_171 : i32
      %lt3A_173 = arith.cmpi slt, %add3A_149, %add3A_172 : i32
      %and3A_174 = arith.andi %ge3A_170, %lt3A_173 : i1
      %convert_element_type3A_175 = arith.extui %and3A_174 : i1 to i32
      %cond3A_176 = arith.constant 0 : i32
      %cond3A_177 = arith.cmpi ne, %convert_element_type3A_175, %cond3A_176 : i32
      scf.if %cond3A_177 {
        %dma_wait3A = arith.constant 0 : i32
        %dma_wait3A_242 = arith.constant 0 : i32
        %dma_wait3A_243 = arith.constant 0 : i32
        %dma_wait3A_244 = tpu.memref_slice %arg10[%while3A_104, %dma_wait3A_242, %dma_wait3A_243] : memref<2x128x128xf32, #tpu.memory_space<vmem>> -> memref<1x128x128xf32, #tpu.memory_space<vmem>>
        %dma_wait3A_245 = tpu.memref_squeeze %dma_wait3A_244 : memref<1x128x128xf32, #tpu.memory_space<vmem>> -> memref<128x128xf32, #tpu.memory_space<vmem>>
        %dma_wait3A_246 = arith.constant 0 : i32
        %dma_wait3A_247 = tpu.memref_slice %arg8[%dma_wait3A, %dma_wait3A_246] : memref<4x128xi32, #tpu.memory_space<vmem>> -> memref<1x128xi32, #tpu.memory_space<vmem>>
        %dma_wait3A_248 = tpu.memref_squeeze %dma_wait3A_247 : memref<1x128xi32, #tpu.memory_space<vmem>> -> memref<128xi32, #tpu.memory_space<vmem>>
        %dma_wait3A_249 = arith.constant 0 : i32
        %dma_wait3A_250 = arith.constant 0 : i32
        %dma_wait3A_251 = tpu.memref_slice %arg2[%dma_wait3A_249, %dma_wait3A_250] : memref<10240x128xf32, #tpu.memory_space<hbm>> -> memref<10240x128xf32, #tpu.memory_space<hbm>>
        tpu.wait_indirect_dma semaphore(%arg18 : memref<!tpu.dma_semaphore, #tpu.memory_space<semaphore_mem>>) src(%dma_wait3A_251 : memref<10240x128xf32, #tpu.memory_space<hbm>>) dst(%dma_wait3A_245 : memref<128x128xf32, #tpu.memory_space<vmem>>)
        %dma_start3A_252 = arith.constant 0 : i32
        %dma_start3A_253 = arith.constant 0 : i32
        %dma_start3A_254 = arith.constant 0 : i32
        %dma_start3A_255 = tpu.memref_slice %arg10[%while3A_104, %dma_start3A_253, %dma_start3A_254] : memref<2x128x128xf32, #tpu.memory_space<vmem>> -> memref<1x128x128xf32, #tpu.memory_space<vmem>>
        %dma_start3A_256 = tpu.memref_squeeze %dma_start3A_255 : memref<1x128x128xf32, #tpu.memory_space<vmem>> -> memref<128x128xf32, #tpu.memory_space<vmem>>
        %dma_start3A_257 = arith.constant 0 : i32
        %dma_start3A_258 = tpu.memref_slice %arg9[%dma_start3A_252, %dma_start3A_257] : memref<4x128xi32, #tpu.memory_space<vmem>> -> memref<1x128xi32, #tpu.memory_space<vmem>>
        %dma_start3A_259 = tpu.memref_squeeze %dma_start3A_258 : memref<1x128xi32, #tpu.memory_space<vmem>> -> memref<128xi32, #tpu.memory_space<vmem>>
        %dma_start3A_260 = arith.constant 0 : i32
        %dma_start3A_261 = arith.constant 0 : i32
        %dma_start3A_262 = tpu.memref_slice %arg12[%dma_start3A_260, %dma_start3A_261] : memref<10240x128xf32, #tpu.memory_space<vmem_shared>> -> memref<10240x128xf32, #tpu.memory_space<vmem_shared>>
        tpu.enqueue_indirect_dma source(%dma_start3A_256 : memref<128x128xf32, #tpu.memory_space<vmem>>) target(%dma_start3A_262 : memref<10240x128xf32, #tpu.memory_space<vmem_shared>>) offsets(%dma_start3A_259 : memref<128xi32, #tpu.memory_space<vmem>>) semaphore(%arg20 : memref<!tpu.dma_semaphore, #tpu.memory_space<semaphore_mem>>) {add = true}
        %dma_start3A_263 = arith.constant 0 : i32
        %dma_start3A_264 = arith.constant 0 : i32
        %dma_start3A_265 = tpu.memref_slice %arg9[%dma_start3A_263, %dma_start3A_264] : memref<4x128xi32, #tpu.memory_space<vmem>> -> memref<1x128xi32, #tpu.memory_space<vmem>>
        %dma_start3A_266 = tpu.memref_squeeze %dma_start3A_265 : memref<1x128xi32, #tpu.memory_space<vmem>> -> memref<128xi32, #tpu.memory_space<vmem>>
        %dma_start3A_267 = arith.constant 0 : i32
        %dma_start3A_268 = tpu.memref_slice %arg13[%dma_start3A_267] : memref<10240xf32, #tpu.memory_space<vmem_shared>> -> memref<10240xf32, #tpu.memory_space<vmem_shared>>
        tpu.enqueue_indirect_dma source(%arg11 : memref<128xf32, #tpu.memory_space<vmem>>) target(%dma_start3A_268 : memref<10240xf32, #tpu.memory_space<vmem_shared>>) offsets(%dma_start3A_266 : memref<128xi32, #tpu.memory_space<vmem>>) semaphore(%arg20 : memref<!tpu.dma_semaphore, #tpu.memory_space<semaphore_mem>>) {add = true}
      } else {
      }
      %mul3A_178 = arith.constant 4 : i32
      %mul3A_179 = arith.muli %mul3A_178, %while3A_116 : i32
      %add3A_180 = arith.constant 2 : i32
      %add3A_181 = arith.addi %mul3A_179, %add3A_180 : i32
      %ge3A_182 = arith.constant 2 : i32
      %ge3A_183 = arith.cmpi sge, %add3A_181, %ge3A_182 : i32
      %add3A_184 = arith.constant 2 : i32
      %add3A_185 = arith.addi %add3A_8, %add3A_184 : i32
      %lt3A_186 = arith.cmpi slt, %add3A_181, %add3A_185 : i32
      %and3A_187 = arith.andi %ge3A_183, %lt3A_186 : i1
      %convert_element_type3A_188 = arith.extui %and3A_187 : i1 to i32
      %cond3A_189 = arith.constant 0 : i32
      %cond3A_190 = arith.cmpi ne, %convert_element_type3A_188, %cond3A_189 : i32
      scf.if %cond3A_190 {
        %dma_wait3A = arith.constant 0 : i32
        %dma_wait3A_242 = arith.constant 0 : i32
        %dma_wait3A_243 = arith.constant 0 : i32
        %dma_wait3A_244 = tpu.memref_slice %arg10[%while3A_104, %dma_wait3A_242, %dma_wait3A_243] : memref<2x128x128xf32, #tpu.memory_space<vmem>> -> memref<1x128x128xf32, #tpu.memory_space<vmem>>
        %dma_wait3A_245 = tpu.memref_squeeze %dma_wait3A_244 : memref<1x128x128xf32, #tpu.memory_space<vmem>> -> memref<128x128xf32, #tpu.memory_space<vmem>>
        %dma_wait3A_246 = arith.constant 0 : i32
        %dma_wait3A_247 = tpu.memref_slice %arg9[%dma_wait3A, %dma_wait3A_246] : memref<4x128xi32, #tpu.memory_space<vmem>> -> memref<1x128xi32, #tpu.memory_space<vmem>>
        %dma_wait3A_248 = tpu.memref_squeeze %dma_wait3A_247 : memref<1x128xi32, #tpu.memory_space<vmem>> -> memref<128xi32, #tpu.memory_space<vmem>>
        %dma_wait3A_249 = arith.constant 0 : i32
        %dma_wait3A_250 = arith.constant 0 : i32
        %dma_wait3A_251 = tpu.memref_slice %arg12[%dma_wait3A_249, %dma_wait3A_250] : memref<10240x128xf32, #tpu.memory_space<vmem_shared>> -> memref<10240x128xf32, #tpu.memory_space<vmem_shared>>
        tpu.wait_indirect_dma semaphore(%arg20 : memref<!tpu.dma_semaphore, #tpu.memory_space<semaphore_mem>>) src(%dma_wait3A_245 : memref<128x128xf32, #tpu.memory_space<vmem>>) dst(%dma_wait3A_251 : memref<10240x128xf32, #tpu.memory_space<vmem_shared>>)
        %dma_wait3A_252 = arith.constant 0 : i32
        %dma_wait3A_253 = arith.constant 0 : i32
        %dma_wait3A_254 = tpu.memref_slice %arg9[%dma_wait3A_252, %dma_wait3A_253] : memref<4x128xi32, #tpu.memory_space<vmem>> -> memref<1x128xi32, #tpu.memory_space<vmem>>
        %dma_wait3A_255 = tpu.memref_squeeze %dma_wait3A_254 : memref<1x128xi32, #tpu.memory_space<vmem>> -> memref<128xi32, #tpu.memory_space<vmem>>
        %dma_wait3A_256 = arith.constant 0 : i32
        %dma_wait3A_257 = tpu.memref_slice %arg13[%dma_wait3A_256] : memref<10240xf32, #tpu.memory_space<vmem_shared>> -> memref<10240xf32, #tpu.memory_space<vmem_shared>>
        tpu.wait_indirect_dma semaphore(%arg20 : memref<!tpu.dma_semaphore, #tpu.memory_space<semaphore_mem>>) src(%arg11 : memref<128xf32, #tpu.memory_space<vmem>>) dst(%dma_wait3A_257 : memref<10240xf32, #tpu.memory_space<vmem_shared>>)
      } else {
      }
      %lt3A_191 = arith.cmpi slt, %add3A_181, %add3A_8 : i32
      %convert_element_type3A_192 = arith.extui %lt3A_191 : i1 to i32
      %cond3A_193 = arith.constant 0 : i32
      %cond3A_194 = arith.cmpi ne, %convert_element_type3A_192, %cond3A_193 : i32
      scf.if %cond3A_194 {
        %dma_wait3A = arith.constant 0 : i32
        %dma_wait3A_242 = arith.constant 2 : i32
        %dma_wait3A_243 = arith.constant 0 : i32
        %dma_wait3A_244 = tpu.memref_slice %arg8[%dma_wait3A_242, %dma_wait3A_243] : memref<4x128xi32, #tpu.memory_space<vmem>> -> memref<1x128xi32, #tpu.memory_space<vmem>>
        %dma_wait3A_245 = tpu.memref_squeeze %dma_wait3A_244 : memref<1x128xi32, #tpu.memory_space<vmem>> -> memref<128xi32, #tpu.memory_space<vmem>>
        %dma_wait3A_246 = arith.constant 0 : i32
        %dma_wait3A_247 = tpu.memref_slice %arg3[%dma_wait3A, %dma_wait3A_246] : memref<2x320000xi32, #tpu.memory_space<hbm>> -> memref<1x128xi32, #tpu.memory_space<hbm>>
        %dma_wait3A_248 = tpu.memref_squeeze %dma_wait3A_247 : memref<1x128xi32, #tpu.memory_space<hbm>> -> memref<128xi32, #tpu.memory_space<hbm>>
        %dma_wait3A_249 = arith.constant 0 : i32
        %dma_wait3A_250 = tpu.memref_slice %arg8[%dma_wait3A_242, %dma_wait3A_249] : memref<4x128xi32, #tpu.memory_space<vmem>> -> memref<1x128xi32, #tpu.memory_space<vmem>>
        %dma_wait3A_251 = tpu.memref_squeeze %dma_wait3A_250 : memref<1x128xi32, #tpu.memory_space<vmem>> -> memref<128xi32, #tpu.memory_space<vmem>>
        %dma_wait3A_252 = arith.constant 0 : i32
        %dma_wait3A_253 = tpu.memref_slice %arg3[%dma_wait3A, %dma_wait3A_252] : memref<2x320000xi32, #tpu.memory_space<hbm>> -> memref<1x128xi32, #tpu.memory_space<hbm>>
        %dma_wait3A_254 = tpu.memref_squeeze %dma_wait3A_253 : memref<1x128xi32, #tpu.memory_space<hbm>> -> memref<128xi32, #tpu.memory_space<hbm>>
        tpu.wait_dma2 semaphore(%arg16 : memref<!tpu.dma_semaphore, #tpu.memory_space<semaphore_mem>>) src(%dma_wait3A_254 : memref<128xi32, #tpu.memory_space<hbm>>) dst(%dma_wait3A_251 : memref<128xi32, #tpu.memory_space<vmem>>)
        %dma_wait3A_255 = arith.constant 1 : i32
        %dma_wait3A_256 = arith.constant 2 : i32
        %dma_wait3A_257 = arith.constant 0 : i32
        %dma_wait3A_258 = tpu.memref_slice %arg9[%dma_wait3A_256, %dma_wait3A_257] : memref<4x128xi32, #tpu.memory_space<vmem>> -> memref<1x128xi32, #tpu.memory_space<vmem>>
        %dma_wait3A_259 = tpu.memref_squeeze %dma_wait3A_258 : memref<1x128xi32, #tpu.memory_space<vmem>> -> memref<128xi32, #tpu.memory_space<vmem>>
        %dma_wait3A_260 = arith.constant 0 : i32
        %dma_wait3A_261 = tpu.memref_slice %arg3[%dma_wait3A_255, %dma_wait3A_260] : memref<2x320000xi32, #tpu.memory_space<hbm>> -> memref<1x128xi32, #tpu.memory_space<hbm>>
        %dma_wait3A_262 = tpu.memref_squeeze %dma_wait3A_261 : memref<1x128xi32, #tpu.memory_space<hbm>> -> memref<128xi32, #tpu.memory_space<hbm>>
        %dma_wait3A_263 = arith.constant 0 : i32
        %dma_wait3A_264 = tpu.memref_slice %arg9[%dma_wait3A_256, %dma_wait3A_263] : memref<4x128xi32, #tpu.memory_space<vmem>> -> memref<1x128xi32, #tpu.memory_space<vmem>>
        %dma_wait3A_265 = tpu.memref_squeeze %dma_wait3A_264 : memref<1x128xi32, #tpu.memory_space<vmem>> -> memref<128xi32, #tpu.memory_space<vmem>>
        %dma_wait3A_266 = arith.constant 0 : i32
        %dma_wait3A_267 = tpu.memref_slice %arg3[%dma_wait3A_255, %dma_wait3A_266] : memref<2x320000xi32, #tpu.memory_space<hbm>> -> memref<1x128xi32, #tpu.memory_space<hbm>>
        %dma_wait3A_268 = tpu.memref_squeeze %dma_wait3A_267 : memref<1x128xi32, #tpu.memory_space<hbm>> -> memref<128xi32, #tpu.memory_space<hbm>>
        tpu.wait_dma2 semaphore(%arg16 : memref<!tpu.dma_semaphore, #tpu.memory_space<semaphore_mem>>) src(%dma_wait3A_268 : memref<128xi32, #tpu.memory_space<hbm>>) dst(%dma_wait3A_265 : memref<128xi32, #tpu.memory_space<vmem>>)
        %dma_start3A_269 = arith.constant 2 : i32
        %dma_start3A_270 = arith.constant 0 : i32
        %dma_start3A_271 = arith.constant 0 : i32
        %dma_start3A_272 = tpu.memref_slice %arg10[%while3A_104, %dma_start3A_270, %dma_start3A_271] : memref<2x128x128xf32, #tpu.memory_space<vmem>> -> memref<1x128x128xf32, #tpu.memory_space<vmem>>
        %dma_start3A_273 = tpu.memref_squeeze %dma_start3A_272 : memref<1x128x128xf32, #tpu.memory_space<vmem>> -> memref<128x128xf32, #tpu.memory_space<vmem>>
        %dma_start3A_274 = arith.constant 0 : i32
        %dma_start3A_275 = tpu.memref_slice %arg8[%dma_start3A_269, %dma_start3A_274] : memref<4x128xi32, #tpu.memory_space<vmem>> -> memref<1x128xi32, #tpu.memory_space<vmem>>
        %dma_start3A_276 = tpu.memref_squeeze %dma_start3A_275 : memref<1x128xi32, #tpu.memory_space<vmem>> -> memref<128xi32, #tpu.memory_space<vmem>>
        %dma_start3A_277 = arith.constant 0 : i32
        %dma_start3A_278 = arith.constant 0 : i32
        %dma_start3A_279 = tpu.memref_slice %arg2[%dma_start3A_277, %dma_start3A_278] : memref<10240x128xf32, #tpu.memory_space<hbm>> -> memref<10240x128xf32, #tpu.memory_space<hbm>>
        tpu.enqueue_indirect_dma source(%dma_start3A_279 : memref<10240x128xf32, #tpu.memory_space<hbm>>) target(%dma_start3A_273 : memref<128x128xf32, #tpu.memory_space<vmem>>) offsets(%dma_start3A_276 : memref<128xi32, #tpu.memory_space<vmem>>) semaphore(%arg18 : memref<!tpu.dma_semaphore, #tpu.memory_space<semaphore_mem>>)
      } else {
      }
      %add3A_195 = arith.constant 1 : i32
      %add3A_196 = arith.addi %add3A_181, %add3A_195 : i32
      %lt3A_197 = arith.cmpi slt, %add3A_196, %add3A_8 : i32
      %convert_element_type3A_198 = arith.extui %lt3A_197 : i1 to i32
      %cond3A_199 = arith.constant 0 : i32
      %cond3A_200 = arith.cmpi ne, %convert_element_type3A_198, %cond3A_199 : i32
      scf.if %cond3A_200 {
        %add3A_242 = arith.constant 1 : i32
        %add3A_243 = arith.addi %add3A_181, %add3A_242 : i32
        %add3A_244 = arith.addi %add3A_4, %add3A_243 : i32
        %mul3A_245 = arith.constant 128 : i32
        %mul3A_246 = arith.muli %add3A_244, %mul3A_245 : i32
        %multiple_of3A_247 = tpu.assume_multiple %mul3A_246, 128 : i32
        %dma_start3A_248 = arith.constant 0 : i32
        %dma_start3A_249 = arith.constant 3 : i32
        %dma_start3A_250 = arith.constant 0 : i32
        %dma_start3A_251 = tpu.memref_slice %arg8[%dma_start3A_249, %dma_start3A_250] : memref<4x128xi32, #tpu.memory_space<vmem>> -> memref<1x128xi32, #tpu.memory_space<vmem>>
        %dma_start3A_252 = tpu.memref_squeeze %dma_start3A_251 : memref<1x128xi32, #tpu.memory_space<vmem>> -> memref<128xi32, #tpu.memory_space<vmem>>
        %dma_start3A_253 = tpu.memref_slice %arg3[%dma_start3A_248, %multiple_of3A_247] : memref<2x320000xi32, #tpu.memory_space<hbm>> -> memref<1x128xi32, #tpu.memory_space<hbm>>
        %dma_start3A_254 = tpu.memref_squeeze %dma_start3A_253 : memref<1x128xi32, #tpu.memory_space<hbm>> -> memref<128xi32, #tpu.memory_space<hbm>>
        %dma_start3A_255 = arith.constant 0 : i32
        %dma_start3A_256 = tpu.memref_slice %arg8[%dma_start3A_249, %dma_start3A_255] : memref<4x128xi32, #tpu.memory_space<vmem>> -> memref<1x128xi32, #tpu.memory_space<vmem>>
        %dma_start3A_257 = tpu.memref_squeeze %dma_start3A_256 : memref<1x128xi32, #tpu.memory_space<vmem>> -> memref<128xi32, #tpu.memory_space<vmem>>
        %dma_start3A_258 = tpu.memref_slice %arg3[%dma_start3A_248, %multiple_of3A_247] : memref<2x320000xi32, #tpu.memory_space<hbm>> -> memref<1x128xi32, #tpu.memory_space<hbm>>
        %dma_start3A_259 = tpu.memref_squeeze %dma_start3A_258 : memref<1x128xi32, #tpu.memory_space<hbm>> -> memref<128xi32, #tpu.memory_space<hbm>>
        tpu.enqueue_dma source(%dma_start3A_259 : memref<128xi32, #tpu.memory_space<hbm>>) target(%dma_start3A_257 : memref<128xi32, #tpu.memory_space<vmem>>) target_semaphore(%arg17 : memref<!tpu.dma_semaphore, #tpu.memory_space<semaphore_mem>>)
        %dma_start3A_260 = arith.constant 1 : i32
        %dma_start3A_261 = arith.constant 3 : i32
        %dma_start3A_262 = arith.constant 0 : i32
        %dma_start3A_263 = tpu.memref_slice %arg9[%dma_start3A_261, %dma_start3A_262] : memref<4x128xi32, #tpu.memory_space<vmem>> -> memref<1x128xi32, #tpu.memory_space<vmem>>
        %dma_start3A_264 = tpu.memref_squeeze %dma_start3A_263 : memref<1x128xi32, #tpu.memory_space<vmem>> -> memref<128xi32, #tpu.memory_space<vmem>>
        %dma_start3A_265 = tpu.memref_slice %arg3[%dma_start3A_260, %multiple_of3A_247] : memref<2x320000xi32, #tpu.memory_space<hbm>> -> memref<1x128xi32, #tpu.memory_space<hbm>>
        %dma_start3A_266 = tpu.memref_squeeze %dma_start3A_265 : memref<1x128xi32, #tpu.memory_space<hbm>> -> memref<128xi32, #tpu.memory_space<hbm>>
        %dma_start3A_267 = arith.constant 0 : i32
        %dma_start3A_268 = tpu.memref_slice %arg9[%dma_start3A_261, %dma_start3A_267] : memref<4x128xi32, #tpu.memory_space<vmem>> -> memref<1x128xi32, #tpu.memory_space<vmem>>
        %dma_start3A_269 = tpu.memref_squeeze %dma_start3A_268 : memref<1x128xi32, #tpu.memory_space<vmem>> -> memref<128xi32, #tpu.memory_space<vmem>>
        %dma_start3A_270 = tpu.memref_slice %arg3[%dma_start3A_260, %multiple_of3A_247] : memref<2x320000xi32, #tpu.memory_space<hbm>> -> memref<1x128xi32, #tpu.memory_space<hbm>>
        %dma_start3A_271 = tpu.memref_squeeze %dma_start3A_270 : memref<1x128xi32, #tpu.memory_space<hbm>> -> memref<128xi32, #tpu.memory_space<hbm>>
        tpu.enqueue_dma source(%dma_start3A_271 : memref<128xi32, #tpu.memory_space<hbm>>) target(%dma_start3A_269 : memref<128xi32, #tpu.memory_space<vmem>>) target_semaphore(%arg17 : memref<!tpu.dma_semaphore, #tpu.memory_space<semaphore_mem>>)
      } else {
      }
      %ge3A_201 = arith.constant 1 : i32
      %ge3A_202 = arith.cmpi sge, %add3A_181, %ge3A_201 : i32
      %add3A_203 = arith.constant 1 : i32
      %add3A_204 = arith.addi %add3A_8, %add3A_203 : i32
      %lt3A_205 = arith.cmpi slt, %add3A_181, %add3A_204 : i32
      %and3A_206 = arith.andi %ge3A_202, %lt3A_205 : i1
      %convert_element_type3A_207 = arith.extui %and3A_206 : i1 to i32
      %cond3A_208 = arith.constant 0 : i32
      %cond3A_209 = arith.cmpi ne, %convert_element_type3A_207, %cond3A_208 : i32
      scf.if %cond3A_209 {
        %dma_wait3A = arith.constant 0 : i32
        %dma_wait3A_242 = arith.constant 0 : i32
        %dma_wait3A_243 = arith.constant 0 : i32
        %dma_wait3A_244 = tpu.memref_slice %arg10[%while3A_105, %dma_wait3A_242, %dma_wait3A_243] : memref<2x128x128xf32, #tpu.memory_space<vmem>> -> memref<1x128x128xf32, #tpu.memory_space<vmem>>
        %dma_wait3A_245 = tpu.memref_squeeze %dma_wait3A_244 : memref<1x128x128xf32, #tpu.memory_space<vmem>> -> memref<128x128xf32, #tpu.memory_space<vmem>>
        %dma_wait3A_246 = arith.constant 0 : i32
        %dma_wait3A_247 = tpu.memref_slice %arg8[%dma_wait3A, %dma_wait3A_246] : memref<4x128xi32, #tpu.memory_space<vmem>> -> memref<1x128xi32, #tpu.memory_space<vmem>>
        %dma_wait3A_248 = tpu.memref_squeeze %dma_wait3A_247 : memref<1x128xi32, #tpu.memory_space<vmem>> -> memref<128xi32, #tpu.memory_space<vmem>>
        %dma_wait3A_249 = arith.constant 0 : i32
        %dma_wait3A_250 = arith.constant 0 : i32
        %dma_wait3A_251 = tpu.memref_slice %arg2[%dma_wait3A_249, %dma_wait3A_250] : memref<10240x128xf32, #tpu.memory_space<hbm>> -> memref<10240x128xf32, #tpu.memory_space<hbm>>
        tpu.wait_indirect_dma semaphore(%arg19 : memref<!tpu.dma_semaphore, #tpu.memory_space<semaphore_mem>>) src(%dma_wait3A_251 : memref<10240x128xf32, #tpu.memory_space<hbm>>) dst(%dma_wait3A_245 : memref<128x128xf32, #tpu.memory_space<vmem>>)
        %dma_start3A_252 = arith.constant 1 : i32
        %dma_start3A_253 = arith.constant 0 : i32
        %dma_start3A_254 = arith.constant 0 : i32
        %dma_start3A_255 = tpu.memref_slice %arg10[%while3A_105, %dma_start3A_253, %dma_start3A_254] : memref<2x128x128xf32, #tpu.memory_space<vmem>> -> memref<1x128x128xf32, #tpu.memory_space<vmem>>
        %dma_start3A_256 = tpu.memref_squeeze %dma_start3A_255 : memref<1x128x128xf32, #tpu.memory_space<vmem>> -> memref<128x128xf32, #tpu.memory_space<vmem>>
        %dma_start3A_257 = arith.constant 0 : i32
        %dma_start3A_258 = tpu.memref_slice %arg9[%dma_start3A_252, %dma_start3A_257] : memref<4x128xi32, #tpu.memory_space<vmem>> -> memref<1x128xi32, #tpu.memory_space<vmem>>
        %dma_start3A_259 = tpu.memref_squeeze %dma_start3A_258 : memref<1x128xi32, #tpu.memory_space<vmem>> -> memref<128xi32, #tpu.memory_space<vmem>>
        %dma_start3A_260 = arith.constant 0 : i32
        %dma_start3A_261 = arith.constant 0 : i32
        %dma_start3A_262 = tpu.memref_slice %arg12[%dma_start3A_260, %dma_start3A_261] : memref<10240x128xf32, #tpu.memory_space<vmem_shared>> -> memref<10240x128xf32, #tpu.memory_space<vmem_shared>>
        tpu.enqueue_indirect_dma source(%dma_start3A_256 : memref<128x128xf32, #tpu.memory_space<vmem>>) target(%dma_start3A_262 : memref<10240x128xf32, #tpu.memory_space<vmem_shared>>) offsets(%dma_start3A_259 : memref<128xi32, #tpu.memory_space<vmem>>) semaphore(%arg21 : memref<!tpu.dma_semaphore, #tpu.memory_space<semaphore_mem>>) {add = true}
        %dma_start3A_263 = arith.constant 1 : i32
        %dma_start3A_264 = arith.constant 0 : i32
        %dma_start3A_265 = tpu.memref_slice %arg9[%dma_start3A_263, %dma_start3A_264] : memref<4x128xi32, #tpu.memory_space<vmem>> -> memref<1x128xi32, #tpu.memory_space<vmem>>
        %dma_start3A_266 = tpu.memref_squeeze %dma_start3A_265 : memref<1x128xi32, #tpu.memory_space<vmem>> -> memref<128xi32, #tpu.memory_space<vmem>>
        %dma_start3A_267 = arith.constant 0 : i32
        %dma_start3A_268 = tpu.memref_slice %arg13[%dma_start3A_267] : memref<10240xf32, #tpu.memory_space<vmem_shared>> -> memref<10240xf32, #tpu.memory_space<vmem_shared>>
        tpu.enqueue_indirect_dma source(%arg11 : memref<128xf32, #tpu.memory_space<vmem>>) target(%dma_start3A_268 : memref<10240xf32, #tpu.memory_space<vmem_shared>>) offsets(%dma_start3A_266 : memref<128xi32, #tpu.memory_space<vmem>>) semaphore(%arg21 : memref<!tpu.dma_semaphore, #tpu.memory_space<semaphore_mem>>) {add = true}
      } else {
      }
      %mul3A_210 = arith.constant 4 : i32
      %mul3A_211 = arith.muli %mul3A_210, %while3A_116 : i32
      %add3A_212 = arith.constant 3 : i32
      %add3A_213 = arith.addi %mul3A_211, %add3A_212 : i32
      %ge3A_214 = arith.constant 2 : i32
      %ge3A_215 = arith.cmpi sge, %add3A_213, %ge3A_214 : i32
      %add3A_216 = arith.constant 2 : i32
      %add3A_217 = arith.addi %add3A_8, %add3A_216 : i32
      %lt3A_218 = arith.cmpi slt, %add3A_213, %add3A_217 : i32
      %and3A_219 = arith.andi %ge3A_215, %lt3A_218 : i1
      %convert_element_type3A_220 = arith.extui %and3A_219 : i1 to i32
      %cond3A_221 = arith.constant 0 : i32
      %cond3A_222 = arith.cmpi ne, %convert_element_type3A_220, %cond3A_221 : i32
      scf.if %cond3A_222 {
        %dma_wait3A = arith.constant 0 : i32
        %dma_wait3A_242 = arith.constant 0 : i32
        %dma_wait3A_243 = arith.constant 0 : i32
        %dma_wait3A_244 = tpu.memref_slice %arg10[%while3A_105, %dma_wait3A_242, %dma_wait3A_243] : memref<2x128x128xf32, #tpu.memory_space<vmem>> -> memref<1x128x128xf32, #tpu.memory_space<vmem>>
        %dma_wait3A_245 = tpu.memref_squeeze %dma_wait3A_244 : memref<1x128x128xf32, #tpu.memory_space<vmem>> -> memref<128x128xf32, #tpu.memory_space<vmem>>
        %dma_wait3A_246 = arith.constant 0 : i32
        %dma_wait3A_247 = tpu.memref_slice %arg9[%dma_wait3A, %dma_wait3A_246] : memref<4x128xi32, #tpu.memory_space<vmem>> -> memref<1x128xi32, #tpu.memory_space<vmem>>
        %dma_wait3A_248 = tpu.memref_squeeze %dma_wait3A_247 : memref<1x128xi32, #tpu.memory_space<vmem>> -> memref<128xi32, #tpu.memory_space<vmem>>
        %dma_wait3A_249 = arith.constant 0 : i32
        %dma_wait3A_250 = arith.constant 0 : i32
        %dma_wait3A_251 = tpu.memref_slice %arg12[%dma_wait3A_249, %dma_wait3A_250] : memref<10240x128xf32, #tpu.memory_space<vmem_shared>> -> memref<10240x128xf32, #tpu.memory_space<vmem_shared>>
        tpu.wait_indirect_dma semaphore(%arg21 : memref<!tpu.dma_semaphore, #tpu.memory_space<semaphore_mem>>) src(%dma_wait3A_245 : memref<128x128xf32, #tpu.memory_space<vmem>>) dst(%dma_wait3A_251 : memref<10240x128xf32, #tpu.memory_space<vmem_shared>>)
        %dma_wait3A_252 = arith.constant 0 : i32
        %dma_wait3A_253 = arith.constant 0 : i32
        %dma_wait3A_254 = tpu.memref_slice %arg9[%dma_wait3A_252, %dma_wait3A_253] : memref<4x128xi32, #tpu.memory_space<vmem>> -> memref<1x128xi32, #tpu.memory_space<vmem>>
        %dma_wait3A_255 = tpu.memref_squeeze %dma_wait3A_254 : memref<1x128xi32, #tpu.memory_space<vmem>> -> memref<128xi32, #tpu.memory_space<vmem>>
        %dma_wait3A_256 = arith.constant 0 : i32
        %dma_wait3A_257 = tpu.memref_slice %arg13[%dma_wait3A_256] : memref<10240xf32, #tpu.memory_space<vmem_shared>> -> memref<10240xf32, #tpu.memory_space<vmem_shared>>
        tpu.wait_indirect_dma semaphore(%arg21 : memref<!tpu.dma_semaphore, #tpu.memory_space<semaphore_mem>>) src(%arg11 : memref<128xf32, #tpu.memory_space<vmem>>) dst(%dma_wait3A_257 : memref<10240xf32, #tpu.memory_space<vmem_shared>>)
      } else {
      }
      %lt3A_223 = arith.cmpi slt, %add3A_213, %add3A_8 : i32
      %convert_element_type3A_224 = arith.extui %lt3A_223 : i1 to i32
      %cond3A_225 = arith.constant 0 : i32
      %cond3A_226 = arith.cmpi ne, %convert_element_type3A_224, %cond3A_225 : i32
      scf.if %cond3A_226 {
        %dma_wait3A = arith.constant 0 : i32
        %dma_wait3A_242 = arith.constant 3 : i32
        %dma_wait3A_243 = arith.constant 0 : i32
        %dma_wait3A_244 = tpu.memref_slice %arg8[%dma_wait3A_242, %dma_wait3A_243] : memref<4x128xi32, #tpu.memory_space<vmem>> -> memref<1x128xi32, #tpu.memory_space<vmem>>
        %dma_wait3A_245 = tpu.memref_squeeze %dma_wait3A_244 : memref<1x128xi32, #tpu.memory_space<vmem>> -> memref<128xi32, #tpu.memory_space<vmem>>
        %dma_wait3A_246 = arith.constant 0 : i32
        %dma_wait3A_247 = tpu.memref_slice %arg3[%dma_wait3A, %dma_wait3A_246] : memref<2x320000xi32, #tpu.memory_space<hbm>> -> memref<1x128xi32, #tpu.memory_space<hbm>>
        %dma_wait3A_248 = tpu.memref_squeeze %dma_wait3A_247 : memref<1x128xi32, #tpu.memory_space<hbm>> -> memref<128xi32, #tpu.memory_space<hbm>>
        %dma_wait3A_249 = arith.constant 0 : i32
        %dma_wait3A_250 = tpu.memref_slice %arg8[%dma_wait3A_242, %dma_wait3A_249] : memref<4x128xi32, #tpu.memory_space<vmem>> -> memref<1x128xi32, #tpu.memory_space<vmem>>
        %dma_wait3A_251 = tpu.memref_squeeze %dma_wait3A_250 : memref<1x128xi32, #tpu.memory_space<vmem>> -> memref<128xi32, #tpu.memory_space<vmem>>
        %dma_wait3A_252 = arith.constant 0 : i32
        %dma_wait3A_253 = tpu.memref_slice %arg3[%dma_wait3A, %dma_wait3A_252] : memref<2x320000xi32, #tpu.memory_space<hbm>> -> memref<1x128xi32, #tpu.memory_space<hbm>>
        %dma_wait3A_254 = tpu.memref_squeeze %dma_wait3A_253 : memref<1x128xi32, #tpu.memory_space<hbm>> -> memref<128xi32, #tpu.memory_space<hbm>>
        tpu.wait_dma2 semaphore(%arg17 : memref<!tpu.dma_semaphore, #tpu.memory_space<semaphore_mem>>) src(%dma_wait3A_254 : memref<128xi32, #tpu.memory_space<hbm>>) dst(%dma_wait3A_251 : memref<128xi32, #tpu.memory_space<vmem>>)
        %dma_wait3A_255 = arith.constant 1 : i32
        %dma_wait3A_256 = arith.constant 3 : i32
        %dma_wait3A_257 = arith.constant 0 : i32
        %dma_wait3A_258 = tpu.memref_slice %arg9[%dma_wait3A_256, %dma_wait3A_257] : memref<4x128xi32, #tpu.memory_space<vmem>> -> memref<1x128xi32, #tpu.memory_space<vmem>>
        %dma_wait3A_259 = tpu.memref_squeeze %dma_wait3A_258 : memref<1x128xi32, #tpu.memory_space<vmem>> -> memref<128xi32, #tpu.memory_space<vmem>>
        %dma_wait3A_260 = arith.constant 0 : i32
        %dma_wait3A_261 = tpu.memref_slice %arg3[%dma_wait3A_255, %dma_wait3A_260] : memref<2x320000xi32, #tpu.memory_space<hbm>> -> memref<1x128xi32, #tpu.memory_space<hbm>>
        %dma_wait3A_262 = tpu.memref_squeeze %dma_wait3A_261 : memref<1x128xi32, #tpu.memory_space<hbm>> -> memref<128xi32, #tpu.memory_space<hbm>>
        %dma_wait3A_263 = arith.constant 0 : i32
        %dma_wait3A_264 = tpu.memref_slice %arg9[%dma_wait3A_256, %dma_wait3A_263] : memref<4x128xi32, #tpu.memory_space<vmem>> -> memref<1x128xi32, #tpu.memory_space<vmem>>
        %dma_wait3A_265 = tpu.memref_squeeze %dma_wait3A_264 : memref<1x128xi32, #tpu.memory_space<vmem>> -> memref<128xi32, #tpu.memory_space<vmem>>
        %dma_wait3A_266 = arith.constant 0 : i32
        %dma_wait3A_267 = tpu.memref_slice %arg3[%dma_wait3A_255, %dma_wait3A_266] : memref<2x320000xi32, #tpu.memory_space<hbm>> -> memref<1x128xi32, #tpu.memory_space<hbm>>
        %dma_wait3A_268 = tpu.memref_squeeze %dma_wait3A_267 : memref<1x128xi32, #tpu.memory_space<hbm>> -> memref<128xi32, #tpu.memory_space<hbm>>
        tpu.wait_dma2 semaphore(%arg17 : memref<!tpu.dma_semaphore, #tpu.memory_space<semaphore_mem>>) src(%dma_wait3A_268 : memref<128xi32, #tpu.memory_space<hbm>>) dst(%dma_wait3A_265 : memref<128xi32, #tpu.memory_space<vmem>>)
        %dma_start3A_269 = arith.constant 3 : i32
        %dma_start3A_270 = arith.constant 0 : i32
        %dma_start3A_271 = arith.constant 0 : i32
        %dma_start3A_272 = tpu.memref_slice %arg10[%while3A_105, %dma_start3A_270, %dma_start3A_271] : memref<2x128x128xf32, #tpu.memory_space<vmem>> -> memref<1x128x128xf32, #tpu.memory_space<vmem>>
        %dma_start3A_273 = tpu.memref_squeeze %dma_start3A_272 : memref<1x128x128xf32, #tpu.memory_space<vmem>> -> memref<128x128xf32, #tpu.memory_space<vmem>>
        %dma_start3A_274 = arith.constant 0 : i32
        %dma_start3A_275 = tpu.memref_slice %arg8[%dma_start3A_269, %dma_start3A_274] : memref<4x128xi32, #tpu.memory_space<vmem>> -> memref<1x128xi32, #tpu.memory_space<vmem>>
        %dma_start3A_276 = tpu.memref_squeeze %dma_start3A_275 : memref<1x128xi32, #tpu.memory_space<vmem>> -> memref<128xi32, #tpu.memory_space<vmem>>
        %dma_start3A_277 = arith.constant 0 : i32
        %dma_start3A_278 = arith.constant 0 : i32
        %dma_start3A_279 = tpu.memref_slice %arg2[%dma_start3A_277, %dma_start3A_278] : memref<10240x128xf32, #tpu.memory_space<hbm>> -> memref<10240x128xf32, #tpu.memory_space<hbm>>
        tpu.enqueue_indirect_dma source(%dma_start3A_279 : memref<10240x128xf32, #tpu.memory_space<hbm>>) target(%dma_start3A_273 : memref<128x128xf32, #tpu.memory_space<vmem>>) offsets(%dma_start3A_276 : memref<128xi32, #tpu.memory_space<vmem>>) semaphore(%arg19 : memref<!tpu.dma_semaphore, #tpu.memory_space<semaphore_mem>>)
      } else {
      }
      %add3A_227 = arith.constant 1 : i32
      %add3A_228 = arith.addi %add3A_213, %add3A_227 : i32
      %lt3A_229 = arith.cmpi slt, %add3A_228, %add3A_8 : i32
      %convert_element_type3A_230 = arith.extui %lt3A_229 : i1 to i32
      %cond3A_231 = arith.constant 0 : i32
      %cond3A_232 = arith.cmpi ne, %convert_element_type3A_230, %cond3A_231 : i32
      scf.if %cond3A_232 {
        %add3A_242 = arith.constant 1 : i32
        %add3A_243 = arith.addi %add3A_213, %add3A_242 : i32
        %add3A_244 = arith.addi %add3A_4, %add3A_243 : i32
        %mul3A_245 = arith.constant 128 : i32
        %mul3A_246 = arith.muli %add3A_244, %mul3A_245 : i32
        %multiple_of3A_247 = tpu.assume_multiple %mul3A_246, 128 : i32
        %dma_start3A_248 = arith.constant 0 : i32
        %dma_start3A_249 = arith.constant 0 : i32
        %dma_start3A_250 = arith.constant 0 : i32
        %dma_start3A_251 = tpu.memref_slice %arg8[%dma_start3A_249, %dma_start3A_250] : memref<4x128xi32, #tpu.memory_space<vmem>> -> memref<1x128xi32, #tpu.memory_space<vmem>>
        %dma_start3A_252 = tpu.memref_squeeze %dma_start3A_251 : memref<1x128xi32, #tpu.memory_space<vmem>> -> memref<128xi32, #tpu.memory_space<vmem>>
        %dma_start3A_253 = tpu.memref_slice %arg3[%dma_start3A_248, %multiple_of3A_247] : memref<2x320000xi32, #tpu.memory_space<hbm>> -> memref<1x128xi32, #tpu.memory_space<hbm>>
        %dma_start3A_254 = tpu.memref_squeeze %dma_start3A_253 : memref<1x128xi32, #tpu.memory_space<hbm>> -> memref<128xi32, #tpu.memory_space<hbm>>
        %dma_start3A_255 = arith.constant 0 : i32
        %dma_start3A_256 = tpu.memref_slice %arg8[%dma_start3A_249, %dma_start3A_255] : memref<4x128xi32, #tpu.memory_space<vmem>> -> memref<1x128xi32, #tpu.memory_space<vmem>>
        %dma_start3A_257 = tpu.memref_squeeze %dma_start3A_256 : memref<1x128xi32, #tpu.memory_space<vmem>> -> memref<128xi32, #tpu.memory_space<vmem>>
        %dma_start3A_258 = tpu.memref_slice %arg3[%dma_start3A_248, %multiple_of3A_247] : memref<2x320000xi32, #tpu.memory_space<hbm>> -> memref<1x128xi32, #tpu.memory_space<hbm>>
        %dma_start3A_259 = tpu.memref_squeeze %dma_start3A_258 : memref<1x128xi32, #tpu.memory_space<hbm>> -> memref<128xi32, #tpu.memory_space<hbm>>
        tpu.enqueue_dma source(%dma_start3A_259 : memref<128xi32, #tpu.memory_space<hbm>>) target(%dma_start3A_257 : memref<128xi32, #tpu.memory_space<vmem>>) target_semaphore(%arg14 : memref<!tpu.dma_semaphore, #tpu.memory_space<semaphore_mem>>)
        %dma_start3A_260 = arith.constant 1 : i32
        %dma_start3A_261 = arith.constant 0 : i32
        %dma_start3A_262 = arith.constant 0 : i32
        %dma_start3A_263 = tpu.memref_slice %arg9[%dma_start3A_261, %dma_start3A_262] : memref<4x128xi32, #tpu.memory_space<vmem>> -> memref<1x128xi32, #tpu.memory_space<vmem>>
        %dma_start3A_264 = tpu.memref_squeeze %dma_start3A_263 : memref<1x128xi32, #tpu.memory_space<vmem>> -> memref<128xi32, #tpu.memory_space<vmem>>
        %dma_start3A_265 = tpu.memref_slice %arg3[%dma_start3A_260, %multiple_of3A_247] : memref<2x320000xi32, #tpu.memory_space<hbm>> -> memref<1x128xi32, #tpu.memory_space<hbm>>
        %dma_start3A_266 = tpu.memref_squeeze %dma_start3A_265 : memref<1x128xi32, #tpu.memory_space<hbm>> -> memref<128xi32, #tpu.memory_space<hbm>>
        %dma_start3A_267 = arith.constant 0 : i32
        %dma_start3A_268 = tpu.memref_slice %arg9[%dma_start3A_261, %dma_start3A_267] : memref<4x128xi32, #tpu.memory_space<vmem>> -> memref<1x128xi32, #tpu.memory_space<vmem>>
        %dma_start3A_269 = tpu.memref_squeeze %dma_start3A_268 : memref<1x128xi32, #tpu.memory_space<vmem>> -> memref<128xi32, #tpu.memory_space<vmem>>
        %dma_start3A_270 = tpu.memref_slice %arg3[%dma_start3A_260, %multiple_of3A_247] : memref<2x320000xi32, #tpu.memory_space<hbm>> -> memref<1x128xi32, #tpu.memory_space<hbm>>
        %dma_start3A_271 = tpu.memref_squeeze %dma_start3A_270 : memref<1x128xi32, #tpu.memory_space<hbm>> -> memref<128xi32, #tpu.memory_space<hbm>>
        tpu.enqueue_dma source(%dma_start3A_271 : memref<128xi32, #tpu.memory_space<hbm>>) target(%dma_start3A_269 : memref<128xi32, #tpu.memory_space<vmem>>) target_semaphore(%arg14 : memref<!tpu.dma_semaphore, #tpu.memory_space<semaphore_mem>>)
      } else {
      }
      %ge3A_233 = arith.constant 1 : i32
      %ge3A_234 = arith.cmpi sge, %add3A_213, %ge3A_233 : i32
      %add3A_235 = arith.constant 1 : i32
      %add3A_236 = arith.addi %add3A_8, %add3A_235 : i32
      %lt3A_237 = arith.cmpi slt, %add3A_213, %add3A_236 : i32
      %and3A_238 = arith.andi %ge3A_234, %lt3A_237 : i1
      %convert_element_type3A_239 = arith.extui %and3A_238 : i1 to i32
      %cond3A_240 = arith.constant 0 : i32
      %cond3A_241 = arith.cmpi ne, %convert_element_type3A_239, %cond3A_240 : i32
      scf.if %cond3A_241 {
        %dma_wait3A = arith.constant 0 : i32
        %dma_wait3A_242 = arith.constant 0 : i32
        %dma_wait3A_243 = arith.constant 0 : i32
        %dma_wait3A_244 = tpu.memref_slice %arg10[%while3A_104, %dma_wait3A_242, %dma_wait3A_243] : memref<2x128x128xf32, #tpu.memory_space<vmem>> -> memref<1x128x128xf32, #tpu.memory_space<vmem>>
        %dma_wait3A_245 = tpu.memref_squeeze %dma_wait3A_244 : memref<1x128x128xf32, #tpu.memory_space<vmem>> -> memref<128x128xf32, #tpu.memory_space<vmem>>
        %dma_wait3A_246 = arith.constant 0 : i32
        %dma_wait3A_247 = tpu.memref_slice %arg8[%dma_wait3A, %dma_wait3A_246] : memref<4x128xi32, #tpu.memory_space<vmem>> -> memref<1x128xi32, #tpu.memory_space<vmem>>
        %dma_wait3A_248 = tpu.memref_squeeze %dma_wait3A_247 : memref<1x128xi32, #tpu.memory_space<vmem>> -> memref<128xi32, #tpu.memory_space<vmem>>
        %dma_wait3A_249 = arith.constant 0 : i32
        %dma_wait3A_250 = arith.constant 0 : i32
        %dma_wait3A_251 = tpu.memref_slice %arg2[%dma_wait3A_249, %dma_wait3A_250] : memref<10240x128xf32, #tpu.memory_space<hbm>> -> memref<10240x128xf32, #tpu.memory_space<hbm>>
        tpu.wait_indirect_dma semaphore(%arg18 : memref<!tpu.dma_semaphore, #tpu.memory_space<semaphore_mem>>) src(%dma_wait3A_251 : memref<10240x128xf32, #tpu.memory_space<hbm>>) dst(%dma_wait3A_245 : memref<128x128xf32, #tpu.memory_space<vmem>>)
        %dma_start3A_252 = arith.constant 2 : i32
        %dma_start3A_253 = arith.constant 0 : i32
        %dma_start3A_254 = arith.constant 0 : i32
        %dma_start3A_255 = tpu.memref_slice %arg10[%while3A_104, %dma_start3A_253, %dma_start3A_254] : memref<2x128x128xf32, #tpu.memory_space<vmem>> -> memref<1x128x128xf32, #tpu.memory_space<vmem>>
        %dma_start3A_256 = tpu.memref_squeeze %dma_start3A_255 : memref<1x128x128xf32, #tpu.memory_space<vmem>> -> memref<128x128xf32, #tpu.memory_space<vmem>>
        %dma_start3A_257 = arith.constant 0 : i32
        %dma_start3A_258 = tpu.memref_slice %arg9[%dma_start3A_252, %dma_start3A_257] : memref<4x128xi32, #tpu.memory_space<vmem>> -> memref<1x128xi32, #tpu.memory_space<vmem>>
        %dma_start3A_259 = tpu.memref_squeeze %dma_start3A_258 : memref<1x128xi32, #tpu.memory_space<vmem>> -> memref<128xi32, #tpu.memory_space<vmem>>
        %dma_start3A_260 = arith.constant 0 : i32
        %dma_start3A_261 = arith.constant 0 : i32
        %dma_start3A_262 = tpu.memref_slice %arg12[%dma_start3A_260, %dma_start3A_261] : memref<10240x128xf32, #tpu.memory_space<vmem_shared>> -> memref<10240x128xf32, #tpu.memory_space<vmem_shared>>
        tpu.enqueue_indirect_dma source(%dma_start3A_256 : memref<128x128xf32, #tpu.memory_space<vmem>>) target(%dma_start3A_262 : memref<10240x128xf32, #tpu.memory_space<vmem_shared>>) offsets(%dma_start3A_259 : memref<128xi32, #tpu.memory_space<vmem>>) semaphore(%arg20 : memref<!tpu.dma_semaphore, #tpu.memory_space<semaphore_mem>>) {add = true}
        %dma_start3A_263 = arith.constant 2 : i32
        %dma_start3A_264 = arith.constant 0 : i32
        %dma_start3A_265 = tpu.memref_slice %arg9[%dma_start3A_263, %dma_start3A_264] : memref<4x128xi32, #tpu.memory_space<vmem>> -> memref<1x128xi32, #tpu.memory_space<vmem>>
        %dma_start3A_266 = tpu.memref_squeeze %dma_start3A_265 : memref<1x128xi32, #tpu.memory_space<vmem>> -> memref<128xi32, #tpu.memory_space<vmem>>
        %dma_start3A_267 = arith.constant 0 : i32
        %dma_start3A_268 = tpu.memref_slice %arg13[%dma_start3A_267] : memref<10240xf32, #tpu.memory_space<vmem_shared>> -> memref<10240xf32, #tpu.memory_space<vmem_shared>>
        tpu.enqueue_indirect_dma source(%arg11 : memref<128xf32, #tpu.memory_space<vmem>>) target(%dma_start3A_268 : memref<10240xf32, #tpu.memory_space<vmem_shared>>) offsets(%dma_start3A_266 : memref<128xi32, #tpu.memory_space<vmem>>) semaphore(%arg20 : memref<!tpu.dma_semaphore, #tpu.memory_space<semaphore_mem>>) {add = true}
      } else {
      }
    }
    %barrier3A_115 = arith.constant 0 : index
    tpu.barrier barrier_id(%barrier3A_115)
    "tpu.region"() ({
      %run_scoped3A = tpu.sem_alloc : memref<!tpu.dma_semaphore, #tpu.memory_space<semaphore_mem>>
      %dma_start3A_116 = arith.constant 0 : i32
      %dma_start3A_117 = tpu.memref_slice %arg6[%arg0, %mul3A_10, %dma_start3A_116] : memref<2x10240x128xf32, #tpu.memory_space<hbm>> -> memref<1x640x128xf32, #tpu.memory_space<hbm>>
      %dma_start3A_118 = tpu.memref_squeeze %dma_start3A_117 : memref<1x640x128xf32, #tpu.memory_space<hbm>> -> memref<640x128xf32, #tpu.memory_space<hbm>>
      %dma_start3A_119 = arith.constant 0 : i32
      %dma_start3A_120 = tpu.memref_slice %arg12[%mul3A_10, %dma_start3A_119] : memref<10240x128xf32, #tpu.memory_space<vmem_shared>> -> memref<640x128xf32, #tpu.memory_space<vmem_shared>>
      tpu.enqueue_dma source(%dma_start3A_120 : memref<640x128xf32, #tpu.memory_space<vmem_shared>>) target(%dma_start3A_118 : memref<640x128xf32, #tpu.memory_space<hbm>>) target_semaphore(%run_scoped3A : memref<!tpu.dma_semaphore, #tpu.memory_space<semaphore_mem>>)
      %dma_wait3A = arith.constant 0 : i32
      %dma_wait3A_121 = tpu.memref_slice %arg6[%arg0, %mul3A_10, %dma_wait3A] : memref<2x10240x128xf32, #tpu.memory_space<hbm>> -> memref<1x640x128xf32, #tpu.memory_space<hbm>>
      %dma_wait3A_122 = tpu.memref_squeeze %dma_wait3A_121 : memref<1x640x128xf32, #tpu.memory_space<hbm>> -> memref<640x128xf32, #tpu.memory_space<hbm>>
      %dma_wait3A_123 = arith.constant 0 : i32
      %dma_wait3A_124 = tpu.memref_slice %arg12[%mul3A_10, %dma_wait3A_123] : memref<10240x128xf32, #tpu.memory_space<vmem_shared>> -> memref<640x128xf32, #tpu.memory_space<vmem_shared>>
      tpu.wait_dma2 semaphore(%run_scoped3A : memref<!tpu.dma_semaphore, #tpu.memory_space<semaphore_mem>>) src(%dma_wait3A_124 : memref<640x128xf32, #tpu.memory_space<vmem_shared>>) dst(%dma_wait3A_122 : memref<640x128xf32, #tpu.memory_space<hbm>>)
      tpu.yield
    }) : () -> ()
    "tpu.region"() ({
      %run_scoped3A = tpu.sem_alloc : memref<!tpu.dma_semaphore, #tpu.memory_space<semaphore_mem>>
      %dma_start3A_116 = tpu.memref_slice %arg7[%arg0, %mul3A_10] : memref<2x10240xf32, #tpu.memory_space<hbm>> -> memref<1x640xf32, #tpu.memory_space<hbm>>
      %dma_start3A_117 = tpu.memref_squeeze %dma_start3A_116 : memref<1x640xf32, #tpu.memory_space<hbm>> -> memref<640xf32, #tpu.memory_space<hbm>>
      %dma_start3A_118 = tpu.memref_slice %arg13[%mul3A_10] : memref<10240xf32, #tpu.memory_space<vmem_shared>> -> memref<640xf32, #tpu.memory_space<vmem_shared>>
      tpu.enqueue_dma source(%dma_start3A_118 : memref<640xf32, #tpu.memory_space<vmem_shared>>) target(%dma_start3A_117 : memref<640xf32, #tpu.memory_space<hbm>>) target_semaphore(%run_scoped3A : memref<!tpu.dma_semaphore, #tpu.memory_space<semaphore_mem>>)
      %dma_wait3A = tpu.memref_slice %arg7[%arg0, %mul3A_10] : memref<2x10240xf32, #tpu.memory_space<hbm>> -> memref<1x640xf32, #tpu.memory_space<hbm>>
      %dma_wait3A_119 = tpu.memref_squeeze %dma_wait3A : memref<1x640xf32, #tpu.memory_space<hbm>> -> memref<640xf32, #tpu.memory_space<hbm>>
      %dma_wait3A_120 = tpu.memref_slice %arg13[%mul3A_10] : memref<10240xf32, #tpu.memory_space<vmem_shared>> -> memref<640xf32, #tpu.memory_space<vmem_shared>>
      tpu.wait_dma2 semaphore(%run_scoped3A : memref<!tpu.dma_semaphore, #tpu.memory_space<semaphore_mem>>) src(%dma_wait3A_120 : memref<640xf32, #tpu.memory_space<vmem_shared>>) dst(%dma_wait3A_119 : memref<640xf32, #tpu.memory_space<hbm>>)
      tpu.yield
    }) : () -> ()
    return
  }
}

#map = affine_map<(d0, d1) -> (0, 0)>
#map1 = affine_map<(d0, d1) -> (0, 0, 0)>
module attributes {stable_mosaic.version = 14 : i64} {
  func.func @_mp_body(%arg0: i32, %arg1: i32, %arg2: memref<10240x128xf32, #tpu.memory_space<hbm>>, %arg3: memref<2x320000xi32, #tpu.memory_space<hbm>>, %arg4: memref<640x128xf32, #tpu.memory_space<hbm>>, %arg5: memref<2x10240x128xf32, #tpu.memory_space<hbm>>, %arg6: memref<4x128xi32, #tpu.memory_space<vmem>>, %arg7: memref<4x128xi32, #tpu.memory_space<vmem>>, %arg8: memref<2x128x128xf32, #tpu.memory_space<vmem>>, %arg9: memref<10240x128xf32, #tpu.memory_space<vmem_shared>>, %arg10: memref<!tpu.dma_semaphore, #tpu.memory_space<semaphore_mem>>, %arg11: memref<!tpu.dma_semaphore, #tpu.memory_space<semaphore_mem>>, %arg12: memref<!tpu.dma_semaphore, #tpu.memory_space<semaphore_mem>>, %arg13: memref<!tpu.dma_semaphore, #tpu.memory_space<semaphore_mem>>, %arg14: memref<!tpu.dma_semaphore, #tpu.memory_space<semaphore_mem>>, %arg15: memref<!tpu.dma_semaphore, #tpu.memory_space<semaphore_mem>>, %arg16: memref<!tpu.dma_semaphore, #tpu.memory_space<semaphore_mem>>, %arg17: memref<!tpu.dma_semaphore, #tpu.memory_space<semaphore_mem>>) attributes {dimension_semantics = [#tpu.dimension_semantics<core_parallel>, #tpu.dimension_semantics<subcore_parallel>], iteration_bounds = array<i64: 2, 16>, scalar_prefetch = 0 : i64, scratch_operands = 12 : i64, tpu.core_type = #tpu.core_type<sc_vector_subcore>, window_params = [{transform_indices = #map}, {transform_indices = #map}, {transform_indices = #map}, {transform_indices = #map1}]} {
    %mul3A = arith.constant 2 : i32
    %mul3A_0 = arith.muli %arg1, %mul3A : i32
    %add3A = arith.addi %mul3A_0, %arg0 : i32
    %mul3A_1 = arith.constant 78 : i32
    %mul3A_2 = arith.muli %add3A, %mul3A_1 : i32
    %min3A = arith.constant 4 : i32
    %min3A_3 = arith.minsi %add3A, %min3A : i32
    %add3A_4 = arith.addi %mul3A_2, %min3A_3 : i32
    %lt3A = arith.constant 4 : i32
    %lt3A_5 = arith.cmpi slt, %add3A, %lt3A : i32
    %jit3A = arith.constant 1 : i32
    %jit3A_6 = arith.constant 0 : i32
    %select_n3A = arith.select %lt3A_5, %jit3A, %jit3A_6 : i32
    %add3A_7 = arith.constant 78 : i32
    %add3A_8 = arith.addi %add3A_7, %select_n3A : i32
    %mul3A_9 = arith.constant 640 : i32
    %mul3A_10 = arith.muli %arg1, %mul3A_9 : i32
    "tpu.region"() ({
      %run_scoped3A = tpu.sem_alloc : memref<!tpu.dma_semaphore, #tpu.memory_space<semaphore_mem>>
      %dma_start3A_70 = arith.constant 0 : i32
      %dma_start3A_71 = tpu.memref_slice %arg9[%mul3A_10, %dma_start3A_70] : memref<10240x128xf32, #tpu.memory_space<vmem_shared>> -> memref<640x128xf32, #tpu.memory_space<vmem_shared>>
      tpu.enqueue_dma source(%arg4 : memref<640x128xf32, #tpu.memory_space<hbm>>) target(%dma_start3A_71 : memref<640x128xf32, #tpu.memory_space<vmem_shared>>) target_semaphore(%run_scoped3A : memref<!tpu.dma_semaphore, #tpu.memory_space<semaphore_mem>>)
      %dma_wait3A = arith.constant 0 : i32
      %dma_wait3A_72 = tpu.memref_slice %arg9[%mul3A_10, %dma_wait3A] : memref<10240x128xf32, #tpu.memory_space<vmem_shared>> -> memref<640x128xf32, #tpu.memory_space<vmem_shared>>
      tpu.wait_dma2 semaphore(%run_scoped3A : memref<!tpu.dma_semaphore, #tpu.memory_space<semaphore_mem>>) src(%arg4 : memref<640x128xf32, #tpu.memory_space<hbm>>) dst(%dma_wait3A_72 : memref<640x128xf32, #tpu.memory_space<vmem_shared>>)
      tpu.yield
    }) : () -> ()
    %barrier3A = arith.constant 0 : index
    tpu.barrier barrier_id(%barrier3A)
    %add3A_11 = arith.constant 0 : i32
    %add3A_12 = arith.addi %add3A_4, %add3A_11 : i32
    %mul3A_13 = arith.constant 128 : i32
    %mul3A_14 = arith.muli %add3A_12, %mul3A_13 : i32
    %multiple_of3A = tpu.assume_multiple %mul3A_14, 128 : i32
    %dma_start3A = arith.constant 0 : i32
    %dma_start3A_15 = arith.constant 0 : i32
    %dma_start3A_16 = arith.constant 0 : i32
    %dma_start3A_17 = tpu.memref_slice %arg6[%dma_start3A_15, %dma_start3A_16] : memref<4x128xi32, #tpu.memory_space<vmem>> -> memref<1x128xi32, #tpu.memory_space<vmem>>
    %dma_start3A_18 = tpu.memref_squeeze %dma_start3A_17 : memref<1x128xi32, #tpu.memory_space<vmem>> -> memref<128xi32, #tpu.memory_space<vmem>>
    %dma_start3A_19 = tpu.memref_slice %arg3[%dma_start3A, %multiple_of3A] : memref<2x320000xi32, #tpu.memory_space<hbm>> -> memref<1x128xi32, #tpu.memory_space<hbm>>
    %dma_start3A_20 = tpu.memref_squeeze %dma_start3A_19 : memref<1x128xi32, #tpu.memory_space<hbm>> -> memref<128xi32, #tpu.memory_space<hbm>>
    %dma_start3A_21 = arith.constant 0 : i32
    %dma_start3A_22 = tpu.memref_slice %arg6[%dma_start3A_15, %dma_start3A_21] : memref<4x128xi32, #tpu.memory_space<vmem>> -> memref<1x128xi32, #tpu.memory_space<vmem>>
    %dma_start3A_23 = tpu.memref_squeeze %dma_start3A_22 : memref<1x128xi32, #tpu.memory_space<vmem>> -> memref<128xi32, #tpu.memory_space<vmem>>
    %dma_start3A_24 = tpu.memref_slice %arg3[%dma_start3A, %multiple_of3A] : memref<2x320000xi32, #tpu.memory_space<hbm>> -> memref<1x128xi32, #tpu.memory_space<hbm>>
    %dma_start3A_25 = tpu.memref_squeeze %dma_start3A_24 : memref<1x128xi32, #tpu.memory_space<hbm>> -> memref<128xi32, #tpu.memory_space<hbm>>
    tpu.enqueue_dma source(%dma_start3A_25 : memref<128xi32, #tpu.memory_space<hbm>>) target(%dma_start3A_23 : memref<128xi32, #tpu.memory_space<vmem>>) target_semaphore(%arg10 : memref<!tpu.dma_semaphore, #tpu.memory_space<semaphore_mem>>)
    %dma_start3A_26 = arith.constant 1 : i32
    %dma_start3A_27 = arith.constant 0 : i32
    %dma_start3A_28 = arith.constant 0 : i32
    %dma_start3A_29 = tpu.memref_slice %arg7[%dma_start3A_27, %dma_start3A_28] : memref<4x128xi32, #tpu.memory_space<vmem>> -> memref<1x128xi32, #tpu.memory_space<vmem>>
    %dma_start3A_30 = tpu.memref_squeeze %dma_start3A_29 : memref<1x128xi32, #tpu.memory_space<vmem>> -> memref<128xi32, #tpu.memory_space<vmem>>
    %dma_start3A_31 = tpu.memref_slice %arg3[%dma_start3A_26, %multiple_of3A] : memref<2x320000xi32, #tpu.memory_space<hbm>> -> memref<1x128xi32, #tpu.memory_space<hbm>>
    %dma_start3A_32 = tpu.memref_squeeze %dma_start3A_31 : memref<1x128xi32, #tpu.memory_space<hbm>> -> memref<128xi32, #tpu.memory_space<hbm>>
    %dma_start3A_33 = arith.constant 0 : i32
    %dma_start3A_34 = tpu.memref_slice %arg7[%dma_start3A_27, %dma_start3A_33] : memref<4x128xi32, #tpu.memory_space<vmem>> -> memref<1x128xi32, #tpu.memory_space<vmem>>
    %dma_start3A_35 = tpu.memref_squeeze %dma_start3A_34 : memref<1x128xi32, #tpu.memory_space<vmem>> -> memref<128xi32, #tpu.memory_space<vmem>>
    %dma_start3A_36 = tpu.memref_slice %arg3[%dma_start3A_26, %multiple_of3A] : memref<2x320000xi32, #tpu.memory_space<hbm>> -> memref<1x128xi32, #tpu.memory_space<hbm>>
    %dma_start3A_37 = tpu.memref_squeeze %dma_start3A_36 : memref<1x128xi32, #tpu.memory_space<hbm>> -> memref<128xi32, #tpu.memory_space<hbm>>
    tpu.enqueue_dma source(%dma_start3A_37 : memref<128xi32, #tpu.memory_space<hbm>>) target(%dma_start3A_35 : memref<128xi32, #tpu.memory_space<vmem>>) target_semaphore(%arg10 : memref<!tpu.dma_semaphore, #tpu.memory_space<semaphore_mem>>)
    %add3A_38 = arith.constant 5 : i32
    %add3A_39 = arith.addi %add3A_8, %add3A_38 : i32
    %jit3A_40 = arith.constant 4 : i32
    %div3A = arith.divsi %add3A_39, %jit3A_40 : i32
    %sign3A = arith.constant 0 : i32
    %sign3A_41 = arith.cmpi sgt, %add3A_39, %sign3A : i32
    %sign3A_42 = arith.extui %sign3A_41 : i1 to i32
    %sign3A_43 = arith.constant 0 : i32
    %sign3A_44 = arith.cmpi slt, %add3A_39, %sign3A_43 : i32
    %sign3A_45 = arith.extui %sign3A_44 : i1 to i32
    %sign3A_46 = arith.subi %sign3A_42, %sign3A_45 : i32
    %sign3A_47 = arith.constant 0 : i32
    %sign3A_48 = arith.cmpi sgt, %jit3A_40, %sign3A_47 : i32
    %sign3A_49 = arith.extui %sign3A_48 : i1 to i32
    %sign3A_50 = arith.constant 0 : i32
    %sign3A_51 = arith.cmpi slt, %jit3A_40, %sign3A_50 : i32
    %sign3A_52 = arith.extui %sign3A_51 : i1 to i32
    %sign3A_53 = arith.subi %sign3A_49, %sign3A_52 : i32
    %ne3A = arith.cmpi ne, %sign3A_46, %sign3A_53 : i32
    %rem3A = arith.remsi %add3A_39, %jit3A_40 : i32
    %ne3A_54 = arith.constant 0 : i32
    %ne3A_55 = arith.cmpi ne, %rem3A, %ne3A_54 : i32
    %and3A = arith.andi %ne3A, %ne3A_55 : i1
    %sub3A = arith.constant 1 : i32
    %sub3A_56 = arith.subi %div3A, %sub3A : i32
    %select_n3A_57 = arith.select %and3A, %sub3A_56, %div3A : i32
    %while3A = arith.constant 0 : i32
    %while3A_58 = arith.constant 0 : i32
    %while3A_59 = arith.constant 1 : i32
    %while3A_60 = arith.constant 0 : i32
    %while3A_61 = arith.subi %select_n3A_57, %while3A_60 : i32
    %while3A_62 = arith.addi %while3A_60, %while3A_61 : i32
    %while3A_63 = arith.constant 1 : i32
    %while3A_64 = arith.divsi %while3A_61, %while3A_63 : i32
    %while3A_65 = arith.muli %while3A_64, %while3A_63 : i32
    %while3A_66 = arith.addi %while3A_60, %while3A_65 : i32
    %while3A_67 = arith.constant 1 : i32
    scf.for %while3A_70 = %while3A_60 to %while3A_66 step %while3A_67  : i32 {
      %mul3A_71 = arith.constant 4 : i32
      %mul3A_72 = arith.muli %mul3A_71, %while3A_70 : i32
      %add3A_73 = arith.constant 0 : i32
      %add3A_74 = arith.addi %mul3A_72, %add3A_73 : i32
      %ge3A = arith.constant 2 : i32
      %ge3A_75 = arith.cmpi sge, %add3A_74, %ge3A : i32
      %add3A_76 = arith.constant 2 : i32
      %add3A_77 = arith.addi %add3A_8, %add3A_76 : i32
      %lt3A_78 = arith.cmpi slt, %add3A_74, %add3A_77 : i32
      %and3A_79 = arith.andi %ge3A_75, %lt3A_78 : i1
      %convert_element_type3A = arith.extui %and3A_79 : i1 to i32
      %cond3A = arith.constant 0 : i32
      %cond3A_80 = arith.cmpi ne, %convert_element_type3A, %cond3A : i32
      scf.if %cond3A_80 {
        %dma_wait3A = arith.constant 0 : i32
        %dma_wait3A_196 = arith.constant 0 : i32
        %dma_wait3A_197 = arith.constant 0 : i32
        %dma_wait3A_198 = tpu.memref_slice %arg8[%while3A_58, %dma_wait3A_196, %dma_wait3A_197] : memref<2x128x128xf32, #tpu.memory_space<vmem>> -> memref<1x128x128xf32, #tpu.memory_space<vmem>>
        %dma_wait3A_199 = tpu.memref_squeeze %dma_wait3A_198 : memref<1x128x128xf32, #tpu.memory_space<vmem>> -> memref<128x128xf32, #tpu.memory_space<vmem>>
        %dma_wait3A_200 = arith.constant 0 : i32
        %dma_wait3A_201 = tpu.memref_slice %arg7[%dma_wait3A, %dma_wait3A_200] : memref<4x128xi32, #tpu.memory_space<vmem>> -> memref<1x128xi32, #tpu.memory_space<vmem>>
        %dma_wait3A_202 = tpu.memref_squeeze %dma_wait3A_201 : memref<1x128xi32, #tpu.memory_space<vmem>> -> memref<128xi32, #tpu.memory_space<vmem>>
        %dma_wait3A_203 = arith.constant 0 : i32
        %dma_wait3A_204 = arith.constant 0 : i32
        %dma_wait3A_205 = tpu.memref_slice %arg9[%dma_wait3A_203, %dma_wait3A_204] : memref<10240x128xf32, #tpu.memory_space<vmem_shared>> -> memref<10240x128xf32, #tpu.memory_space<vmem_shared>>
        tpu.wait_indirect_dma semaphore(%arg16 : memref<!tpu.dma_semaphore, #tpu.memory_space<semaphore_mem>>) src(%dma_wait3A_199 : memref<128x128xf32, #tpu.memory_space<vmem>>) dst(%dma_wait3A_205 : memref<10240x128xf32, #tpu.memory_space<vmem_shared>>)
      } else {
      }
      %lt3A_81 = arith.cmpi slt, %add3A_74, %add3A_8 : i32
      %convert_element_type3A_82 = arith.extui %lt3A_81 : i1 to i32
      %cond3A_83 = arith.constant 0 : i32
      %cond3A_84 = arith.cmpi ne, %convert_element_type3A_82, %cond3A_83 : i32
      scf.if %cond3A_84 {
        %dma_wait3A = arith.constant 0 : i32
        %dma_wait3A_196 = arith.constant 0 : i32
        %dma_wait3A_197 = arith.constant 0 : i32
        %dma_wait3A_198 = tpu.memref_slice %arg6[%dma_wait3A_196, %dma_wait3A_197] : memref<4x128xi32, #tpu.memory_space<vmem>> -> memref<1x128xi32, #tpu.memory_space<vmem>>
        %dma_wait3A_199 = tpu.memref_squeeze %dma_wait3A_198 : memref<1x128xi32, #tpu.memory_space<vmem>> -> memref<128xi32, #tpu.memory_space<vmem>>
        %dma_wait3A_200 = arith.constant 0 : i32
        %dma_wait3A_201 = tpu.memref_slice %arg3[%dma_wait3A, %dma_wait3A_200] : memref<2x320000xi32, #tpu.memory_space<hbm>> -> memref<1x128xi32, #tpu.memory_space<hbm>>
        %dma_wait3A_202 = tpu.memref_squeeze %dma_wait3A_201 : memref<1x128xi32, #tpu.memory_space<hbm>> -> memref<128xi32, #tpu.memory_space<hbm>>
        %dma_wait3A_203 = arith.constant 0 : i32
        %dma_wait3A_204 = tpu.memref_slice %arg6[%dma_wait3A_196, %dma_wait3A_203] : memref<4x128xi32, #tpu.memory_space<vmem>> -> memref<1x128xi32, #tpu.memory_space<vmem>>
        %dma_wait3A_205 = tpu.memref_squeeze %dma_wait3A_204 : memref<1x128xi32, #tpu.memory_space<vmem>> -> memref<128xi32, #tpu.memory_space<vmem>>
        %dma_wait3A_206 = arith.constant 0 : i32
        %dma_wait3A_207 = tpu.memref_slice %arg3[%dma_wait3A, %dma_wait3A_206] : memref<2x320000xi32, #tpu.memory_space<hbm>> -> memref<1x128xi32, #tpu.memory_space<hbm>>
        %dma_wait3A_208 = tpu.memref_squeeze %dma_wait3A_207 : memref<1x128xi32, #tpu.memory_space<hbm>> -> memref<128xi32, #tpu.memory_space<hbm>>
        tpu.wait_dma2 semaphore(%arg10 : memref<!tpu.dma_semaphore, #tpu.memory_space<semaphore_mem>>) src(%dma_wait3A_208 : memref<128xi32, #tpu.memory_space<hbm>>) dst(%dma_wait3A_205 : memref<128xi32, #tpu.memory_space<vmem>>)
        %dma_wait3A_209 = arith.constant 1 : i32
        %dma_wait3A_210 = arith.constant 0 : i32
        %dma_wait3A_211 = arith.constant 0 : i32
        %dma_wait3A_212 = tpu.memref_slice %arg7[%dma_wait3A_210, %dma_wait3A_211] : memref<4x128xi32, #tpu.memory_space<vmem>> -> memref<1x128xi32, #tpu.memory_space<vmem>>
        %dma_wait3A_213 = tpu.memref_squeeze %dma_wait3A_212 : memref<1x128xi32, #tpu.memory_space<vmem>> -> memref<128xi32, #tpu.memory_space<vmem>>
        %dma_wait3A_214 = arith.constant 0 : i32
        %dma_wait3A_215 = tpu.memref_slice %arg3[%dma_wait3A_209, %dma_wait3A_214] : memref<2x320000xi32, #tpu.memory_space<hbm>> -> memref<1x128xi32, #tpu.memory_space<hbm>>
        %dma_wait3A_216 = tpu.memref_squeeze %dma_wait3A_215 : memref<1x128xi32, #tpu.memory_space<hbm>> -> memref<128xi32, #tpu.memory_space<hbm>>
        %dma_wait3A_217 = arith.constant 0 : i32
        %dma_wait3A_218 = tpu.memref_slice %arg7[%dma_wait3A_210, %dma_wait3A_217] : memref<4x128xi32, #tpu.memory_space<vmem>> -> memref<1x128xi32, #tpu.memory_space<vmem>>
        %dma_wait3A_219 = tpu.memref_squeeze %dma_wait3A_218 : memref<1x128xi32, #tpu.memory_space<vmem>> -> memref<128xi32, #tpu.memory_space<vmem>>
        %dma_wait3A_220 = arith.constant 0 : i32
        %dma_wait3A_221 = tpu.memref_slice %arg3[%dma_wait3A_209, %dma_wait3A_220] : memref<2x320000xi32, #tpu.memory_space<hbm>> -> memref<1x128xi32, #tpu.memory_space<hbm>>
        %dma_wait3A_222 = tpu.memref_squeeze %dma_wait3A_221 : memref<1x128xi32, #tpu.memory_space<hbm>> -> memref<128xi32, #tpu.memory_space<hbm>>
        tpu.wait_dma2 semaphore(%arg10 : memref<!tpu.dma_semaphore, #tpu.memory_space<semaphore_mem>>) src(%dma_wait3A_222 : memref<128xi32, #tpu.memory_space<hbm>>) dst(%dma_wait3A_219 : memref<128xi32, #tpu.memory_space<vmem>>)
        %dma_start3A_223 = arith.constant 0 : i32
        %dma_start3A_224 = arith.constant 0 : i32
        %dma_start3A_225 = arith.constant 0 : i32
        %dma_start3A_226 = tpu.memref_slice %arg8[%while3A_58, %dma_start3A_224, %dma_start3A_225] : memref<2x128x128xf32, #tpu.memory_space<vmem>> -> memref<1x128x128xf32, #tpu.memory_space<vmem>>
        %dma_start3A_227 = tpu.memref_squeeze %dma_start3A_226 : memref<1x128x128xf32, #tpu.memory_space<vmem>> -> memref<128x128xf32, #tpu.memory_space<vmem>>
        %dma_start3A_228 = arith.constant 0 : i32
        %dma_start3A_229 = tpu.memref_slice %arg6[%dma_start3A_223, %dma_start3A_228] : memref<4x128xi32, #tpu.memory_space<vmem>> -> memref<1x128xi32, #tpu.memory_space<vmem>>
        %dma_start3A_230 = tpu.memref_squeeze %dma_start3A_229 : memref<1x128xi32, #tpu.memory_space<vmem>> -> memref<128xi32, #tpu.memory_space<vmem>>
        %dma_start3A_231 = arith.constant 0 : i32
        %dma_start3A_232 = arith.constant 0 : i32
        %dma_start3A_233 = tpu.memref_slice %arg2[%dma_start3A_231, %dma_start3A_232] : memref<10240x128xf32, #tpu.memory_space<hbm>> -> memref<10240x128xf32, #tpu.memory_space<hbm>>
        tpu.enqueue_indirect_dma source(%dma_start3A_233 : memref<10240x128xf32, #tpu.memory_space<hbm>>) target(%dma_start3A_227 : memref<128x128xf32, #tpu.memory_space<vmem>>) offsets(%dma_start3A_230 : memref<128xi32, #tpu.memory_space<vmem>>) semaphore(%arg14 : memref<!tpu.dma_semaphore, #tpu.memory_space<semaphore_mem>>)
      } else {
      }
      %add3A_85 = arith.constant 1 : i32
      %add3A_86 = arith.addi %add3A_74, %add3A_85 : i32
      %lt3A_87 = arith.cmpi slt, %add3A_86, %add3A_8 : i32
      %convert_element_type3A_88 = arith.extui %lt3A_87 : i1 to i32
      %cond3A_89 = arith.constant 0 : i32
      %cond3A_90 = arith.cmpi ne, %convert_element_type3A_88, %cond3A_89 : i32
      scf.if %cond3A_90 {
        %add3A_196 = arith.constant 1 : i32
        %add3A_197 = arith.addi %add3A_74, %add3A_196 : i32
        %add3A_198 = arith.addi %add3A_4, %add3A_197 : i32
        %mul3A_199 = arith.constant 128 : i32
        %mul3A_200 = arith.muli %add3A_198, %mul3A_199 : i32
        %multiple_of3A_201 = tpu.assume_multiple %mul3A_200, 128 : i32
        %dma_start3A_202 = arith.constant 0 : i32
        %dma_start3A_203 = arith.constant 1 : i32
        %dma_start3A_204 = arith.constant 0 : i32
        %dma_start3A_205 = tpu.memref_slice %arg6[%dma_start3A_203, %dma_start3A_204] : memref<4x128xi32, #tpu.memory_space<vmem>> -> memref<1x128xi32, #tpu.memory_space<vmem>>
        %dma_start3A_206 = tpu.memref_squeeze %dma_start3A_205 : memref<1x128xi32, #tpu.memory_space<vmem>> -> memref<128xi32, #tpu.memory_space<vmem>>
        %dma_start3A_207 = tpu.memref_slice %arg3[%dma_start3A_202, %multiple_of3A_201] : memref<2x320000xi32, #tpu.memory_space<hbm>> -> memref<1x128xi32, #tpu.memory_space<hbm>>
        %dma_start3A_208 = tpu.memref_squeeze %dma_start3A_207 : memref<1x128xi32, #tpu.memory_space<hbm>> -> memref<128xi32, #tpu.memory_space<hbm>>
        %dma_start3A_209 = arith.constant 0 : i32
        %dma_start3A_210 = tpu.memref_slice %arg6[%dma_start3A_203, %dma_start3A_209] : memref<4x128xi32, #tpu.memory_space<vmem>> -> memref<1x128xi32, #tpu.memory_space<vmem>>
        %dma_start3A_211 = tpu.memref_squeeze %dma_start3A_210 : memref<1x128xi32, #tpu.memory_space<vmem>> -> memref<128xi32, #tpu.memory_space<vmem>>
        %dma_start3A_212 = tpu.memref_slice %arg3[%dma_start3A_202, %multiple_of3A_201] : memref<2x320000xi32, #tpu.memory_space<hbm>> -> memref<1x128xi32, #tpu.memory_space<hbm>>
        %dma_start3A_213 = tpu.memref_squeeze %dma_start3A_212 : memref<1x128xi32, #tpu.memory_space<hbm>> -> memref<128xi32, #tpu.memory_space<hbm>>
        tpu.enqueue_dma source(%dma_start3A_213 : memref<128xi32, #tpu.memory_space<hbm>>) target(%dma_start3A_211 : memref<128xi32, #tpu.memory_space<vmem>>) target_semaphore(%arg11 : memref<!tpu.dma_semaphore, #tpu.memory_space<semaphore_mem>>)
        %dma_start3A_214 = arith.constant 1 : i32
        %dma_start3A_215 = arith.constant 1 : i32
        %dma_start3A_216 = arith.constant 0 : i32
        %dma_start3A_217 = tpu.memref_slice %arg7[%dma_start3A_215, %dma_start3A_216] : memref<4x128xi32, #tpu.memory_space<vmem>> -> memref<1x128xi32, #tpu.memory_space<vmem>>
        %dma_start3A_218 = tpu.memref_squeeze %dma_start3A_217 : memref<1x128xi32, #tpu.memory_space<vmem>> -> memref<128xi32, #tpu.memory_space<vmem>>
        %dma_start3A_219 = tpu.memref_slice %arg3[%dma_start3A_214, %multiple_of3A_201] : memref<2x320000xi32, #tpu.memory_space<hbm>> -> memref<1x128xi32, #tpu.memory_space<hbm>>
        %dma_start3A_220 = tpu.memref_squeeze %dma_start3A_219 : memref<1x128xi32, #tpu.memory_space<hbm>> -> memref<128xi32, #tpu.memory_space<hbm>>
        %dma_start3A_221 = arith.constant 0 : i32
        %dma_start3A_222 = tpu.memref_slice %arg7[%dma_start3A_215, %dma_start3A_221] : memref<4x128xi32, #tpu.memory_space<vmem>> -> memref<1x128xi32, #tpu.memory_space<vmem>>
        %dma_start3A_223 = tpu.memref_squeeze %dma_start3A_222 : memref<1x128xi32, #tpu.memory_space<vmem>> -> memref<128xi32, #tpu.memory_space<vmem>>
        %dma_start3A_224 = tpu.memref_slice %arg3[%dma_start3A_214, %multiple_of3A_201] : memref<2x320000xi32, #tpu.memory_space<hbm>> -> memref<1x128xi32, #tpu.memory_space<hbm>>
        %dma_start3A_225 = tpu.memref_squeeze %dma_start3A_224 : memref<1x128xi32, #tpu.memory_space<hbm>> -> memref<128xi32, #tpu.memory_space<hbm>>
        tpu.enqueue_dma source(%dma_start3A_225 : memref<128xi32, #tpu.memory_space<hbm>>) target(%dma_start3A_223 : memref<128xi32, #tpu.memory_space<vmem>>) target_semaphore(%arg11 : memref<!tpu.dma_semaphore, #tpu.memory_space<semaphore_mem>>)
      } else {
      }
      %ge3A_91 = arith.constant 1 : i32
      %ge3A_92 = arith.cmpi sge, %add3A_74, %ge3A_91 : i32
      %add3A_93 = arith.constant 1 : i32
      %add3A_94 = arith.addi %add3A_8, %add3A_93 : i32
      %lt3A_95 = arith.cmpi slt, %add3A_74, %add3A_94 : i32
      %and3A_96 = arith.andi %ge3A_92, %lt3A_95 : i1
      %convert_element_type3A_97 = arith.extui %and3A_96 : i1 to i32
      %cond3A_98 = arith.constant 0 : i32
      %cond3A_99 = arith.cmpi ne, %convert_element_type3A_97, %cond3A_98 : i32
      scf.if %cond3A_99 {
        %dma_wait3A = arith.constant 0 : i32
        %dma_wait3A_196 = arith.constant 0 : i32
        %dma_wait3A_197 = arith.constant 0 : i32
        %dma_wait3A_198 = tpu.memref_slice %arg8[%while3A_59, %dma_wait3A_196, %dma_wait3A_197] : memref<2x128x128xf32, #tpu.memory_space<vmem>> -> memref<1x128x128xf32, #tpu.memory_space<vmem>>
        %dma_wait3A_199 = tpu.memref_squeeze %dma_wait3A_198 : memref<1x128x128xf32, #tpu.memory_space<vmem>> -> memref<128x128xf32, #tpu.memory_space<vmem>>
        %dma_wait3A_200 = arith.constant 0 : i32
        %dma_wait3A_201 = tpu.memref_slice %arg6[%dma_wait3A, %dma_wait3A_200] : memref<4x128xi32, #tpu.memory_space<vmem>> -> memref<1x128xi32, #tpu.memory_space<vmem>>
        %dma_wait3A_202 = tpu.memref_squeeze %dma_wait3A_201 : memref<1x128xi32, #tpu.memory_space<vmem>> -> memref<128xi32, #tpu.memory_space<vmem>>
        %dma_wait3A_203 = arith.constant 0 : i32
        %dma_wait3A_204 = arith.constant 0 : i32
        %dma_wait3A_205 = tpu.memref_slice %arg2[%dma_wait3A_203, %dma_wait3A_204] : memref<10240x128xf32, #tpu.memory_space<hbm>> -> memref<10240x128xf32, #tpu.memory_space<hbm>>
        tpu.wait_indirect_dma semaphore(%arg15 : memref<!tpu.dma_semaphore, #tpu.memory_space<semaphore_mem>>) src(%dma_wait3A_205 : memref<10240x128xf32, #tpu.memory_space<hbm>>) dst(%dma_wait3A_199 : memref<128x128xf32, #tpu.memory_space<vmem>>)
        %dma_start3A_206 = arith.constant 3 : i32
        %dma_start3A_207 = arith.constant 0 : i32
        %dma_start3A_208 = arith.constant 0 : i32
        %dma_start3A_209 = tpu.memref_slice %arg8[%while3A_59, %dma_start3A_207, %dma_start3A_208] : memref<2x128x128xf32, #tpu.memory_space<vmem>> -> memref<1x128x128xf32, #tpu.memory_space<vmem>>
        %dma_start3A_210 = tpu.memref_squeeze %dma_start3A_209 : memref<1x128x128xf32, #tpu.memory_space<vmem>> -> memref<128x128xf32, #tpu.memory_space<vmem>>
        %dma_start3A_211 = arith.constant 0 : i32
        %dma_start3A_212 = tpu.memref_slice %arg7[%dma_start3A_206, %dma_start3A_211] : memref<4x128xi32, #tpu.memory_space<vmem>> -> memref<1x128xi32, #tpu.memory_space<vmem>>
        %dma_start3A_213 = tpu.memref_squeeze %dma_start3A_212 : memref<1x128xi32, #tpu.memory_space<vmem>> -> memref<128xi32, #tpu.memory_space<vmem>>
        %dma_start3A_214 = arith.constant 0 : i32
        %dma_start3A_215 = arith.constant 0 : i32
        %dma_start3A_216 = tpu.memref_slice %arg9[%dma_start3A_214, %dma_start3A_215] : memref<10240x128xf32, #tpu.memory_space<vmem_shared>> -> memref<10240x128xf32, #tpu.memory_space<vmem_shared>>
        tpu.enqueue_indirect_dma source(%dma_start3A_210 : memref<128x128xf32, #tpu.memory_space<vmem>>) target(%dma_start3A_216 : memref<10240x128xf32, #tpu.memory_space<vmem_shared>>) offsets(%dma_start3A_213 : memref<128xi32, #tpu.memory_space<vmem>>) semaphore(%arg17 : memref<!tpu.dma_semaphore, #tpu.memory_space<semaphore_mem>>) {add = true}
      } else {
      }
      %mul3A_100 = arith.constant 4 : i32
      %mul3A_101 = arith.muli %mul3A_100, %while3A_70 : i32
      %add3A_102 = arith.constant 1 : i32
      %add3A_103 = arith.addi %mul3A_101, %add3A_102 : i32
      %ge3A_104 = arith.constant 2 : i32
      %ge3A_105 = arith.cmpi sge, %add3A_103, %ge3A_104 : i32
      %add3A_106 = arith.constant 2 : i32
      %add3A_107 = arith.addi %add3A_8, %add3A_106 : i32
      %lt3A_108 = arith.cmpi slt, %add3A_103, %add3A_107 : i32
      %and3A_109 = arith.andi %ge3A_105, %lt3A_108 : i1
      %convert_element_type3A_110 = arith.extui %and3A_109 : i1 to i32
      %cond3A_111 = arith.constant 0 : i32
      %cond3A_112 = arith.cmpi ne, %convert_element_type3A_110, %cond3A_111 : i32
      scf.if %cond3A_112 {
        %dma_wait3A = arith.constant 0 : i32
        %dma_wait3A_196 = arith.constant 0 : i32
        %dma_wait3A_197 = arith.constant 0 : i32
        %dma_wait3A_198 = tpu.memref_slice %arg8[%while3A_59, %dma_wait3A_196, %dma_wait3A_197] : memref<2x128x128xf32, #tpu.memory_space<vmem>> -> memref<1x128x128xf32, #tpu.memory_space<vmem>>
        %dma_wait3A_199 = tpu.memref_squeeze %dma_wait3A_198 : memref<1x128x128xf32, #tpu.memory_space<vmem>> -> memref<128x128xf32, #tpu.memory_space<vmem>>
        %dma_wait3A_200 = arith.constant 0 : i32
        %dma_wait3A_201 = tpu.memref_slice %arg7[%dma_wait3A, %dma_wait3A_200] : memref<4x128xi32, #tpu.memory_space<vmem>> -> memref<1x128xi32, #tpu.memory_space<vmem>>
        %dma_wait3A_202 = tpu.memref_squeeze %dma_wait3A_201 : memref<1x128xi32, #tpu.memory_space<vmem>> -> memref<128xi32, #tpu.memory_space<vmem>>
        %dma_wait3A_203 = arith.constant 0 : i32
        %dma_wait3A_204 = arith.constant 0 : i32
        %dma_wait3A_205 = tpu.memref_slice %arg9[%dma_wait3A_203, %dma_wait3A_204] : memref<10240x128xf32, #tpu.memory_space<vmem_shared>> -> memref<10240x128xf32, #tpu.memory_space<vmem_shared>>
        tpu.wait_indirect_dma semaphore(%arg17 : memref<!tpu.dma_semaphore, #tpu.memory_space<semaphore_mem>>) src(%dma_wait3A_199 : memref<128x128xf32, #tpu.memory_space<vmem>>) dst(%dma_wait3A_205 : memref<10240x128xf32, #tpu.memory_space<vmem_shared>>)
      } else {
      }
      %lt3A_113 = arith.cmpi slt, %add3A_103, %add3A_8 : i32
      %convert_element_type3A_114 = arith.extui %lt3A_113 : i1 to i32
      %cond3A_115 = arith.constant 0 : i32
      %cond3A_116 = arith.cmpi ne, %convert_element_type3A_114, %cond3A_115 : i32
      scf.if %cond3A_116 {
        %dma_wait3A = arith.constant 0 : i32
        %dma_wait3A_196 = arith.constant 1 : i32
        %dma_wait3A_197 = arith.constant 0 : i32
        %dma_wait3A_198 = tpu.memref_slice %arg6[%dma_wait3A_196, %dma_wait3A_197] : memref<4x128xi32, #tpu.memory_space<vmem>> -> memref<1x128xi32, #tpu.memory_space<vmem>>
        %dma_wait3A_199 = tpu.memref_squeeze %dma_wait3A_198 : memref<1x128xi32, #tpu.memory_space<vmem>> -> memref<128xi32, #tpu.memory_space<vmem>>
        %dma_wait3A_200 = arith.constant 0 : i32
        %dma_wait3A_201 = tpu.memref_slice %arg3[%dma_wait3A, %dma_wait3A_200] : memref<2x320000xi32, #tpu.memory_space<hbm>> -> memref<1x128xi32, #tpu.memory_space<hbm>>
        %dma_wait3A_202 = tpu.memref_squeeze %dma_wait3A_201 : memref<1x128xi32, #tpu.memory_space<hbm>> -> memref<128xi32, #tpu.memory_space<hbm>>
        %dma_wait3A_203 = arith.constant 0 : i32
        %dma_wait3A_204 = tpu.memref_slice %arg6[%dma_wait3A_196, %dma_wait3A_203] : memref<4x128xi32, #tpu.memory_space<vmem>> -> memref<1x128xi32, #tpu.memory_space<vmem>>
        %dma_wait3A_205 = tpu.memref_squeeze %dma_wait3A_204 : memref<1x128xi32, #tpu.memory_space<vmem>> -> memref<128xi32, #tpu.memory_space<vmem>>
        %dma_wait3A_206 = arith.constant 0 : i32
        %dma_wait3A_207 = tpu.memref_slice %arg3[%dma_wait3A, %dma_wait3A_206] : memref<2x320000xi32, #tpu.memory_space<hbm>> -> memref<1x128xi32, #tpu.memory_space<hbm>>
        %dma_wait3A_208 = tpu.memref_squeeze %dma_wait3A_207 : memref<1x128xi32, #tpu.memory_space<hbm>> -> memref<128xi32, #tpu.memory_space<hbm>>
        tpu.wait_dma2 semaphore(%arg11 : memref<!tpu.dma_semaphore, #tpu.memory_space<semaphore_mem>>) src(%dma_wait3A_208 : memref<128xi32, #tpu.memory_space<hbm>>) dst(%dma_wait3A_205 : memref<128xi32, #tpu.memory_space<vmem>>)
        %dma_wait3A_209 = arith.constant 1 : i32
        %dma_wait3A_210 = arith.constant 1 : i32
        %dma_wait3A_211 = arith.constant 0 : i32
        %dma_wait3A_212 = tpu.memref_slice %arg7[%dma_wait3A_210, %dma_wait3A_211] : memref<4x128xi32, #tpu.memory_space<vmem>> -> memref<1x128xi32, #tpu.memory_space<vmem>>
        %dma_wait3A_213 = tpu.memref_squeeze %dma_wait3A_212 : memref<1x128xi32, #tpu.memory_space<vmem>> -> memref<128xi32, #tpu.memory_space<vmem>>
        %dma_wait3A_214 = arith.constant 0 : i32
        %dma_wait3A_215 = tpu.memref_slice %arg3[%dma_wait3A_209, %dma_wait3A_214] : memref<2x320000xi32, #tpu.memory_space<hbm>> -> memref<1x128xi32, #tpu.memory_space<hbm>>
        %dma_wait3A_216 = tpu.memref_squeeze %dma_wait3A_215 : memref<1x128xi32, #tpu.memory_space<hbm>> -> memref<128xi32, #tpu.memory_space<hbm>>
        %dma_wait3A_217 = arith.constant 0 : i32
        %dma_wait3A_218 = tpu.memref_slice %arg7[%dma_wait3A_210, %dma_wait3A_217] : memref<4x128xi32, #tpu.memory_space<vmem>> -> memref<1x128xi32, #tpu.memory_space<vmem>>
        %dma_wait3A_219 = tpu.memref_squeeze %dma_wait3A_218 : memref<1x128xi32, #tpu.memory_space<vmem>> -> memref<128xi32, #tpu.memory_space<vmem>>
        %dma_wait3A_220 = arith.constant 0 : i32
        %dma_wait3A_221 = tpu.memref_slice %arg3[%dma_wait3A_209, %dma_wait3A_220] : memref<2x320000xi32, #tpu.memory_space<hbm>> -> memref<1x128xi32, #tpu.memory_space<hbm>>
        %dma_wait3A_222 = tpu.memref_squeeze %dma_wait3A_221 : memref<1x128xi32, #tpu.memory_space<hbm>> -> memref<128xi32, #tpu.memory_space<hbm>>
        tpu.wait_dma2 semaphore(%arg11 : memref<!tpu.dma_semaphore, #tpu.memory_space<semaphore_mem>>) src(%dma_wait3A_222 : memref<128xi32, #tpu.memory_space<hbm>>) dst(%dma_wait3A_219 : memref<128xi32, #tpu.memory_space<vmem>>)
        %dma_start3A_223 = arith.constant 1 : i32
        %dma_start3A_224 = arith.constant 0 : i32
        %dma_start3A_225 = arith.constant 0 : i32
        %dma_start3A_226 = tpu.memref_slice %arg8[%while3A_59, %dma_start3A_224, %dma_start3A_225] : memref<2x128x128xf32, #tpu.memory_space<vmem>> -> memref<1x128x128xf32, #tpu.memory_space<vmem>>
        %dma_start3A_227 = tpu.memref_squeeze %dma_start3A_226 : memref<1x128x128xf32, #tpu.memory_space<vmem>> -> memref<128x128xf32, #tpu.memory_space<vmem>>
        %dma_start3A_228 = arith.constant 0 : i32
        %dma_start3A_229 = tpu.memref_slice %arg6[%dma_start3A_223, %dma_start3A_228] : memref<4x128xi32, #tpu.memory_space<vmem>> -> memref<1x128xi32, #tpu.memory_space<vmem>>
        %dma_start3A_230 = tpu.memref_squeeze %dma_start3A_229 : memref<1x128xi32, #tpu.memory_space<vmem>> -> memref<128xi32, #tpu.memory_space<vmem>>
        %dma_start3A_231 = arith.constant 0 : i32
        %dma_start3A_232 = arith.constant 0 : i32
        %dma_start3A_233 = tpu.memref_slice %arg2[%dma_start3A_231, %dma_start3A_232] : memref<10240x128xf32, #tpu.memory_space<hbm>> -> memref<10240x128xf32, #tpu.memory_space<hbm>>
        tpu.enqueue_indirect_dma source(%dma_start3A_233 : memref<10240x128xf32, #tpu.memory_space<hbm>>) target(%dma_start3A_227 : memref<128x128xf32, #tpu.memory_space<vmem>>) offsets(%dma_start3A_230 : memref<128xi32, #tpu.memory_space<vmem>>) semaphore(%arg15 : memref<!tpu.dma_semaphore, #tpu.memory_space<semaphore_mem>>)
      } else {
      }
      %add3A_117 = arith.constant 1 : i32
      %add3A_118 = arith.addi %add3A_103, %add3A_117 : i32
      %lt3A_119 = arith.cmpi slt, %add3A_118, %add3A_8 : i32
      %convert_element_type3A_120 = arith.extui %lt3A_119 : i1 to i32
      %cond3A_121 = arith.constant 0 : i32
      %cond3A_122 = arith.cmpi ne, %convert_element_type3A_120, %cond3A_121 : i32
      scf.if %cond3A_122 {
        %add3A_196 = arith.constant 1 : i32
        %add3A_197 = arith.addi %add3A_103, %add3A_196 : i32
        %add3A_198 = arith.addi %add3A_4, %add3A_197 : i32
        %mul3A_199 = arith.constant 128 : i32
        %mul3A_200 = arith.muli %add3A_198, %mul3A_199 : i32
        %multiple_of3A_201 = tpu.assume_multiple %mul3A_200, 128 : i32
        %dma_start3A_202 = arith.constant 0 : i32
        %dma_start3A_203 = arith.constant 2 : i32
        %dma_start3A_204 = arith.constant 0 : i32
        %dma_start3A_205 = tpu.memref_slice %arg6[%dma_start3A_203, %dma_start3A_204] : memref<4x128xi32, #tpu.memory_space<vmem>> -> memref<1x128xi32, #tpu.memory_space<vmem>>
        %dma_start3A_206 = tpu.memref_squeeze %dma_start3A_205 : memref<1x128xi32, #tpu.memory_space<vmem>> -> memref<128xi32, #tpu.memory_space<vmem>>
        %dma_start3A_207 = tpu.memref_slice %arg3[%dma_start3A_202, %multiple_of3A_201] : memref<2x320000xi32, #tpu.memory_space<hbm>> -> memref<1x128xi32, #tpu.memory_space<hbm>>
        %dma_start3A_208 = tpu.memref_squeeze %dma_start3A_207 : memref<1x128xi32, #tpu.memory_space<hbm>> -> memref<128xi32, #tpu.memory_space<hbm>>
        %dma_start3A_209 = arith.constant 0 : i32
        %dma_start3A_210 = tpu.memref_slice %arg6[%dma_start3A_203, %dma_start3A_209] : memref<4x128xi32, #tpu.memory_space<vmem>> -> memref<1x128xi32, #tpu.memory_space<vmem>>
        %dma_start3A_211 = tpu.memref_squeeze %dma_start3A_210 : memref<1x128xi32, #tpu.memory_space<vmem>> -> memref<128xi32, #tpu.memory_space<vmem>>
        %dma_start3A_212 = tpu.memref_slice %arg3[%dma_start3A_202, %multiple_of3A_201] : memref<2x320000xi32, #tpu.memory_space<hbm>> -> memref<1x128xi32, #tpu.memory_space<hbm>>
        %dma_start3A_213 = tpu.memref_squeeze %dma_start3A_212 : memref<1x128xi32, #tpu.memory_space<hbm>> -> memref<128xi32, #tpu.memory_space<hbm>>
        tpu.enqueue_dma source(%dma_start3A_213 : memref<128xi32, #tpu.memory_space<hbm>>) target(%dma_start3A_211 : memref<128xi32, #tpu.memory_space<vmem>>) target_semaphore(%arg12 : memref<!tpu.dma_semaphore, #tpu.memory_space<semaphore_mem>>)
        %dma_start3A_214 = arith.constant 1 : i32
        %dma_start3A_215 = arith.constant 2 : i32
        %dma_start3A_216 = arith.constant 0 : i32
        %dma_start3A_217 = tpu.memref_slice %arg7[%dma_start3A_215, %dma_start3A_216] : memref<4x128xi32, #tpu.memory_space<vmem>> -> memref<1x128xi32, #tpu.memory_space<vmem>>
        %dma_start3A_218 = tpu.memref_squeeze %dma_start3A_217 : memref<1x128xi32, #tpu.memory_space<vmem>> -> memref<128xi32, #tpu.memory_space<vmem>>
        %dma_start3A_219 = tpu.memref_slice %arg3[%dma_start3A_214, %multiple_of3A_201] : memref<2x320000xi32, #tpu.memory_space<hbm>> -> memref<1x128xi32, #tpu.memory_space<hbm>>
        %dma_start3A_220 = tpu.memref_squeeze %dma_start3A_219 : memref<1x128xi32, #tpu.memory_space<hbm>> -> memref<128xi32, #tpu.memory_space<hbm>>
        %dma_start3A_221 = arith.constant 0 : i32
        %dma_start3A_222 = tpu.memref_slice %arg7[%dma_start3A_215, %dma_start3A_221] : memref<4x128xi32, #tpu.memory_space<vmem>> -> memref<1x128xi32, #tpu.memory_space<vmem>>
        %dma_start3A_223 = tpu.memref_squeeze %dma_start3A_222 : memref<1x128xi32, #tpu.memory_space<vmem>> -> memref<128xi32, #tpu.memory_space<vmem>>
        %dma_start3A_224 = tpu.memref_slice %arg3[%dma_start3A_214, %multiple_of3A_201] : memref<2x320000xi32, #tpu.memory_space<hbm>> -> memref<1x128xi32, #tpu.memory_space<hbm>>
        %dma_start3A_225 = tpu.memref_squeeze %dma_start3A_224 : memref<1x128xi32, #tpu.memory_space<hbm>> -> memref<128xi32, #tpu.memory_space<hbm>>
        tpu.enqueue_dma source(%dma_start3A_225 : memref<128xi32, #tpu.memory_space<hbm>>) target(%dma_start3A_223 : memref<128xi32, #tpu.memory_space<vmem>>) target_semaphore(%arg12 : memref<!tpu.dma_semaphore, #tpu.memory_space<semaphore_mem>>)
      } else {
      }
      %ge3A_123 = arith.constant 1 : i32
      %ge3A_124 = arith.cmpi sge, %add3A_103, %ge3A_123 : i32
      %add3A_125 = arith.constant 1 : i32
      %add3A_126 = arith.addi %add3A_8, %add3A_125 : i32
      %lt3A_127 = arith.cmpi slt, %add3A_103, %add3A_126 : i32
      %and3A_128 = arith.andi %ge3A_124, %lt3A_127 : i1
      %convert_element_type3A_129 = arith.extui %and3A_128 : i1 to i32
      %cond3A_130 = arith.constant 0 : i32
      %cond3A_131 = arith.cmpi ne, %convert_element_type3A_129, %cond3A_130 : i32
      scf.if %cond3A_131 {
        %dma_wait3A = arith.constant 0 : i32
        %dma_wait3A_196 = arith.constant 0 : i32
        %dma_wait3A_197 = arith.constant 0 : i32
        %dma_wait3A_198 = tpu.memref_slice %arg8[%while3A_58, %dma_wait3A_196, %dma_wait3A_197] : memref<2x128x128xf32, #tpu.memory_space<vmem>> -> memref<1x128x128xf32, #tpu.memory_space<vmem>>
        %dma_wait3A_199 = tpu.memref_squeeze %dma_wait3A_198 : memref<1x128x128xf32, #tpu.memory_space<vmem>> -> memref<128x128xf32, #tpu.memory_space<vmem>>
        %dma_wait3A_200 = arith.constant 0 : i32
        %dma_wait3A_201 = tpu.memref_slice %arg6[%dma_wait3A, %dma_wait3A_200] : memref<4x128xi32, #tpu.memory_space<vmem>> -> memref<1x128xi32, #tpu.memory_space<vmem>>
        %dma_wait3A_202 = tpu.memref_squeeze %dma_wait3A_201 : memref<1x128xi32, #tpu.memory_space<vmem>> -> memref<128xi32, #tpu.memory_space<vmem>>
        %dma_wait3A_203 = arith.constant 0 : i32
        %dma_wait3A_204 = arith.constant 0 : i32
        %dma_wait3A_205 = tpu.memref_slice %arg2[%dma_wait3A_203, %dma_wait3A_204] : memref<10240x128xf32, #tpu.memory_space<hbm>> -> memref<10240x128xf32, #tpu.memory_space<hbm>>
        tpu.wait_indirect_dma semaphore(%arg14 : memref<!tpu.dma_semaphore, #tpu.memory_space<semaphore_mem>>) src(%dma_wait3A_205 : memref<10240x128xf32, #tpu.memory_space<hbm>>) dst(%dma_wait3A_199 : memref<128x128xf32, #tpu.memory_space<vmem>>)
        %dma_start3A_206 = arith.constant 0 : i32
        %dma_start3A_207 = arith.constant 0 : i32
        %dma_start3A_208 = arith.constant 0 : i32
        %dma_start3A_209 = tpu.memref_slice %arg8[%while3A_58, %dma_start3A_207, %dma_start3A_208] : memref<2x128x128xf32, #tpu.memory_space<vmem>> -> memref<1x128x128xf32, #tpu.memory_space<vmem>>
        %dma_start3A_210 = tpu.memref_squeeze %dma_start3A_209 : memref<1x128x128xf32, #tpu.memory_space<vmem>> -> memref<128x128xf32, #tpu.memory_space<vmem>>
        %dma_start3A_211 = arith.constant 0 : i32
        %dma_start3A_212 = tpu.memref_slice %arg7[%dma_start3A_206, %dma_start3A_211] : memref<4x128xi32, #tpu.memory_space<vmem>> -> memref<1x128xi32, #tpu.memory_space<vmem>>
        %dma_start3A_213 = tpu.memref_squeeze %dma_start3A_212 : memref<1x128xi32, #tpu.memory_space<vmem>> -> memref<128xi32, #tpu.memory_space<vmem>>
        %dma_start3A_214 = arith.constant 0 : i32
        %dma_start3A_215 = arith.constant 0 : i32
        %dma_start3A_216 = tpu.memref_slice %arg9[%dma_start3A_214, %dma_start3A_215] : memref<10240x128xf32, #tpu.memory_space<vmem_shared>> -> memref<10240x128xf32, #tpu.memory_space<vmem_shared>>
        tpu.enqueue_indirect_dma source(%dma_start3A_210 : memref<128x128xf32, #tpu.memory_space<vmem>>) target(%dma_start3A_216 : memref<10240x128xf32, #tpu.memory_space<vmem_shared>>) offsets(%dma_start3A_213 : memref<128xi32, #tpu.memory_space<vmem>>) semaphore(%arg16 : memref<!tpu.dma_semaphore, #tpu.memory_space<semaphore_mem>>) {add = true}
      } else {
      }
      %mul3A_132 = arith.constant 4 : i32
      %mul3A_133 = arith.muli %mul3A_132, %while3A_70 : i32
      %add3A_134 = arith.constant 2 : i32
      %add3A_135 = arith.addi %mul3A_133, %add3A_134 : i32
      %ge3A_136 = arith.constant 2 : i32
      %ge3A_137 = arith.cmpi sge, %add3A_135, %ge3A_136 : i32
      %add3A_138 = arith.constant 2 : i32
      %add3A_139 = arith.addi %add3A_8, %add3A_138 : i32
      %lt3A_140 = arith.cmpi slt, %add3A_135, %add3A_139 : i32
      %and3A_141 = arith.andi %ge3A_137, %lt3A_140 : i1
      %convert_element_type3A_142 = arith.extui %and3A_141 : i1 to i32
      %cond3A_143 = arith.constant 0 : i32
      %cond3A_144 = arith.cmpi ne, %convert_element_type3A_142, %cond3A_143 : i32
      scf.if %cond3A_144 {
        %dma_wait3A = arith.constant 0 : i32
        %dma_wait3A_196 = arith.constant 0 : i32
        %dma_wait3A_197 = arith.constant 0 : i32
        %dma_wait3A_198 = tpu.memref_slice %arg8[%while3A_58, %dma_wait3A_196, %dma_wait3A_197] : memref<2x128x128xf32, #tpu.memory_space<vmem>> -> memref<1x128x128xf32, #tpu.memory_space<vmem>>
        %dma_wait3A_199 = tpu.memref_squeeze %dma_wait3A_198 : memref<1x128x128xf32, #tpu.memory_space<vmem>> -> memref<128x128xf32, #tpu.memory_space<vmem>>
        %dma_wait3A_200 = arith.constant 0 : i32
        %dma_wait3A_201 = tpu.memref_slice %arg7[%dma_wait3A, %dma_wait3A_200] : memref<4x128xi32, #tpu.memory_space<vmem>> -> memref<1x128xi32, #tpu.memory_space<vmem>>
        %dma_wait3A_202 = tpu.memref_squeeze %dma_wait3A_201 : memref<1x128xi32, #tpu.memory_space<vmem>> -> memref<128xi32, #tpu.memory_space<vmem>>
        %dma_wait3A_203 = arith.constant 0 : i32
        %dma_wait3A_204 = arith.constant 0 : i32
        %dma_wait3A_205 = tpu.memref_slice %arg9[%dma_wait3A_203, %dma_wait3A_204] : memref<10240x128xf32, #tpu.memory_space<vmem_shared>> -> memref<10240x128xf32, #tpu.memory_space<vmem_shared>>
        tpu.wait_indirect_dma semaphore(%arg16 : memref<!tpu.dma_semaphore, #tpu.memory_space<semaphore_mem>>) src(%dma_wait3A_199 : memref<128x128xf32, #tpu.memory_space<vmem>>) dst(%dma_wait3A_205 : memref<10240x128xf32, #tpu.memory_space<vmem_shared>>)
      } else {
      }
      %lt3A_145 = arith.cmpi slt, %add3A_135, %add3A_8 : i32
      %convert_element_type3A_146 = arith.extui %lt3A_145 : i1 to i32
      %cond3A_147 = arith.constant 0 : i32
      %cond3A_148 = arith.cmpi ne, %convert_element_type3A_146, %cond3A_147 : i32
      scf.if %cond3A_148 {
        %dma_wait3A = arith.constant 0 : i32
        %dma_wait3A_196 = arith.constant 2 : i32
        %dma_wait3A_197 = arith.constant 0 : i32
        %dma_wait3A_198 = tpu.memref_slice %arg6[%dma_wait3A_196, %dma_wait3A_197] : memref<4x128xi32, #tpu.memory_space<vmem>> -> memref<1x128xi32, #tpu.memory_space<vmem>>
        %dma_wait3A_199 = tpu.memref_squeeze %dma_wait3A_198 : memref<1x128xi32, #tpu.memory_space<vmem>> -> memref<128xi32, #tpu.memory_space<vmem>>
        %dma_wait3A_200 = arith.constant 0 : i32
        %dma_wait3A_201 = tpu.memref_slice %arg3[%dma_wait3A, %dma_wait3A_200] : memref<2x320000xi32, #tpu.memory_space<hbm>> -> memref<1x128xi32, #tpu.memory_space<hbm>>
        %dma_wait3A_202 = tpu.memref_squeeze %dma_wait3A_201 : memref<1x128xi32, #tpu.memory_space<hbm>> -> memref<128xi32, #tpu.memory_space<hbm>>
        %dma_wait3A_203 = arith.constant 0 : i32
        %dma_wait3A_204 = tpu.memref_slice %arg6[%dma_wait3A_196, %dma_wait3A_203] : memref<4x128xi32, #tpu.memory_space<vmem>> -> memref<1x128xi32, #tpu.memory_space<vmem>>
        %dma_wait3A_205 = tpu.memref_squeeze %dma_wait3A_204 : memref<1x128xi32, #tpu.memory_space<vmem>> -> memref<128xi32, #tpu.memory_space<vmem>>
        %dma_wait3A_206 = arith.constant 0 : i32
        %dma_wait3A_207 = tpu.memref_slice %arg3[%dma_wait3A, %dma_wait3A_206] : memref<2x320000xi32, #tpu.memory_space<hbm>> -> memref<1x128xi32, #tpu.memory_space<hbm>>
        %dma_wait3A_208 = tpu.memref_squeeze %dma_wait3A_207 : memref<1x128xi32, #tpu.memory_space<hbm>> -> memref<128xi32, #tpu.memory_space<hbm>>
        tpu.wait_dma2 semaphore(%arg12 : memref<!tpu.dma_semaphore, #tpu.memory_space<semaphore_mem>>) src(%dma_wait3A_208 : memref<128xi32, #tpu.memory_space<hbm>>) dst(%dma_wait3A_205 : memref<128xi32, #tpu.memory_space<vmem>>)
        %dma_wait3A_209 = arith.constant 1 : i32
        %dma_wait3A_210 = arith.constant 2 : i32
        %dma_wait3A_211 = arith.constant 0 : i32
        %dma_wait3A_212 = tpu.memref_slice %arg7[%dma_wait3A_210, %dma_wait3A_211] : memref<4x128xi32, #tpu.memory_space<vmem>> -> memref<1x128xi32, #tpu.memory_space<vmem>>
        %dma_wait3A_213 = tpu.memref_squeeze %dma_wait3A_212 : memref<1x128xi32, #tpu.memory_space<vmem>> -> memref<128xi32, #tpu.memory_space<vmem>>
        %dma_wait3A_214 = arith.constant 0 : i32
        %dma_wait3A_215 = tpu.memref_slice %arg3[%dma_wait3A_209, %dma_wait3A_214] : memref<2x320000xi32, #tpu.memory_space<hbm>> -> memref<1x128xi32, #tpu.memory_space<hbm>>
        %dma_wait3A_216 = tpu.memref_squeeze %dma_wait3A_215 : memref<1x128xi32, #tpu.memory_space<hbm>> -> memref<128xi32, #tpu.memory_space<hbm>>
        %dma_wait3A_217 = arith.constant 0 : i32
        %dma_wait3A_218 = tpu.memref_slice %arg7[%dma_wait3A_210, %dma_wait3A_217] : memref<4x128xi32, #tpu.memory_space<vmem>> -> memref<1x128xi32, #tpu.memory_space<vmem>>
        %dma_wait3A_219 = tpu.memref_squeeze %dma_wait3A_218 : memref<1x128xi32, #tpu.memory_space<vmem>> -> memref<128xi32, #tpu.memory_space<vmem>>
        %dma_wait3A_220 = arith.constant 0 : i32
        %dma_wait3A_221 = tpu.memref_slice %arg3[%dma_wait3A_209, %dma_wait3A_220] : memref<2x320000xi32, #tpu.memory_space<hbm>> -> memref<1x128xi32, #tpu.memory_space<hbm>>
        %dma_wait3A_222 = tpu.memref_squeeze %dma_wait3A_221 : memref<1x128xi32, #tpu.memory_space<hbm>> -> memref<128xi32, #tpu.memory_space<hbm>>
        tpu.wait_dma2 semaphore(%arg12 : memref<!tpu.dma_semaphore, #tpu.memory_space<semaphore_mem>>) src(%dma_wait3A_222 : memref<128xi32, #tpu.memory_space<hbm>>) dst(%dma_wait3A_219 : memref<128xi32, #tpu.memory_space<vmem>>)
        %dma_start3A_223 = arith.constant 2 : i32
        %dma_start3A_224 = arith.constant 0 : i32
        %dma_start3A_225 = arith.constant 0 : i32
        %dma_start3A_226 = tpu.memref_slice %arg8[%while3A_58, %dma_start3A_224, %dma_start3A_225] : memref<2x128x128xf32, #tpu.memory_space<vmem>> -> memref<1x128x128xf32, #tpu.memory_space<vmem>>
        %dma_start3A_227 = tpu.memref_squeeze %dma_start3A_226 : memref<1x128x128xf32, #tpu.memory_space<vmem>> -> memref<128x128xf32, #tpu.memory_space<vmem>>
        %dma_start3A_228 = arith.constant 0 : i32
        %dma_start3A_229 = tpu.memref_slice %arg6[%dma_start3A_223, %dma_start3A_228] : memref<4x128xi32, #tpu.memory_space<vmem>> -> memref<1x128xi32, #tpu.memory_space<vmem>>
        %dma_start3A_230 = tpu.memref_squeeze %dma_start3A_229 : memref<1x128xi32, #tpu.memory_space<vmem>> -> memref<128xi32, #tpu.memory_space<vmem>>
        %dma_start3A_231 = arith.constant 0 : i32
        %dma_start3A_232 = arith.constant 0 : i32
        %dma_start3A_233 = tpu.memref_slice %arg2[%dma_start3A_231, %dma_start3A_232] : memref<10240x128xf32, #tpu.memory_space<hbm>> -> memref<10240x128xf32, #tpu.memory_space<hbm>>
        tpu.enqueue_indirect_dma source(%dma_start3A_233 : memref<10240x128xf32, #tpu.memory_space<hbm>>) target(%dma_start3A_227 : memref<128x128xf32, #tpu.memory_space<vmem>>) offsets(%dma_start3A_230 : memref<128xi32, #tpu.memory_space<vmem>>) semaphore(%arg14 : memref<!tpu.dma_semaphore, #tpu.memory_space<semaphore_mem>>)
      } else {
      }
      %add3A_149 = arith.constant 1 : i32
      %add3A_150 = arith.addi %add3A_135, %add3A_149 : i32
      %lt3A_151 = arith.cmpi slt, %add3A_150, %add3A_8 : i32
      %convert_element_type3A_152 = arith.extui %lt3A_151 : i1 to i32
      %cond3A_153 = arith.constant 0 : i32
      %cond3A_154 = arith.cmpi ne, %convert_element_type3A_152, %cond3A_153 : i32
      scf.if %cond3A_154 {
        %add3A_196 = arith.constant 1 : i32
        %add3A_197 = arith.addi %add3A_135, %add3A_196 : i32
        %add3A_198 = arith.addi %add3A_4, %add3A_197 : i32
        %mul3A_199 = arith.constant 128 : i32
        %mul3A_200 = arith.muli %add3A_198, %mul3A_199 : i32
        %multiple_of3A_201 = tpu.assume_multiple %mul3A_200, 128 : i32
        %dma_start3A_202 = arith.constant 0 : i32
        %dma_start3A_203 = arith.constant 3 : i32
        %dma_start3A_204 = arith.constant 0 : i32
        %dma_start3A_205 = tpu.memref_slice %arg6[%dma_start3A_203, %dma_start3A_204] : memref<4x128xi32, #tpu.memory_space<vmem>> -> memref<1x128xi32, #tpu.memory_space<vmem>>
        %dma_start3A_206 = tpu.memref_squeeze %dma_start3A_205 : memref<1x128xi32, #tpu.memory_space<vmem>> -> memref<128xi32, #tpu.memory_space<vmem>>
        %dma_start3A_207 = tpu.memref_slice %arg3[%dma_start3A_202, %multiple_of3A_201] : memref<2x320000xi32, #tpu.memory_space<hbm>> -> memref<1x128xi32, #tpu.memory_space<hbm>>
        %dma_start3A_208 = tpu.memref_squeeze %dma_start3A_207 : memref<1x128xi32, #tpu.memory_space<hbm>> -> memref<128xi32, #tpu.memory_space<hbm>>
        %dma_start3A_209 = arith.constant 0 : i32
        %dma_start3A_210 = tpu.memref_slice %arg6[%dma_start3A_203, %dma_start3A_209] : memref<4x128xi32, #tpu.memory_space<vmem>> -> memref<1x128xi32, #tpu.memory_space<vmem>>
        %dma_start3A_211 = tpu.memref_squeeze %dma_start3A_210 : memref<1x128xi32, #tpu.memory_space<vmem>> -> memref<128xi32, #tpu.memory_space<vmem>>
        %dma_start3A_212 = tpu.memref_slice %arg3[%dma_start3A_202, %multiple_of3A_201] : memref<2x320000xi32, #tpu.memory_space<hbm>> -> memref<1x128xi32, #tpu.memory_space<hbm>>
        %dma_start3A_213 = tpu.memref_squeeze %dma_start3A_212 : memref<1x128xi32, #tpu.memory_space<hbm>> -> memref<128xi32, #tpu.memory_space<hbm>>
        tpu.enqueue_dma source(%dma_start3A_213 : memref<128xi32, #tpu.memory_space<hbm>>) target(%dma_start3A_211 : memref<128xi32, #tpu.memory_space<vmem>>) target_semaphore(%arg13 : memref<!tpu.dma_semaphore, #tpu.memory_space<semaphore_mem>>)
        %dma_start3A_214 = arith.constant 1 : i32
        %dma_start3A_215 = arith.constant 3 : i32
        %dma_start3A_216 = arith.constant 0 : i32
        %dma_start3A_217 = tpu.memref_slice %arg7[%dma_start3A_215, %dma_start3A_216] : memref<4x128xi32, #tpu.memory_space<vmem>> -> memref<1x128xi32, #tpu.memory_space<vmem>>
        %dma_start3A_218 = tpu.memref_squeeze %dma_start3A_217 : memref<1x128xi32, #tpu.memory_space<vmem>> -> memref<128xi32, #tpu.memory_space<vmem>>
        %dma_start3A_219 = tpu.memref_slice %arg3[%dma_start3A_214, %multiple_of3A_201] : memref<2x320000xi32, #tpu.memory_space<hbm>> -> memref<1x128xi32, #tpu.memory_space<hbm>>
        %dma_start3A_220 = tpu.memref_squeeze %dma_start3A_219 : memref<1x128xi32, #tpu.memory_space<hbm>> -> memref<128xi32, #tpu.memory_space<hbm>>
        %dma_start3A_221 = arith.constant 0 : i32
        %dma_start3A_222 = tpu.memref_slice %arg7[%dma_start3A_215, %dma_start3A_221] : memref<4x128xi32, #tpu.memory_space<vmem>> -> memref<1x128xi32, #tpu.memory_space<vmem>>
        %dma_start3A_223 = tpu.memref_squeeze %dma_start3A_222 : memref<1x128xi32, #tpu.memory_space<vmem>> -> memref<128xi32, #tpu.memory_space<vmem>>
        %dma_start3A_224 = tpu.memref_slice %arg3[%dma_start3A_214, %multiple_of3A_201] : memref<2x320000xi32, #tpu.memory_space<hbm>> -> memref<1x128xi32, #tpu.memory_space<hbm>>
        %dma_start3A_225 = tpu.memref_squeeze %dma_start3A_224 : memref<1x128xi32, #tpu.memory_space<hbm>> -> memref<128xi32, #tpu.memory_space<hbm>>
        tpu.enqueue_dma source(%dma_start3A_225 : memref<128xi32, #tpu.memory_space<hbm>>) target(%dma_start3A_223 : memref<128xi32, #tpu.memory_space<vmem>>) target_semaphore(%arg13 : memref<!tpu.dma_semaphore, #tpu.memory_space<semaphore_mem>>)
      } else {
      }
      %ge3A_155 = arith.constant 1 : i32
      %ge3A_156 = arith.cmpi sge, %add3A_135, %ge3A_155 : i32
      %add3A_157 = arith.constant 1 : i32
      %add3A_158 = arith.addi %add3A_8, %add3A_157 : i32
      %lt3A_159 = arith.cmpi slt, %add3A_135, %add3A_158 : i32
      %and3A_160 = arith.andi %ge3A_156, %lt3A_159 : i1
      %convert_element_type3A_161 = arith.extui %and3A_160 : i1 to i32
      %cond3A_162 = arith.constant 0 : i32
      %cond3A_163 = arith.cmpi ne, %convert_element_type3A_161, %cond3A_162 : i32
      scf.if %cond3A_163 {
        %dma_wait3A = arith.constant 0 : i32
        %dma_wait3A_196 = arith.constant 0 : i32
        %dma_wait3A_197 = arith.constant 0 : i32
        %dma_wait3A_198 = tpu.memref_slice %arg8[%while3A_59, %dma_wait3A_196, %dma_wait3A_197] : memref<2x128x128xf32, #tpu.memory_space<vmem>> -> memref<1x128x128xf32, #tpu.memory_space<vmem>>
        %dma_wait3A_199 = tpu.memref_squeeze %dma_wait3A_198 : memref<1x128x128xf32, #tpu.memory_space<vmem>> -> memref<128x128xf32, #tpu.memory_space<vmem>>
        %dma_wait3A_200 = arith.constant 0 : i32
        %dma_wait3A_201 = tpu.memref_slice %arg6[%dma_wait3A, %dma_wait3A_200] : memref<4x128xi32, #tpu.memory_space<vmem>> -> memref<1x128xi32, #tpu.memory_space<vmem>>
        %dma_wait3A_202 = tpu.memref_squeeze %dma_wait3A_201 : memref<1x128xi32, #tpu.memory_space<vmem>> -> memref<128xi32, #tpu.memory_space<vmem>>
        %dma_wait3A_203 = arith.constant 0 : i32
        %dma_wait3A_204 = arith.constant 0 : i32
        %dma_wait3A_205 = tpu.memref_slice %arg2[%dma_wait3A_203, %dma_wait3A_204] : memref<10240x128xf32, #tpu.memory_space<hbm>> -> memref<10240x128xf32, #tpu.memory_space<hbm>>
        tpu.wait_indirect_dma semaphore(%arg15 : memref<!tpu.dma_semaphore, #tpu.memory_space<semaphore_mem>>) src(%dma_wait3A_205 : memref<10240x128xf32, #tpu.memory_space<hbm>>) dst(%dma_wait3A_199 : memref<128x128xf32, #tpu.memory_space<vmem>>)
        %dma_start3A_206 = arith.constant 1 : i32
        %dma_start3A_207 = arith.constant 0 : i32
        %dma_start3A_208 = arith.constant 0 : i32
        %dma_start3A_209 = tpu.memref_slice %arg8[%while3A_59, %dma_start3A_207, %dma_start3A_208] : memref<2x128x128xf32, #tpu.memory_space<vmem>> -> memref<1x128x128xf32, #tpu.memory_space<vmem>>
        %dma_start3A_210 = tpu.memref_squeeze %dma_start3A_209 : memref<1x128x128xf32, #tpu.memory_space<vmem>> -> memref<128x128xf32, #tpu.memory_space<vmem>>
        %dma_start3A_211 = arith.constant 0 : i32
        %dma_start3A_212 = tpu.memref_slice %arg7[%dma_start3A_206, %dma_start3A_211] : memref<4x128xi32, #tpu.memory_space<vmem>> -> memref<1x128xi32, #tpu.memory_space<vmem>>
        %dma_start3A_213 = tpu.memref_squeeze %dma_start3A_212 : memref<1x128xi32, #tpu.memory_space<vmem>> -> memref<128xi32, #tpu.memory_space<vmem>>
        %dma_start3A_214 = arith.constant 0 : i32
        %dma_start3A_215 = arith.constant 0 : i32
        %dma_start3A_216 = tpu.memref_slice %arg9[%dma_start3A_214, %dma_start3A_215] : memref<10240x128xf32, #tpu.memory_space<vmem_shared>> -> memref<10240x128xf32, #tpu.memory_space<vmem_shared>>
        tpu.enqueue_indirect_dma source(%dma_start3A_210 : memref<128x128xf32, #tpu.memory_space<vmem>>) target(%dma_start3A_216 : memref<10240x128xf32, #tpu.memory_space<vmem_shared>>) offsets(%dma_start3A_213 : memref<128xi32, #tpu.memory_space<vmem>>) semaphore(%arg17 : memref<!tpu.dma_semaphore, #tpu.memory_space<semaphore_mem>>) {add = true}
      } else {
      }
      %mul3A_164 = arith.constant 4 : i32
      %mul3A_165 = arith.muli %mul3A_164, %while3A_70 : i32
      %add3A_166 = arith.constant 3 : i32
      %add3A_167 = arith.addi %mul3A_165, %add3A_166 : i32
      %ge3A_168 = arith.constant 2 : i32
      %ge3A_169 = arith.cmpi sge, %add3A_167, %ge3A_168 : i32
      %add3A_170 = arith.constant 2 : i32
      %add3A_171 = arith.addi %add3A_8, %add3A_170 : i32
      %lt3A_172 = arith.cmpi slt, %add3A_167, %add3A_171 : i32
      %and3A_173 = arith.andi %ge3A_169, %lt3A_172 : i1
      %convert_element_type3A_174 = arith.extui %and3A_173 : i1 to i32
      %cond3A_175 = arith.constant 0 : i32
      %cond3A_176 = arith.cmpi ne, %convert_element_type3A_174, %cond3A_175 : i32
      scf.if %cond3A_176 {
        %dma_wait3A = arith.constant 0 : i32
        %dma_wait3A_196 = arith.constant 0 : i32
        %dma_wait3A_197 = arith.constant 0 : i32
        %dma_wait3A_198 = tpu.memref_slice %arg8[%while3A_59, %dma_wait3A_196, %dma_wait3A_197] : memref<2x128x128xf32, #tpu.memory_space<vmem>> -> memref<1x128x128xf32, #tpu.memory_space<vmem>>
        %dma_wait3A_199 = tpu.memref_squeeze %dma_wait3A_198 : memref<1x128x128xf32, #tpu.memory_space<vmem>> -> memref<128x128xf32, #tpu.memory_space<vmem>>
        %dma_wait3A_200 = arith.constant 0 : i32
        %dma_wait3A_201 = tpu.memref_slice %arg7[%dma_wait3A, %dma_wait3A_200] : memref<4x128xi32, #tpu.memory_space<vmem>> -> memref<1x128xi32, #tpu.memory_space<vmem>>
        %dma_wait3A_202 = tpu.memref_squeeze %dma_wait3A_201 : memref<1x128xi32, #tpu.memory_space<vmem>> -> memref<128xi32, #tpu.memory_space<vmem>>
        %dma_wait3A_203 = arith.constant 0 : i32
        %dma_wait3A_204 = arith.constant 0 : i32
        %dma_wait3A_205 = tpu.memref_slice %arg9[%dma_wait3A_203, %dma_wait3A_204] : memref<10240x128xf32, #tpu.memory_space<vmem_shared>> -> memref<10240x128xf32, #tpu.memory_space<vmem_shared>>
        tpu.wait_indirect_dma semaphore(%arg17 : memref<!tpu.dma_semaphore, #tpu.memory_space<semaphore_mem>>) src(%dma_wait3A_199 : memref<128x128xf32, #tpu.memory_space<vmem>>) dst(%dma_wait3A_205 : memref<10240x128xf32, #tpu.memory_space<vmem_shared>>)
      } else {
      }
      %lt3A_177 = arith.cmpi slt, %add3A_167, %add3A_8 : i32
      %convert_element_type3A_178 = arith.extui %lt3A_177 : i1 to i32
      %cond3A_179 = arith.constant 0 : i32
      %cond3A_180 = arith.cmpi ne, %convert_element_type3A_178, %cond3A_179 : i32
      scf.if %cond3A_180 {
        %dma_wait3A = arith.constant 0 : i32
        %dma_wait3A_196 = arith.constant 3 : i32
        %dma_wait3A_197 = arith.constant 0 : i32
        %dma_wait3A_198 = tpu.memref_slice %arg6[%dma_wait3A_196, %dma_wait3A_197] : memref<4x128xi32, #tpu.memory_space<vmem>> -> memref<1x128xi32, #tpu.memory_space<vmem>>
        %dma_wait3A_199 = tpu.memref_squeeze %dma_wait3A_198 : memref<1x128xi32, #tpu.memory_space<vmem>> -> memref<128xi32, #tpu.memory_space<vmem>>
        %dma_wait3A_200 = arith.constant 0 : i32
        %dma_wait3A_201 = tpu.memref_slice %arg3[%dma_wait3A, %dma_wait3A_200] : memref<2x320000xi32, #tpu.memory_space<hbm>> -> memref<1x128xi32, #tpu.memory_space<hbm>>
        %dma_wait3A_202 = tpu.memref_squeeze %dma_wait3A_201 : memref<1x128xi32, #tpu.memory_space<hbm>> -> memref<128xi32, #tpu.memory_space<hbm>>
        %dma_wait3A_203 = arith.constant 0 : i32
        %dma_wait3A_204 = tpu.memref_slice %arg6[%dma_wait3A_196, %dma_wait3A_203] : memref<4x128xi32, #tpu.memory_space<vmem>> -> memref<1x128xi32, #tpu.memory_space<vmem>>
        %dma_wait3A_205 = tpu.memref_squeeze %dma_wait3A_204 : memref<1x128xi32, #tpu.memory_space<vmem>> -> memref<128xi32, #tpu.memory_space<vmem>>
        %dma_wait3A_206 = arith.constant 0 : i32
        %dma_wait3A_207 = tpu.memref_slice %arg3[%dma_wait3A, %dma_wait3A_206] : memref<2x320000xi32, #tpu.memory_space<hbm>> -> memref<1x128xi32, #tpu.memory_space<hbm>>
        %dma_wait3A_208 = tpu.memref_squeeze %dma_wait3A_207 : memref<1x128xi32, #tpu.memory_space<hbm>> -> memref<128xi32, #tpu.memory_space<hbm>>
        tpu.wait_dma2 semaphore(%arg13 : memref<!tpu.dma_semaphore, #tpu.memory_space<semaphore_mem>>) src(%dma_wait3A_208 : memref<128xi32, #tpu.memory_space<hbm>>) dst(%dma_wait3A_205 : memref<128xi32, #tpu.memory_space<vmem>>)
        %dma_wait3A_209 = arith.constant 1 : i32
        %dma_wait3A_210 = arith.constant 3 : i32
        %dma_wait3A_211 = arith.constant 0 : i32
        %dma_wait3A_212 = tpu.memref_slice %arg7[%dma_wait3A_210, %dma_wait3A_211] : memref<4x128xi32, #tpu.memory_space<vmem>> -> memref<1x128xi32, #tpu.memory_space<vmem>>
        %dma_wait3A_213 = tpu.memref_squeeze %dma_wait3A_212 : memref<1x128xi32, #tpu.memory_space<vmem>> -> memref<128xi32, #tpu.memory_space<vmem>>
        %dma_wait3A_214 = arith.constant 0 : i32
        %dma_wait3A_215 = tpu.memref_slice %arg3[%dma_wait3A_209, %dma_wait3A_214] : memref<2x320000xi32, #tpu.memory_space<hbm>> -> memref<1x128xi32, #tpu.memory_space<hbm>>
        %dma_wait3A_216 = tpu.memref_squeeze %dma_wait3A_215 : memref<1x128xi32, #tpu.memory_space<hbm>> -> memref<128xi32, #tpu.memory_space<hbm>>
        %dma_wait3A_217 = arith.constant 0 : i32
        %dma_wait3A_218 = tpu.memref_slice %arg7[%dma_wait3A_210, %dma_wait3A_217] : memref<4x128xi32, #tpu.memory_space<vmem>> -> memref<1x128xi32, #tpu.memory_space<vmem>>
        %dma_wait3A_219 = tpu.memref_squeeze %dma_wait3A_218 : memref<1x128xi32, #tpu.memory_space<vmem>> -> memref<128xi32, #tpu.memory_space<vmem>>
        %dma_wait3A_220 = arith.constant 0 : i32
        %dma_wait3A_221 = tpu.memref_slice %arg3[%dma_wait3A_209, %dma_wait3A_220] : memref<2x320000xi32, #tpu.memory_space<hbm>> -> memref<1x128xi32, #tpu.memory_space<hbm>>
        %dma_wait3A_222 = tpu.memref_squeeze %dma_wait3A_221 : memref<1x128xi32, #tpu.memory_space<hbm>> -> memref<128xi32, #tpu.memory_space<hbm>>
        tpu.wait_dma2 semaphore(%arg13 : memref<!tpu.dma_semaphore, #tpu.memory_space<semaphore_mem>>) src(%dma_wait3A_222 : memref<128xi32, #tpu.memory_space<hbm>>) dst(%dma_wait3A_219 : memref<128xi32, #tpu.memory_space<vmem>>)
        %dma_start3A_223 = arith.constant 3 : i32
        %dma_start3A_224 = arith.constant 0 : i32
        %dma_start3A_225 = arith.constant 0 : i32
        %dma_start3A_226 = tpu.memref_slice %arg8[%while3A_59, %dma_start3A_224, %dma_start3A_225] : memref<2x128x128xf32, #tpu.memory_space<vmem>> -> memref<1x128x128xf32, #tpu.memory_space<vmem>>
        %dma_start3A_227 = tpu.memref_squeeze %dma_start3A_226 : memref<1x128x128xf32, #tpu.memory_space<vmem>> -> memref<128x128xf32, #tpu.memory_space<vmem>>
        %dma_start3A_228 = arith.constant 0 : i32
        %dma_start3A_229 = tpu.memref_slice %arg6[%dma_start3A_223, %dma_start3A_228] : memref<4x128xi32, #tpu.memory_space<vmem>> -> memref<1x128xi32, #tpu.memory_space<vmem>>
        %dma_start3A_230 = tpu.memref_squeeze %dma_start3A_229 : memref<1x128xi32, #tpu.memory_space<vmem>> -> memref<128xi32, #tpu.memory_space<vmem>>
        %dma_start3A_231 = arith.constant 0 : i32
        %dma_start3A_232 = arith.constant 0 : i32
        %dma_start3A_233 = tpu.memref_slice %arg2[%dma_start3A_231, %dma_start3A_232] : memref<10240x128xf32, #tpu.memory_space<hbm>> -> memref<10240x128xf32, #tpu.memory_space<hbm>>
        tpu.enqueue_indirect_dma source(%dma_start3A_233 : memref<10240x128xf32, #tpu.memory_space<hbm>>) target(%dma_start3A_227 : memref<128x128xf32, #tpu.memory_space<vmem>>) offsets(%dma_start3A_230 : memref<128xi32, #tpu.memory_space<vmem>>) semaphore(%arg15 : memref<!tpu.dma_semaphore, #tpu.memory_space<semaphore_mem>>)
      } else {
      }
      %add3A_181 = arith.constant 1 : i32
      %add3A_182 = arith.addi %add3A_167, %add3A_181 : i32
      %lt3A_183 = arith.cmpi slt, %add3A_182, %add3A_8 : i32
      %convert_element_type3A_184 = arith.extui %lt3A_183 : i1 to i32
      %cond3A_185 = arith.constant 0 : i32
      %cond3A_186 = arith.cmpi ne, %convert_element_type3A_184, %cond3A_185 : i32
      scf.if %cond3A_186 {
        %add3A_196 = arith.constant 1 : i32
        %add3A_197 = arith.addi %add3A_167, %add3A_196 : i32
        %add3A_198 = arith.addi %add3A_4, %add3A_197 : i32
        %mul3A_199 = arith.constant 128 : i32
        %mul3A_200 = arith.muli %add3A_198, %mul3A_199 : i32
        %multiple_of3A_201 = tpu.assume_multiple %mul3A_200, 128 : i32
        %dma_start3A_202 = arith.constant 0 : i32
        %dma_start3A_203 = arith.constant 0 : i32
        %dma_start3A_204 = arith.constant 0 : i32
        %dma_start3A_205 = tpu.memref_slice %arg6[%dma_start3A_203, %dma_start3A_204] : memref<4x128xi32, #tpu.memory_space<vmem>> -> memref<1x128xi32, #tpu.memory_space<vmem>>
        %dma_start3A_206 = tpu.memref_squeeze %dma_start3A_205 : memref<1x128xi32, #tpu.memory_space<vmem>> -> memref<128xi32, #tpu.memory_space<vmem>>
        %dma_start3A_207 = tpu.memref_slice %arg3[%dma_start3A_202, %multiple_of3A_201] : memref<2x320000xi32, #tpu.memory_space<hbm>> -> memref<1x128xi32, #tpu.memory_space<hbm>>
        %dma_start3A_208 = tpu.memref_squeeze %dma_start3A_207 : memref<1x128xi32, #tpu.memory_space<hbm>> -> memref<128xi32, #tpu.memory_space<hbm>>
        %dma_start3A_209 = arith.constant 0 : i32
        %dma_start3A_210 = tpu.memref_slice %arg6[%dma_start3A_203, %dma_start3A_209] : memref<4x128xi32, #tpu.memory_space<vmem>> -> memref<1x128xi32, #tpu.memory_space<vmem>>
        %dma_start3A_211 = tpu.memref_squeeze %dma_start3A_210 : memref<1x128xi32, #tpu.memory_space<vmem>> -> memref<128xi32, #tpu.memory_space<vmem>>
        %dma_start3A_212 = tpu.memref_slice %arg3[%dma_start3A_202, %multiple_of3A_201] : memref<2x320000xi32, #tpu.memory_space<hbm>> -> memref<1x128xi32, #tpu.memory_space<hbm>>
        %dma_start3A_213 = tpu.memref_squeeze %dma_start3A_212 : memref<1x128xi32, #tpu.memory_space<hbm>> -> memref<128xi32, #tpu.memory_space<hbm>>
        tpu.enqueue_dma source(%dma_start3A_213 : memref<128xi32, #tpu.memory_space<hbm>>) target(%dma_start3A_211 : memref<128xi32, #tpu.memory_space<vmem>>) target_semaphore(%arg10 : memref<!tpu.dma_semaphore, #tpu.memory_space<semaphore_mem>>)
        %dma_start3A_214 = arith.constant 1 : i32
        %dma_start3A_215 = arith.constant 0 : i32
        %dma_start3A_216 = arith.constant 0 : i32
        %dma_start3A_217 = tpu.memref_slice %arg7[%dma_start3A_215, %dma_start3A_216] : memref<4x128xi32, #tpu.memory_space<vmem>> -> memref<1x128xi32, #tpu.memory_space<vmem>>
        %dma_start3A_218 = tpu.memref_squeeze %dma_start3A_217 : memref<1x128xi32, #tpu.memory_space<vmem>> -> memref<128xi32, #tpu.memory_space<vmem>>
        %dma_start3A_219 = tpu.memref_slice %arg3[%dma_start3A_214, %multiple_of3A_201] : memref<2x320000xi32, #tpu.memory_space<hbm>> -> memref<1x128xi32, #tpu.memory_space<hbm>>
        %dma_start3A_220 = tpu.memref_squeeze %dma_start3A_219 : memref<1x128xi32, #tpu.memory_space<hbm>> -> memref<128xi32, #tpu.memory_space<hbm>>
        %dma_start3A_221 = arith.constant 0 : i32
        %dma_start3A_222 = tpu.memref_slice %arg7[%dma_start3A_215, %dma_start3A_221] : memref<4x128xi32, #tpu.memory_space<vmem>> -> memref<1x128xi32, #tpu.memory_space<vmem>>
        %dma_start3A_223 = tpu.memref_squeeze %dma_start3A_222 : memref<1x128xi32, #tpu.memory_space<vmem>> -> memref<128xi32, #tpu.memory_space<vmem>>
        %dma_start3A_224 = tpu.memref_slice %arg3[%dma_start3A_214, %multiple_of3A_201] : memref<2x320000xi32, #tpu.memory_space<hbm>> -> memref<1x128xi32, #tpu.memory_space<hbm>>
        %dma_start3A_225 = tpu.memref_squeeze %dma_start3A_224 : memref<1x128xi32, #tpu.memory_space<hbm>> -> memref<128xi32, #tpu.memory_space<hbm>>
        tpu.enqueue_dma source(%dma_start3A_225 : memref<128xi32, #tpu.memory_space<hbm>>) target(%dma_start3A_223 : memref<128xi32, #tpu.memory_space<vmem>>) target_semaphore(%arg10 : memref<!tpu.dma_semaphore, #tpu.memory_space<semaphore_mem>>)
      } else {
      }
      %ge3A_187 = arith.constant 1 : i32
      %ge3A_188 = arith.cmpi sge, %add3A_167, %ge3A_187 : i32
      %add3A_189 = arith.constant 1 : i32
      %add3A_190 = arith.addi %add3A_8, %add3A_189 : i32
      %lt3A_191 = arith.cmpi slt, %add3A_167, %add3A_190 : i32
      %and3A_192 = arith.andi %ge3A_188, %lt3A_191 : i1
      %convert_element_type3A_193 = arith.extui %and3A_192 : i1 to i32
      %cond3A_194 = arith.constant 0 : i32
      %cond3A_195 = arith.cmpi ne, %convert_element_type3A_193, %cond3A_194 : i32
      scf.if %cond3A_195 {
        %dma_wait3A = arith.constant 0 : i32
        %dma_wait3A_196 = arith.constant 0 : i32
        %dma_wait3A_197 = arith.constant 0 : i32
        %dma_wait3A_198 = tpu.memref_slice %arg8[%while3A_58, %dma_wait3A_196, %dma_wait3A_197] : memref<2x128x128xf32, #tpu.memory_space<vmem>> -> memref<1x128x128xf32, #tpu.memory_space<vmem>>
        %dma_wait3A_199 = tpu.memref_squeeze %dma_wait3A_198 : memref<1x128x128xf32, #tpu.memory_space<vmem>> -> memref<128x128xf32, #tpu.memory_space<vmem>>
        %dma_wait3A_200 = arith.constant 0 : i32
        %dma_wait3A_201 = tpu.memref_slice %arg6[%dma_wait3A, %dma_wait3A_200] : memref<4x128xi32, #tpu.memory_space<vmem>> -> memref<1x128xi32, #tpu.memory_space<vmem>>
        %dma_wait3A_202 = tpu.memref_squeeze %dma_wait3A_201 : memref<1x128xi32, #tpu.memory_space<vmem>> -> memref<128xi32, #tpu.memory_space<vmem>>
        %dma_wait3A_203 = arith.constant 0 : i32
        %dma_wait3A_204 = arith.constant 0 : i32
        %dma_wait3A_205 = tpu.memref_slice %arg2[%dma_wait3A_203, %dma_wait3A_204] : memref<10240x128xf32, #tpu.memory_space<hbm>> -> memref<10240x128xf32, #tpu.memory_space<hbm>>
        tpu.wait_indirect_dma semaphore(%arg14 : memref<!tpu.dma_semaphore, #tpu.memory_space<semaphore_mem>>) src(%dma_wait3A_205 : memref<10240x128xf32, #tpu.memory_space<hbm>>) dst(%dma_wait3A_199 : memref<128x128xf32, #tpu.memory_space<vmem>>)
        %dma_start3A_206 = arith.constant 2 : i32
        %dma_start3A_207 = arith.constant 0 : i32
        %dma_start3A_208 = arith.constant 0 : i32
        %dma_start3A_209 = tpu.memref_slice %arg8[%while3A_58, %dma_start3A_207, %dma_start3A_208] : memref<2x128x128xf32, #tpu.memory_space<vmem>> -> memref<1x128x128xf32, #tpu.memory_space<vmem>>
        %dma_start3A_210 = tpu.memref_squeeze %dma_start3A_209 : memref<1x128x128xf32, #tpu.memory_space<vmem>> -> memref<128x128xf32, #tpu.memory_space<vmem>>
        %dma_start3A_211 = arith.constant 0 : i32
        %dma_start3A_212 = tpu.memref_slice %arg7[%dma_start3A_206, %dma_start3A_211] : memref<4x128xi32, #tpu.memory_space<vmem>> -> memref<1x128xi32, #tpu.memory_space<vmem>>
        %dma_start3A_213 = tpu.memref_squeeze %dma_start3A_212 : memref<1x128xi32, #tpu.memory_space<vmem>> -> memref<128xi32, #tpu.memory_space<vmem>>
        %dma_start3A_214 = arith.constant 0 : i32
        %dma_start3A_215 = arith.constant 0 : i32
        %dma_start3A_216 = tpu.memref_slice %arg9[%dma_start3A_214, %dma_start3A_215] : memref<10240x128xf32, #tpu.memory_space<vmem_shared>> -> memref<10240x128xf32, #tpu.memory_space<vmem_shared>>
        tpu.enqueue_indirect_dma source(%dma_start3A_210 : memref<128x128xf32, #tpu.memory_space<vmem>>) target(%dma_start3A_216 : memref<10240x128xf32, #tpu.memory_space<vmem_shared>>) offsets(%dma_start3A_213 : memref<128xi32, #tpu.memory_space<vmem>>) semaphore(%arg16 : memref<!tpu.dma_semaphore, #tpu.memory_space<semaphore_mem>>) {add = true}
      } else {
      }
    }
    %while3A_68 = arith.constant 1 : i32
    scf.for %while3A_70 = %while3A_66 to %while3A_62 step %while3A_68  : i32 {
      %mul3A_71 = arith.constant 4 : i32
      %mul3A_72 = arith.muli %mul3A_71, %while3A_70 : i32
      %add3A_73 = arith.constant 0 : i32
      %add3A_74 = arith.addi %mul3A_72, %add3A_73 : i32
      %ge3A = arith.constant 2 : i32
      %ge3A_75 = arith.cmpi sge, %add3A_74, %ge3A : i32
      %add3A_76 = arith.constant 2 : i32
      %add3A_77 = arith.addi %add3A_8, %add3A_76 : i32
      %lt3A_78 = arith.cmpi slt, %add3A_74, %add3A_77 : i32
      %and3A_79 = arith.andi %ge3A_75, %lt3A_78 : i1
      %convert_element_type3A = arith.extui %and3A_79 : i1 to i32
      %cond3A = arith.constant 0 : i32
      %cond3A_80 = arith.cmpi ne, %convert_element_type3A, %cond3A : i32
      scf.if %cond3A_80 {
        %dma_wait3A = arith.constant 0 : i32
        %dma_wait3A_196 = arith.constant 0 : i32
        %dma_wait3A_197 = arith.constant 0 : i32
        %dma_wait3A_198 = tpu.memref_slice %arg8[%while3A_58, %dma_wait3A_196, %dma_wait3A_197] : memref<2x128x128xf32, #tpu.memory_space<vmem>> -> memref<1x128x128xf32, #tpu.memory_space<vmem>>
        %dma_wait3A_199 = tpu.memref_squeeze %dma_wait3A_198 : memref<1x128x128xf32, #tpu.memory_space<vmem>> -> memref<128x128xf32, #tpu.memory_space<vmem>>
        %dma_wait3A_200 = arith.constant 0 : i32
        %dma_wait3A_201 = tpu.memref_slice %arg7[%dma_wait3A, %dma_wait3A_200] : memref<4x128xi32, #tpu.memory_space<vmem>> -> memref<1x128xi32, #tpu.memory_space<vmem>>
        %dma_wait3A_202 = tpu.memref_squeeze %dma_wait3A_201 : memref<1x128xi32, #tpu.memory_space<vmem>> -> memref<128xi32, #tpu.memory_space<vmem>>
        %dma_wait3A_203 = arith.constant 0 : i32
        %dma_wait3A_204 = arith.constant 0 : i32
        %dma_wait3A_205 = tpu.memref_slice %arg9[%dma_wait3A_203, %dma_wait3A_204] : memref<10240x128xf32, #tpu.memory_space<vmem_shared>> -> memref<10240x128xf32, #tpu.memory_space<vmem_shared>>
        tpu.wait_indirect_dma semaphore(%arg16 : memref<!tpu.dma_semaphore, #tpu.memory_space<semaphore_mem>>) src(%dma_wait3A_199 : memref<128x128xf32, #tpu.memory_space<vmem>>) dst(%dma_wait3A_205 : memref<10240x128xf32, #tpu.memory_space<vmem_shared>>)
      } else {
      }
      %lt3A_81 = arith.cmpi slt, %add3A_74, %add3A_8 : i32
      %convert_element_type3A_82 = arith.extui %lt3A_81 : i1 to i32
      %cond3A_83 = arith.constant 0 : i32
      %cond3A_84 = arith.cmpi ne, %convert_element_type3A_82, %cond3A_83 : i32
      scf.if %cond3A_84 {
        %dma_wait3A = arith.constant 0 : i32
        %dma_wait3A_196 = arith.constant 0 : i32
        %dma_wait3A_197 = arith.constant 0 : i32
        %dma_wait3A_198 = tpu.memref_slice %arg6[%dma_wait3A_196, %dma_wait3A_197] : memref<4x128xi32, #tpu.memory_space<vmem>> -> memref<1x128xi32, #tpu.memory_space<vmem>>
        %dma_wait3A_199 = tpu.memref_squeeze %dma_wait3A_198 : memref<1x128xi32, #tpu.memory_space<vmem>> -> memref<128xi32, #tpu.memory_space<vmem>>
        %dma_wait3A_200 = arith.constant 0 : i32
        %dma_wait3A_201 = tpu.memref_slice %arg3[%dma_wait3A, %dma_wait3A_200] : memref<2x320000xi32, #tpu.memory_space<hbm>> -> memref<1x128xi32, #tpu.memory_space<hbm>>
        %dma_wait3A_202 = tpu.memref_squeeze %dma_wait3A_201 : memref<1x128xi32, #tpu.memory_space<hbm>> -> memref<128xi32, #tpu.memory_space<hbm>>
        %dma_wait3A_203 = arith.constant 0 : i32
        %dma_wait3A_204 = tpu.memref_slice %arg6[%dma_wait3A_196, %dma_wait3A_203] : memref<4x128xi32, #tpu.memory_space<vmem>> -> memref<1x128xi32, #tpu.memory_space<vmem>>
        %dma_wait3A_205 = tpu.memref_squeeze %dma_wait3A_204 : memref<1x128xi32, #tpu.memory_space<vmem>> -> memref<128xi32, #tpu.memory_space<vmem>>
        %dma_wait3A_206 = arith.constant 0 : i32
        %dma_wait3A_207 = tpu.memref_slice %arg3[%dma_wait3A, %dma_wait3A_206] : memref<2x320000xi32, #tpu.memory_space<hbm>> -> memref<1x128xi32, #tpu.memory_space<hbm>>
        %dma_wait3A_208 = tpu.memref_squeeze %dma_wait3A_207 : memref<1x128xi32, #tpu.memory_space<hbm>> -> memref<128xi32, #tpu.memory_space<hbm>>
        tpu.wait_dma2 semaphore(%arg10 : memref<!tpu.dma_semaphore, #tpu.memory_space<semaphore_mem>>) src(%dma_wait3A_208 : memref<128xi32, #tpu.memory_space<hbm>>) dst(%dma_wait3A_205 : memref<128xi32, #tpu.memory_space<vmem>>)
        %dma_wait3A_209 = arith.constant 1 : i32
        %dma_wait3A_210 = arith.constant 0 : i32
        %dma_wait3A_211 = arith.constant 0 : i32
        %dma_wait3A_212 = tpu.memref_slice %arg7[%dma_wait3A_210, %dma_wait3A_211] : memref<4x128xi32, #tpu.memory_space<vmem>> -> memref<1x128xi32, #tpu.memory_space<vmem>>
        %dma_wait3A_213 = tpu.memref_squeeze %dma_wait3A_212 : memref<1x128xi32, #tpu.memory_space<vmem>> -> memref<128xi32, #tpu.memory_space<vmem>>
        %dma_wait3A_214 = arith.constant 0 : i32
        %dma_wait3A_215 = tpu.memref_slice %arg3[%dma_wait3A_209, %dma_wait3A_214] : memref<2x320000xi32, #tpu.memory_space<hbm>> -> memref<1x128xi32, #tpu.memory_space<hbm>>
        %dma_wait3A_216 = tpu.memref_squeeze %dma_wait3A_215 : memref<1x128xi32, #tpu.memory_space<hbm>> -> memref<128xi32, #tpu.memory_space<hbm>>
        %dma_wait3A_217 = arith.constant 0 : i32
        %dma_wait3A_218 = tpu.memref_slice %arg7[%dma_wait3A_210, %dma_wait3A_217] : memref<4x128xi32, #tpu.memory_space<vmem>> -> memref<1x128xi32, #tpu.memory_space<vmem>>
        %dma_wait3A_219 = tpu.memref_squeeze %dma_wait3A_218 : memref<1x128xi32, #tpu.memory_space<vmem>> -> memref<128xi32, #tpu.memory_space<vmem>>
        %dma_wait3A_220 = arith.constant 0 : i32
        %dma_wait3A_221 = tpu.memref_slice %arg3[%dma_wait3A_209, %dma_wait3A_220] : memref<2x320000xi32, #tpu.memory_space<hbm>> -> memref<1x128xi32, #tpu.memory_space<hbm>>
        %dma_wait3A_222 = tpu.memref_squeeze %dma_wait3A_221 : memref<1x128xi32, #tpu.memory_space<hbm>> -> memref<128xi32, #tpu.memory_space<hbm>>
        tpu.wait_dma2 semaphore(%arg10 : memref<!tpu.dma_semaphore, #tpu.memory_space<semaphore_mem>>) src(%dma_wait3A_222 : memref<128xi32, #tpu.memory_space<hbm>>) dst(%dma_wait3A_219 : memref<128xi32, #tpu.memory_space<vmem>>)
        %dma_start3A_223 = arith.constant 0 : i32
        %dma_start3A_224 = arith.constant 0 : i32
        %dma_start3A_225 = arith.constant 0 : i32
        %dma_start3A_226 = tpu.memref_slice %arg8[%while3A_58, %dma_start3A_224, %dma_start3A_225] : memref<2x128x128xf32, #tpu.memory_space<vmem>> -> memref<1x128x128xf32, #tpu.memory_space<vmem>>
        %dma_start3A_227 = tpu.memref_squeeze %dma_start3A_226 : memref<1x128x128xf32, #tpu.memory_space<vmem>> -> memref<128x128xf32, #tpu.memory_space<vmem>>
        %dma_start3A_228 = arith.constant 0 : i32
        %dma_start3A_229 = tpu.memref_slice %arg6[%dma_start3A_223, %dma_start3A_228] : memref<4x128xi32, #tpu.memory_space<vmem>> -> memref<1x128xi32, #tpu.memory_space<vmem>>
        %dma_start3A_230 = tpu.memref_squeeze %dma_start3A_229 : memref<1x128xi32, #tpu.memory_space<vmem>> -> memref<128xi32, #tpu.memory_space<vmem>>
        %dma_start3A_231 = arith.constant 0 : i32
        %dma_start3A_232 = arith.constant 0 : i32
        %dma_start3A_233 = tpu.memref_slice %arg2[%dma_start3A_231, %dma_start3A_232] : memref<10240x128xf32, #tpu.memory_space<hbm>> -> memref<10240x128xf32, #tpu.memory_space<hbm>>
        tpu.enqueue_indirect_dma source(%dma_start3A_233 : memref<10240x128xf32, #tpu.memory_space<hbm>>) target(%dma_start3A_227 : memref<128x128xf32, #tpu.memory_space<vmem>>) offsets(%dma_start3A_230 : memref<128xi32, #tpu.memory_space<vmem>>) semaphore(%arg14 : memref<!tpu.dma_semaphore, #tpu.memory_space<semaphore_mem>>)
      } else {
      }
      %add3A_85 = arith.constant 1 : i32
      %add3A_86 = arith.addi %add3A_74, %add3A_85 : i32
      %lt3A_87 = arith.cmpi slt, %add3A_86, %add3A_8 : i32
      %convert_element_type3A_88 = arith.extui %lt3A_87 : i1 to i32
      %cond3A_89 = arith.constant 0 : i32
      %cond3A_90 = arith.cmpi ne, %convert_element_type3A_88, %cond3A_89 : i32
      scf.if %cond3A_90 {
        %add3A_196 = arith.constant 1 : i32
        %add3A_197 = arith.addi %add3A_74, %add3A_196 : i32
        %add3A_198 = arith.addi %add3A_4, %add3A_197 : i32
        %mul3A_199 = arith.constant 128 : i32
        %mul3A_200 = arith.muli %add3A_198, %mul3A_199 : i32
        %multiple_of3A_201 = tpu.assume_multiple %mul3A_200, 128 : i32
        %dma_start3A_202 = arith.constant 0 : i32
        %dma_start3A_203 = arith.constant 1 : i32
        %dma_start3A_204 = arith.constant 0 : i32
        %dma_start3A_205 = tpu.memref_slice %arg6[%dma_start3A_203, %dma_start3A_204] : memref<4x128xi32, #tpu.memory_space<vmem>> -> memref<1x128xi32, #tpu.memory_space<vmem>>
        %dma_start3A_206 = tpu.memref_squeeze %dma_start3A_205 : memref<1x128xi32, #tpu.memory_space<vmem>> -> memref<128xi32, #tpu.memory_space<vmem>>
        %dma_start3A_207 = tpu.memref_slice %arg3[%dma_start3A_202, %multiple_of3A_201] : memref<2x320000xi32, #tpu.memory_space<hbm>> -> memref<1x128xi32, #tpu.memory_space<hbm>>
        %dma_start3A_208 = tpu.memref_squeeze %dma_start3A_207 : memref<1x128xi32, #tpu.memory_space<hbm>> -> memref<128xi32, #tpu.memory_space<hbm>>
        %dma_start3A_209 = arith.constant 0 : i32
        %dma_start3A_210 = tpu.memref_slice %arg6[%dma_start3A_203, %dma_start3A_209] : memref<4x128xi32, #tpu.memory_space<vmem>> -> memref<1x128xi32, #tpu.memory_space<vmem>>
        %dma_start3A_211 = tpu.memref_squeeze %dma_start3A_210 : memref<1x128xi32, #tpu.memory_space<vmem>> -> memref<128xi32, #tpu.memory_space<vmem>>
        %dma_start3A_212 = tpu.memref_slice %arg3[%dma_start3A_202, %multiple_of3A_201] : memref<2x320000xi32, #tpu.memory_space<hbm>> -> memref<1x128xi32, #tpu.memory_space<hbm>>
        %dma_start3A_213 = tpu.memref_squeeze %dma_start3A_212 : memref<1x128xi32, #tpu.memory_space<hbm>> -> memref<128xi32, #tpu.memory_space<hbm>>
        tpu.enqueue_dma source(%dma_start3A_213 : memref<128xi32, #tpu.memory_space<hbm>>) target(%dma_start3A_211 : memref<128xi32, #tpu.memory_space<vmem>>) target_semaphore(%arg11 : memref<!tpu.dma_semaphore, #tpu.memory_space<semaphore_mem>>)
        %dma_start3A_214 = arith.constant 1 : i32
        %dma_start3A_215 = arith.constant 1 : i32
        %dma_start3A_216 = arith.constant 0 : i32
        %dma_start3A_217 = tpu.memref_slice %arg7[%dma_start3A_215, %dma_start3A_216] : memref<4x128xi32, #tpu.memory_space<vmem>> -> memref<1x128xi32, #tpu.memory_space<vmem>>
        %dma_start3A_218 = tpu.memref_squeeze %dma_start3A_217 : memref<1x128xi32, #tpu.memory_space<vmem>> -> memref<128xi32, #tpu.memory_space<vmem>>
        %dma_start3A_219 = tpu.memref_slice %arg3[%dma_start3A_214, %multiple_of3A_201] : memref<2x320000xi32, #tpu.memory_space<hbm>> -> memref<1x128xi32, #tpu.memory_space<hbm>>
        %dma_start3A_220 = tpu.memref_squeeze %dma_start3A_219 : memref<1x128xi32, #tpu.memory_space<hbm>> -> memref<128xi32, #tpu.memory_space<hbm>>
        %dma_start3A_221 = arith.constant 0 : i32
        %dma_start3A_222 = tpu.memref_slice %arg7[%dma_start3A_215, %dma_start3A_221] : memref<4x128xi32, #tpu.memory_space<vmem>> -> memref<1x128xi32, #tpu.memory_space<vmem>>
        %dma_start3A_223 = tpu.memref_squeeze %dma_start3A_222 : memref<1x128xi32, #tpu.memory_space<vmem>> -> memref<128xi32, #tpu.memory_space<vmem>>
        %dma_start3A_224 = tpu.memref_slice %arg3[%dma_start3A_214, %multiple_of3A_201] : memref<2x320000xi32, #tpu.memory_space<hbm>> -> memref<1x128xi32, #tpu.memory_space<hbm>>
        %dma_start3A_225 = tpu.memref_squeeze %dma_start3A_224 : memref<1x128xi32, #tpu.memory_space<hbm>> -> memref<128xi32, #tpu.memory_space<hbm>>
        tpu.enqueue_dma source(%dma_start3A_225 : memref<128xi32, #tpu.memory_space<hbm>>) target(%dma_start3A_223 : memref<128xi32, #tpu.memory_space<vmem>>) target_semaphore(%arg11 : memref<!tpu.dma_semaphore, #tpu.memory_space<semaphore_mem>>)
      } else {
      }
      %ge3A_91 = arith.constant 1 : i32
      %ge3A_92 = arith.cmpi sge, %add3A_74, %ge3A_91 : i32
      %add3A_93 = arith.constant 1 : i32
      %add3A_94 = arith.addi %add3A_8, %add3A_93 : i32
      %lt3A_95 = arith.cmpi slt, %add3A_74, %add3A_94 : i32
      %and3A_96 = arith.andi %ge3A_92, %lt3A_95 : i1
      %convert_element_type3A_97 = arith.extui %and3A_96 : i1 to i32
      %cond3A_98 = arith.constant 0 : i32
      %cond3A_99 = arith.cmpi ne, %convert_element_type3A_97, %cond3A_98 : i32
      scf.if %cond3A_99 {
        %dma_wait3A = arith.constant 0 : i32
        %dma_wait3A_196 = arith.constant 0 : i32
        %dma_wait3A_197 = arith.constant 0 : i32
        %dma_wait3A_198 = tpu.memref_slice %arg8[%while3A_59, %dma_wait3A_196, %dma_wait3A_197] : memref<2x128x128xf32, #tpu.memory_space<vmem>> -> memref<1x128x128xf32, #tpu.memory_space<vmem>>
        %dma_wait3A_199 = tpu.memref_squeeze %dma_wait3A_198 : memref<1x128x128xf32, #tpu.memory_space<vmem>> -> memref<128x128xf32, #tpu.memory_space<vmem>>
        %dma_wait3A_200 = arith.constant 0 : i32
        %dma_wait3A_201 = tpu.memref_slice %arg6[%dma_wait3A, %dma_wait3A_200] : memref<4x128xi32, #tpu.memory_space<vmem>> -> memref<1x128xi32, #tpu.memory_space<vmem>>
        %dma_wait3A_202 = tpu.memref_squeeze %dma_wait3A_201 : memref<1x128xi32, #tpu.memory_space<vmem>> -> memref<128xi32, #tpu.memory_space<vmem>>
        %dma_wait3A_203 = arith.constant 0 : i32
        %dma_wait3A_204 = arith.constant 0 : i32
        %dma_wait3A_205 = tpu.memref_slice %arg2[%dma_wait3A_203, %dma_wait3A_204] : memref<10240x128xf32, #tpu.memory_space<hbm>> -> memref<10240x128xf32, #tpu.memory_space<hbm>>
        tpu.wait_indirect_dma semaphore(%arg15 : memref<!tpu.dma_semaphore, #tpu.memory_space<semaphore_mem>>) src(%dma_wait3A_205 : memref<10240x128xf32, #tpu.memory_space<hbm>>) dst(%dma_wait3A_199 : memref<128x128xf32, #tpu.memory_space<vmem>>)
        %dma_start3A_206 = arith.constant 3 : i32
        %dma_start3A_207 = arith.constant 0 : i32
        %dma_start3A_208 = arith.constant 0 : i32
        %dma_start3A_209 = tpu.memref_slice %arg8[%while3A_59, %dma_start3A_207, %dma_start3A_208] : memref<2x128x128xf32, #tpu.memory_space<vmem>> -> memref<1x128x128xf32, #tpu.memory_space<vmem>>
        %dma_start3A_210 = tpu.memref_squeeze %dma_start3A_209 : memref<1x128x128xf32, #tpu.memory_space<vmem>> -> memref<128x128xf32, #tpu.memory_space<vmem>>
        %dma_start3A_211 = arith.constant 0 : i32
        %dma_start3A_212 = tpu.memref_slice %arg7[%dma_start3A_206, %dma_start3A_211] : memref<4x128xi32, #tpu.memory_space<vmem>> -> memref<1x128xi32, #tpu.memory_space<vmem>>
        %dma_start3A_213 = tpu.memref_squeeze %dma_start3A_212 : memref<1x128xi32, #tpu.memory_space<vmem>> -> memref<128xi32, #tpu.memory_space<vmem>>
        %dma_start3A_214 = arith.constant 0 : i32
        %dma_start3A_215 = arith.constant 0 : i32
        %dma_start3A_216 = tpu.memref_slice %arg9[%dma_start3A_214, %dma_start3A_215] : memref<10240x128xf32, #tpu.memory_space<vmem_shared>> -> memref<10240x128xf32, #tpu.memory_space<vmem_shared>>
        tpu.enqueue_indirect_dma source(%dma_start3A_210 : memref<128x128xf32, #tpu.memory_space<vmem>>) target(%dma_start3A_216 : memref<10240x128xf32, #tpu.memory_space<vmem_shared>>) offsets(%dma_start3A_213 : memref<128xi32, #tpu.memory_space<vmem>>) semaphore(%arg17 : memref<!tpu.dma_semaphore, #tpu.memory_space<semaphore_mem>>) {add = true}
      } else {
      }
      %mul3A_100 = arith.constant 4 : i32
      %mul3A_101 = arith.muli %mul3A_100, %while3A_70 : i32
      %add3A_102 = arith.constant 1 : i32
      %add3A_103 = arith.addi %mul3A_101, %add3A_102 : i32
      %ge3A_104 = arith.constant 2 : i32
      %ge3A_105 = arith.cmpi sge, %add3A_103, %ge3A_104 : i32
      %add3A_106 = arith.constant 2 : i32
      %add3A_107 = arith.addi %add3A_8, %add3A_106 : i32
      %lt3A_108 = arith.cmpi slt, %add3A_103, %add3A_107 : i32
      %and3A_109 = arith.andi %ge3A_105, %lt3A_108 : i1
      %convert_element_type3A_110 = arith.extui %and3A_109 : i1 to i32
      %cond3A_111 = arith.constant 0 : i32
      %cond3A_112 = arith.cmpi ne, %convert_element_type3A_110, %cond3A_111 : i32
      scf.if %cond3A_112 {
        %dma_wait3A = arith.constant 0 : i32
        %dma_wait3A_196 = arith.constant 0 : i32
        %dma_wait3A_197 = arith.constant 0 : i32
        %dma_wait3A_198 = tpu.memref_slice %arg8[%while3A_59, %dma_wait3A_196, %dma_wait3A_197] : memref<2x128x128xf32, #tpu.memory_space<vmem>> -> memref<1x128x128xf32, #tpu.memory_space<vmem>>
        %dma_wait3A_199 = tpu.memref_squeeze %dma_wait3A_198 : memref<1x128x128xf32, #tpu.memory_space<vmem>> -> memref<128x128xf32, #tpu.memory_space<vmem>>
        %dma_wait3A_200 = arith.constant 0 : i32
        %dma_wait3A_201 = tpu.memref_slice %arg7[%dma_wait3A, %dma_wait3A_200] : memref<4x128xi32, #tpu.memory_space<vmem>> -> memref<1x128xi32, #tpu.memory_space<vmem>>
        %dma_wait3A_202 = tpu.memref_squeeze %dma_wait3A_201 : memref<1x128xi32, #tpu.memory_space<vmem>> -> memref<128xi32, #tpu.memory_space<vmem>>
        %dma_wait3A_203 = arith.constant 0 : i32
        %dma_wait3A_204 = arith.constant 0 : i32
        %dma_wait3A_205 = tpu.memref_slice %arg9[%dma_wait3A_203, %dma_wait3A_204] : memref<10240x128xf32, #tpu.memory_space<vmem_shared>> -> memref<10240x128xf32, #tpu.memory_space<vmem_shared>>
        tpu.wait_indirect_dma semaphore(%arg17 : memref<!tpu.dma_semaphore, #tpu.memory_space<semaphore_mem>>) src(%dma_wait3A_199 : memref<128x128xf32, #tpu.memory_space<vmem>>) dst(%dma_wait3A_205 : memref<10240x128xf32, #tpu.memory_space<vmem_shared>>)
      } else {
      }
      %lt3A_113 = arith.cmpi slt, %add3A_103, %add3A_8 : i32
      %convert_element_type3A_114 = arith.extui %lt3A_113 : i1 to i32
      %cond3A_115 = arith.constant 0 : i32
      %cond3A_116 = arith.cmpi ne, %convert_element_type3A_114, %cond3A_115 : i32
      scf.if %cond3A_116 {
        %dma_wait3A = arith.constant 0 : i32
        %dma_wait3A_196 = arith.constant 1 : i32
        %dma_wait3A_197 = arith.constant 0 : i32
        %dma_wait3A_198 = tpu.memref_slice %arg6[%dma_wait3A_196, %dma_wait3A_197] : memref<4x128xi32, #tpu.memory_space<vmem>> -> memref<1x128xi32, #tpu.memory_space<vmem>>
        %dma_wait3A_199 = tpu.memref_squeeze %dma_wait3A_198 : memref<1x128xi32, #tpu.memory_space<vmem>> -> memref<128xi32, #tpu.memory_space<vmem>>
        %dma_wait3A_200 = arith.constant 0 : i32
        %dma_wait3A_201 = tpu.memref_slice %arg3[%dma_wait3A, %dma_wait3A_200] : memref<2x320000xi32, #tpu.memory_space<hbm>> -> memref<1x128xi32, #tpu.memory_space<hbm>>
        %dma_wait3A_202 = tpu.memref_squeeze %dma_wait3A_201 : memref<1x128xi32, #tpu.memory_space<hbm>> -> memref<128xi32, #tpu.memory_space<hbm>>
        %dma_wait3A_203 = arith.constant 0 : i32
        %dma_wait3A_204 = tpu.memref_slice %arg6[%dma_wait3A_196, %dma_wait3A_203] : memref<4x128xi32, #tpu.memory_space<vmem>> -> memref<1x128xi32, #tpu.memory_space<vmem>>
        %dma_wait3A_205 = tpu.memref_squeeze %dma_wait3A_204 : memref<1x128xi32, #tpu.memory_space<vmem>> -> memref<128xi32, #tpu.memory_space<vmem>>
        %dma_wait3A_206 = arith.constant 0 : i32
        %dma_wait3A_207 = tpu.memref_slice %arg3[%dma_wait3A, %dma_wait3A_206] : memref<2x320000xi32, #tpu.memory_space<hbm>> -> memref<1x128xi32, #tpu.memory_space<hbm>>
        %dma_wait3A_208 = tpu.memref_squeeze %dma_wait3A_207 : memref<1x128xi32, #tpu.memory_space<hbm>> -> memref<128xi32, #tpu.memory_space<hbm>>
        tpu.wait_dma2 semaphore(%arg11 : memref<!tpu.dma_semaphore, #tpu.memory_space<semaphore_mem>>) src(%dma_wait3A_208 : memref<128xi32, #tpu.memory_space<hbm>>) dst(%dma_wait3A_205 : memref<128xi32, #tpu.memory_space<vmem>>)
        %dma_wait3A_209 = arith.constant 1 : i32
        %dma_wait3A_210 = arith.constant 1 : i32
        %dma_wait3A_211 = arith.constant 0 : i32
        %dma_wait3A_212 = tpu.memref_slice %arg7[%dma_wait3A_210, %dma_wait3A_211] : memref<4x128xi32, #tpu.memory_space<vmem>> -> memref<1x128xi32, #tpu.memory_space<vmem>>
        %dma_wait3A_213 = tpu.memref_squeeze %dma_wait3A_212 : memref<1x128xi32, #tpu.memory_space<vmem>> -> memref<128xi32, #tpu.memory_space<vmem>>
        %dma_wait3A_214 = arith.constant 0 : i32
        %dma_wait3A_215 = tpu.memref_slice %arg3[%dma_wait3A_209, %dma_wait3A_214] : memref<2x320000xi32, #tpu.memory_space<hbm>> -> memref<1x128xi32, #tpu.memory_space<hbm>>
        %dma_wait3A_216 = tpu.memref_squeeze %dma_wait3A_215 : memref<1x128xi32, #tpu.memory_space<hbm>> -> memref<128xi32, #tpu.memory_space<hbm>>
        %dma_wait3A_217 = arith.constant 0 : i32
        %dma_wait3A_218 = tpu.memref_slice %arg7[%dma_wait3A_210, %dma_wait3A_217] : memref<4x128xi32, #tpu.memory_space<vmem>> -> memref<1x128xi32, #tpu.memory_space<vmem>>
        %dma_wait3A_219 = tpu.memref_squeeze %dma_wait3A_218 : memref<1x128xi32, #tpu.memory_space<vmem>> -> memref<128xi32, #tpu.memory_space<vmem>>
        %dma_wait3A_220 = arith.constant 0 : i32
        %dma_wait3A_221 = tpu.memref_slice %arg3[%dma_wait3A_209, %dma_wait3A_220] : memref<2x320000xi32, #tpu.memory_space<hbm>> -> memref<1x128xi32, #tpu.memory_space<hbm>>
        %dma_wait3A_222 = tpu.memref_squeeze %dma_wait3A_221 : memref<1x128xi32, #tpu.memory_space<hbm>> -> memref<128xi32, #tpu.memory_space<hbm>>
        tpu.wait_dma2 semaphore(%arg11 : memref<!tpu.dma_semaphore, #tpu.memory_space<semaphore_mem>>) src(%dma_wait3A_222 : memref<128xi32, #tpu.memory_space<hbm>>) dst(%dma_wait3A_219 : memref<128xi32, #tpu.memory_space<vmem>>)
        %dma_start3A_223 = arith.constant 1 : i32
        %dma_start3A_224 = arith.constant 0 : i32
        %dma_start3A_225 = arith.constant 0 : i32
        %dma_start3A_226 = tpu.memref_slice %arg8[%while3A_59, %dma_start3A_224, %dma_start3A_225] : memref<2x128x128xf32, #tpu.memory_space<vmem>> -> memref<1x128x128xf32, #tpu.memory_space<vmem>>
        %dma_start3A_227 = tpu.memref_squeeze %dma_start3A_226 : memref<1x128x128xf32, #tpu.memory_space<vmem>> -> memref<128x128xf32, #tpu.memory_space<vmem>>
        %dma_start3A_228 = arith.constant 0 : i32
        %dma_start3A_229 = tpu.memref_slice %arg6[%dma_start3A_223, %dma_start3A_228] : memref<4x128xi32, #tpu.memory_space<vmem>> -> memref<1x128xi32, #tpu.memory_space<vmem>>
        %dma_start3A_230 = tpu.memref_squeeze %dma_start3A_229 : memref<1x128xi32, #tpu.memory_space<vmem>> -> memref<128xi32, #tpu.memory_space<vmem>>
        %dma_start3A_231 = arith.constant 0 : i32
        %dma_start3A_232 = arith.constant 0 : i32
        %dma_start3A_233 = tpu.memref_slice %arg2[%dma_start3A_231, %dma_start3A_232] : memref<10240x128xf32, #tpu.memory_space<hbm>> -> memref<10240x128xf32, #tpu.memory_space<hbm>>
        tpu.enqueue_indirect_dma source(%dma_start3A_233 : memref<10240x128xf32, #tpu.memory_space<hbm>>) target(%dma_start3A_227 : memref<128x128xf32, #tpu.memory_space<vmem>>) offsets(%dma_start3A_230 : memref<128xi32, #tpu.memory_space<vmem>>) semaphore(%arg15 : memref<!tpu.dma_semaphore, #tpu.memory_space<semaphore_mem>>)
      } else {
      }
      %add3A_117 = arith.constant 1 : i32
      %add3A_118 = arith.addi %add3A_103, %add3A_117 : i32
      %lt3A_119 = arith.cmpi slt, %add3A_118, %add3A_8 : i32
      %convert_element_type3A_120 = arith.extui %lt3A_119 : i1 to i32
      %cond3A_121 = arith.constant 0 : i32
      %cond3A_122 = arith.cmpi ne, %convert_element_type3A_120, %cond3A_121 : i32
      scf.if %cond3A_122 {
        %add3A_196 = arith.constant 1 : i32
        %add3A_197 = arith.addi %add3A_103, %add3A_196 : i32
        %add3A_198 = arith.addi %add3A_4, %add3A_197 : i32
        %mul3A_199 = arith.constant 128 : i32
        %mul3A_200 = arith.muli %add3A_198, %mul3A_199 : i32
        %multiple_of3A_201 = tpu.assume_multiple %mul3A_200, 128 : i32
        %dma_start3A_202 = arith.constant 0 : i32
        %dma_start3A_203 = arith.constant 2 : i32
        %dma_start3A_204 = arith.constant 0 : i32
        %dma_start3A_205 = tpu.memref_slice %arg6[%dma_start3A_203, %dma_start3A_204] : memref<4x128xi32, #tpu.memory_space<vmem>> -> memref<1x128xi32, #tpu.memory_space<vmem>>
        %dma_start3A_206 = tpu.memref_squeeze %dma_start3A_205 : memref<1x128xi32, #tpu.memory_space<vmem>> -> memref<128xi32, #tpu.memory_space<vmem>>
        %dma_start3A_207 = tpu.memref_slice %arg3[%dma_start3A_202, %multiple_of3A_201] : memref<2x320000xi32, #tpu.memory_space<hbm>> -> memref<1x128xi32, #tpu.memory_space<hbm>>
        %dma_start3A_208 = tpu.memref_squeeze %dma_start3A_207 : memref<1x128xi32, #tpu.memory_space<hbm>> -> memref<128xi32, #tpu.memory_space<hbm>>
        %dma_start3A_209 = arith.constant 0 : i32
        %dma_start3A_210 = tpu.memref_slice %arg6[%dma_start3A_203, %dma_start3A_209] : memref<4x128xi32, #tpu.memory_space<vmem>> -> memref<1x128xi32, #tpu.memory_space<vmem>>
        %dma_start3A_211 = tpu.memref_squeeze %dma_start3A_210 : memref<1x128xi32, #tpu.memory_space<vmem>> -> memref<128xi32, #tpu.memory_space<vmem>>
        %dma_start3A_212 = tpu.memref_slice %arg3[%dma_start3A_202, %multiple_of3A_201] : memref<2x320000xi32, #tpu.memory_space<hbm>> -> memref<1x128xi32, #tpu.memory_space<hbm>>
        %dma_start3A_213 = tpu.memref_squeeze %dma_start3A_212 : memref<1x128xi32, #tpu.memory_space<hbm>> -> memref<128xi32, #tpu.memory_space<hbm>>
        tpu.enqueue_dma source(%dma_start3A_213 : memref<128xi32, #tpu.memory_space<hbm>>) target(%dma_start3A_211 : memref<128xi32, #tpu.memory_space<vmem>>) target_semaphore(%arg12 : memref<!tpu.dma_semaphore, #tpu.memory_space<semaphore_mem>>)
        %dma_start3A_214 = arith.constant 1 : i32
        %dma_start3A_215 = arith.constant 2 : i32
        %dma_start3A_216 = arith.constant 0 : i32
        %dma_start3A_217 = tpu.memref_slice %arg7[%dma_start3A_215, %dma_start3A_216] : memref<4x128xi32, #tpu.memory_space<vmem>> -> memref<1x128xi32, #tpu.memory_space<vmem>>
        %dma_start3A_218 = tpu.memref_squeeze %dma_start3A_217 : memref<1x128xi32, #tpu.memory_space<vmem>> -> memref<128xi32, #tpu.memory_space<vmem>>
        %dma_start3A_219 = tpu.memref_slice %arg3[%dma_start3A_214, %multiple_of3A_201] : memref<2x320000xi32, #tpu.memory_space<hbm>> -> memref<1x128xi32, #tpu.memory_space<hbm>>
        %dma_start3A_220 = tpu.memref_squeeze %dma_start3A_219 : memref<1x128xi32, #tpu.memory_space<hbm>> -> memref<128xi32, #tpu.memory_space<hbm>>
        %dma_start3A_221 = arith.constant 0 : i32
        %dma_start3A_222 = tpu.memref_slice %arg7[%dma_start3A_215, %dma_start3A_221] : memref<4x128xi32, #tpu.memory_space<vmem>> -> memref<1x128xi32, #tpu.memory_space<vmem>>
        %dma_start3A_223 = tpu.memref_squeeze %dma_start3A_222 : memref<1x128xi32, #tpu.memory_space<vmem>> -> memref<128xi32, #tpu.memory_space<vmem>>
        %dma_start3A_224 = tpu.memref_slice %arg3[%dma_start3A_214, %multiple_of3A_201] : memref<2x320000xi32, #tpu.memory_space<hbm>> -> memref<1x128xi32, #tpu.memory_space<hbm>>
        %dma_start3A_225 = tpu.memref_squeeze %dma_start3A_224 : memref<1x128xi32, #tpu.memory_space<hbm>> -> memref<128xi32, #tpu.memory_space<hbm>>
        tpu.enqueue_dma source(%dma_start3A_225 : memref<128xi32, #tpu.memory_space<hbm>>) target(%dma_start3A_223 : memref<128xi32, #tpu.memory_space<vmem>>) target_semaphore(%arg12 : memref<!tpu.dma_semaphore, #tpu.memory_space<semaphore_mem>>)
      } else {
      }
      %ge3A_123 = arith.constant 1 : i32
      %ge3A_124 = arith.cmpi sge, %add3A_103, %ge3A_123 : i32
      %add3A_125 = arith.constant 1 : i32
      %add3A_126 = arith.addi %add3A_8, %add3A_125 : i32
      %lt3A_127 = arith.cmpi slt, %add3A_103, %add3A_126 : i32
      %and3A_128 = arith.andi %ge3A_124, %lt3A_127 : i1
      %convert_element_type3A_129 = arith.extui %and3A_128 : i1 to i32
      %cond3A_130 = arith.constant 0 : i32
      %cond3A_131 = arith.cmpi ne, %convert_element_type3A_129, %cond3A_130 : i32
      scf.if %cond3A_131 {
        %dma_wait3A = arith.constant 0 : i32
        %dma_wait3A_196 = arith.constant 0 : i32
        %dma_wait3A_197 = arith.constant 0 : i32
        %dma_wait3A_198 = tpu.memref_slice %arg8[%while3A_58, %dma_wait3A_196, %dma_wait3A_197] : memref<2x128x128xf32, #tpu.memory_space<vmem>> -> memref<1x128x128xf32, #tpu.memory_space<vmem>>
        %dma_wait3A_199 = tpu.memref_squeeze %dma_wait3A_198 : memref<1x128x128xf32, #tpu.memory_space<vmem>> -> memref<128x128xf32, #tpu.memory_space<vmem>>
        %dma_wait3A_200 = arith.constant 0 : i32
        %dma_wait3A_201 = tpu.memref_slice %arg6[%dma_wait3A, %dma_wait3A_200] : memref<4x128xi32, #tpu.memory_space<vmem>> -> memref<1x128xi32, #tpu.memory_space<vmem>>
        %dma_wait3A_202 = tpu.memref_squeeze %dma_wait3A_201 : memref<1x128xi32, #tpu.memory_space<vmem>> -> memref<128xi32, #tpu.memory_space<vmem>>
        %dma_wait3A_203 = arith.constant 0 : i32
        %dma_wait3A_204 = arith.constant 0 : i32
        %dma_wait3A_205 = tpu.memref_slice %arg2[%dma_wait3A_203, %dma_wait3A_204] : memref<10240x128xf32, #tpu.memory_space<hbm>> -> memref<10240x128xf32, #tpu.memory_space<hbm>>
        tpu.wait_indirect_dma semaphore(%arg14 : memref<!tpu.dma_semaphore, #tpu.memory_space<semaphore_mem>>) src(%dma_wait3A_205 : memref<10240x128xf32, #tpu.memory_space<hbm>>) dst(%dma_wait3A_199 : memref<128x128xf32, #tpu.memory_space<vmem>>)
        %dma_start3A_206 = arith.constant 0 : i32
        %dma_start3A_207 = arith.constant 0 : i32
        %dma_start3A_208 = arith.constant 0 : i32
        %dma_start3A_209 = tpu.memref_slice %arg8[%while3A_58, %dma_start3A_207, %dma_start3A_208] : memref<2x128x128xf32, #tpu.memory_space<vmem>> -> memref<1x128x128xf32, #tpu.memory_space<vmem>>
        %dma_start3A_210 = tpu.memref_squeeze %dma_start3A_209 : memref<1x128x128xf32, #tpu.memory_space<vmem>> -> memref<128x128xf32, #tpu.memory_space<vmem>>
        %dma_start3A_211 = arith.constant 0 : i32
        %dma_start3A_212 = tpu.memref_slice %arg7[%dma_start3A_206, %dma_start3A_211] : memref<4x128xi32, #tpu.memory_space<vmem>> -> memref<1x128xi32, #tpu.memory_space<vmem>>
        %dma_start3A_213 = tpu.memref_squeeze %dma_start3A_212 : memref<1x128xi32, #tpu.memory_space<vmem>> -> memref<128xi32, #tpu.memory_space<vmem>>
        %dma_start3A_214 = arith.constant 0 : i32
        %dma_start3A_215 = arith.constant 0 : i32
        %dma_start3A_216 = tpu.memref_slice %arg9[%dma_start3A_214, %dma_start3A_215] : memref<10240x128xf32, #tpu.memory_space<vmem_shared>> -> memref<10240x128xf32, #tpu.memory_space<vmem_shared>>
        tpu.enqueue_indirect_dma source(%dma_start3A_210 : memref<128x128xf32, #tpu.memory_space<vmem>>) target(%dma_start3A_216 : memref<10240x128xf32, #tpu.memory_space<vmem_shared>>) offsets(%dma_start3A_213 : memref<128xi32, #tpu.memory_space<vmem>>) semaphore(%arg16 : memref<!tpu.dma_semaphore, #tpu.memory_space<semaphore_mem>>) {add = true}
      } else {
      }
      %mul3A_132 = arith.constant 4 : i32
      %mul3A_133 = arith.muli %mul3A_132, %while3A_70 : i32
      %add3A_134 = arith.constant 2 : i32
      %add3A_135 = arith.addi %mul3A_133, %add3A_134 : i32
      %ge3A_136 = arith.constant 2 : i32
      %ge3A_137 = arith.cmpi sge, %add3A_135, %ge3A_136 : i32
      %add3A_138 = arith.constant 2 : i32
      %add3A_139 = arith.addi %add3A_8, %add3A_138 : i32
      %lt3A_140 = arith.cmpi slt, %add3A_135, %add3A_139 : i32
      %and3A_141 = arith.andi %ge3A_137, %lt3A_140 : i1
      %convert_element_type3A_142 = arith.extui %and3A_141 : i1 to i32
      %cond3A_143 = arith.constant 0 : i32
      %cond3A_144 = arith.cmpi ne, %convert_element_type3A_142, %cond3A_143 : i32
      scf.if %cond3A_144 {
        %dma_wait3A = arith.constant 0 : i32
        %dma_wait3A_196 = arith.constant 0 : i32
        %dma_wait3A_197 = arith.constant 0 : i32
        %dma_wait3A_198 = tpu.memref_slice %arg8[%while3A_58, %dma_wait3A_196, %dma_wait3A_197] : memref<2x128x128xf32, #tpu.memory_space<vmem>> -> memref<1x128x128xf32, #tpu.memory_space<vmem>>
        %dma_wait3A_199 = tpu.memref_squeeze %dma_wait3A_198 : memref<1x128x128xf32, #tpu.memory_space<vmem>> -> memref<128x128xf32, #tpu.memory_space<vmem>>
        %dma_wait3A_200 = arith.constant 0 : i32
        %dma_wait3A_201 = tpu.memref_slice %arg7[%dma_wait3A, %dma_wait3A_200] : memref<4x128xi32, #tpu.memory_space<vmem>> -> memref<1x128xi32, #tpu.memory_space<vmem>>
        %dma_wait3A_202 = tpu.memref_squeeze %dma_wait3A_201 : memref<1x128xi32, #tpu.memory_space<vmem>> -> memref<128xi32, #tpu.memory_space<vmem>>
        %dma_wait3A_203 = arith.constant 0 : i32
        %dma_wait3A_204 = arith.constant 0 : i32
        %dma_wait3A_205 = tpu.memref_slice %arg9[%dma_wait3A_203, %dma_wait3A_204] : memref<10240x128xf32, #tpu.memory_space<vmem_shared>> -> memref<10240x128xf32, #tpu.memory_space<vmem_shared>>
        tpu.wait_indirect_dma semaphore(%arg16 : memref<!tpu.dma_semaphore, #tpu.memory_space<semaphore_mem>>) src(%dma_wait3A_199 : memref<128x128xf32, #tpu.memory_space<vmem>>) dst(%dma_wait3A_205 : memref<10240x128xf32, #tpu.memory_space<vmem_shared>>)
      } else {
      }
      %lt3A_145 = arith.cmpi slt, %add3A_135, %add3A_8 : i32
      %convert_element_type3A_146 = arith.extui %lt3A_145 : i1 to i32
      %cond3A_147 = arith.constant 0 : i32
      %cond3A_148 = arith.cmpi ne, %convert_element_type3A_146, %cond3A_147 : i32
      scf.if %cond3A_148 {
        %dma_wait3A = arith.constant 0 : i32
        %dma_wait3A_196 = arith.constant 2 : i32
        %dma_wait3A_197 = arith.constant 0 : i32
        %dma_wait3A_198 = tpu.memref_slice %arg6[%dma_wait3A_196, %dma_wait3A_197] : memref<4x128xi32, #tpu.memory_space<vmem>> -> memref<1x128xi32, #tpu.memory_space<vmem>>
        %dma_wait3A_199 = tpu.memref_squeeze %dma_wait3A_198 : memref<1x128xi32, #tpu.memory_space<vmem>> -> memref<128xi32, #tpu.memory_space<vmem>>
        %dma_wait3A_200 = arith.constant 0 : i32
        %dma_wait3A_201 = tpu.memref_slice %arg3[%dma_wait3A, %dma_wait3A_200] : memref<2x320000xi32, #tpu.memory_space<hbm>> -> memref<1x128xi32, #tpu.memory_space<hbm>>
        %dma_wait3A_202 = tpu.memref_squeeze %dma_wait3A_201 : memref<1x128xi32, #tpu.memory_space<hbm>> -> memref<128xi32, #tpu.memory_space<hbm>>
        %dma_wait3A_203 = arith.constant 0 : i32
        %dma_wait3A_204 = tpu.memref_slice %arg6[%dma_wait3A_196, %dma_wait3A_203] : memref<4x128xi32, #tpu.memory_space<vmem>> -> memref<1x128xi32, #tpu.memory_space<vmem>>
        %dma_wait3A_205 = tpu.memref_squeeze %dma_wait3A_204 : memref<1x128xi32, #tpu.memory_space<vmem>> -> memref<128xi32, #tpu.memory_space<vmem>>
        %dma_wait3A_206 = arith.constant 0 : i32
        %dma_wait3A_207 = tpu.memref_slice %arg3[%dma_wait3A, %dma_wait3A_206] : memref<2x320000xi32, #tpu.memory_space<hbm>> -> memref<1x128xi32, #tpu.memory_space<hbm>>
        %dma_wait3A_208 = tpu.memref_squeeze %dma_wait3A_207 : memref<1x128xi32, #tpu.memory_space<hbm>> -> memref<128xi32, #tpu.memory_space<hbm>>
        tpu.wait_dma2 semaphore(%arg12 : memref<!tpu.dma_semaphore, #tpu.memory_space<semaphore_mem>>) src(%dma_wait3A_208 : memref<128xi32, #tpu.memory_space<hbm>>) dst(%dma_wait3A_205 : memref<128xi32, #tpu.memory_space<vmem>>)
        %dma_wait3A_209 = arith.constant 1 : i32
        %dma_wait3A_210 = arith.constant 2 : i32
        %dma_wait3A_211 = arith.constant 0 : i32
        %dma_wait3A_212 = tpu.memref_slice %arg7[%dma_wait3A_210, %dma_wait3A_211] : memref<4x128xi32, #tpu.memory_space<vmem>> -> memref<1x128xi32, #tpu.memory_space<vmem>>
        %dma_wait3A_213 = tpu.memref_squeeze %dma_wait3A_212 : memref<1x128xi32, #tpu.memory_space<vmem>> -> memref<128xi32, #tpu.memory_space<vmem>>
        %dma_wait3A_214 = arith.constant 0 : i32
        %dma_wait3A_215 = tpu.memref_slice %arg3[%dma_wait3A_209, %dma_wait3A_214] : memref<2x320000xi32, #tpu.memory_space<hbm>> -> memref<1x128xi32, #tpu.memory_space<hbm>>
        %dma_wait3A_216 = tpu.memref_squeeze %dma_wait3A_215 : memref<1x128xi32, #tpu.memory_space<hbm>> -> memref<128xi32, #tpu.memory_space<hbm>>
        %dma_wait3A_217 = arith.constant 0 : i32
        %dma_wait3A_218 = tpu.memref_slice %arg7[%dma_wait3A_210, %dma_wait3A_217] : memref<4x128xi32, #tpu.memory_space<vmem>> -> memref<1x128xi32, #tpu.memory_space<vmem>>
        %dma_wait3A_219 = tpu.memref_squeeze %dma_wait3A_218 : memref<1x128xi32, #tpu.memory_space<vmem>> -> memref<128xi32, #tpu.memory_space<vmem>>
        %dma_wait3A_220 = arith.constant 0 : i32
        %dma_wait3A_221 = tpu.memref_slice %arg3[%dma_wait3A_209, %dma_wait3A_220] : memref<2x320000xi32, #tpu.memory_space<hbm>> -> memref<1x128xi32, #tpu.memory_space<hbm>>
        %dma_wait3A_222 = tpu.memref_squeeze %dma_wait3A_221 : memref<1x128xi32, #tpu.memory_space<hbm>> -> memref<128xi32, #tpu.memory_space<hbm>>
        tpu.wait_dma2 semaphore(%arg12 : memref<!tpu.dma_semaphore, #tpu.memory_space<semaphore_mem>>) src(%dma_wait3A_222 : memref<128xi32, #tpu.memory_space<hbm>>) dst(%dma_wait3A_219 : memref<128xi32, #tpu.memory_space<vmem>>)
        %dma_start3A_223 = arith.constant 2 : i32
        %dma_start3A_224 = arith.constant 0 : i32
        %dma_start3A_225 = arith.constant 0 : i32
        %dma_start3A_226 = tpu.memref_slice %arg8[%while3A_58, %dma_start3A_224, %dma_start3A_225] : memref<2x128x128xf32, #tpu.memory_space<vmem>> -> memref<1x128x128xf32, #tpu.memory_space<vmem>>
        %dma_start3A_227 = tpu.memref_squeeze %dma_start3A_226 : memref<1x128x128xf32, #tpu.memory_space<vmem>> -> memref<128x128xf32, #tpu.memory_space<vmem>>
        %dma_start3A_228 = arith.constant 0 : i32
        %dma_start3A_229 = tpu.memref_slice %arg6[%dma_start3A_223, %dma_start3A_228] : memref<4x128xi32, #tpu.memory_space<vmem>> -> memref<1x128xi32, #tpu.memory_space<vmem>>
        %dma_start3A_230 = tpu.memref_squeeze %dma_start3A_229 : memref<1x128xi32, #tpu.memory_space<vmem>> -> memref<128xi32, #tpu.memory_space<vmem>>
        %dma_start3A_231 = arith.constant 0 : i32
        %dma_start3A_232 = arith.constant 0 : i32
        %dma_start3A_233 = tpu.memref_slice %arg2[%dma_start3A_231, %dma_start3A_232] : memref<10240x128xf32, #tpu.memory_space<hbm>> -> memref<10240x128xf32, #tpu.memory_space<hbm>>
        tpu.enqueue_indirect_dma source(%dma_start3A_233 : memref<10240x128xf32, #tpu.memory_space<hbm>>) target(%dma_start3A_227 : memref<128x128xf32, #tpu.memory_space<vmem>>) offsets(%dma_start3A_230 : memref<128xi32, #tpu.memory_space<vmem>>) semaphore(%arg14 : memref<!tpu.dma_semaphore, #tpu.memory_space<semaphore_mem>>)
      } else {
      }
      %add3A_149 = arith.constant 1 : i32
      %add3A_150 = arith.addi %add3A_135, %add3A_149 : i32
      %lt3A_151 = arith.cmpi slt, %add3A_150, %add3A_8 : i32
      %convert_element_type3A_152 = arith.extui %lt3A_151 : i1 to i32
      %cond3A_153 = arith.constant 0 : i32
      %cond3A_154 = arith.cmpi ne, %convert_element_type3A_152, %cond3A_153 : i32
      scf.if %cond3A_154 {
        %add3A_196 = arith.constant 1 : i32
        %add3A_197 = arith.addi %add3A_135, %add3A_196 : i32
        %add3A_198 = arith.addi %add3A_4, %add3A_197 : i32
        %mul3A_199 = arith.constant 128 : i32
        %mul3A_200 = arith.muli %add3A_198, %mul3A_199 : i32
        %multiple_of3A_201 = tpu.assume_multiple %mul3A_200, 128 : i32
        %dma_start3A_202 = arith.constant 0 : i32
        %dma_start3A_203 = arith.constant 3 : i32
        %dma_start3A_204 = arith.constant 0 : i32
        %dma_start3A_205 = tpu.memref_slice %arg6[%dma_start3A_203, %dma_start3A_204] : memref<4x128xi32, #tpu.memory_space<vmem>> -> memref<1x128xi32, #tpu.memory_space<vmem>>
        %dma_start3A_206 = tpu.memref_squeeze %dma_start3A_205 : memref<1x128xi32, #tpu.memory_space<vmem>> -> memref<128xi32, #tpu.memory_space<vmem>>
        %dma_start3A_207 = tpu.memref_slice %arg3[%dma_start3A_202, %multiple_of3A_201] : memref<2x320000xi32, #tpu.memory_space<hbm>> -> memref<1x128xi32, #tpu.memory_space<hbm>>
        %dma_start3A_208 = tpu.memref_squeeze %dma_start3A_207 : memref<1x128xi32, #tpu.memory_space<hbm>> -> memref<128xi32, #tpu.memory_space<hbm>>
        %dma_start3A_209 = arith.constant 0 : i32
        %dma_start3A_210 = tpu.memref_slice %arg6[%dma_start3A_203, %dma_start3A_209] : memref<4x128xi32, #tpu.memory_space<vmem>> -> memref<1x128xi32, #tpu.memory_space<vmem>>
        %dma_start3A_211 = tpu.memref_squeeze %dma_start3A_210 : memref<1x128xi32, #tpu.memory_space<vmem>> -> memref<128xi32, #tpu.memory_space<vmem>>
        %dma_start3A_212 = tpu.memref_slice %arg3[%dma_start3A_202, %multiple_of3A_201] : memref<2x320000xi32, #tpu.memory_space<hbm>> -> memref<1x128xi32, #tpu.memory_space<hbm>>
        %dma_start3A_213 = tpu.memref_squeeze %dma_start3A_212 : memref<1x128xi32, #tpu.memory_space<hbm>> -> memref<128xi32, #tpu.memory_space<hbm>>
        tpu.enqueue_dma source(%dma_start3A_213 : memref<128xi32, #tpu.memory_space<hbm>>) target(%dma_start3A_211 : memref<128xi32, #tpu.memory_space<vmem>>) target_semaphore(%arg13 : memref<!tpu.dma_semaphore, #tpu.memory_space<semaphore_mem>>)
        %dma_start3A_214 = arith.constant 1 : i32
        %dma_start3A_215 = arith.constant 3 : i32
        %dma_start3A_216 = arith.constant 0 : i32
        %dma_start3A_217 = tpu.memref_slice %arg7[%dma_start3A_215, %dma_start3A_216] : memref<4x128xi32, #tpu.memory_space<vmem>> -> memref<1x128xi32, #tpu.memory_space<vmem>>
        %dma_start3A_218 = tpu.memref_squeeze %dma_start3A_217 : memref<1x128xi32, #tpu.memory_space<vmem>> -> memref<128xi32, #tpu.memory_space<vmem>>
        %dma_start3A_219 = tpu.memref_slice %arg3[%dma_start3A_214, %multiple_of3A_201] : memref<2x320000xi32, #tpu.memory_space<hbm>> -> memref<1x128xi32, #tpu.memory_space<hbm>>
        %dma_start3A_220 = tpu.memref_squeeze %dma_start3A_219 : memref<1x128xi32, #tpu.memory_space<hbm>> -> memref<128xi32, #tpu.memory_space<hbm>>
        %dma_start3A_221 = arith.constant 0 : i32
        %dma_start3A_222 = tpu.memref_slice %arg7[%dma_start3A_215, %dma_start3A_221] : memref<4x128xi32, #tpu.memory_space<vmem>> -> memref<1x128xi32, #tpu.memory_space<vmem>>
        %dma_start3A_223 = tpu.memref_squeeze %dma_start3A_222 : memref<1x128xi32, #tpu.memory_space<vmem>> -> memref<128xi32, #tpu.memory_space<vmem>>
        %dma_start3A_224 = tpu.memref_slice %arg3[%dma_start3A_214, %multiple_of3A_201] : memref<2x320000xi32, #tpu.memory_space<hbm>> -> memref<1x128xi32, #tpu.memory_space<hbm>>
        %dma_start3A_225 = tpu.memref_squeeze %dma_start3A_224 : memref<1x128xi32, #tpu.memory_space<hbm>> -> memref<128xi32, #tpu.memory_space<hbm>>
        tpu.enqueue_dma source(%dma_start3A_225 : memref<128xi32, #tpu.memory_space<hbm>>) target(%dma_start3A_223 : memref<128xi32, #tpu.memory_space<vmem>>) target_semaphore(%arg13 : memref<!tpu.dma_semaphore, #tpu.memory_space<semaphore_mem>>)
      } else {
      }
      %ge3A_155 = arith.constant 1 : i32
      %ge3A_156 = arith.cmpi sge, %add3A_135, %ge3A_155 : i32
      %add3A_157 = arith.constant 1 : i32
      %add3A_158 = arith.addi %add3A_8, %add3A_157 : i32
      %lt3A_159 = arith.cmpi slt, %add3A_135, %add3A_158 : i32
      %and3A_160 = arith.andi %ge3A_156, %lt3A_159 : i1
      %convert_element_type3A_161 = arith.extui %and3A_160 : i1 to i32
      %cond3A_162 = arith.constant 0 : i32
      %cond3A_163 = arith.cmpi ne, %convert_element_type3A_161, %cond3A_162 : i32
      scf.if %cond3A_163 {
        %dma_wait3A = arith.constant 0 : i32
        %dma_wait3A_196 = arith.constant 0 : i32
        %dma_wait3A_197 = arith.constant 0 : i32
        %dma_wait3A_198 = tpu.memref_slice %arg8[%while3A_59, %dma_wait3A_196, %dma_wait3A_197] : memref<2x128x128xf32, #tpu.memory_space<vmem>> -> memref<1x128x128xf32, #tpu.memory_space<vmem>>
        %dma_wait3A_199 = tpu.memref_squeeze %dma_wait3A_198 : memref<1x128x128xf32, #tpu.memory_space<vmem>> -> memref<128x128xf32, #tpu.memory_space<vmem>>
        %dma_wait3A_200 = arith.constant 0 : i32
        %dma_wait3A_201 = tpu.memref_slice %arg6[%dma_wait3A, %dma_wait3A_200] : memref<4x128xi32, #tpu.memory_space<vmem>> -> memref<1x128xi32, #tpu.memory_space<vmem>>
        %dma_wait3A_202 = tpu.memref_squeeze %dma_wait3A_201 : memref<1x128xi32, #tpu.memory_space<vmem>> -> memref<128xi32, #tpu.memory_space<vmem>>
        %dma_wait3A_203 = arith.constant 0 : i32
        %dma_wait3A_204 = arith.constant 0 : i32
        %dma_wait3A_205 = tpu.memref_slice %arg2[%dma_wait3A_203, %dma_wait3A_204] : memref<10240x128xf32, #tpu.memory_space<hbm>> -> memref<10240x128xf32, #tpu.memory_space<hbm>>
        tpu.wait_indirect_dma semaphore(%arg15 : memref<!tpu.dma_semaphore, #tpu.memory_space<semaphore_mem>>) src(%dma_wait3A_205 : memref<10240x128xf32, #tpu.memory_space<hbm>>) dst(%dma_wait3A_199 : memref<128x128xf32, #tpu.memory_space<vmem>>)
        %dma_start3A_206 = arith.constant 1 : i32
        %dma_start3A_207 = arith.constant 0 : i32
        %dma_start3A_208 = arith.constant 0 : i32
        %dma_start3A_209 = tpu.memref_slice %arg8[%while3A_59, %dma_start3A_207, %dma_start3A_208] : memref<2x128x128xf32, #tpu.memory_space<vmem>> -> memref<1x128x128xf32, #tpu.memory_space<vmem>>
        %dma_start3A_210 = tpu.memref_squeeze %dma_start3A_209 : memref<1x128x128xf32, #tpu.memory_space<vmem>> -> memref<128x128xf32, #tpu.memory_space<vmem>>
        %dma_start3A_211 = arith.constant 0 : i32
        %dma_start3A_212 = tpu.memref_slice %arg7[%dma_start3A_206, %dma_start3A_211] : memref<4x128xi32, #tpu.memory_space<vmem>> -> memref<1x128xi32, #tpu.memory_space<vmem>>
        %dma_start3A_213 = tpu.memref_squeeze %dma_start3A_212 : memref<1x128xi32, #tpu.memory_space<vmem>> -> memref<128xi32, #tpu.memory_space<vmem>>
        %dma_start3A_214 = arith.constant 0 : i32
        %dma_start3A_215 = arith.constant 0 : i32
        %dma_start3A_216 = tpu.memref_slice %arg9[%dma_start3A_214, %dma_start3A_215] : memref<10240x128xf32, #tpu.memory_space<vmem_shared>> -> memref<10240x128xf32, #tpu.memory_space<vmem_shared>>
        tpu.enqueue_indirect_dma source(%dma_start3A_210 : memref<128x128xf32, #tpu.memory_space<vmem>>) target(%dma_start3A_216 : memref<10240x128xf32, #tpu.memory_space<vmem_shared>>) offsets(%dma_start3A_213 : memref<128xi32, #tpu.memory_space<vmem>>) semaphore(%arg17 : memref<!tpu.dma_semaphore, #tpu.memory_space<semaphore_mem>>) {add = true}
      } else {
      }
      %mul3A_164 = arith.constant 4 : i32
      %mul3A_165 = arith.muli %mul3A_164, %while3A_70 : i32
      %add3A_166 = arith.constant 3 : i32
      %add3A_167 = arith.addi %mul3A_165, %add3A_166 : i32
      %ge3A_168 = arith.constant 2 : i32
      %ge3A_169 = arith.cmpi sge, %add3A_167, %ge3A_168 : i32
      %add3A_170 = arith.constant 2 : i32
      %add3A_171 = arith.addi %add3A_8, %add3A_170 : i32
      %lt3A_172 = arith.cmpi slt, %add3A_167, %add3A_171 : i32
      %and3A_173 = arith.andi %ge3A_169, %lt3A_172 : i1
      %convert_element_type3A_174 = arith.extui %and3A_173 : i1 to i32
      %cond3A_175 = arith.constant 0 : i32
      %cond3A_176 = arith.cmpi ne, %convert_element_type3A_174, %cond3A_175 : i32
      scf.if %cond3A_176 {
        %dma_wait3A = arith.constant 0 : i32
        %dma_wait3A_196 = arith.constant 0 : i32
        %dma_wait3A_197 = arith.constant 0 : i32
        %dma_wait3A_198 = tpu.memref_slice %arg8[%while3A_59, %dma_wait3A_196, %dma_wait3A_197] : memref<2x128x128xf32, #tpu.memory_space<vmem>> -> memref<1x128x128xf32, #tpu.memory_space<vmem>>
        %dma_wait3A_199 = tpu.memref_squeeze %dma_wait3A_198 : memref<1x128x128xf32, #tpu.memory_space<vmem>> -> memref<128x128xf32, #tpu.memory_space<vmem>>
        %dma_wait3A_200 = arith.constant 0 : i32
        %dma_wait3A_201 = tpu.memref_slice %arg7[%dma_wait3A, %dma_wait3A_200] : memref<4x128xi32, #tpu.memory_space<vmem>> -> memref<1x128xi32, #tpu.memory_space<vmem>>
        %dma_wait3A_202 = tpu.memref_squeeze %dma_wait3A_201 : memref<1x128xi32, #tpu.memory_space<vmem>> -> memref<128xi32, #tpu.memory_space<vmem>>
        %dma_wait3A_203 = arith.constant 0 : i32
        %dma_wait3A_204 = arith.constant 0 : i32
        %dma_wait3A_205 = tpu.memref_slice %arg9[%dma_wait3A_203, %dma_wait3A_204] : memref<10240x128xf32, #tpu.memory_space<vmem_shared>> -> memref<10240x128xf32, #tpu.memory_space<vmem_shared>>
        tpu.wait_indirect_dma semaphore(%arg17 : memref<!tpu.dma_semaphore, #tpu.memory_space<semaphore_mem>>) src(%dma_wait3A_199 : memref<128x128xf32, #tpu.memory_space<vmem>>) dst(%dma_wait3A_205 : memref<10240x128xf32, #tpu.memory_space<vmem_shared>>)
      } else {
      }
      %lt3A_177 = arith.cmpi slt, %add3A_167, %add3A_8 : i32
      %convert_element_type3A_178 = arith.extui %lt3A_177 : i1 to i32
      %cond3A_179 = arith.constant 0 : i32
      %cond3A_180 = arith.cmpi ne, %convert_element_type3A_178, %cond3A_179 : i32
      scf.if %cond3A_180 {
        %dma_wait3A = arith.constant 0 : i32
        %dma_wait3A_196 = arith.constant 3 : i32
        %dma_wait3A_197 = arith.constant 0 : i32
        %dma_wait3A_198 = tpu.memref_slice %arg6[%dma_wait3A_196, %dma_wait3A_197] : memref<4x128xi32, #tpu.memory_space<vmem>> -> memref<1x128xi32, #tpu.memory_space<vmem>>
        %dma_wait3A_199 = tpu.memref_squeeze %dma_wait3A_198 : memref<1x128xi32, #tpu.memory_space<vmem>> -> memref<128xi32, #tpu.memory_space<vmem>>
        %dma_wait3A_200 = arith.constant 0 : i32
        %dma_wait3A_201 = tpu.memref_slice %arg3[%dma_wait3A, %dma_wait3A_200] : memref<2x320000xi32, #tpu.memory_space<hbm>> -> memref<1x128xi32, #tpu.memory_space<hbm>>
        %dma_wait3A_202 = tpu.memref_squeeze %dma_wait3A_201 : memref<1x128xi32, #tpu.memory_space<hbm>> -> memref<128xi32, #tpu.memory_space<hbm>>
        %dma_wait3A_203 = arith.constant 0 : i32
        %dma_wait3A_204 = tpu.memref_slice %arg6[%dma_wait3A_196, %dma_wait3A_203] : memref<4x128xi32, #tpu.memory_space<vmem>> -> memref<1x128xi32, #tpu.memory_space<vmem>>
        %dma_wait3A_205 = tpu.memref_squeeze %dma_wait3A_204 : memref<1x128xi32, #tpu.memory_space<vmem>> -> memref<128xi32, #tpu.memory_space<vmem>>
        %dma_wait3A_206 = arith.constant 0 : i32
        %dma_wait3A_207 = tpu.memref_slice %arg3[%dma_wait3A, %dma_wait3A_206] : memref<2x320000xi32, #tpu.memory_space<hbm>> -> memref<1x128xi32, #tpu.memory_space<hbm>>
        %dma_wait3A_208 = tpu.memref_squeeze %dma_wait3A_207 : memref<1x128xi32, #tpu.memory_space<hbm>> -> memref<128xi32, #tpu.memory_space<hbm>>
        tpu.wait_dma2 semaphore(%arg13 : memref<!tpu.dma_semaphore, #tpu.memory_space<semaphore_mem>>) src(%dma_wait3A_208 : memref<128xi32, #tpu.memory_space<hbm>>) dst(%dma_wait3A_205 : memref<128xi32, #tpu.memory_space<vmem>>)
        %dma_wait3A_209 = arith.constant 1 : i32
        %dma_wait3A_210 = arith.constant 3 : i32
        %dma_wait3A_211 = arith.constant 0 : i32
        %dma_wait3A_212 = tpu.memref_slice %arg7[%dma_wait3A_210, %dma_wait3A_211] : memref<4x128xi32, #tpu.memory_space<vmem>> -> memref<1x128xi32, #tpu.memory_space<vmem>>
        %dma_wait3A_213 = tpu.memref_squeeze %dma_wait3A_212 : memref<1x128xi32, #tpu.memory_space<vmem>> -> memref<128xi32, #tpu.memory_space<vmem>>
        %dma_wait3A_214 = arith.constant 0 : i32
        %dma_wait3A_215 = tpu.memref_slice %arg3[%dma_wait3A_209, %dma_wait3A_214] : memref<2x320000xi32, #tpu.memory_space<hbm>> -> memref<1x128xi32, #tpu.memory_space<hbm>>
        %dma_wait3A_216 = tpu.memref_squeeze %dma_wait3A_215 : memref<1x128xi32, #tpu.memory_space<hbm>> -> memref<128xi32, #tpu.memory_space<hbm>>
        %dma_wait3A_217 = arith.constant 0 : i32
        %dma_wait3A_218 = tpu.memref_slice %arg7[%dma_wait3A_210, %dma_wait3A_217] : memref<4x128xi32, #tpu.memory_space<vmem>> -> memref<1x128xi32, #tpu.memory_space<vmem>>
        %dma_wait3A_219 = tpu.memref_squeeze %dma_wait3A_218 : memref<1x128xi32, #tpu.memory_space<vmem>> -> memref<128xi32, #tpu.memory_space<vmem>>
        %dma_wait3A_220 = arith.constant 0 : i32
        %dma_wait3A_221 = tpu.memref_slice %arg3[%dma_wait3A_209, %dma_wait3A_220] : memref<2x320000xi32, #tpu.memory_space<hbm>> -> memref<1x128xi32, #tpu.memory_space<hbm>>
        %dma_wait3A_222 = tpu.memref_squeeze %dma_wait3A_221 : memref<1x128xi32, #tpu.memory_space<hbm>> -> memref<128xi32, #tpu.memory_space<hbm>>
        tpu.wait_dma2 semaphore(%arg13 : memref<!tpu.dma_semaphore, #tpu.memory_space<semaphore_mem>>) src(%dma_wait3A_222 : memref<128xi32, #tpu.memory_space<hbm>>) dst(%dma_wait3A_219 : memref<128xi32, #tpu.memory_space<vmem>>)
        %dma_start3A_223 = arith.constant 3 : i32
        %dma_start3A_224 = arith.constant 0 : i32
        %dma_start3A_225 = arith.constant 0 : i32
        %dma_start3A_226 = tpu.memref_slice %arg8[%while3A_59, %dma_start3A_224, %dma_start3A_225] : memref<2x128x128xf32, #tpu.memory_space<vmem>> -> memref<1x128x128xf32, #tpu.memory_space<vmem>>
        %dma_start3A_227 = tpu.memref_squeeze %dma_start3A_226 : memref<1x128x128xf32, #tpu.memory_space<vmem>> -> memref<128x128xf32, #tpu.memory_space<vmem>>
        %dma_start3A_228 = arith.constant 0 : i32
        %dma_start3A_229 = tpu.memref_slice %arg6[%dma_start3A_223, %dma_start3A_228] : memref<4x128xi32, #tpu.memory_space<vmem>> -> memref<1x128xi32, #tpu.memory_space<vmem>>
        %dma_start3A_230 = tpu.memref_squeeze %dma_start3A_229 : memref<1x128xi32, #tpu.memory_space<vmem>> -> memref<128xi32, #tpu.memory_space<vmem>>
        %dma_start3A_231 = arith.constant 0 : i32
        %dma_start3A_232 = arith.constant 0 : i32
        %dma_start3A_233 = tpu.memref_slice %arg2[%dma_start3A_231, %dma_start3A_232] : memref<10240x128xf32, #tpu.memory_space<hbm>> -> memref<10240x128xf32, #tpu.memory_space<hbm>>
        tpu.enqueue_indirect_dma source(%dma_start3A_233 : memref<10240x128xf32, #tpu.memory_space<hbm>>) target(%dma_start3A_227 : memref<128x128xf32, #tpu.memory_space<vmem>>) offsets(%dma_start3A_230 : memref<128xi32, #tpu.memory_space<vmem>>) semaphore(%arg15 : memref<!tpu.dma_semaphore, #tpu.memory_space<semaphore_mem>>)
      } else {
      }
      %add3A_181 = arith.constant 1 : i32
      %add3A_182 = arith.addi %add3A_167, %add3A_181 : i32
      %lt3A_183 = arith.cmpi slt, %add3A_182, %add3A_8 : i32
      %convert_element_type3A_184 = arith.extui %lt3A_183 : i1 to i32
      %cond3A_185 = arith.constant 0 : i32
      %cond3A_186 = arith.cmpi ne, %convert_element_type3A_184, %cond3A_185 : i32
      scf.if %cond3A_186 {
        %add3A_196 = arith.constant 1 : i32
        %add3A_197 = arith.addi %add3A_167, %add3A_196 : i32
        %add3A_198 = arith.addi %add3A_4, %add3A_197 : i32
        %mul3A_199 = arith.constant 128 : i32
        %mul3A_200 = arith.muli %add3A_198, %mul3A_199 : i32
        %multiple_of3A_201 = tpu.assume_multiple %mul3A_200, 128 : i32
        %dma_start3A_202 = arith.constant 0 : i32
        %dma_start3A_203 = arith.constant 0 : i32
        %dma_start3A_204 = arith.constant 0 : i32
        %dma_start3A_205 = tpu.memref_slice %arg6[%dma_start3A_203, %dma_start3A_204] : memref<4x128xi32, #tpu.memory_space<vmem>> -> memref<1x128xi32, #tpu.memory_space<vmem>>
        %dma_start3A_206 = tpu.memref_squeeze %dma_start3A_205 : memref<1x128xi32, #tpu.memory_space<vmem>> -> memref<128xi32, #tpu.memory_space<vmem>>
        %dma_start3A_207 = tpu.memref_slice %arg3[%dma_start3A_202, %multiple_of3A_201] : memref<2x320000xi32, #tpu.memory_space<hbm>> -> memref<1x128xi32, #tpu.memory_space<hbm>>
        %dma_start3A_208 = tpu.memref_squeeze %dma_start3A_207 : memref<1x128xi32, #tpu.memory_space<hbm>> -> memref<128xi32, #tpu.memory_space<hbm>>
        %dma_start3A_209 = arith.constant 0 : i32
        %dma_start3A_210 = tpu.memref_slice %arg6[%dma_start3A_203, %dma_start3A_209] : memref<4x128xi32, #tpu.memory_space<vmem>> -> memref<1x128xi32, #tpu.memory_space<vmem>>
        %dma_start3A_211 = tpu.memref_squeeze %dma_start3A_210 : memref<1x128xi32, #tpu.memory_space<vmem>> -> memref<128xi32, #tpu.memory_space<vmem>>
        %dma_start3A_212 = tpu.memref_slice %arg3[%dma_start3A_202, %multiple_of3A_201] : memref<2x320000xi32, #tpu.memory_space<hbm>> -> memref<1x128xi32, #tpu.memory_space<hbm>>
        %dma_start3A_213 = tpu.memref_squeeze %dma_start3A_212 : memref<1x128xi32, #tpu.memory_space<hbm>> -> memref<128xi32, #tpu.memory_space<hbm>>
        tpu.enqueue_dma source(%dma_start3A_213 : memref<128xi32, #tpu.memory_space<hbm>>) target(%dma_start3A_211 : memref<128xi32, #tpu.memory_space<vmem>>) target_semaphore(%arg10 : memref<!tpu.dma_semaphore, #tpu.memory_space<semaphore_mem>>)
        %dma_start3A_214 = arith.constant 1 : i32
        %dma_start3A_215 = arith.constant 0 : i32
        %dma_start3A_216 = arith.constant 0 : i32
        %dma_start3A_217 = tpu.memref_slice %arg7[%dma_start3A_215, %dma_start3A_216] : memref<4x128xi32, #tpu.memory_space<vmem>> -> memref<1x128xi32, #tpu.memory_space<vmem>>
        %dma_start3A_218 = tpu.memref_squeeze %dma_start3A_217 : memref<1x128xi32, #tpu.memory_space<vmem>> -> memref<128xi32, #tpu.memory_space<vmem>>
        %dma_start3A_219 = tpu.memref_slice %arg3[%dma_start3A_214, %multiple_of3A_201] : memref<2x320000xi32, #tpu.memory_space<hbm>> -> memref<1x128xi32, #tpu.memory_space<hbm>>
        %dma_start3A_220 = tpu.memref_squeeze %dma_start3A_219 : memref<1x128xi32, #tpu.memory_space<hbm>> -> memref<128xi32, #tpu.memory_space<hbm>>
        %dma_start3A_221 = arith.constant 0 : i32
        %dma_start3A_222 = tpu.memref_slice %arg7[%dma_start3A_215, %dma_start3A_221] : memref<4x128xi32, #tpu.memory_space<vmem>> -> memref<1x128xi32, #tpu.memory_space<vmem>>
        %dma_start3A_223 = tpu.memref_squeeze %dma_start3A_222 : memref<1x128xi32, #tpu.memory_space<vmem>> -> memref<128xi32, #tpu.memory_space<vmem>>
        %dma_start3A_224 = tpu.memref_slice %arg3[%dma_start3A_214, %multiple_of3A_201] : memref<2x320000xi32, #tpu.memory_space<hbm>> -> memref<1x128xi32, #tpu.memory_space<hbm>>
        %dma_start3A_225 = tpu.memref_squeeze %dma_start3A_224 : memref<1x128xi32, #tpu.memory_space<hbm>> -> memref<128xi32, #tpu.memory_space<hbm>>
        tpu.enqueue_dma source(%dma_start3A_225 : memref<128xi32, #tpu.memory_space<hbm>>) target(%dma_start3A_223 : memref<128xi32, #tpu.memory_space<vmem>>) target_semaphore(%arg10 : memref<!tpu.dma_semaphore, #tpu.memory_space<semaphore_mem>>)
      } else {
      }
      %ge3A_187 = arith.constant 1 : i32
      %ge3A_188 = arith.cmpi sge, %add3A_167, %ge3A_187 : i32
      %add3A_189 = arith.constant 1 : i32
      %add3A_190 = arith.addi %add3A_8, %add3A_189 : i32
      %lt3A_191 = arith.cmpi slt, %add3A_167, %add3A_190 : i32
      %and3A_192 = arith.andi %ge3A_188, %lt3A_191 : i1
      %convert_element_type3A_193 = arith.extui %and3A_192 : i1 to i32
      %cond3A_194 = arith.constant 0 : i32
      %cond3A_195 = arith.cmpi ne, %convert_element_type3A_193, %cond3A_194 : i32
      scf.if %cond3A_195 {
        %dma_wait3A = arith.constant 0 : i32
        %dma_wait3A_196 = arith.constant 0 : i32
        %dma_wait3A_197 = arith.constant 0 : i32
        %dma_wait3A_198 = tpu.memref_slice %arg8[%while3A_58, %dma_wait3A_196, %dma_wait3A_197] : memref<2x128x128xf32, #tpu.memory_space<vmem>> -> memref<1x128x128xf32, #tpu.memory_space<vmem>>
        %dma_wait3A_199 = tpu.memref_squeeze %dma_wait3A_198 : memref<1x128x128xf32, #tpu.memory_space<vmem>> -> memref<128x128xf32, #tpu.memory_space<vmem>>
        %dma_wait3A_200 = arith.constant 0 : i32
        %dma_wait3A_201 = tpu.memref_slice %arg6[%dma_wait3A, %dma_wait3A_200] : memref<4x128xi32, #tpu.memory_space<vmem>> -> memref<1x128xi32, #tpu.memory_space<vmem>>
        %dma_wait3A_202 = tpu.memref_squeeze %dma_wait3A_201 : memref<1x128xi32, #tpu.memory_space<vmem>> -> memref<128xi32, #tpu.memory_space<vmem>>
        %dma_wait3A_203 = arith.constant 0 : i32
        %dma_wait3A_204 = arith.constant 0 : i32
        %dma_wait3A_205 = tpu.memref_slice %arg2[%dma_wait3A_203, %dma_wait3A_204] : memref<10240x128xf32, #tpu.memory_space<hbm>> -> memref<10240x128xf32, #tpu.memory_space<hbm>>
        tpu.wait_indirect_dma semaphore(%arg14 : memref<!tpu.dma_semaphore, #tpu.memory_space<semaphore_mem>>) src(%dma_wait3A_205 : memref<10240x128xf32, #tpu.memory_space<hbm>>) dst(%dma_wait3A_199 : memref<128x128xf32, #tpu.memory_space<vmem>>)
        %dma_start3A_206 = arith.constant 2 : i32
        %dma_start3A_207 = arith.constant 0 : i32
        %dma_start3A_208 = arith.constant 0 : i32
        %dma_start3A_209 = tpu.memref_slice %arg8[%while3A_58, %dma_start3A_207, %dma_start3A_208] : memref<2x128x128xf32, #tpu.memory_space<vmem>> -> memref<1x128x128xf32, #tpu.memory_space<vmem>>
        %dma_start3A_210 = tpu.memref_squeeze %dma_start3A_209 : memref<1x128x128xf32, #tpu.memory_space<vmem>> -> memref<128x128xf32, #tpu.memory_space<vmem>>
        %dma_start3A_211 = arith.constant 0 : i32
        %dma_start3A_212 = tpu.memref_slice %arg7[%dma_start3A_206, %dma_start3A_211] : memref<4x128xi32, #tpu.memory_space<vmem>> -> memref<1x128xi32, #tpu.memory_space<vmem>>
        %dma_start3A_213 = tpu.memref_squeeze %dma_start3A_212 : memref<1x128xi32, #tpu.memory_space<vmem>> -> memref<128xi32, #tpu.memory_space<vmem>>
        %dma_start3A_214 = arith.constant 0 : i32
        %dma_start3A_215 = arith.constant 0 : i32
        %dma_start3A_216 = tpu.memref_slice %arg9[%dma_start3A_214, %dma_start3A_215] : memref<10240x128xf32, #tpu.memory_space<vmem_shared>> -> memref<10240x128xf32, #tpu.memory_space<vmem_shared>>
        tpu.enqueue_indirect_dma source(%dma_start3A_210 : memref<128x128xf32, #tpu.memory_space<vmem>>) target(%dma_start3A_216 : memref<10240x128xf32, #tpu.memory_space<vmem_shared>>) offsets(%dma_start3A_213 : memref<128xi32, #tpu.memory_space<vmem>>) semaphore(%arg16 : memref<!tpu.dma_semaphore, #tpu.memory_space<semaphore_mem>>) {add = true}
      } else {
      }
    }
    %barrier3A_69 = arith.constant 0 : index
    tpu.barrier barrier_id(%barrier3A_69)
    "tpu.region"() ({
      %run_scoped3A = tpu.sem_alloc : memref<!tpu.dma_semaphore, #tpu.memory_space<semaphore_mem>>
      %dma_start3A_70 = arith.constant 0 : i32
      %dma_start3A_71 = tpu.memref_slice %arg5[%arg0, %mul3A_10, %dma_start3A_70] : memref<2x10240x128xf32, #tpu.memory_space<hbm>> -> memref<1x640x128xf32, #tpu.memory_space<hbm>>
      %dma_start3A_72 = tpu.memref_squeeze %dma_start3A_71 : memref<1x640x128xf32, #tpu.memory_space<hbm>> -> memref<640x128xf32, #tpu.memory_space<hbm>>
      %dma_start3A_73 = arith.constant 0 : i32
      %dma_start3A_74 = tpu.memref_slice %arg9[%mul3A_10, %dma_start3A_73] : memref<10240x128xf32, #tpu.memory_space<vmem_shared>> -> memref<640x128xf32, #tpu.memory_space<vmem_shared>>
      tpu.enqueue_dma source(%dma_start3A_74 : memref<640x128xf32, #tpu.memory_space<vmem_shared>>) target(%dma_start3A_72 : memref<640x128xf32, #tpu.memory_space<hbm>>) target_semaphore(%run_scoped3A : memref<!tpu.dma_semaphore, #tpu.memory_space<semaphore_mem>>)
      %dma_wait3A = arith.constant 0 : i32
      %dma_wait3A_75 = tpu.memref_slice %arg5[%arg0, %mul3A_10, %dma_wait3A] : memref<2x10240x128xf32, #tpu.memory_space<hbm>> -> memref<1x640x128xf32, #tpu.memory_space<hbm>>
      %dma_wait3A_76 = tpu.memref_squeeze %dma_wait3A_75 : memref<1x640x128xf32, #tpu.memory_space<hbm>> -> memref<640x128xf32, #tpu.memory_space<hbm>>
      %dma_wait3A_77 = arith.constant 0 : i32
      %dma_wait3A_78 = tpu.memref_slice %arg9[%mul3A_10, %dma_wait3A_77] : memref<10240x128xf32, #tpu.memory_space<vmem_shared>> -> memref<640x128xf32, #tpu.memory_space<vmem_shared>>
      tpu.wait_dma2 semaphore(%run_scoped3A : memref<!tpu.dma_semaphore, #tpu.memory_space<semaphore_mem>>) src(%dma_wait3A_78 : memref<640x128xf32, #tpu.memory_space<vmem_shared>>) dst(%dma_wait3A_76 : memref<640x128xf32, #tpu.memory_space<hbm>>)
      tpu.yield
    }) : () -> ()
    return
  }
}

module attributes {stable_mosaic.version = 14 : i64} {
  func.func @_mm_body(%arg0: i32, %arg1: memref<1024x128xf32, #tpu.memory_space<vmem>>, %arg2: memref<128x128xf32, #tpu.memory_space<vmem>>, %arg3: memref<1024x128xf32, #tpu.memory_space<vmem>>) attributes {dimension_semantics = [#tpu.dimension_semantics<arbitrary>], iteration_bounds = array<i64: 10>, scalar_prefetch = 0 : i64, scratch_operands = 0 : i64, tpu.core_type = #tpu.core_type<tc>, window_params = [{transform_indices = @transform_0, window_bounds = array<i64: 1024, 128>}, {pipeline_mode = #tpu.pipeline_mode<synchronous>, transform_indices = @transform_1, window_bounds = array<i64: 128, 128>}, {transform_indices = @transform_2, window_bounds = array<i64: 1024, 128>}]} {
    %get3A = arith.constant 0 : index
    %get3A_0 = arith.constant 0 : index
    %get3A_1 = vector.load %arg1[%get3A, %get3A_0] : memref<1024x128xf32, #tpu.memory_space<vmem>>, vector<1024x128xf32>
    %get3A_2 = arith.constant 0 : index
    %get3A_3 = arith.constant 0 : index
    %get3A_4 = vector.load %arg2[%get3A_2, %get3A_3] : memref<128x128xf32, #tpu.memory_space<vmem>>, vector<128x128xf32>
    %dot_general3A = arith.constant dense<0.000000e+00> : vector<1024x128xf32>
    %dot_general3A_5 = tpu.matmul %get3A_1, %get3A_4, %dot_general3A {dimension_numbers = #tpu.dot_dimension_numbers<[1], [0], [0], [1], [0, 0, 1, 1], [], []>, transpose_lhs_hint = false} : vector<1024x128xf32>, vector<128x128xf32>, vector<1024x128xf32> -> vector<1024x128xf32>
    %swap3A = arith.constant 0 : index
    %swap3A_6 = arith.constant 0 : index
    %swap3A_7 = vector.load %arg3[%swap3A, %swap3A_6] : memref<1024x128xf32, #tpu.memory_space<vmem>>, vector<1024x128xf32>
    tpu.vector_store %arg3[%swap3A, %swap3A_6], %dot_general3A_5 {strides = array<i32>} : memref<1024x128xf32, #tpu.memory_space<vmem>>, vector<1024x128xf32>,
    return
  }
  func.func @transform_0(%arg0: i32) -> (i32, i32) {
    %c0_i32 = arith.constant 0 : i32
    %c0_i32_0 = arith.constant 0 : i32
    return %arg0, %c0_i32 : i32, i32
  }
  func.func @transform_1(%arg0: i32) -> (i32, i32) {
    %c0_i32 = arith.constant 0 : i32
    %c0_i32_0 = arith.constant 0 : i32
    %c0_i32_1 = arith.constant 0 : i32
    return %c0_i32, %c0_i32_0 : i32, i32
  }
  func.func @transform_2(%arg0: i32) -> (i32, i32) {
    %c0_i32 = arith.constant 0 : i32
    %c0_i32_0 = arith.constant 0 : i32
    return %arg0, %c0_i32 : i32, i32
  }
}

module attributes {stable_mosaic.version = 14 : i64} {
  func.func @_mid_body(%arg0: i32, %arg1: memref<2x1024x128xf32, #tpu.memory_space<vmem>>, %arg2: memref<1024x128xf32, #tpu.memory_space<vmem>>, %arg3: memref<2x1024x1xf32, #tpu.memory_space<vmem>>, %arg4: memref<1x128xf32, #tpu.memory_space<vmem>>, %arg5: memref<128x128xf32, #tpu.memory_space<vmem>>, %arg6: memref<1024x128xf32, #tpu.memory_space<vmem>>) attributes {dimension_semantics = [#tpu.dimension_semantics<arbitrary>], iteration_bounds = array<i64: 10>, scalar_prefetch = 0 : i64, scratch_operands = 0 : i64, tpu.core_type = #tpu.core_type<tc>, window_params = [{transform_indices = @transform_0, window_bounds = array<i64: 2, 1024, 128>}, {transform_indices = @transform_1, window_bounds = array<i64: 1024, 128>}, {transform_indices = @transform_2, window_bounds = array<i64: 2, 1024, 1>}, {pipeline_mode = #tpu.pipeline_mode<synchronous>, transform_indices = @transform_3, window_bounds = array<i64: 1, 128>}, {pipeline_mode = #tpu.pipeline_mode<synchronous>, transform_indices = @transform_4, window_bounds = array<i64: 128, 128>}, {transform_indices = @transform_5, window_bounds = array<i64: 1024, 128>}]} {
    %get3A = arith.constant 0 : index
    %get3A_0 = arith.constant 0 : index
    %get3A_1 = arith.constant 0 : index
    %get3A_2 = vector.load %arg1[%get3A, %get3A_0, %get3A_1] : memref<2x1024x128xf32, #tpu.memory_space<vmem>>, vector<1x1024x128xf32>
    %get3A_3 = vector.shape_cast %get3A_2 : vector<1x1024x128xf32> to vector<1024x128xf32>
    %get3A_4 = arith.constant 1 : index
    %get3A_5 = arith.constant 0 : index
    %get3A_6 = arith.constant 0 : index
    %get3A_7 = vector.load %arg1[%get3A_4, %get3A_5, %get3A_6] : memref<2x1024x128xf32, #tpu.memory_space<vmem>>, vector<1x1024x128xf32>
    %get3A_8 = vector.shape_cast %get3A_7 : vector<1x1024x128xf32> to vector<1024x128xf32>
    %add3A = arith.addf %get3A_3, %get3A_8 : vector<1024x128xf32>
    %get3A_9 = arith.constant 0 : index
    %get3A_10 = arith.constant 0 : index
    %get3A_11 = vector.load %arg2[%get3A_9, %get3A_10] : memref<1024x128xf32, #tpu.memory_space<vmem>>, vector<1024x128xf32>
    %add3A_12 = arith.addf %add3A, %get3A_11 : vector<1024x128xf32>
    %get3A_13 = arith.constant 0 : index
    %get3A_14 = arith.constant 0 : index
    %get3A_15 = arith.constant 0 : index
    %get3A_16 = vector.load %arg3[%get3A_13, %get3A_14, %get3A_15] : memref<2x1024x1xf32, #tpu.memory_space<vmem>>, vector<1x1024x1xf32>
    %get3A_17 = vector.shape_cast %get3A_16 : vector<1x1024x1xf32> to vector<1024x1xf32>
    %get3A_18 = arith.constant 1 : index
    %get3A_19 = arith.constant 0 : index
    %get3A_20 = arith.constant 0 : index
    %get3A_21 = vector.load %arg3[%get3A_18, %get3A_19, %get3A_20] : memref<2x1024x1xf32, #tpu.memory_space<vmem>>, vector<1x1024x1xf32>
    %get3A_22 = vector.shape_cast %get3A_21 : vector<1x1024x1xf32> to vector<1024x1xf32>
    %add3A_23 = arith.addf %get3A_17, %get3A_22 : vector<1024x1xf32>
    %add3A_24 = arith.constant 1.000000e+00 : f32
    %add3A_25 = vector.broadcast %add3A_24 : f32 to vector<1024x1xf32>
    %add3A_26 = arith.addf %add3A_23, %add3A_25 : vector<1024x1xf32>
    %div3A = arith.constant 1.000000e+00 : f32
    %div3A_27 = vector.broadcast %div3A : f32 to vector<1024x1xf32>
    %div3A_28 = arith.divf %div3A_27, %add3A_26 : vector<1024x1xf32>
    %mul3A = vector.broadcast %div3A_28 : vector<1024x1xf32> to vector<1024x128xf32>
    %mul3A_29 = arith.mulf %add3A_12, %mul3A : vector<1024x128xf32>
    %get3A_30 = arith.constant 0 : index
    %get3A_31 = arith.constant 0 : index
    %get3A_32 = vector.load %arg4[%get3A_30, %get3A_31] : memref<1x128xf32, #tpu.memory_space<vmem>>, vector<1x128xf32>
    %add3A_33 = vector.broadcast %get3A_32 : vector<1x128xf32> to vector<1024x128xf32>
    %add3A_34 = arith.addf %mul3A_29, %add3A_33 : vector<1024x128xf32>
    %max3A = arith.constant 0.000000e+00 : f32
    %max3A_35 = vector.broadcast %max3A : f32 to vector<1024x128xf32>
    %max3A_36 = arith.maximumf %add3A_34, %max3A_35 : vector<1024x128xf32>
    %get3A_37 = arith.constant 0 : index
    %get3A_38 = arith.constant 0 : index
    %get3A_39 = vector.load %arg5[%get3A_37, %get3A_38] : memref<128x128xf32, #tpu.memory_space<vmem>>, vector<128x128xf32>
    %dot_general3A = arith.constant dense<0.000000e+00> : vector<1024x128xf32>
    %dot_general3A_40 = tpu.matmul %max3A_36, %get3A_39, %dot_general3A {dimension_numbers = #tpu.dot_dimension_numbers<[1], [0], [0], [1], [0, 0, 1, 1], [], []>, transpose_lhs_hint = false} : vector<1024x128xf32>, vector<128x128xf32>, vector<1024x128xf32> -> vector<1024x128xf32>
    %swap3A = arith.constant 0 : index
    %swap3A_41 = arith.constant 0 : index
    %swap3A_42 = vector.load %arg6[%swap3A, %swap3A_41] : memref<1024x128xf32, #tpu.memory_space<vmem>>, vector<1024x128xf32>
    tpu.vector_store %arg6[%swap3A, %swap3A_41], %dot_general3A_40 {strides = array<i32>} : memref<1024x128xf32, #tpu.memory_space<vmem>>, vector<1024x128xf32>,
    return
  }
  func.func @transform_0(%arg0: i32) -> (i32, i32, i32) {
    %c0_i32 = arith.constant 0 : i32
    %c0_i32_0 = arith.constant 0 : i32
    %c0_i32_1 = arith.constant 0 : i32
    return %c0_i32, %arg0, %c0_i32_0 : i32, i32, i32
  }
  func.func @transform_1(%arg0: i32) -> (i32, i32) {
    %c0_i32 = arith.constant 0 : i32
    %c0_i32_0 = arith.constant 0 : i32
    return %arg0, %c0_i32 : i32, i32
  }
  func.func @transform_2(%arg0: i32) -> (i32, i32, i32) {
    %c0_i32 = arith.constant 0 : i32
    %c0_i32_0 = arith.constant 0 : i32
    %c0_i32_1 = arith.constant 0 : i32
    return %c0_i32, %arg0, %c0_i32_0 : i32, i32, i32
  }
  func.func @transform_3(%arg0: i32) -> (i32, i32) {
    %c0_i32 = arith.constant 0 : i32
    %c0_i32_0 = arith.constant 0 : i32
    %c0_i32_1 = arith.constant 0 : i32
    return %c0_i32, %c0_i32_0 : i32, i32
  }
  func.func @transform_4(%arg0: i32) -> (i32, i32) {
    %c0_i32 = arith.constant 0 : i32
    %c0_i32_0 = arith.constant 0 : i32
    %c0_i32_1 = arith.constant 0 : i32
    return %c0_i32, %c0_i32_0 : i32, i32
  }
  func.func @transform_5(%arg0: i32) -> (i32, i32) {
    %c0_i32 = arith.constant 0 : i32
    %c0_i32_0 = arith.constant 0 : i32
    return %arg0, %c0_i32 : i32, i32
  }
}

module attributes {stable_mosaic.version = 14 : i64} {
  func.func @_cnt_body(%arg0: i32, %arg1: memref<1024x1xi32, #tpu.memory_space<vmem>>, %arg2: memref<64x128xf32, #tpu.memory_space<vmem>>, %arg3: memref<64x128xf32, #tpu.memory_space<vmem>>) attributes {dimension_semantics = [#tpu.dimension_semantics<arbitrary>], iteration_bounds = array<i64: 10>, scalar_prefetch = 0 : i64, scratch_operands = 1 : i64, tpu.core_type = #tpu.core_type<tc>, window_params = [{transform_indices = @transform_0, window_bounds = array<i64: 1024, 1>}, {pipeline_mode = #tpu.pipeline_mode<synchronous>, transform_indices = @transform_1, window_bounds = array<i64: 64, 128>}]} {
    %eq3A = arith.constant 0 : i32
    %eq3A_0 = arith.cmpi eq, %arg0, %eq3A : i32
    %convert_element_type3A = arith.extui %eq3A_0 : i1 to i32
    %cond3A = arith.constant 0 : i32
    %cond3A_1 = arith.cmpi ne, %convert_element_type3A, %cond3A : i32
    scf.if %cond3A_1 {
      %broadcast_in_dim3A_21 = arith.constant 0.000000e+00 : f32
      %broadcast_in_dim3A_22 = vector.broadcast %broadcast_in_dim3A_21 : f32 to vector<64x128xf32>
      %swap3A_23 = arith.constant 0 : index
      %swap3A_24 = arith.constant 0 : index
      %swap3A_25 = vector.load %arg3[%swap3A_23, %swap3A_24] : memref<64x128xf32, #tpu.memory_space<vmem>>, vector<64x128xf32>
      tpu.vector_store %arg3[%swap3A_23, %swap3A_24], %broadcast_in_dim3A_22 {strides = array<i32>} : memref<64x128xf32, #tpu.memory_space<vmem>>, vector<64x128xf32>,
    } else {
    }
    %get3A = arith.constant 0 : index
    %get3A_2 = arith.constant 0 : index
    %get3A_3 = vector.load %arg1[%get3A, %get3A_2] : memref<1024x1xi32, #tpu.memory_space<vmem>>, vector<1024x1xi32>
    %iota3A = tpu.iota {dimensions = array<i32: 1>} : vector<1x64xi32>
    %eq3A_4 = vector.broadcast %get3A_3 : vector<1024x1xi32> to vector<1024x64xi32>
    %eq3A_5 = vector.broadcast %iota3A : vector<1x64xi32> to vector<1024x64xi32>
    %eq3A_6 = arith.cmpi eq, %eq3A_4, %eq3A_5 : vector<1024x64xi32>
    %convert_element_type3A_7 = arith.extui %eq3A_6 : vector<1024x64xi1> to vector<1024x64xi32>
    %convert_element_type3A_8 = arith.sitofp %convert_element_type3A_7 : vector<1024x64xi32> to vector<1024x64xf32>
    %get3A_9 = arith.constant 0 : index
    %get3A_10 = arith.constant 0 : index
    %get3A_11 = vector.load %arg3[%get3A_9, %get3A_10] : memref<64x128xf32, #tpu.memory_space<vmem>>, vector<64x128xf32>
    %broadcast_in_dim3A = arith.constant 1.000000e+00 : f32
    %broadcast_in_dim3A_12 = vector.broadcast %broadcast_in_dim3A : f32 to vector<1024x128xf32>
    %dot_general3A = arith.constant dense<0.000000e+00> : vector<64x128xf32>
    %dot_general3A_13 = tpu.matmul %convert_element_type3A_8, %broadcast_in_dim3A_12, %dot_general3A {dimension_numbers = #tpu.dot_dimension_numbers<[0], [0], [1], [1], [0, 1, 1, 1], [], []>, transpose_lhs_hint = false} : vector<1024x64xf32>, vector<1024x128xf32>, vector<64x128xf32> -> vector<64x128xf32>
    %add3A = arith.addf %get3A_11, %dot_general3A_13 : vector<64x128xf32>
    %swap3A = arith.constant 0 : index
    %swap3A_14 = arith.constant 0 : index
    %swap3A_15 = vector.load %arg3[%swap3A, %swap3A_14] : memref<64x128xf32, #tpu.memory_space<vmem>>, vector<64x128xf32>
    tpu.vector_store %arg3[%swap3A, %swap3A_14], %add3A {strides = array<i32>} : memref<64x128xf32, #tpu.memory_space<vmem>>, vector<64x128xf32>,
    %eq3A_16 = arith.constant 9 : i32
    %eq3A_17 = arith.cmpi eq, %arg0, %eq3A_16 : i32
    %convert_element_type3A_18 = arith.extui %eq3A_17 : i1 to i32
    %cond3A_19 = arith.constant 0 : i32
    %cond3A_20 = arith.cmpi ne, %convert_element_type3A_18, %cond3A_19 : i32
    scf.if %cond3A_20 {
      %get3A_21 = arith.constant 0 : index
      %get3A_22 = arith.constant 0 : index
      %get3A_23 = vector.load %arg3[%get3A_21, %get3A_22] : memref<64x128xf32, #tpu.memory_space<vmem>>, vector<64x128xf32>
      %max3A = arith.constant 1.000000e+00 : f32
      %max3A_24 = vector.broadcast %max3A : f32 to vector<64x128xf32>
      %max3A_25 = arith.maximumf %get3A_23, %max3A_24 : vector<64x128xf32>
      %div3A = arith.constant 1.000000e+00 : f32
      %div3A_26 = vector.broadcast %div3A : f32 to vector<64x128xf32>
      %div3A_27 = arith.divf %div3A_26, %max3A_25 : vector<64x128xf32>
      %swap3A_28 = arith.constant 0 : index
      %swap3A_29 = arith.constant 0 : index
      %swap3A_30 = vector.load %arg2[%swap3A_28, %swap3A_29] : memref<64x128xf32, #tpu.memory_space<vmem>>, vector<64x128xf32>
      tpu.vector_store %arg2[%swap3A_28, %swap3A_29], %div3A_27 {strides = array<i32>} : memref<64x128xf32, #tpu.memory_space<vmem>>, vector<64x128xf32>,
    } else {
    }
    return
  }
  func.func @transform_0(%arg0: i32) -> (i32, i32) {
    %c0_i32 = arith.constant 0 : i32
    %c0_i32_0 = arith.constant 0 : i32
    return %arg0, %c0_i32 : i32, i32
  }
  func.func @transform_1(%arg0: i32) -> (i32, i32) {
    %c0_i32 = arith.constant 0 : i32
    %c0_i32_0 = arith.constant 0 : i32
    %c0_i32_1 = arith.constant 0 : i32
    return %c0_i32, %c0_i32_0 : i32, i32
  }
}

module attributes {stable_mosaic.version = 14 : i64} {
  func.func @_tail_body(%arg0: i32, %arg1: memref<2x1024x128xf32, #tpu.memory_space<vmem>>, %arg2: memref<1024x128xf32, #tpu.memory_space<vmem>>, %arg3: memref<2x1024x1xf32, #tpu.memory_space<vmem>>, %arg4: memref<1x128xf32, #tpu.memory_space<vmem>>, %arg5: memref<1024x1xi32, #tpu.memory_space<vmem>>, %arg6: memref<64x128xf32, #tpu.memory_space<vmem>>, %arg7: memref<128x10xf32, #tpu.memory_space<vmem>>, %arg8: memref<1x10xf32, #tpu.memory_space<vmem>>, %arg9: memref<64x10xf32, #tpu.memory_space<vmem>>, %arg10: memref<64x128xf32, #tpu.memory_space<vmem>>) attributes {dimension_semantics = [#tpu.dimension_semantics<arbitrary>], iteration_bounds = array<i64: 10>, scalar_prefetch = 0 : i64, scratch_operands = 1 : i64, tpu.core_type = #tpu.core_type<tc>, window_params = [{transform_indices = @transform_0, window_bounds = array<i64: 2, 1024, 128>}, {transform_indices = @transform_1, window_bounds = array<i64: 1024, 128>}, {transform_indices = @transform_2, window_bounds = array<i64: 2, 1024, 1>}, {pipeline_mode = #tpu.pipeline_mode<synchronous>, transform_indices = @transform_3, window_bounds = array<i64: 1, 128>}, {transform_indices = @transform_4, window_bounds = array<i64: 1024, 1>}, {pipeline_mode = #tpu.pipeline_mode<synchronous>, transform_indices = @transform_5, window_bounds = array<i64: 64, 128>}, {pipeline_mode = #tpu.pipeline_mode<synchronous>, transform_indices = @transform_6, window_bounds = array<i64: 128, 10>}, {pipeline_mode = #tpu.pipeline_mode<synchronous>, transform_indices = @transform_7, window_bounds = array<i64: 1, 10>}, {pipeline_mode = #tpu.pipeline_mode<synchronous>, transform_indices = @transform_8, window_bounds = array<i64: 64, 10>}]} {
    %eq3A = arith.constant 0 : i32
    %eq3A_0 = arith.cmpi eq, %arg0, %eq3A : i32
    %convert_element_type3A = arith.extui %eq3A_0 : i1 to i32
    %cond3A = arith.constant 0 : i32
    %cond3A_1 = arith.cmpi ne, %convert_element_type3A, %cond3A : i32
    scf.if %cond3A_1 {
      %broadcast_in_dim3A_66 = arith.constant 0.000000e+00 : f32
      %broadcast_in_dim3A_67 = vector.broadcast %broadcast_in_dim3A_66 : f32 to vector<64x128xf32>
      %swap3A_68 = arith.constant 0 : index
      %swap3A_69 = arith.constant 0 : index
      %swap3A_70 = vector.load %arg10[%swap3A_68, %swap3A_69] : memref<64x128xf32, #tpu.memory_space<vmem>>, vector<64x128xf32>
      tpu.vector_store %arg10[%swap3A_68, %swap3A_69], %broadcast_in_dim3A_67 {strides = array<i32>} : memref<64x128xf32, #tpu.memory_space<vmem>>, vector<64x128xf32>,
    } else {
    }
    %get3A = arith.constant 0 : index
    %get3A_2 = arith.constant 0 : index
    %get3A_3 = arith.constant 0 : index
    %get3A_4 = vector.load %arg1[%get3A, %get3A_2, %get3A_3] : memref<2x1024x128xf32, #tpu.memory_space<vmem>>, vector<1x1024x128xf32>
    %get3A_5 = vector.shape_cast %get3A_4 : vector<1x1024x128xf32> to vector<1024x128xf32>
    %get3A_6 = arith.constant 1 : index
    %get3A_7 = arith.constant 0 : index
    %get3A_8 = arith.constant 0 : index
    %get3A_9 = vector.load %arg1[%get3A_6, %get3A_7, %get3A_8] : memref<2x1024x128xf32, #tpu.memory_space<vmem>>, vector<1x1024x128xf32>
    %get3A_10 = vector.shape_cast %get3A_9 : vector<1x1024x128xf32> to vector<1024x128xf32>
    %add3A = arith.addf %get3A_5, %get3A_10 : vector<1024x128xf32>
    %get3A_11 = arith.constant 0 : index
    %get3A_12 = arith.constant 0 : index
    %get3A_13 = vector.load %arg2[%get3A_11, %get3A_12] : memref<1024x128xf32, #tpu.memory_space<vmem>>, vector<1024x128xf32>
    %add3A_14 = arith.addf %add3A, %get3A_13 : vector<1024x128xf32>
    %get3A_15 = arith.constant 0 : index
    %get3A_16 = arith.constant 0 : index
    %get3A_17 = arith.constant 0 : index
    %get3A_18 = vector.load %arg3[%get3A_15, %get3A_16, %get3A_17] : memref<2x1024x1xf32, #tpu.memory_space<vmem>>, vector<1x1024x1xf32>
    %get3A_19 = vector.shape_cast %get3A_18 : vector<1x1024x1xf32> to vector<1024x1xf32>
    %get3A_20 = arith.constant 1 : index
    %get3A_21 = arith.constant 0 : index
    %get3A_22 = arith.constant 0 : index
    %get3A_23 = vector.load %arg3[%get3A_20, %get3A_21, %get3A_22] : memref<2x1024x1xf32, #tpu.memory_space<vmem>>, vector<1x1024x1xf32>
    %get3A_24 = vector.shape_cast %get3A_23 : vector<1x1024x1xf32> to vector<1024x1xf32>
    %add3A_25 = arith.addf %get3A_19, %get3A_24 : vector<1024x1xf32>
    %add3A_26 = arith.constant 1.000000e+00 : f32
    %add3A_27 = vector.broadcast %add3A_26 : f32 to vector<1024x1xf32>
    %add3A_28 = arith.addf %add3A_25, %add3A_27 : vector<1024x1xf32>
    %div3A = arith.constant 1.000000e+00 : f32
    %div3A_29 = vector.broadcast %div3A : f32 to vector<1024x1xf32>
    %div3A_30 = arith.divf %div3A_29, %add3A_28 : vector<1024x1xf32>
    %mul3A = vector.broadcast %div3A_30 : vector<1024x1xf32> to vector<1024x128xf32>
    %mul3A_31 = arith.mulf %add3A_14, %mul3A : vector<1024x128xf32>
    %get3A_32 = arith.constant 0 : index
    %get3A_33 = arith.constant 0 : index
    %get3A_34 = vector.load %arg4[%get3A_32, %get3A_33] : memref<1x128xf32, #tpu.memory_space<vmem>>, vector<1x128xf32>
    %add3A_35 = vector.broadcast %get3A_34 : vector<1x128xf32> to vector<1024x128xf32>
    %add3A_36 = arith.addf %mul3A_31, %add3A_35 : vector<1024x128xf32>
    %mul3A_37 = arith.constant 1024 : i32
    %mul3A_38 = arith.muli %arg0, %mul3A_37 : i32
    %iota3A = tpu.iota {dimensions = array<i32: 0>} : vector<1024x1xi32>
    %add3A_39 = vector.broadcast %mul3A_38 : i32 to vector<1024x1xi32>
    %add3A_40 = arith.addi %add3A_39, %iota3A : vector<1024x1xi32>
    %lt3A = arith.constant 10000 : i32
    %lt3A_41 = vector.broadcast %lt3A : i32 to vector<1024x1xi32>
    %lt3A_42 = arith.cmpi slt, %add3A_40, %lt3A_41 : vector<1024x1xi32>
    %jit3A = arith.constant 0.000000e+00 : f32
    %broadcast_in_dim3A = vector.shape_cast %lt3A_42 : vector<1024x1xi1> to vector<1024x1xi1>
    %broadcast_in_dim3A_43 = vector.broadcast %broadcast_in_dim3A : vector<1024x1xi1> to vector<1024x128xi1>
    %broadcast_in_dim3A_44 = vector.broadcast %jit3A : f32 to vector<1024x128xf32>
    %select_n3A = arith.select %broadcast_in_dim3A_43, %add3A_36, %broadcast_in_dim3A_44 : vector<1024x128xi1>, vector<1024x128xf32>
    %get3A_45 = arith.constant 0 : index
    %get3A_46 = arith.constant 0 : index
    %get3A_47 = vector.load %arg5[%get3A_45, %get3A_46] : memref<1024x1xi32, #tpu.memory_space<vmem>>, vector<1024x1xi32>
    %iota3A_48 = tpu.iota {dimensions = array<i32: 1>} : vector<1x64xi32>
    %eq3A_49 = vector.broadcast %get3A_47 : vector<1024x1xi32> to vector<1024x64xi32>
    %eq3A_50 = vector.broadcast %iota3A_48 : vector<1x64xi32> to vector<1024x64xi32>
    %eq3A_51 = arith.cmpi eq, %eq3A_49, %eq3A_50 : vector<1024x64xi32>
    %convert_element_type3A_52 = arith.extui %eq3A_51 : vector<1024x64xi1> to vector<1024x64xi32>
    %convert_element_type3A_53 = arith.sitofp %convert_element_type3A_52 : vector<1024x64xi32> to vector<1024x64xf32>
    %get3A_54 = arith.constant 0 : index
    %get3A_55 = arith.constant 0 : index
    %get3A_56 = vector.load %arg10[%get3A_54, %get3A_55] : memref<64x128xf32, #tpu.memory_space<vmem>>, vector<64x128xf32>
    %dot_general3A = arith.constant dense<0.000000e+00> : vector<64x128xf32>
    %dot_general3A_57 = tpu.matmul %convert_element_type3A_53, %select_n3A, %dot_general3A {dimension_numbers = #tpu.dot_dimension_numbers<[0], [0], [1], [1], [0, 1, 1, 1], [], []>, transpose_lhs_hint = false} : vector<1024x64xf32>, vector<1024x128xf32>, vector<64x128xf32> -> vector<64x128xf32>
    %add3A_58 = arith.addf %get3A_56, %dot_general3A_57 : vector<64x128xf32>
    %swap3A = arith.constant 0 : index
    %swap3A_59 = arith.constant 0 : index
    %swap3A_60 = vector.load %arg10[%swap3A, %swap3A_59] : memref<64x128xf32, #tpu.memory_space<vmem>>, vector<64x128xf32>
    tpu.vector_store %arg10[%swap3A, %swap3A_59], %add3A_58 {strides = array<i32>} : memref<64x128xf32, #tpu.memory_space<vmem>>, vector<64x128xf32>,
    %eq3A_61 = arith.constant 9 : i32
    %eq3A_62 = arith.cmpi eq, %arg0, %eq3A_61 : i32
    %convert_element_type3A_63 = arith.extui %eq3A_62 : i1 to i32
    %cond3A_64 = arith.constant 0 : i32
    %cond3A_65 = arith.cmpi ne, %convert_element_type3A_63, %cond3A_64 : i32
    scf.if %cond3A_65 {
      %get3A_66 = arith.constant 0 : index
      %get3A_67 = arith.constant 0 : index
      %get3A_68 = vector.load %arg10[%get3A_66, %get3A_67] : memref<64x128xf32, #tpu.memory_space<vmem>>, vector<64x128xf32>
      %get3A_69 = arith.constant 0 : index
      %get3A_70 = arith.constant 0 : index
      %get3A_71 = vector.load %arg6[%get3A_69, %get3A_70] : memref<64x128xf32, #tpu.memory_space<vmem>>, vector<64x128xf32>
      %mul3A_72 = arith.mulf %get3A_68, %get3A_71 : vector<64x128xf32>
      %get3A_73 = arith.constant 0 : index
      %get3A_74 = arith.constant 0 : index
      %get3A_75 = vector.load %arg7[%get3A_73, %get3A_74] : memref<128x10xf32, #tpu.memory_space<vmem>>, vector<128x10xf32>
      %dot_general3A_76 = arith.constant dense<0.000000e+00> : vector<64x10xf32>
      %dot_general3A_77 = tpu.matmul %mul3A_72, %get3A_75, %dot_general3A_76 {dimension_numbers = #tpu.dot_dimension_numbers<[1], [0], [0], [1], [0, 0, 1, 1], [], []>, transpose_lhs_hint = false} : vector<64x128xf32>, vector<128x10xf32>, vector<64x10xf32> -> vector<64x10xf32>
      %get3A_78 = arith.constant 0 : index
      %get3A_79 = arith.constant 0 : index
      %get3A_80 = vector.load %arg8[%get3A_78, %get3A_79] : memref<1x10xf32, #tpu.memory_space<vmem>>, vector<1x10xf32>
      %add3A_81 = vector.broadcast %get3A_80 : vector<1x10xf32> to vector<64x10xf32>
      %add3A_82 = arith.addf %dot_general3A_77, %add3A_81 : vector<64x10xf32>
      %swap3A_83 = arith.constant 0 : index
      %swap3A_84 = arith.constant 0 : index
      %swap3A_85 = vector.load %arg9[%swap3A_83, %swap3A_84] : memref<64x10xf32, #tpu.memory_space<vmem>>, vector<64x10xf32>
      tpu.vector_store %arg9[%swap3A_83, %swap3A_84], %add3A_82 {strides = array<i32>} : memref<64x10xf32, #tpu.memory_space<vmem>>, vector<64x10xf32>,
    } else {
    }
    return
  }
  func.func @transform_0(%arg0: i32) -> (i32, i32, i32) {
    %c0_i32 = arith.constant 0 : i32
    %c0_i32_0 = arith.constant 0 : i32
    %c0_i32_1 = arith.constant 0 : i32
    return %c0_i32, %arg0, %c0_i32_0 : i32, i32, i32
  }
  func.func @transform_1(%arg0: i32) -> (i32, i32) {
    %c0_i32 = arith.constant 0 : i32
    %c0_i32_0 = arith.constant 0 : i32
    return %arg0, %c0_i32 : i32, i32
  }
  func.func @transform_2(%arg0: i32) -> (i32, i32, i32) {
    %c0_i32 = arith.constant 0 : i32
    %c0_i32_0 = arith.constant 0 : i32
    %c0_i32_1 = arith.constant 0 : i32
    return %c0_i32, %arg0, %c0_i32_0 : i32, i32, i32
  }
  func.func @transform_3(%arg0: i32) -> (i32, i32) {
    %c0_i32 = arith.constant 0 : i32
    %c0_i32_0 = arith.constant 0 : i32
    %c0_i32_1 = arith.constant 0 : i32
    return %c0_i32, %c0_i32_0 : i32, i32
  }
  func.func @transform_4(%arg0: i32) -> (i32, i32) {
    %c0_i32 = arith.constant 0 : i32
    %c0_i32_0 = arith.constant 0 : i32
    return %arg0, %c0_i32 : i32, i32
  }
  func.func @transform_5(%arg0: i32) -> (i32, i32) {
    %c0_i32 = arith.constant 0 : i32
    %c0_i32_0 = arith.constant 0 : i32
    %c0_i32_1 = arith.constant 0 : i32
    return %c0_i32, %c0_i32_0 : i32, i32
  }
  func.func @transform_6(%arg0: i32) -> (i32, i32) {
    %c0_i32 = arith.constant 0 : i32
    %c0_i32_0 = arith.constant 0 : i32
    %c0_i32_1 = arith.constant 0 : i32
    return %c0_i32, %c0_i32_0 : i32, i32
  }
  func.func @transform_7(%arg0: i32) -> (i32, i32) {
    %c0_i32 = arith.constant 0 : i32
    %c0_i32_0 = arith.constant 0 : i32
    %c0_i32_1 = arith.constant 0 : i32
    return %c0_i32, %c0_i32_0 : i32, i32
  }
  func.func @transform_8(%arg0: i32) -> (i32, i32) {
    %c0_i32 = arith.constant 0 : i32
    %c0_i32_0 = arith.constant 0 : i32
    %c0_i32_1 = arith.constant 0 : i32
    return %c0_i32, %c0_i32_0 : i32, i32
  }
}

</mosaic_0001>

<sc_bundles>
// kernel: kernel.11.cloned.1.call-start
scs
__scs_entry_jumppad:
0x0: {  	(pc) =	sbr.rel $0x88, $3  }
0x1: {  	(tag) =	ssettag $0x0;
	lr =	simm.s32 $0x1  }
0x2: {  	[smem:$0x3F98] =	sst lr;
	_ =	strace $0xD0000000  }
0x3: {  	_ = 	snop  }
0x4: {  	_ = 	snop  }
0x5: {  	_ = 	snop  }
0x6: {  	_ = 	snop  }
0x7: {  	_ = 	snop  }
__scs_overlays_trampoline_lowered:
0x8: {  	[smem:$0x3FA7] =	sst s0  }
0x9: {  	[smem:$0x3FA8] =	sst s1  }
0xa: {  	[smem:$0x3FA9] =	sst s2  }
0xb: {  	[smem:$0x3FAA] =	sst s3  }
0xc: {  	[smem:$0x3FAB] =	sst s4  }
0xd: {  	[smem:$0x3FAC] =	sst s5  }
0xe: {  	[smem:$0x3FAD] =	sst s6  }
0xf: {  	[smem:$0x3FAE] =	sst s7  }
0x10: {  	[smem:$0x3FAF] =	sst s8  }
0x11: {  	[smem:$0x3FB0] =	sst s9;
	s0 =	simm.s32 @!p0 $0x0  }
0x12: {  	s1 =	sld [smem:$0x3F96];
	s0 =	simm.s32 @p0 $0x1  }
0x13: {  	[smem:$0x3FB1] =	sst s0;
	s0 =	simm.s32 @!p1 $0x0  }
0x14: {  	s2 =	sld [smem:$0x3F95];
	s0 =	simm.s32 @p1 $0x1  }
0x15: {  	[smem:$0x3FB2] =	sst s0;
	s0 =	simm.s32 @!p2 $0x0  }
0x16: {  	s3 =	sld [smem:$0x3FDB];
	s0 =	simm.s32 @p2 $0x1  }
0x17: {  	s4 =	simm.s32 $0x1BF5;
	[smem:$0x3FB4] =	sst s0  }
0x18: {  	s0 =	sld [smem:$0x3F97];
	_ =	swait.ge [sflag:s4], $0x0  }
0x19: {  	s7 =	sld [smem:$0x3F98]  }
0x1a: {  	s8 =	sadd.s32 $0xFFFFE003, lr  }
0x1b: {  	s9 =	sadd.s32 $0xFFFFFEF7, lr;
	s5 =	simm.s32 $0xFFFFFFFF;
	p2 =	slt.u32 s8, $0xFFFFF086  }
0x1c: {  	p1 =	slt.u32 s9, $0xF7A;
	s5 =	simm.s32 @!p2 $0x0  }
0x1d: {  	s5 =	simm.s32 @p1 $0x1;
	p0 =	seq.s32 s7, s2  }
0x1e: {  	s7 =	smul.u32 @!p0 $0xF7A, s2;
	p2 =	seq.s32 @!p0 s5, $0x0  }
0x1f: {  	s9 =	smul.u32 $0xF7A, s1;
	s8 =	simm.s32 @!p0 $0x1BF5;
	p2 =	por !p2, p0  }
0x20: {  	[sflag:s8] =	ssyncset.s32 @!p0 $0xFFFFF086;
	s6 =	sadd.s32 @!p0 s3, s7;
	s7 =	simm.s32 @!p0 $0x108  }
0x21: {  	s3 =	sadd.s32 s3, s9;
	s6 =	sadd.s32 @!p0 $0x88, s6;
	s7 =	simm.s32 @p2 $0x1082  }
0x22: {  	[simem:s7], [sflag:s8] =	dma.local @!p0 [hbm:s6], $0xF7A  }
0x23: {  	s9 =	sor.u32 $0xD0000000, s2;
	s6 =	simm.s32 $0x108;
	_ =	swait.ge @!p0 [sflag:s8], $0x0  }
0x24: {  	s3 =	sadd.s32 $0x88, s3;
	s6 =	simm.s32 @!p1 $0x1082;
	[sflag:s4] =	ssyncset.s32 $0xFFFFF086  }
0x25: {  	[simem:s6], [sflag:s4] =	dma.local [hbm:s3], $0xF7A  }
0x26: {  	[smem:$0x3F98] =	sst s1;
	(tag) =	ssettag s2;
	_ =	strace s9  }
0x27: {  	s1 =	sld [smem:$0x3FA8]  }
0x28: {  	s2 =	sld [smem:$0x3FA9]  }
0x29: {  	s4 =	sld [smem:$0x3FAB]  }
0x2a: {  	p0 =	seq.s32 s5, $0x0;
	s5 =	sld [smem:$0x3FAC]  }
0x2b: {  	s6 =	sld [smem:$0x3FAD]  }
0x2c: {  	s7 =	sld [smem:$0x3FAE]  }
0x2d: {  	s3 =	simm.s32 $0x108;
	s8 =	sld [smem:$0x3FAF]  }
0x2e: {  	s3 =	simm.s32 @!p0 $0x1082;
	s9 =	sld [smem:$0x3FB0]  }
0x2f: {  	lr =	sadd.s32 s0, s3;
	s0 =	sld [smem:$0x3FA7]  }
0x30: {  	s3 =	sld [smem:$0x3FAA]  }
0x31: {  	[smem:$0x3FB3] =	sst s10  }
0x32: {  	s10 =	sld [smem:$0x3FB1];
	_ =	sdelay $0x3  }
0x33: {  	p0 =	seq.s32 s10, $0x1;
	s10 =	sld [smem:$0x3FB3];
	_ =	sdelay $0x3  }
0x34: {  	[smem:$0x3FB3] =	sst s10  }
0x35: {  	s10 =	sld [smem:$0x3FB2];
	_ =	sdelay $0x3  }
0x36: {  	p1 =	seq.s32 s10, $0x1;
	s10 =	sld [smem:$0x3FB3];
	_ =	sdelay $0x3  }
0x37: {  	[smem:$0x3FB3] =	sst s10  }
0x38: {  	s10 =	sld [smem:$0x3FB4]  }
0x39: {  	_ = 	snop;
	(pc) =	sbr.ind lr, $3  }
0x3a: {  	_ = 	snop  }
0x3b: {  	_ = 	snop  }
0x3c: {  	p2 =	seq.s32 s10, $0x1;
	s10 =	sld [smem:$0x3FB3]  }
0x3d: {  	_ =	shalt  }
0x3e: {  	_ =	shalt  }
0x3f: {  	_ =	shalt  }
0x40: {  	_ =	shalt  }
0x41: {  	_ =	shalt  }
0x42: {  	_ =	shalt  }
0x43: {  	_ =	shalt  }
0x44: {  	_ =	shalt  }
0x45: {  	_ =	shalt  }
0x46: {  	_ =	shalt  }
0x47: {  	_ =	shalt  }
0x48: {  	_ =	shalt  }
0x49: {  	_ =	shalt  }
0x4a: {  	_ =	shalt  }
0x4b: {  	_ =	shalt  }
0x4c: {  	_ =	shalt  }
0x4d: {  	_ =	shalt  }
0x4e: {  	_ =	shalt  }
0x4f: {  	_ =	shalt  }
0x50: {  	_ =	shalt  }
0x51: {  	_ =	shalt  }
0x52: {  	_ =	shalt  }
0x53: {  	_ =	shalt  }
0x54: {  	_ =	shalt  }
0x55: {  	_ =	shalt  }
0x56: {  	_ =	shalt  }
0x57: {  	_ =	shalt  }
0x58: {  	_ =	shalt  }
0x59: {  	_ =	shalt  }
0x5a: {  	_ =	shalt  }
0x5b: {  	_ =	shalt  }
0x5c: {  	_ =	shalt  }
0x5d: {  	_ =	shalt  }
0x5e: {  	_ =	shalt  }
0x5f: {  	_ =	shalt  }
0x60: {  	_ =	shalt  }
0x61: {  	_ =	shalt  }
0x62: {  	_ =	shalt  }
0x63: {  	_ =	shalt  }
0x64: {  	_ =	shalt  }
0x65: {  	_ =	shalt  }
0x66: {  	_ =	shalt  }
0x67: {  	_ =	shalt  }
0x68: {  	_ =	shalt  }
0x69: {  	_ =	shalt  }
0x6a: {  	_ =	shalt  }
0x6b: {  	_ =	shalt  }
0x6c: {  	_ =	shalt  }
0x6d: {  	_ =	shalt  }
0x6e: {  	_ =	shalt  }
0x6f: {  	_ =	shalt  }
0x70: {  	_ =	shalt  }
0x71: {  	_ =	shalt  }
0x72: {  	_ =	shalt  }
0x73: {  	_ =	shalt  }
0x74: {  	_ =	shalt  }
0x75: {  	_ =	shalt  }
0x76: {  	_ =	shalt  }
0x77: {  	_ =	shalt  }
0x78: {  	_ =	shalt  }
0x79: {  	_ =	shalt  }
0x7a: {  	_ =	shalt  }
0x7b: {  	_ =	shalt  }
0x7c: {  	_ =	shalt  }
0x7d: {  	_ =	shalt  }
0x7e: {  	_ =	shalt  }
0x7f: {  	_ =	shalt  }
0x80: {  	_ =	shalt  }
0x81: {  	_ =	shalt  }
0x82: {  	_ =	shalt  }
0x83: {  	_ =	shalt  }
0x84: {  	_ =	shalt  }
0x85: {  	_ =	shalt  }
0x86: {  	_ =	shalt  }
0x87: {  	_ =	shalt  }
.Lfunc_end0:
.L_simem_size_0:
called_computation.1_lowered:
.L_overlay_start_0:
0x88: {  	s2 =	sld [smem:$0x3FD9]  }
0x89: {  	s3 =	sld [smem:$0x3FFE];
	_ =	sdelay $0x1  }
0x8a: {  	s1 =	srdreg.scid  }
0x8b: {  	s0 =	sand.u32 $0x1, s1  }
0x8c: {  	s17 =	sshll.u32 s0, $0xA;
	s2 =	sadd.s32 s3, s2  }
0x8d: {  	s2 =	sadd.s32 s2, s17  }
0x8e: {  	[smem:$0x3FBF] =	sst s2  }
0x8f: {  	_ = 	snop  }
0x90: {  	s2 =	sld [smem:$0x3FC8];
	(tm) =	ssettm $0x1  }
0x91: {  	s18 =	sld [smem:$0x3FFB];
	_ =	sdelay $0x3  }
0x92: {  	_ =	strace s18  }
0x93: {  	s3 =	sld [smem:$0x3FFC];
	_ =	sdelay $0x3  }
0x94: {  	_ =	strace s3  }
0x95: {  	s3 =	sld [smem:$0x3FFD];
	_ =	sdelay $0x3  }
0x96: {  	_ =	strace s3  }
0x97: {  	_ =	strace $0x8FFFFFFF  }
0x98: {  	s19 =	sld [smem:$0x3FDB];
	_ =	sdelay $0x1  }
0x99: {  	s4 =	simm.s32 $_scs_section_size  }
0x9a: {  	s5 =	simm.s32 $_size__tile_overlayer_lowered;
	s6 =	simm.s32 $_tile_overlayer_lowered  }
0x9b: {  	s22 =	simm.s32 $0x1BFF;
	s21 =	sshll.u32 s6, $0x1;
	s3 =	sadd.s32 s4, s19  }
0x9c: {  	s7 =	simm.s32 $0x0;
	s20 =	sshll.u32 s5, $0x1;
	s5 =	sadd.s32 s21, s3  }
0x9d: {  	[timem:s7], [sflag:s22] =	dma.local [hbm:s5], s20  }
0x9e: {  	_ =	swait.ge [sflag:s22], s20  }
0x9f: {  	s4 =	ssub.s32 $0x0, s20;
	[sflag:s22] =	ssyncset.done $0x0  }
0xa0: {  	[sflag:s22] =	ssyncadd.s32 s4;
	_ =	sdelay $0x1  }
0xa1: {  	s23 =	simm.s32 $0x1B8B  }
0xa2: {  	_ =	swait.ge [sflag:s23], $0x1  }
0xa3: {  	[sflag:s23] =	ssyncset.done $0x0  }
0xa4: {  	s25 =	simm.s32 $0x1B8E;
	s24 =	sld [smem:$0x3FFE];
	[sflag:s23] =	ssyncadd.s32 $0xFFFFFFFF  }
0xa5: {  	s26 =	simm.s32 $execute0_lowered;
	[smem:$0x3FD2] =	sst s25  }
0xa6: {  	s5 =	sshll.u32 s26, $0x1;
	_ =	strace $0x80000049;
	[dreg:$0x1] =	wrdreg $0xFFFFFFFF  }
0xa7: {  	s28 =	simm.s32 $_size_execute0_lowered;
	s3 =	sadd.s32 s3, s5;
	[dreg:$0x0] =	wrdreg $0x0  }
0xa8: {  	s5 =	sshll.u32 s28, $0x1;
	[dreg:$0x2] =	wrdreg s3  }
0xa9: {  	[dreg:$0x3] =	wrdreg s5  }
0xaa: {  	[dreg:$0x4] =	wrdreg $0xC0  }
0xab: {  	_ =	task [dreg:s7], $0x5FFFF  }
0xac: {  	[dreg:$0x1] =	wrdreg $0xFFFFFFFF  }
0xad: {  	[dreg:$0x0] =	wrdreg $0x60  }
0xae: {  	[dreg:$0x2] =	wrdreg s24  }
0xaf: {  	[dreg:$0x3] =	wrdreg s2  }
0xb0: {  	[dreg:$0x4] =	wrdreg $0x84000  }
0xb1: {  	[dreg:$0x5] =	wrdreg $0x9  }
0xb2: {  	_ =	task.clear_ibuf [dreg:s7], $0x6FFFF;
	_ =	strace $0x90000049  }
0xb3: {  	s29 =	simm.s32 $0x9;
	_ =	strace $0x8000004B  }
0xb4: {  	_ =	swait.ge [sflag:s29], $0x1  }
0xb5: {  	[sflag:s29] =	ssyncadd.s32 $0xFFFFFFFF  }
0xb6: {  	_ =	strace $0x9000004B  }
0xb7: {  	_ =	sfence  }
0xb8: {  	s30 =	sld [smem:$0x0];
	_ =	sdelay $0x2  }
0xb9: {  	s31 =	sshll.u32 s1, $0xD;
	s1 =	sshrl.u32 s1, $0x2  }
0xba: {  	s3 =	sand.u32 $0x4000, s31;
	s1 =	sadd.s32 s1, s30  }
0xbb: {  	s0 =	sor.u32 s3, s0;
	s1 =	sshll.u32 s1, $0x11  }
0xbc: {  	s0 =	sor.u32 s1, s0  }
0xbd: {  	s0 =	sadd.s32 $0x8F2B, s0  }
0xbe: {  	[sflag:s0] =	ssyncadd.remote.s32 $0x1  }
0xbf: {  	_ =	sfence.sel $0xFFFF  }
0xc0: {  	[dreg:$0x0] =	wrdreg $0xFFFFFFFF;
	(pc) =	sbr.abs _section_cstart, $3  }
0xc1: {  	[dreg:$0x1] =	wrdreg $0xFFFFFFFF  }
0xc2: {  	_ =	task.clear_ibuf [dreg:s7], $0x2FFFF;
	_ =	strace $0x9FFFFFFF  }
0xc3: {  	(tm) =	ssettm $0x7FFFFFFF  }
tec
execute0_lowered:
.L_overlay_start_1:
0x0: {  	(tag) =	ssettag $0x1  }
0x1: {  	s6 =	rddreg [dreg:$0x0]  }
0x2: {  	s11 =	rddreg [dreg:$0x1]  }
0x3: {  	s1 =	rddreg [dreg:$0x2];
	s2 =	srdreg.scid  }
0x4: {  	s0 =	rddreg [dreg:$0x3];
	s3 =	simm.s32 $0x0;
	s7 =	sand.u32 $0x1, s2  }
0x5: {  	s17 =	simm.s32 $0x200;
	s2 =	stileid.u32;
	s8 =	smul.u32 $0x140000, s7  }
0x6: {  	s18 =	simm.s32 $0x0;
	[smem:$0x7FF] =	sst s3;
	s9 =	smul.u32 $0x14000, s2  }
0x7: {  	s4 =	sadd.s32 $0x2800, s6;
	s5 =	sadd.s32 $0x2A800, s6;
	s25 =	smul.u32 $0x50000, s2  }
0x8: {  	_ =	strace $0x8000004A;
	s22 =	sshll.u32 s2, $0x1;
	s12 =	smul.u32 $0x9C, s2  }
0x9: {  	s10 =	ssub.s32 $0x2, s7;
	p0 =	slt.u32 s2, $0x2;
	s15 =	smul.u32 $0x4E, s7  }
0xa: {  	s26 =	sshll.u32 s2, $0x6;
	s23 =	sshrl.u32 s10, $0x1;
	s8 =	sadd.s32 s9, s8  }
0xb: {  	s9 =	sor.u32 s7, s22;
	s14 =	ssub.s32 s10, s23;
	s10 =	sshrl.u32 s25, $0x2  }
0xc: {  	s7 =	sor.u32 $0x1C09, s26;
	s28 =	sadd.s32 s15, s12;
	s12 =	simm.s32 $0xA80  }
0xd: {  	s8 =	sshrl.u32 s8, $0x3;
	s24 =	smul.u32 $0x4E, s9;
	s9 =	smin.u32 s9, $0x4  }
0xe: {  	s16 =	sadd.s32 s10, s1;
	s12 =	simm.s32 @!p0 $0xA00;
	s14 =	smax.u32 s14, $0x1  }
0xf: {  	s13 =	sadd.s32 s8, s6;
	s6 =	simm.s32 $0x4F;
	s10 =	sadd.s32 s9, s28  }
0x10: {  	[dreg:$0x7] =	wrdreg s12;
	s12 =	simm.s32 $0x50;
	s8 =	sadd.s32 s9, s24  }
0x11: {  	s6 =	simm.s32 @!p0 $0x4E;
	s29 =	sshll.u32 s10, $0x5;
	s8 =	sshll.u32 s8, $0x5  }
0x12: {  	s10 =	simm.s32 $0x51;
	s8 =	sadd.s32 s11, s8;
	s11 =	sadd.s32 s29, s11  }
0x13: {  	s12 =	simm.s32 @!p0 $0x4F;
	s13 =	sadd.s32 $0x2D000, s13;
	s15 =	sadd.s32 $0x60, s11  }
0x14: {  	s10 =	simm.s32 @!p0 $0x50;
	s30 =	sadd.s32 $0x40, s11;
	[dreg:$0x6] =	wrdreg s15  }
0x15: {  	s9 =	sadd.s32 $0x10, s8;
	s31 =	sadd.s32 $0x20, s11;
	[dreg:$0x5] =	wrdreg s30  }
0x16: {  	[dreg:$0x4] =	wrdreg s31;
	s15 =	sshrl.u32 s16, $0x3;
	s16 =	simm.s32 $0x9  }
.LBB2_1:
0x17: {  	[spmem:s15], [sflag:s7] =	dma.local [hbm:s5], $0x2800  }
0x18: {  	_ =	swait.ge [sflag:s16], $0x2800  }
0x19: {  	[sflag:s16] =	ssyncset.done $0x0  }
0x1a: {  	[sflag:s16] =	ssyncadd.s32 $0xFFFFD800  }
0x1b: {  	[bflag:$0x0] =	sbarrier.arrive $0xFFFF  }
0x1c: {  	[tilespmem:s3], [sflag:$0x1] =	stream.linear.gather [hbm4b:s8+s3], $0x80, $0x38;
	[tilespmem:$0x1C400] =	vst v63  }
0x1d: {  	s19 =	simm.s32 $0x0;
	s20 =	simm.s32 $0x0  }
0x1e: {  	[tilespmem:s17], [sflag:$0x1] =	stream.linear.gather [hbm4b:s9+s3], $0x80, $0x38;
	[tilespmem:$0x1C400] =	vst v63  }
.LBB2_2:
0x1f: {  	p0 =	seq.s32 s20, $0x0  }
0x20: {  	p1 =	sge.u32 @!p0 s19, s10  }
0x21: {  	p1 =	por p1, p0  }
0x22: {  	s21 =	simm.s32 @!p1 $0x7  }
0x23: {  	_ =	swait.ge @!p1 [sflag:s21], $0x4000  }
0x24: {  	p2 =	sge.u32 s19, s6;
	[sflag:s21] =	ssyncset.done @!p1 $0x0  }
0x25: {  	[sflag:s21] =	ssyncadd.s32 @!p1 $0xFFFFC000;
	s21 =	simm.s32 @!p2 $0x1  }
0x26: {  	_ =	swait.ge @!p2 [sflag:s21], $0x80  }
0x27: {  	[sflag:s21] =	ssyncset.done @!p2 $0x0  }
0x28: {  	[sflag:s21] =	ssyncadd.s32 @!p2 $0xFFFFFF80  }
0x29: {  	_ =	swait.ge @!p2 [sflag:s21], $0x80  }
0x2a: {  	s22 =	simm.s32 @!p2 $0x0;
	[sflag:s21] =	ssyncset.done @!p2 $0x0  }
0x2b: {  	s23 =	simm.s32 @!p2 $0x400;
	[sflag:s21] =	ssyncadd.s32 @!p2 $0xFFFFFF80;
	s21 =	simm.s32 @!p2 $0x80  }
0x2c: {  	[tilespmem:s23], [sflag:$0x5] =	stream.indirect.gather @!p2 [hbm4b:s4+s21], $0x80, s22, s21, $0xb8;
	[tilespmem:$0x1C400] =	vst v63  }
0x2d: {  	s22 =	sadd.s32 $0x1, s19  }
0x2e: {  	s21 =	rddreg [dreg:$0x4];
	p2 =	sge.u32 @!p0 s19, s12;
	p1 =	sge.u32 s22, s6  }
0x2f: {  	s21 =	sadd.s32 @!p1 s20, s21;
	s23 =	simm.s32 @!p1 $0x0;
	s24 =	simm.s32 @!p1 $0x80  }
0x30: {  	[tilespmem:s24], [sflag:$0x2] =	stream.linear.gather @!p1 [hbm4b:s21+s23], $0x80, $0x38;
	[tilespmem:$0x1C400] =	vst v63  }
0x31: {  	p2 =	por p2, p0;
	s25 =	simm.s32 @!p1 $0x280;
	s21 =	sadd.s32 @!p1 $0x10, s21  }
0x32: {  	[tilespmem:s25], [sflag:$0x2] =	stream.linear.gather @!p1 [hbm4b:s21+s23], $0x80, $0x38;
	[tilespmem:$0x1C400] =	vst v63  }
0x33: {  	s21 =	simm.s32 @!p2 $0x6  }
0x34: {  	_ =	swait.ge @!p2 [sflag:s21], $0x4000  }
0x35: {  	s23 =	simm.s32 @!p2 $0x380;
	[sflag:s21] =	ssyncset.done @!p2 $0x0  }
0x36: {  	s25 =	simm.s32 @!p2 $0x4400;
	[sflag:s21] =	ssyncadd.s32 @!p2 $0xFFFFC000;
	s21 =	simm.s32 @!p2 $0x80  }
0x37: {  	[spmem:s1] =	stream.indirect.scatter.add.f32 @!p2 [tilespmem:s25], [sflag:$0x8], $0x80, s23, s21, $0xb8;
	[tilespmem:$0x1C400] =	vst v63  }
0x38: {  	p2 =	sge.u32 @!p0 s22, s10  }
0x39: {  	p0 =	por p2, p0  }
0x3a: {  	s21 =	simm.s32 @!p0 $0x8  }
0x3b: {  	_ =	swait.ge @!p0 [sflag:s21], $0x4000  }
0x3c: {  	[sflag:s21] =	ssyncset.done @!p0 $0x0  }
0x3d: {  	[sflag:s21] =	ssyncadd.s32 @!p0 $0xFFFFC000;
	s21 =	simm.s32 @!p1 $0x2  }
0x3e: {  	_ =	swait.ge @!p1 [sflag:s21], $0x80  }
0x3f: {  	[sflag:s21] =	ssyncset.done @!p1 $0x0  }
0x40: {  	[sflag:s21] =	ssyncadd.s32 @!p1 $0xFFFFFF80  }
0x41: {  	_ =	swait.ge @!p1 [sflag:s21], $0x80  }
0x42: {  	[sflag:s21] =	ssyncset.done @!p1 $0x0  }
0x43: {  	s29 =	sadd.s32 $0x2, s19;
	[sflag:s21] =	ssyncadd.s32 @!p1 $0xFFFFFF80;
	s21 =	simm.s32 @!p1 $0x4400  }
0x44: {  	[tilespmem:s21], [sflag:$0x6] =	stream.indirect.gather @!p1 [hbm4b:s4+s24], $0x80, s24, s24, $0xb8;
	[tilespmem:$0x1C400] =	vst v63  }
0x45: {  	p0 =	sge.u32 s29, s6;
	s21 =	rddreg [dreg:$0x5]  }
0x46: {  	s25 =	simm.s32 @!p0 $0x100;
	s24 =	simm.s32 @!p0 $0x0;
	s21 =	sadd.s32 @!p0 s20, s21  }
0x47: {  	[tilespmem:s25], [sflag:$0x3] =	stream.linear.gather @!p0 [hbm4b:s21+s24], $0x80, $0x38;
	[tilespmem:$0x1C400] =	vst v63  }
0x48: {  	s26 =	simm.s32 @!p0 $0x300;
	p1 =	sge.u32 s22, s12;
	s21 =	sadd.s32 @!p0 $0x10, s21  }
0x49: {  	[tilespmem:s26], [sflag:$0x3] =	stream.linear.gather @!p0 [hbm4b:s21+s24], $0x80, $0x38;
	[tilespmem:$0x1C400] =	vst v63  }
0x4a: {  	s21 =	simm.s32 @!p1 $0x5  }
0x4b: {  	_ =	swait.ge @!p1 [sflag:s21], $0x4000  }
0x4c: {  	s22 =	simm.s32 @!p1 $0x200;
	[sflag:s21] =	ssyncset.done @!p1 $0x0  }
0x4d: {  	s24 =	simm.s32 @!p1 $0x400;
	[sflag:s21] =	ssyncadd.s32 @!p1 $0xFFFFC000;
	s21 =	simm.s32 @!p1 $0x80  }
0x4e: {  	[spmem:s1] =	stream.indirect.scatter.add.f32 @!p1 [tilespmem:s24], [sflag:$0x7], $0x80, s22, s21, $0xb8;
	[tilespmem:$0x1C400] =	vst v63  }
0x4f: {  	p1 =	sge.u32 s29, s10  }
0x50: {  	s21 =	simm.s32 @!p1 $0x7  }
0x51: {  	_ =	swait.ge @!p1 [sflag:s21], $0x4000  }
0x52: {  	[sflag:s21] =	ssyncset.done @!p1 $0x0  }
0x53: {  	[sflag:s21] =	ssyncadd.s32 @!p1 $0xFFFFC000;
	s21 =	simm.s32 @!p0 $0x3  }
0x54: {  	_ =	swait.ge @!p0 [sflag:s21], $0x80  }
0x55: {  	[sflag:s21] =	ssyncset.done @!p0 $0x0  }
0x56: {  	[sflag:s21] =	ssyncadd.s32 @!p0 $0xFFFFFF80  }
0x57: {  	_ =	swait.ge @!p0 [sflag:s21], $0x80  }
0x58: {  	s30 =	sadd.s32 $0x3, s19;
	[sflag:s21] =	ssyncset.done @!p0 $0x0  }
0x59: {  	s22 =	simm.s32 @!p0 $0x400;
	[sflag:s21] =	ssyncadd.s32 @!p0 $0xFFFFFF80;
	s21 =	simm.s32 @!p0 $0x80  }
0x5a: {  	[tilespmem:s22], [sflag:$0x5] =	stream.indirect.gather @!p0 [hbm4b:s4+s21], $0x80, s25, s21, $0xb8;
	[tilespmem:$0x1C400] =	vst v63  }
0x5b: {  	s21 =	rddreg [dreg:$0x6];
	p0 =	sge.u32 s30, s6  }
0x5c: {  	s21 =	sadd.s32 @!p0 s20, s21;
	s24 =	simm.s32 @!p0 $0x0;
	s25 =	simm.s32 @!p0 $0x180  }
0x5d: {  	[tilespmem:s25], [sflag:$0x4] =	stream.linear.gather @!p0 [hbm4b:s21+s24], $0x80, $0x38;
	[tilespmem:$0x1C400] =	vst v63  }
0x5e: {  	p1 =	sge.u32 s29, s12;
	s26 =	simm.s32 @!p0 $0x380;
	s21 =	sadd.s32 @!p0 $0x10, s21  }
0x5f: {  	[tilespmem:s26], [sflag:$0x4] =	stream.linear.gather @!p0 [hbm4b:s21+s24], $0x80, $0x38;
	[tilespmem:$0x1C400] =	vst v63  }
0x60: {  	s21 =	simm.s32 @!p1 $0x6  }
0x61: {  	_ =	swait.ge @!p1 [sflag:s21], $0x4000  }
0x62: {  	s23 =	simm.s32 @!p1 $0x280;
	[sflag:s21] =	ssyncset.done @!p1 $0x0  }
0x63: {  	s24 =	simm.s32 @!p1 $0x4400;
	[sflag:s21] =	ssyncadd.s32 @!p1 $0xFFFFC000;
	s21 =	simm.s32 @!p1 $0x80  }
0x64: {  	[spmem:s1] =	stream.indirect.scatter.add.f32 @!p1 [tilespmem:s24], [sflag:$0x8], $0x80, s23, s21, $0xb8;
	[tilespmem:$0x1C400] =	vst v63  }
0x65: {  	p1 =	sge.u32 s30, s10  }
0x66: {  	s21 =	simm.s32 @!p1 $0x8  }
0x67: {  	_ =	swait.ge @!p1 [sflag:s21], $0x4000  }
0x68: {  	[sflag:s21] =	ssyncset.done @!p1 $0x0  }
0x69: {  	[sflag:s21] =	ssyncadd.s32 @!p1 $0xFFFFC000;
	s21 =	simm.s32 @!p0 $0x4  }
0x6a: {  	_ =	swait.ge @!p0 [sflag:s21], $0x80  }
0x6b: {  	[sflag:s21] =	ssyncset.done @!p0 $0x0  }
0x6c: {  	[sflag:s21] =	ssyncadd.s32 @!p0 $0xFFFFFF80  }
0x6d: {  	_ =	swait.ge @!p0 [sflag:s21], $0x80  }
0x6e: {  	s19 =	sadd.s32 $0x4, s19;
	[sflag:s21] =	ssyncset.done @!p0 $0x0  }
0x6f: {  	s23 =	simm.s32 @!p0 $0x4400;
	[sflag:s21] =	ssyncadd.s32 @!p0 $0xFFFFFF80;
	s21 =	simm.s32 @!p0 $0x80  }
0x70: {  	[tilespmem:s23], [sflag:$0x6] =	stream.indirect.gather @!p0 [hbm4b:s4+s21], $0x80, s25, s21, $0xb8;
	[tilespmem:$0x1C400] =	vst v63  }
0x71: {  	p0 =	sge.u32 s19, s6  }
0x72: {  	s21 =	sadd.s32 @!p0 s20, s11  }
0x73: {  	s24 =	simm.s32 @!p0 $0x0;
	s23 =	sadd.s32 @!p0 $0x80, s21  }
0x74: {  	[tilespmem:s24], [sflag:$0x1] =	stream.linear.gather @!p0 [hbm4b:s23+s24], $0x80, $0x38;
	[tilespmem:$0x1C400] =	vst v63  }
0x75: {  	s21 =	sadd.s32 @!p0 $0x90, s21;
	s23 =	simm.s32 @!p0 $0x200  }
0x76: {  	[tilespmem:s23], [sflag:$0x1] =	stream.linear.gather @!p0 [hbm4b:s21+s24], $0x80, $0x38;
	[tilespmem:$0x1C400] =	vst v63  }
0x77: {  	p0 =	sge.u32 s30, s12  }
0x78: {  	s21 =	simm.s32 @!p0 $0x5  }
0x79: {  	s20 =	sadd.s32 $0x80, s20;
	_ =	swait.ge @!p0 [sflag:s21], $0x4000  }
0x7a: {  	s22 =	simm.s32 @!p0 $0x300;
	s23 =	simm.s32 @!p0 $0x400;
	[sflag:s21] =	ssyncset.done @!p0 $0x0  }
0x7b: {  	s31 =	rddreg [dreg:$0x7];
	[sflag:s21] =	ssyncadd.s32 @!p0 $0xFFFFC000;
	s21 =	simm.s32 @!p0 $0x80  }
0x7c: {  	[spmem:s1] =	stream.indirect.scatter.add.f32 @!p0 [tilespmem:s23], [sflag:$0x7], $0x80, s22, s21, $0xb8;
	[tilespmem:$0x1C400] =	vst v63  }
0x7d: {  	p0 =	sne.s32 s31, s20  }
.Ltmp0:
0x7e: {  	_ = 	snop;
	(pc) =	sbr.rel @p0 .LBB2_2-.Ltmp0, $1  }
0x7f: {  	_ =	sdelay $0x3  }
0x80: {  	s18 =	sadd.s32 $0x1, s18  }
0x81: {  	p0 =	sne.s32 s18, s14  }
.Ltmp1:
0x82: {  	[bflag:$0x0] =	sbarrier.arrive $0xFFFF;
	(pc) =	sbr.rel @p0 .LBB2_1-.Ltmp1, $4  }
0x83: {  	[hbm:s13], [sflag:s7] =	dma.local [spmem:s15], $0x2800  }
0x84: {  	_ =	swait.ge [sflag:s16], $0x2800  }
0x85: {  	[sflag:s16] =	ssyncset.done $0x0  }
0x86: {  	[sflag:s16] =	ssyncadd.s32 $0xFFFFD800  }
0x87: {  	_ =	sfence.sel $0x180000  }
0x88: {  	[bflag:$0x0] =	sbarrier.arrive $0xFFFF  }
0x89: {  	p0 =	sne.s32 s2, $0x0;
	_ =	strace $0x9000004A  }
0x8a: {  	s0 =	sadd.s32 @!p0 $0x100000, s0;
	[bflag:$0x2] =	sbarrier.arrive $0xFFFF  }
0x8b: {  	[sflag:s0] =	ssyncadd.tile.s32 @!p0 $0x1;
	_ =	shalt  }
.Lfunc_end2:
_tile_overlayer_lowered:
.L_overlay_start_2:
0x8c: {  	(tag) =	ssettag $0x2  }
0x8d: {  	s0 =	rddreg [dreg:$0x0];
	s2 =	stileid.u32  }
0x8e: {  	s1 =	rddreg [dreg:$0x1];
	p0 =	sne.s32 s2, $0x0  }
0x8f: {  	s3 =	rddreg [dreg:$0x2];
	[bflag:$0x3] =	sbarrier.arrive $0xFFFF;
	s2 =	simm.s32 @!p0 $0x1C09  }
0x90: {  	[timem:s3], [sflag:s2] =	dma.local @!p0 [hbm:s0], s1  }
0x91: {  	s0 =	simm.s32 @!p0 $0x9  }
0x92: {  	_ =	swait.ge @!p0 [sflag:s0], s1  }
0x93: {  	s1 =	ssub.s32 @!p0 $0x0, s1;
	[sflag:s0] =	ssyncset.done @!p0 $0x0  }
0x94: {  	[sflag:s0] =	ssyncadd.s32 @!p0 s1  }
0x95: {  	[bflag:$0x3] =	sbarrier.arrive $0xFFFF  }
0x96: {  	_ =	shalt  }

// kernel: kernel.8.cloned.1.call-start
scs
__scs_entry_jumppad:
0x0: {  	(pc) =	sbr.rel $0x88, $3  }
0x1: {  	(tag) =	ssettag $0x0;
	lr =	simm.s32 $0x1  }
0x2: {  	[smem:$0x3F98] =	sst lr;
	_ =	strace $0xD0000000  }
0x3: {  	_ = 	snop  }
0x4: {  	_ = 	snop  }
0x5: {  	_ = 	snop  }
0x6: {  	_ = 	snop  }
0x7: {  	_ = 	snop  }
__scs_overlays_trampoline_lowered:
0x8: {  	[smem:$0x3FA7] =	sst s0  }
0x9: {  	[smem:$0x3FA8] =	sst s1  }
0xa: {  	[smem:$0x3FA9] =	sst s2  }
0xb: {  	[smem:$0x3FAA] =	sst s3  }
0xc: {  	[smem:$0x3FAB] =	sst s4  }
0xd: {  	[smem:$0x3FAC] =	sst s5  }
0xe: {  	[smem:$0x3FAD] =	sst s6  }
0xf: {  	[smem:$0x3FAE] =	sst s7  }
0x10: {  	[smem:$0x3FAF] =	sst s8  }
0x11: {  	[smem:$0x3FB0] =	sst s9;
	s0 =	simm.s32 @!p0 $0x0  }
0x12: {  	s1 =	sld [smem:$0x3F96];
	s0 =	simm.s32 @p0 $0x1  }
0x13: {  	[smem:$0x3FB1] =	sst s0;
	s0 =	simm.s32 @!p1 $0x0  }
0x14: {  	s2 =	sld [smem:$0x3F95];
	s0 =	simm.s32 @p1 $0x1  }
0x15: {  	[smem:$0x3FB2] =	sst s0;
	s0 =	simm.s32 @!p2 $0x0  }
0x16: {  	s3 =	sld [smem:$0x3FDB];
	s0 =	simm.s32 @p2 $0x1  }
0x17: {  	s4 =	simm.s32 $0x1BF5;
	[smem:$0x3FB4] =	sst s0  }
0x18: {  	s0 =	sld [smem:$0x3F97];
	_ =	swait.ge [sflag:s4], $0x0  }
0x19: {  	s7 =	sld [smem:$0x3F98]  }
0x1a: {  	s8 =	sadd.s32 $0xFFFFE003, lr  }
0x1b: {  	s9 =	sadd.s32 $0xFFFFFEF7, lr;
	s5 =	simm.s32 $0xFFFFFFFF;
	p2 =	slt.u32 s8, $0xFFFFF086  }
0x1c: {  	p1 =	slt.u32 s9, $0xF7A;
	s5 =	simm.s32 @!p2 $0x0  }
0x1d: {  	s5 =	simm.s32 @p1 $0x1;
	p0 =	seq.s32 s7, s2  }
0x1e: {  	s7 =	smul.u32 @!p0 $0xF7A, s2;
	p2 =	seq.s32 @!p0 s5, $0x0  }
0x1f: {  	s9 =	smul.u32 $0xF7A, s1;
	s8 =	simm.s32 @!p0 $0x1BF5;
	p2 =	por !p2, p0  }
0x20: {  	[sflag:s8] =	ssyncset.s32 @!p0 $0xFFFFF086;
	s6 =	sadd.s32 @!p0 s3, s7;
	s7 =	simm.s32 @!p0 $0x108  }
0x21: {  	s3 =	sadd.s32 s3, s9;
	s6 =	sadd.s32 @!p0 $0x88, s6;
	s7 =	simm.s32 @p2 $0x1082  }
0x22: {  	[simem:s7], [sflag:s8] =	dma.local @!p0 [hbm:s6], $0xF7A  }
0x23: {  	s9 =	sor.u32 $0xD0000000, s2;
	s6 =	simm.s32 $0x108;
	_ =	swait.ge @!p0 [sflag:s8], $0x0  }
0x24: {  	s3 =	sadd.s32 $0x88, s3;
	s6 =	simm.s32 @!p1 $0x1082;
	[sflag:s4] =	ssyncset.s32 $0xFFFFF086  }
0x25: {  	[simem:s6], [sflag:s4] =	dma.local [hbm:s3], $0xF7A  }
0x26: {  	[smem:$0x3F98] =	sst s1;
	(tag) =	ssettag s2;
	_ =	strace s9  }
0x27: {  	s1 =	sld [smem:$0x3FA8]  }
0x28: {  	s2 =	sld [smem:$0x3FA9]  }
0x29: {  	s4 =	sld [smem:$0x3FAB]  }
0x2a: {  	p0 =	seq.s32 s5, $0x0;
	s5 =	sld [smem:$0x3FAC]  }
0x2b: {  	s6 =	sld [smem:$0x3FAD]  }
0x2c: {  	s7 =	sld [smem:$0x3FAE]  }
0x2d: {  	s3 =	simm.s32 $0x108;
	s8 =	sld [smem:$0x3FAF]  }
0x2e: {  	s3 =	simm.s32 @!p0 $0x1082;
	s9 =	sld [smem:$0x3FB0]  }
0x2f: {  	lr =	sadd.s32 s0, s3;
	s0 =	sld [smem:$0x3FA7]  }
0x30: {  	s3 =	sld [smem:$0x3FAA]  }
0x31: {  	[smem:$0x3FB3] =	sst s10  }
0x32: {  	s10 =	sld [smem:$0x3FB1];
	_ =	sdelay $0x3  }
0x33: {  	p0 =	seq.s32 s10, $0x1;
	s10 =	sld [smem:$0x3FB3];
	_ =	sdelay $0x3  }
0x34: {  	[smem:$0x3FB3] =	sst s10  }
0x35: {  	s10 =	sld [smem:$0x3FB2];
	_ =	sdelay $0x3  }
0x36: {  	p1 =	seq.s32 s10, $0x1;
	s10 =	sld [smem:$0x3FB3];
	_ =	sdelay $0x3  }
0x37: {  	[smem:$0x3FB3] =	sst s10  }
0x38: {  	s10 =	sld [smem:$0x3FB4]  }
0x39: {  	_ = 	snop;
	(pc) =	sbr.ind lr, $3  }
0x3a: {  	_ = 	snop  }
0x3b: {  	_ = 	snop  }
0x3c: {  	p2 =	seq.s32 s10, $0x1;
	s10 =	sld [smem:$0x3FB3]  }
0x3d: {  	_ =	shalt  }
0x3e: {  	_ =	shalt  }
0x3f: {  	_ =	shalt  }
0x40: {  	_ =	shalt  }
0x41: {  	_ =	shalt  }
0x42: {  	_ =	shalt  }
0x43: {  	_ =	shalt  }
0x44: {  	_ =	shalt  }
0x45: {  	_ =	shalt  }
0x46: {  	_ =	shalt  }
0x47: {  	_ =	shalt  }
0x48: {  	_ =	shalt  }
0x49: {  	_ =	shalt  }
0x4a: {  	_ =	shalt  }
0x4b: {  	_ =	shalt  }
0x4c: {  	_ =	shalt  }
0x4d: {  	_ =	shalt  }
0x4e: {  	_ =	shalt  }
0x4f: {  	_ =	shalt  }
0x50: {  	_ =	shalt  }
0x51: {  	_ =	shalt  }
0x52: {  	_ =	shalt  }
0x53: {  	_ =	shalt  }
0x54: {  	_ =	shalt  }
0x55: {  	_ =	shalt  }
0x56: {  	_ =	shalt  }
0x57: {  	_ =	shalt  }
0x58: {  	_ =	shalt  }
0x59: {  	_ =	shalt  }
0x5a: {  	_ =	shalt  }
0x5b: {  	_ =	shalt  }
0x5c: {  	_ =	shalt  }
0x5d: {  	_ =	shalt  }
0x5e: {  	_ =	shalt  }
0x5f: {  	_ =	shalt  }
0x60: {  	_ =	shalt  }
0x61: {  	_ =	shalt  }
0x62: {  	_ =	shalt  }
0x63: {  	_ =	shalt  }
0x64: {  	_ =	shalt  }
0x65: {  	_ =	shalt  }
0x66: {  	_ =	shalt  }
0x67: {  	_ =	shalt  }
0x68: {  	_ =	shalt  }
0x69: {  	_ =	shalt  }
0x6a: {  	_ =	shalt  }
0x6b: {  	_ =	shalt  }
0x6c: {  	_ =	shalt  }
0x6d: {  	_ =	shalt  }
0x6e: {  	_ =	shalt  }
0x6f: {  	_ =	shalt  }
0x70: {  	_ =	shalt  }
0x71: {  	_ =	shalt  }
0x72: {  	_ =	shalt  }
0x73: {  	_ =	shalt  }
0x74: {  	_ =	shalt  }
0x75: {  	_ =	shalt  }
0x76: {  	_ =	shalt  }
0x77: {  	_ =	shalt  }
0x78: {  	_ =	shalt  }
0x79: {  	_ =	shalt  }
0x7a: {  	_ =	shalt  }
0x7b: {  	_ =	shalt  }
0x7c: {  	_ =	shalt  }
0x7d: {  	_ =	shalt  }
0x7e: {  	_ =	shalt  }
0x7f: {  	_ =	shalt  }
0x80: {  	_ =	shalt  }
0x81: {  	_ =	shalt  }
0x82: {  	_ =	shalt  }
0x83: {  	_ =	shalt  }
0x84: {  	_ =	shalt  }
0x85: {  	_ =	shalt  }
0x86: {  	_ =	shalt  }
0x87: {  	_ =	shalt  }
.Lfunc_end0:
.L_simem_size_0:
called_computation_lowered:
.L_overlay_start_0:
0x88: {  	s2 =	sld [smem:$0x3FD9]  }
0x89: {  	s3 =	sld [smem:$0x3FFE];
	_ =	sdelay $0x1  }
0x8a: {  	s1 =	srdreg.scid  }
0x8b: {  	s0 =	sand.u32 $0x1, s1  }
0x8c: {  	s17 =	sshll.u32 s0, $0xA;
	s2 =	sadd.s32 s3, s2  }
0x8d: {  	s2 =	sadd.s32 s2, s17  }
0x8e: {  	[smem:$0x3FBF] =	sst s2  }
0x8f: {  	_ = 	snop  }
0x90: {  	s2 =	sld [smem:$0x3FC8]  }
0x91: {  	s18 =	sld [smem:$0x3FD0];
	(tm) =	ssettm $0x1  }
0x92: {  	s4 =	sld [smem:$0x3FFB];
	_ =	sdelay $0x3  }
0x93: {  	_ =	strace s4  }
0x94: {  	s4 =	sld [smem:$0x3FFC];
	_ =	sdelay $0x3  }
0x95: {  	_ =	strace s4  }
0x96: {  	s4 =	sld [smem:$0x3FFD];
	_ =	sdelay $0x3  }
0x97: {  	_ =	strace s4  }
0x98: {  	_ =	strace $0x8FFFFFFF  }
0x99: {  	s19 =	sld [smem:$0x3FDB];
	_ =	sdelay $0x1  }
0x9a: {  	s5 =	simm.s32 $_scs_section_size  }
0x9b: {  	s6 =	simm.s32 $_size__tile_overlayer_lowered;
	s7 =	simm.s32 $_tile_overlayer_lowered  }
0x9c: {  	s22 =	simm.s32 $0x1BFF;
	s21 =	sshll.u32 s7, $0x1;
	s4 =	sadd.s32 s5, s19  }
0x9d: {  	s8 =	simm.s32 $0x0;
	s20 =	sshll.u32 s6, $0x1;
	s6 =	sadd.s32 s21, s4  }
0x9e: {  	[timem:s8], [sflag:s22] =	dma.local [hbm:s6], s20  }
0x9f: {  	_ =	swait.ge [sflag:s22], s20  }
0xa0: {  	s5 =	ssub.s32 $0x0, s20;
	[sflag:s22] =	ssyncset.done $0x0  }
0xa1: {  	[sflag:s22] =	ssyncadd.s32 s5;
	_ =	sdelay $0x1  }
0xa2: {  	s23 =	simm.s32 $0x1B8B  }
0xa3: {  	_ =	swait.ge [sflag:s23], $0x1  }
0xa4: {  	[sflag:s23] =	ssyncset.done $0x0  }
0xa5: {  	s25 =	simm.s32 $0x1B8E;
	s24 =	sld [smem:$0x3FFE];
	[sflag:s23] =	ssyncadd.s32 $0xFFFFFFFF  }
0xa6: {  	s26 =	simm.s32 $execute0_lowered;
	[smem:$0x3FD2] =	sst s25  }
0xa7: {  	s6 =	sshll.u32 s26, $0x1;
	_ =	strace $0x80000046;
	[dreg:$0x1] =	wrdreg $0xFFFFFFFF  }
0xa8: {  	s28 =	simm.s32 $_size_execute0_lowered;
	s4 =	sadd.s32 s4, s6;
	[dreg:$0x0] =	wrdreg $0x0  }
0xa9: {  	s6 =	sshll.u32 s28, $0x1;
	[dreg:$0x2] =	wrdreg s4  }
0xaa: {  	[dreg:$0x3] =	wrdreg s6  }
0xab: {  	[dreg:$0x4] =	wrdreg $0xC0  }
0xac: {  	_ =	task [dreg:s8], $0x5FFFF  }
0xad: {  	[dreg:$0x1] =	wrdreg $0xFFFFFFFF  }
0xae: {  	[dreg:$0x0] =	wrdreg $0x60  }
0xaf: {  	[dreg:$0x2] =	wrdreg s24  }
0xb0: {  	[dreg:$0x3] =	wrdreg s2  }
0xb1: {  	[dreg:$0x4] =	wrdreg s18  }
0xb2: {  	[dreg:$0x5] =	wrdreg $0x84800  }
0xb3: {  	[dreg:$0x6] =	wrdreg $0x1C4800  }
0xb4: {  	[dreg:$0x7] =	wrdreg $0x9  }
0xb5: {  	_ =	task.clear_ibuf [dreg:s8], $0x8FFFF;
	_ =	strace $0x90000046  }
0xb6: {  	s29 =	simm.s32 $0x9;
	_ =	strace $0x80000048  }
0xb7: {  	_ =	swait.ge [sflag:s29], $0x1  }
0xb8: {  	[sflag:s29] =	ssyncadd.s32 $0xFFFFFFFF  }
0xb9: {  	_ =	strace $0x90000048  }
0xba: {  	_ =	sfence  }
0xbb: {  	s30 =	sld [smem:$0x0];
	_ =	sdelay $0x2  }
0xbc: {  	s31 =	sshll.u32 s1, $0xD;
	s1 =	sshrl.u32 s1, $0x2  }
0xbd: {  	s3 =	sand.u32 $0x4000, s31;
	s1 =	sadd.s32 s1, s30  }
0xbe: {  	s0 =	sor.u32 s3, s0;
	s1 =	sshll.u32 s1, $0x11  }
0xbf: {  	s0 =	sor.u32 s1, s0  }
0xc0: {  	s0 =	sadd.s32 $0x8F2B, s0  }
0xc1: {  	[sflag:s0] =	ssyncadd.remote.s32 $0x1  }
0xc2: {  	_ =	sfence.sel $0xFFFF  }
0xc3: {  	[dreg:$0x0] =	wrdreg $0xFFFFFFFF;
	(pc) =	sbr.abs _section_cstart, $3  }
0xc4: {  	[dreg:$0x1] =	wrdreg $0xFFFFFFFF  }
0xc5: {  	_ =	task.clear_ibuf [dreg:s8], $0x2FFFF;
	_ =	strace $0x9FFFFFFF  }
0xc6: {  	(tm) =	ssettm $0x7FFFFFFF  }
0xc7: {  	_ =	shalt  }
tec
execute0_lowered:
.L_overlay_start_1:
0x0: {  	(tag) =	ssettag $0x1  }
0x1: {  	s8 =	rddreg [dreg:$0x0]  }
0x2: {  	s15 =	rddreg [dreg:$0x1]  }
0x3: {  	s2 =	rddreg [dreg:$0x3];
	s0 =	stileid.u32  }
0x4: {  	s3 =	rddreg [dreg:$0x4];
	s11 =	smul.u32 $0x14000, s0  }
0x5: {  	s4 =	srdreg.scid;
	s5 =	simm.s32 $0x0;
	s19 =	smul.u32 $0x500, s0  }
0x6: {  	s9 =	sand.u32 $0x1, s4;
	[smem:$0x7FF] =	sst s5;
	s24 =	smul.u32 $0x50000, s0  }
0x7: {  	s6 =	sadd.s32 $0x2800, s8;
	s7 =	sadd.s32 $0x2A800, s8;
	s25 =	smul.u32 $0xA00, s0  }
0x8: {  	s13 =	sshll.u32 s0, $0x1;
	p0 =	slt.u32 s0, $0x2;
	s26 =	smul.u32 $0x9C, s0  }
0x9: {  	s10 =	smul.u32 $0x140000, s9;
	_ =	strace $0x80000047;
	s12 =	sshll.u32 s9, $0x7  }
0xa: {  	s21 =	sor.u32 s9, s13;
	s22 =	ssub.s32 $0x2, s9;
	s20 =	sor.u32 s12, s19  }
0xb: {  	s13 =	smul.u32 $0x4E, s21;
	s23 =	sshrl.u32 s22, $0x1;
	s14 =	smin.u32 s21, $0x4  }
0xc: {  	s19 =	sshll.u32 s0, $0x6;
	s12 =	sshrl.u32 s25, $0x2;
	s25 =	simm.s32 $0x0  }
0xd: {  	s10 =	sadd.s32 s11, s10;
	s18 =	ssub.s32 s22, s23;
	s22 =	simm.s32 $0x1  }
0xe: {  	s23 =	simm.s32 $0x20;
	s10 =	sshrl.u32 s10, $0x3;
	s11 =	sadd.s32 s14, s13  }
0xf: {  	s18 =	smax.u32 s18, $0x1;
	s16 =	sadd.s32 s10, s8;
	s10 =	sshrl.u32 s20, $0x3  }
0x10: {  	s20 =	smul.u32 $0x4E, s9;
	s9 =	sor.u32 $0x1C09, s19;
	s11 =	sshll.u32 s11, $0x5  }
0x11: {  	s19 =	simm.s32 $0xA80;
	s17 =	sadd.s32 s10, s8;
	s8 =	simm.s32 $0x4F  }
0x12: {  	s10 =	sshrl.u32 s24, $0x2;
	s11 =	sadd.s32 s15, s11;
	s19 =	simm.s32 @!p0 $0xA00  }
0x13: {  	s16 =	sadd.s32 $0x2DA00, s16;
	s24 =	simm.s32 $0x10;
	s28 =	sadd.s32 s20, s26  }
0x14: {  	s8 =	simm.s32 @!p0 $0x4E;
	s21 =	sadd.s32 s10, s2;
	s13 =	sadd.s32 s14, s28  }
0x15: {  	s10 =	sadd.s32 s12, s3;
	s12 =	sadd.s32 $0x10, s11;
	s29 =	sshll.u32 s13, $0x5  }
0x16: {  	[dreg:$0x9] =	wrdreg s19;
	s17 =	sadd.s32 $0x2D000, s17;
	s15 =	sadd.s32 s29, s15  }
0x17: {  	s20 =	simm.s32 $0x9;
	s14 =	simm.s32 $0x50;
	s19 =	sadd.s32 $0x60, s15  }
0x18: {  	s13 =	simm.s32 $0x51;
	s30 =	sadd.s32 $0x40, s15;
	[dreg:$0x8] =	wrdreg s19  }
0x19: {  	s14 =	simm.s32 @!p0 $0x4F;
	s31 =	sadd.s32 $0x20, s15;
	[dreg:$0x7] =	wrdreg s30  }
0x1a: {  	v0 =	vimm.f32 $1.000000000e+00;
	s13 =	simm.s32 @!p0 $0x50;
	[dreg:$0x6] =	wrdreg s31;
	s19 =	sshrl.u32 s21, $0x3  }
.LBB2_1:
0x1b: {  	[spmem:s19], [sflag:s9] =	dma.local [hbm:s7], $0x2800  }
0x1c: {  	_ =	swait.ge [sflag:s20], $0x2800  }
0x1d: {  	[sflag:s20] =	ssyncset.done $0x0  }
0x1e: {  	[sflag:s20] =	ssyncadd.s32 $0xFFFFD800  }
0x1f: {  	s26 =	sshrl.u32 s10, $0x3;
	s0 =	rddreg [dreg:$0x2]  }
0x20: {  	[spmem:s26], [sflag:s9] =	dma.local [hbm:s0], $0x50  }
0x21: {  	_ =	swait.ge [sflag:s20], $0x50  }
0x22: {  	[sflag:s20] =	ssyncset.done $0x0  }
0x23: {  	[sflag:s20] =	ssyncadd.s32 $0xFFFFFFB0  }
0x24: {  	[tilespmem:$0x8400] =	vst v0  }
0x25: {  	[tilespmem:$0x8410] =	vst v0  }
0x26: {  	[tilespmem:$0x8420] =	vst v0  }
0x27: {  	[tilespmem:$0x8430] =	vst v0  }
0x28: {  	[tilespmem:$0x8440] =	vst v0  }
0x29: {  	[tilespmem:$0x8450] =	vst v0  }
0x2a: {  	[tilespmem:$0x8460] =	vst v0  }
0x2b: {  	[tilespmem:$0x8470] =	vst v0  }
0x2c: {  	[bflag:$0x0] =	sbarrier.arrive $0xFFFF  }
0x2d: {  	[tilespmem:s5], [sflag:$0x1] =	stream.linear.gather [hbm4b:s11+s5], $0x80, $0x38;
	[tilespmem:$0x1C700] =	vst v63  }
0x2e: {  	s31 =	simm.s32 $0x200;
	s28 =	simm.s32 $0x0;
	s29 =	simm.s32 $0x0  }
0x2f: {  	[tilespmem:s31], [sflag:$0x1] =	stream.linear.gather [hbm4b:s12+s5], $0x80, $0x38;
	[tilespmem:$0x1C700] =	vst v63  }
.LBB2_2:
0x30: {  	p0 =	seq.s32 s29, $0x0  }
0x31: {  	p1 =	sge.u32 @!p0 s28, s13  }
0x32: {  	p1 =	por p1, p0  }
0x33: {  	s30 =	simm.s32 @!p1 $0x7  }
0x34: {  	_ =	swait.ge @!p1 [sflag:s30], $0x4000  }
0x35: {  	[sflag:s30] =	ssyncset.done @!p1 $0x0  }
0x36: {  	[sflag:s30] =	ssyncadd.s32 @!p1 $0xFFFFC000  }
0x37: {  	_ =	swait.ge @!p1 [sflag:s30], $0x80  }
0x38: {  	p2 =	sge.u32 s28, s8;
	[sflag:s30] =	ssyncset.done @!p1 $0x0  }
0x39: {  	[sflag:s30] =	ssyncadd.s32 @!p1 $0xFFFFFF80;
	s30 =	simm.s32 @!p2 $0x1  }
0x3a: {  	_ =	swait.ge @!p2 [sflag:s30], $0x80  }
0x3b: {  	[sflag:s30] =	ssyncset.done @!p2 $0x0  }
0x3c: {  	[sflag:s30] =	ssyncadd.s32 @!p2 $0xFFFFFF80  }
0x3d: {  	_ =	swait.ge @!p2 [sflag:s30], $0x80  }
0x3e: {  	s31 =	simm.s32 @!p2 $0x0;
	[sflag:s30] =	ssyncset.done @!p2 $0x0  }
0x3f: {  	s0 =	simm.s32 @!p2 $0x400;
	[sflag:s30] =	ssyncadd.s32 @!p2 $0xFFFFFF80;
	s30 =	simm.s32 @!p2 $0x80  }
0x40: {  	[tilespmem:s0], [sflag:$0x5] =	stream.indirect.gather @!p2 [hbm4b:s6+s30], $0x80, s31, s30, $0xb8;
	[tilespmem:$0x1C700] =	vst v63  }
0x41: {  	s30 =	sadd.s32 $0x1, s28  }
0x42: {  	s0 =	rddreg [dreg:$0x6];
	p2 =	sge.u32 @!p0 s28, s14;
	p1 =	sge.u32 s30, s8  }
0x43: {  	s0 =	sadd.s32 @!p1 s29, s0;
	s31 =	simm.s32 @!p1 $0x0;
	s4 =	simm.s32 @!p1 $0x80  }
0x44: {  	[tilespmem:s4], [sflag:$0x2] =	stream.linear.gather @!p1 [hbm4b:s0+s31], $0x80, $0x38;
	[tilespmem:$0x1C700] =	vst v63  }
0x45: {  	p2 =	por p2, p0;
	s1 =	simm.s32 @!p1 $0x280;
	s0 =	sadd.s32 @!p1 $0x10, s0  }
0x46: {  	[tilespmem:s1], [sflag:$0x2] =	stream.linear.gather @!p1 [hbm4b:s0+s31], $0x80, $0x38;
	[tilespmem:$0x1C700] =	vst v63  }
0x47: {  	s0 =	simm.s32 @!p2 $0x6  }
0x48: {  	_ =	swait.ge @!p2 [sflag:s0], $0x4000  }
0x49: {  	s1 =	simm.s32 @!p2 $0x380;
	[sflag:s0] =	ssyncset.done @!p2 $0x0  }
0x4a: {  	s31 =	simm.s32 @!p2 $0x4400;
	[sflag:s0] =	ssyncadd.s32 @!p2 $0xFFFFC000;
	s0 =	simm.s32 @!p2 $0x80  }
0x4b: {  	[spmem:s2] =	stream.indirect.scatter.add.f32 @!p2 [tilespmem:s31], [sflag:$0x8], $0x80, s1, s0, $0xb8;
	[tilespmem:$0x1C700] =	vst v63  }
0x4c: {  	s31 =	simm.s32 @!p2 $0x8400  }
0x4d: {  	[spmem:s3] =	stream.indirect.scatter.add.f32 @!p2 [tilespmem:s31], [sflag:$0x8], $0x1, s1, s0, $0xb8;
	[tilespmem:$0x1C700] =	vst v63  }
0x4e: {  	p2 =	sge.u32 @!p0 s30, s13  }
0x4f: {  	p0 =	por p2, p0  }
0x50: {  	s0 =	simm.s32 @!p0 $0x8  }
0x51: {  	_ =	swait.ge @!p0 [sflag:s0], $0x4000  }
0x52: {  	[sflag:s0] =	ssyncset.done @!p0 $0x0  }
0x53: {  	[sflag:s0] =	ssyncadd.s32 @!p0 $0xFFFFC000  }
0x54: {  	_ =	swait.ge @!p0 [sflag:s0], $0x80  }
0x55: {  	[sflag:s0] =	ssyncset.done @!p0 $0x0  }
0x56: {  	[sflag:s0] =	ssyncadd.s32 @!p0 $0xFFFFFF80;
	s0 =	simm.s32 @!p1 $0x2  }
0x57: {  	_ =	swait.ge @!p1 [sflag:s0], $0x80  }
0x58: {  	[sflag:s0] =	ssyncset.done @!p1 $0x0  }
0x59: {  	[sflag:s0] =	ssyncadd.s32 @!p1 $0xFFFFFF80  }
0x5a: {  	_ =	swait.ge @!p1 [sflag:s0], $0x80  }
0x5b: {  	[sflag:s0] =	ssyncset.done @!p1 $0x0  }
0x5c: {  	s1 =	sadd.s32 $0x2, s28;
	[sflag:s0] =	ssyncadd.s32 @!p1 $0xFFFFFF80;
	s0 =	simm.s32 @!p1 $0x4400  }
0x5d: {  	[tilespmem:s0], [sflag:$0x6] =	stream.indirect.gather @!p1 [hbm4b:s6+s4], $0x80, s4, s4, $0xb8;
	[tilespmem:$0x1C700] =	vst v63  }
0x5e: {  	p0 =	sge.u32 s1, s8;
	s0 =	rddreg [dreg:$0x7]  }
0x5f: {  	s31 =	simm.s32 @!p0 $0x100;
	s4 =	simm.s32 @!p0 $0x0;
	s0 =	sadd.s32 @!p0 s29, s0  }
0x60: {  	[tilespmem:s31], [sflag:$0x3] =	stream.linear.gather @!p0 [hbm4b:s0+s4], $0x80, $0x38;
	[tilespmem:$0x1C700] =	vst v63  }
0x61: {  	s21 =	simm.s32 @!p0 $0x300;
	p1 =	sge.u32 s30, s14;
	s0 =	sadd.s32 @!p0 $0x10, s0  }
0x62: {  	[tilespmem:s21], [sflag:$0x3] =	stream.linear.gather @!p0 [hbm4b:s0+s4], $0x80, $0x38;
	[tilespmem:$0x1C700] =	vst v63  }
0x63: {  	s0 =	simm.s32 @!p1 $0x5  }
0x64: {  	_ =	swait.ge @!p1 [sflag:s0], $0x4000  }
0x65: {  	s4 =	simm.s32 @!p1 $0x200;
	[sflag:s0] =	ssyncset.done @!p1 $0x0  }
0x66: {  	s21 =	simm.s32 @!p1 $0x400;
	[sflag:s0] =	ssyncadd.s32 @!p1 $0xFFFFC000;
	s0 =	simm.s32 @!p1 $0x80  }
0x67: {  	[spmem:s2] =	stream.indirect.scatter.add.f32 @!p1 [tilespmem:s21], [sflag:$0x7], $0x80, s4, s0, $0xb8;
	[tilespmem:$0x1C700] =	vst v63  }
0x68: {  	s21 =	simm.s32 @!p1 $0x8400  }
0x69: {  	[spmem:s3] =	stream.indirect.scatter.add.f32 @!p1 [tilespmem:s21], [sflag:$0x7], $0x1, s4, s0, $0xb8;
	[tilespmem:$0x1C700] =	vst v63  }
0x6a: {  	p1 =	sge.u32 s1, s13  }
0x6b: {  	s0 =	simm.s32 @!p1 $0x7  }
0x6c: {  	_ =	swait.ge @!p1 [sflag:s0], $0x4000  }
0x6d: {  	[sflag:s0] =	ssyncset.done @!p1 $0x0  }
0x6e: {  	[sflag:s0] =	ssyncadd.s32 @!p1 $0xFFFFC000  }
0x6f: {  	_ =	swait.ge @!p1 [sflag:s0], $0x80  }
0x70: {  	[sflag:s0] =	ssyncset.done @!p1 $0x0  }
0x71: {  	[sflag:s0] =	ssyncadd.s32 @!p1 $0xFFFFFF80;
	s0 =	simm.s32 @!p0 $0x3  }
0x72: {  	_ =	swait.ge @!p0 [sflag:s0], $0x80  }
0x73: {  	[sflag:s0] =	ssyncset.done @!p0 $0x0  }
0x74: {  	[sflag:s0] =	ssyncadd.s32 @!p0 $0xFFFFFF80  }
0x75: {  	_ =	swait.ge @!p0 [sflag:s0], $0x80  }
0x76: {  	[sflag:s0] =	ssyncset.done @!p0 $0x0  }
0x77: {  	s4 =	simm.s32 @!p0 $0x400;
	[sflag:s0] =	ssyncadd.s32 @!p0 $0xFFFFFF80;
	s0 =	simm.s32 @!p0 $0x80  }
0x78: {  	[tilespmem:s4], [sflag:$0x5] =	stream.indirect.gather @!p0 [hbm4b:s6+s0], $0x80, s31, s0, $0xb8;
	[tilespmem:$0x1C700] =	vst v63  }
0x79: {  	s4 =	sadd.s32 $0x3, s28  }
0x7a: {  	s0 =	rddreg [dreg:$0x8];
	p0 =	sge.u32 s4, s8  }
0x7b: {  	s0 =	sadd.s32 @!p0 s29, s0;
	s21 =	simm.s32 @!p0 $0x0;
	s30 =	simm.s32 @!p0 $0x180  }
0x7c: {  	[tilespmem:s30], [sflag:$0x4] =	stream.linear.gather @!p0 [hbm4b:s0+s21], $0x80, $0x38;
	[tilespmem:$0x1C700] =	vst v63  }
0x7d: {  	p1 =	sge.u32 s1, s14;
	s31 =	simm.s32 @!p0 $0x380;
	s0 =	sadd.s32 @!p0 $0x10, s0  }
0x7e: {  	[tilespmem:s31], [sflag:$0x4] =	stream.linear.gather @!p0 [hbm4b:s0+s21], $0x80, $0x38;
	[tilespmem:$0x1C700] =	vst v63  }
0x7f: {  	s0 =	simm.s32 @!p1 $0x6  }
0x80: {  	_ =	swait.ge @!p1 [sflag:s0], $0x4000  }
0x81: {  	s1 =	simm.s32 @!p1 $0x280;
	[sflag:s0] =	ssyncset.done @!p1 $0x0  }
0x82: {  	s21 =	simm.s32 @!p1 $0x4400;
	[sflag:s0] =	ssyncadd.s32 @!p1 $0xFFFFC000;
	s0 =	simm.s32 @!p1 $0x80  }
0x83: {  	[spmem:s2] =	stream.indirect.scatter.add.f32 @!p1 [tilespmem:s21], [sflag:$0x8], $0x80, s1, s0, $0xb8;
	[tilespmem:$0x1C700] =	vst v63  }
0x84: {  	s21 =	simm.s32 @!p1 $0x8400  }
0x85: {  	[spmem:s3] =	stream.indirect.scatter.add.f32 @!p1 [tilespmem:s21], [sflag:$0x8], $0x1, s1, s0, $0xb8;
	[tilespmem:$0x1C700] =	vst v63  }
0x86: {  	p1 =	sge.u32 s4, s13  }
0x87: {  	s0 =	simm.s32 @!p1 $0x8  }
0x88: {  	_ =	swait.ge @!p1 [sflag:s0], $0x4000  }
0x89: {  	[sflag:s0] =	ssyncset.done @!p1 $0x0  }
0x8a: {  	[sflag:s0] =	ssyncadd.s32 @!p1 $0xFFFFC000  }
0x8b: {  	_ =	swait.ge @!p1 [sflag:s0], $0x80  }
0x8c: {  	[sflag:s0] =	ssyncset.done @!p1 $0x0  }
0x8d: {  	[sflag:s0] =	ssyncadd.s32 @!p1 $0xFFFFFF80;
	s0 =	simm.s32 @!p0 $0x4  }
0x8e: {  	_ =	swait.ge @!p0 [sflag:s0], $0x80  }
0x8f: {  	[sflag:s0] =	ssyncset.done @!p0 $0x0  }
0x90: {  	[sflag:s0] =	ssyncadd.s32 @!p0 $0xFFFFFF80  }
0x91: {  	_ =	swait.ge @!p0 [sflag:s0], $0x80  }
0x92: {  	s28 =	sadd.s32 $0x4, s28;
	[sflag:s0] =	ssyncset.done @!p0 $0x0  }
0x93: {  	s1 =	simm.s32 @!p0 $0x4400;
	[sflag:s0] =	ssyncadd.s32 @!p0 $0xFFFFFF80;
	s0 =	simm.s32 @!p0 $0x80  }
0x94: {  	[tilespmem:s1], [sflag:$0x6] =	stream.indirect.gather @!p0 [hbm4b:s6+s0], $0x80, s30, s0, $0xb8;
	[tilespmem:$0x1C700] =	vst v63  }
0x95: {  	p0 =	sge.u32 s28, s8  }
0x96: {  	s0 =	sadd.s32 @!p0 s29, s15  }
0x97: {  	s21 =	simm.s32 @!p0 $0x0;
	s1 =	sadd.s32 @!p0 $0x80, s0  }
0x98: {  	[tilespmem:s21], [sflag:$0x1] =	stream.linear.gather @!p0 [hbm4b:s1+s21], $0x80, $0x38;
	[tilespmem:$0x1C700] =	vst v63  }
0x99: {  	s0 =	sadd.s32 @!p0 $0x90, s0;
	s1 =	simm.s32 @!p0 $0x200  }
0x9a: {  	[tilespmem:s1], [sflag:$0x1] =	stream.linear.gather @!p0 [hbm4b:s0+s21], $0x80, $0x38;
	[tilespmem:$0x1C700] =	vst v63  }
0x9b: {  	p0 =	sge.u32 s4, s14  }
0x9c: {  	s0 =	simm.s32 @!p0 $0x5  }
0x9d: {  	_ =	swait.ge @!p0 [sflag:s0], $0x4000  }
0x9e: {  	s1 =	simm.s32 @!p0 $0x300;
	[sflag:s0] =	ssyncset.done @!p0 $0x0  }
0x9f: {  	s4 =	simm.s32 @!p0 $0x400;
	[sflag:s0] =	ssyncadd.s32 @!p0 $0xFFFFC000;
	s0 =	simm.s32 @!p0 $0x80  }
0xa0: {  	[spmem:s2] =	stream.indirect.scatter.add.f32 @!p0 [tilespmem:s4], [sflag:$0x7], $0x80, s1, s0, $0xb8;
	[tilespmem:$0x1C700] =	vst v63  }
0xa1: {  	s29 =	sadd.s32 $0x80, s29;
	s31 =	rddreg [dreg:$0x9];
	s4 =	simm.s32 @!p0 $0x8400  }
0xa2: {  	[spmem:s3] =	stream.indirect.scatter.add.f32 @!p0 [tilespmem:s4], [sflag:$0x7], $0x1, s1, s0, $0xb8;
	[tilespmem:$0x1C700] =	vst v63  }
0xa3: {  	p0 =	sne.s32 s31, s29  }
.Ltmp0:
0xa4: {  	_ = 	snop;
	(pc) =	sbr.rel @p0 .LBB2_2-.Ltmp0, $1  }
0xa5: {  	_ =	sdelay $0x3  }
0xa6: {  	[bflag:$0x0] =	sbarrier.arrive $0xFFFF  }
0xa7: {  	[hbm:s16], [sflag:s9] =	dma.local [spmem:s19], $0x2800  }
0xa8: {  	s25 =	sadd.s32 $0x1, s25;
	_ =	swait.ge [sflag:s20], $0x2800  }
0xa9: {  	p0 =	sne.s32 s25, s18;
	[sflag:s20] =	ssyncset.done $0x0  }
.Ltmp1:
0xaa: {  	[sflag:s20] =	ssyncadd.s32 $0xFFFFD800;
	(pc) =	sbr.rel @p0 .LBB2_1-.Ltmp1, $4  }
0xab: {  	[hbm:s17@s23], [sflag:s9] =	dma.strided [spmem:s26@s24], $0x50, s22, $0x10   }
0xac: {  	_ =	swait.ge [sflag:s20], $0x50  }
0xad: {  	[sflag:s20] =	ssyncset.done $0x0  }
0xae: {  	[sflag:s20] =	ssyncadd.s32 $0xFFFFFFB0  }
0xaf: {  	_ =	sfence.sel $0x180000  }
0xb0: {  	[bflag:$0x0] =	sbarrier.arrive $0xFFFF  }
0xb1: {  	_ =	strace $0x90000047  }
0xb2: {  	s0 =	stileid.u32;
	[bflag:$0x2] =	sbarrier.arrive $0xFFFF  }
0xb3: {  	p0 =	sne.s32 s0, $0x0;
	s0 =	rddreg [dreg:$0x5]  }
0xb4: {  	s0 =	sadd.s32 @!p0 $0x100000, s0  }
0xb5: {  	[sflag:s0] =	ssyncadd.tile.s32 @!p0 $0x1;
	_ =	shalt  }
.Lfunc_end2:
_tile_overlayer_lowered:
.L_overlay_start_2:
0xb6: {  	(tag) =	ssettag $0x2  }
0xb7: {  	s0 =	rddreg [dreg:$0x0];
	s2 =	stileid.u32  }
0xb8: {  	s1 =	rddreg [dreg:$0x1];
	p0 =	sne.s32 s2, $0x0  }
0xb9: {  	s3 =	rddreg [dreg:$0x2];
	[bflag:$0x3] =	sbarrier.arrive $0xFFFF;
	s2 =	simm.s32 @!p0 $0x1C09  }
0xba: {  	[timem:s3], [sflag:s2] =	dma.local @!p0 [hbm:s0], s1  }
0xbb: {  	s0 =	simm.s32 @!p0 $0x9  }
0xbc: {  	_ =	swait.ge @!p0 [sflag:s0], s1  }
0xbd: {  	s1 =	ssub.s32 @!p0 $0x0, s1;
	[sflag:s0] =	ssyncset.done @!p0 $0x0  }
0xbe: {  	[sflag:s0] =	ssyncadd.s32 @!p0 s1  }
0xbf: {  	[bflag:$0x3] =	sbarrier.arrive $0xFFFF  }
0xc0: {  	_ =	shalt  }

</sc_bundles>
